<compile_context>
chip_gen: v7x
topology: tpu7x:2x2x1
jax: 0.10.2.dev20260603
libtpu: 0.0.44.dev20260713+nightly
codegen_flags: <defaults>
</compile_context>

<pallas_src>
import functools

import jax
import jax.numpy as jnp
from jax import lax
from jax.experimental import pallas as pl
from jax.experimental.pallas import tpu as pltpu
from jax.experimental.pallas import tpu_sc as plsc

N = 10000
E = 320000
D_IN = 128
D_H = 256
N_CLASSES = 10

NTILES = 16
N_PAD = 10240
ROWS_PER_TILE = N_PAD // NTILES
KB = 64
CHUNK = 16
N_CHUNKS = 20
N_BATCHES = CHUNK * N_CHUNKS
EDGES_PER_TILE = N_BATCHES * KB
E_PAD = EDGES_PER_TILE * NTILES

NBUF = 5

BN = 400
GRID = N // BN


@functools.lru_cache(maxsize=None)
def _make_sc_agg(dh):
    mesh = plsc.VectorSubcoreMesh(core_axis_name="c", subcore_axis_name="s",
                                  num_cores=2, num_subcores=NTILES)

    out_type = [jax.ShapeDtypeStruct((N_PAD, dh), jnp.float32),
                jax.ShapeDtypeStruct((N_PAD, dh), jnp.float32)]
    scratch = [
        pltpu.VMEM((2, CHUNK, KB), jnp.int32),
        pltpu.VMEM((2, CHUNK, KB), jnp.int32),
        pltpu.VMEM((NBUF, KB, dh), jnp.float32),
        pltpu.VMEM_SHARED((N_PAD, dh), jnp.float32),
        pltpu.SemaphoreType.DMA,
        pltpu.SemaphoreType.DMA,
        pltpu.SemaphoreType.DMA,
    ]

    @functools.partial(pl.kernel, mesh=mesh, out_type=out_type,
                       scratch_types=scratch)
    def k(hlo, hhi, src2, dst2, zd, alo, ahi, srcs, dsts, rows, agg,
          gsem, ssem, isem):
        cid = lax.axis_index("c")
        sid = lax.axis_index("s")
        r0 = sid * ROWS_PER_TILE
        bbase = sid * N_BATCHES

        def load_chunk(q, p):
            off = pl.multiple_of(bbase + q * CHUNK, 8)
            pltpu.async_copy(src2.at[pl.ds(off, CHUNK)], srcs.at[p], isem)
            pltpu.async_copy(dst2.at[pl.ds(off, CHUNK)], dsts.at[p], isem)

        def wait_chunk():
            pltpu.make_async_copy(src2.at[pl.ds(0, CHUNK)], srcs.at[0],
                                  isem).wait()
            pltpu.make_async_copy(dst2.at[pl.ds(0, CHUNK)], dsts.at[0],
                                  isem).wait()

        load_chunk(0, 0)
        pltpu.sync_copy(zd.at[pl.ds(r0, ROWS_PER_TILE)],
                        agg.at[pl.ds(r0, ROWS_PER_TILE)])
        wait_chunk()

        plsc.subcore_barrier()

        def edge_loop(h_half):
            def g(b):
                p = lax.rem(b // CHUNK, 2)
                pltpu.async_copy(
                    h_half.at[srcs.at[p, lax.rem(b, CHUNK)]],
                    rows.at[lax.rem(b, NBUF)], gsem)

            def s(b):
                p = lax.rem(b // CHUNK, 2)
                pltpu.async_copy(
                    rows.at[lax.rem(b, NBUF)],
                    agg.at[dsts.at[p, lax.rem(b, CHUNK)]], ssem, add=True)

            def wait_g():
                pltpu.make_async_copy(h_half.at[srcs.at[0, 0]], rows.at[0],
                                      gsem).wait()

            def wait_s():
                pltpu.make_async_copy(rows.at[0], agg.at[dsts.at[0, 0]],
                                      ssem).wait()

            for k in range(NBUF - 1):
                g(k)

            def body(b, c):
                r16 = lax.rem(b, CHUNK)
                wait_g()
                s(b)

                @pl.when(b > 0)
                def _():
                    wait_s()

                @pl.when((r16 == 0) & (b + CHUNK < N_BATCHES))
                def _():
                    q1 = b // CHUNK + 1
                    load_chunk(q1, lax.rem(q1, 2))

                @pl.when((r16 == CHUNK - (NBUF - 1)) & (b + NBUF - 1 < N_BATCHES))
                def _():
                    wait_chunk()

                @pl.when(b + NBUF - 1 < N_BATCHES)
                def _():
                    g(b + NBUF - 1)
                return c

            lax.fori_loop(0, N_BATCHES, body, 0)
            wait_s()

        @pl.when(cid == 0)
        def _():
            edge_loop(hlo)

        @pl.when(cid == 1)
        def _():
            edge_loop(hhi)

        plsc.subcore_barrier()

        @pl.when(cid == 0)
        def _():
            pltpu.sync_copy(agg.at[pl.ds(r0, ROWS_PER_TILE)],
                            alo.at[pl.ds(r0, ROWS_PER_TILE)])

        @pl.when(cid == 1)
        def _():
            pltpu.sync_copy(agg.at[pl.ds(r0, ROWS_PER_TILE)],
                            ahi.at[pl.ds(r0, ROWS_PER_TILE)])

    return k


def _dot(a, b):
    return jnp.dot(a, b, preferred_element_type=jnp.float32)


def _row_spec(w):
    return pl.BlockSpec((BN, w), lambda i: (i, 0))


def _full_spec(r, c):
    return pl.BlockSpec((r, c), lambda i: (0, 0))


def _tc_layer0(x, alo, ahi, WsT, WnloT, WnhiT, b):
    def body(x_r, alo_r, ahi_r, ws_r, wnlo_r, wnhi_r, b_r, olo_r, ohi_r):
        hs = _dot(x_r[...], ws_r[...])
        an = _dot(alo_r[...], wnlo_r[...]) + _dot(ahi_r[...], wnhi_r[...])
        d = jnp.maximum(alo_r[...][:, 64:65], 1.0)
        o = jnp.maximum(hs + an / d + b_r[...], 0.0)
        olo_r[...] = o[:, :128]
        ohi_r[...] = o[:, 128:]

    return pl.pallas_call(
        body,
        grid=(GRID,),
        in_specs=[_row_spec(128), _row_spec(128), _row_spec(128),
                  _full_spec(128, 256), _full_spec(128, 256),
                  _full_spec(128, 256), _full_spec(1, 256)],
        out_specs=[_row_spec(128), _row_spec(128)],
        out_shape=[jax.ShapeDtypeStruct((N, 128), jnp.float32),
                   jax.ShapeDtypeStruct((N, 128), jnp.float32)],
    )(x, alo, ahi, WsT, WnloT, WnhiT, b)


def _tc_layer_mid(hlo, hhi, alo, ahi, deg, WsloT, WshiT, WnloT, WnhiT, b):
    def body(hlo_r, hhi_r, alo_r, ahi_r, deg_r, wslo_r, wshi_r, wnlo_r,
             wnhi_r, b_r, olo_r, ohi_r):
        hs = _dot(hlo_r[...], wslo_r[...]) + _dot(hhi_r[...], wshi_r[...])
        an = _dot(alo_r[...], wnlo_r[...]) + _dot(ahi_r[...], wnhi_r[...])
        d = jnp.maximum(deg_r[...][:, 64:65], 1.0)
        o = jnp.maximum(hs + an / d + b_r[...], 0.0)
        olo_r[...] = o[:, :128]
        ohi_r[...] = o[:, 128:]

    return pl.pallas_call(
        body,
        grid=(GRID,),
        in_specs=[_row_spec(128)] * 5 +
                 [_full_spec(128, 256)] * 4 + [_full_spec(1, 256)],
        out_specs=[_row_spec(128), _row_spec(128)],
        out_shape=[jax.ShapeDtypeStruct((N, 128), jnp.float32),
                   jax.ShapeDtypeStruct((N, 128), jnp.float32)],
    )(hlo, hhi, alo, ahi, deg, WsloT, WshiT, WnloT, WnhiT, b)


def _tc_layer_final(hlo, hhi, alo, ahi, deg, WsloT, WshiT, WnloT, WnhiT, b,
                    WcT, bc):
    def body(hlo_r, hhi_r, alo_r, ahi_r, deg_r, wslo_r, wshi_r, wnlo_r,
             wnhi_r, b_r, wct_r, bc_r, cs_r, y_r):
        i = pl.program_id(0)
        hs = _dot(hlo_r[...], wslo_r[...]) + _dot(hhi_r[...], wshi_r[...])
        an = _dot(alo_r[...], wnlo_r[...]) + _dot(ahi_r[...], wnhi_r[...])
        d = jnp.maximum(deg_r[...][:, 64:65], 1.0)
        o = jnp.maximum(hs + an / d + b_r[...], 0.0)
        csum = jnp.sum(o, axis=0, keepdims=True)

        @pl.when(i == 0)
        def _():
            cs_r[...] = csum

        @pl.when(i > 0)
        def _():
            cs_r[...] = cs_r[...] + csum

        @pl.when(i == GRID - 1)
        def _():
            hg = cs_r[...] * (1.0 / N)
            y_r[...] = _dot(hg, wct_r[...]) + bc_r[...]

    csum_out, y = pl.pallas_call(
        body,
        grid=(GRID,),
        in_specs=[_row_spec(128)] * 5 +
                 [_full_spec(128, 256)] * 4 + [_full_spec(1, 256)] +
                 [_full_spec(256, N_CLASSES), _full_spec(1, N_CLASSES)],
        out_specs=[_full_spec(1, 256), _full_spec(1, N_CLASSES)],
        out_shape=[jax.ShapeDtypeStruct((1, 256), jnp.float32),
                   jax.ShapeDtypeStruct((1, N_CLASSES), jnp.float32)],
    )(hlo, hhi, alo, ahi, deg, WsloT, WshiT, WnloT, WnhiT, b, WcT, bc)
    del csum_out
    return y


def kernel(x, edge_index, Ws0, bs0, Wn0, bn0, Ws1, bs1, Wn1, bn1,
           Ws2, bs2, Wn2, bn2, Wc, bc):
    n_pad = E_PAD - E
    src = jnp.concatenate([edge_index[0].astype(jnp.int32),
                           jnp.arange(n_pad, dtype=jnp.int32) % N])
    dst = jnp.concatenate([edge_index[1].astype(jnp.int32),
                           N + (jnp.arange(n_pad, dtype=jnp.int32) % (N_PAD - N))])
    src = src.reshape(NTILES * N_BATCHES, KB)
    dst = dst.reshape(NTILES * N_BATCHES, KB)

    onec = jnp.ones((N, 1), jnp.float32)
    zc = jnp.zeros((N, 63), jnp.float32)
    x_lo = jnp.concatenate([x[:, :64], onec, zc], axis=1)
    x_hi = jnp.concatenate([x[:, 64:], onec, zc], axis=1)

    z128 = jnp.zeros((N_PAD, 128), jnp.float32)

    zw = jnp.zeros((64, 256), jnp.float32)
    wn0lo = jnp.concatenate([Wn0[:, :64].T, zw], axis=0)
    wn0hi = jnp.concatenate([Wn0[:, 64:].T, zw], axis=0)

    alo0, ahi0 = _make_sc_agg(128)(x_lo, x_hi, src, dst, z128)
    h_lo, h_hi = _tc_layer0(
        x, alo0, ahi0, Ws0.T, wn0lo, wn0hi, (bs0 + bn0)[None, :])

    alo, ahi = _make_sc_agg(128)(h_lo, h_hi, src, dst, z128)
    h_lo, h_hi = _tc_layer_mid(
        h_lo, h_hi, alo, ahi, alo0, Ws1[:, :128].T, Ws1[:, 128:].T,
        Wn1[:, :128].T, Wn1[:, 128:].T, (bs1 + bn1)[None, :])

    alo, ahi = _make_sc_agg(128)(h_lo, h_hi, src, dst, z128)
    y = _tc_layer_final(
        h_lo, h_hi, alo, ahi, alo0, Ws2[:, :128].T, Ws2[:, 128:].T,
        Wn2[:, :128].T, Wn2[:, 128:].T, (bs2 + bn2)[None, :],
        Wc.T, bc[None, :])
    return y

# --- scband reference (transcript-rebuilt; emitter-appended) ---
"""Pipeline reference for scband-classifier-89180700934734 (READ-ONLY COPY).

The authoritative reference and input builder live on the scoring server;
editing this copy changes nothing except your own understanding.
"""

import jax, jax.numpy as jnp
import numpy as np

N = 10000
E = 320000
D_IN = 128
D_H = 256
N_CLASSES = 10


def _linear_params(rng, out_dim, in_dim):
    bound = 1.0 / np.sqrt(in_dim)
    W = rng.uniform(-bound, bound, size=(out_dim, in_dim)).astype(np.float32)
    b = rng.uniform(-bound, bound, size=(out_dim,)).astype(np.float32)
    return jnp.asarray(W), jnp.asarray(b)


def setup_inputs(seed: int = 0) -> dict:
    key = jax.random.key(seed)
    x = jax.random.normal(key, (N, D_IN), dtype=jnp.float32)
    rng = np.random.default_rng(0)
    edge_index = jnp.asarray(rng.integers(0, N, size=(2, E), dtype=np.int64))
    Ws0, bs0 = _linear_params(rng, D_H, D_IN)
    Wn0, bn0 = _linear_params(rng, D_H, D_IN)
    Ws1, bs1 = _linear_params(rng, D_H, D_H)
    Wn1, bn1 = _linear_params(rng, D_H, D_H)
    Ws2, bs2 = _linear_params(rng, D_H, D_H)
    Wn2, bn2 = _linear_params(rng, D_H, D_H)
    Wc, bc = _linear_params(rng, N_CLASSES, D_H)
    return {"x": x, "edge_index": edge_index,
            "Ws0": Ws0, "bs0": bs0, "Wn0": Wn0, "bn0": bn0,
            "Ws1": Ws1, "bs1": bs1, "Wn1": Wn1, "bn1": bn1,
            "Ws2": Ws2, "bs2": bs2, "Wn2": Wn2, "bn2": bn2,
            "Wc": Wc, "bc": bc}


def _sage_conv(h, src, dst, Ws, bs, Wn, bn):
    # DGL SAGEConv with mean aggregator: fc_self(h) + fc_neigh(mean_neigh(h)), then activation
    msg = h[src]
    agg = jax.ops.segment_sum(msg, dst, num_segments=N)
    deg = jax.ops.segment_sum(jnp.ones((E,), jnp.float32), dst, num_segments=N)
    h_neigh = agg / jnp.clip(deg, 1.0)[:, None]
    return jax.nn.relu(h @ Ws.T + bs + h_neigh @ Wn.T + bn)


def reference(x, edge_index, Ws0, bs0, Wn0, bn0, Ws1, bs1, Wn1, bn1, Ws2, bs2, Wn2, bn2, Wc, bc):
    src = edge_index[0]
    dst = edge_index[1]
    h = _sage_conv(x, src, dst, Ws0, bs0, Wn0, bn0)
    h = _sage_conv(h, src, dst, Ws1, bs1, Wn1, bn1)
    h = _sage_conv(h, src, dst, Ws2, bs2, Wn2, bn2)
    # mean readout over the single graph (AvgPooling over all nodes), batch of 1 graph
    hg = jnp.mean(h, axis=0, keepdims=True)
    return hg @ Wc.T + bc

if __name__ == "__main__":
    import jax
    _d = setup_inputs()
    print(jax.jit(kernel)(*tuple(_d.values())))

</pallas_src>

<mosaic_0001>
#map = affine_map<(d0, d1) -> (0, 0)>
module attributes {stable_mosaic.version = 14 : i64} {
  func.func @k(%arg0: i32, %arg1: i32, %arg2: memref<10000x128xf32, #tpu.memory_space<hbm>>, %arg3: memref<10000x128xf32, #tpu.memory_space<hbm>>, %arg4: memref<5120x64xi32, #tpu.memory_space<hbm>>, %arg5: memref<5120x64xi32, #tpu.memory_space<hbm>>, %arg6: memref<10240x128xf32, #tpu.memory_space<hbm>>, %arg7: memref<10240x128xf32, #tpu.memory_space<hbm>>, %arg8: memref<10240x128xf32, #tpu.memory_space<hbm>>, %arg9: memref<2x16x64xi32, #tpu.memory_space<vmem>>, %arg10: memref<2x16x64xi32, #tpu.memory_space<vmem>>, %arg11: memref<5x64x128xf32, #tpu.memory_space<vmem>>, %arg12: memref<10240x128xf32, #tpu.memory_space<vmem_shared>>, %arg13: memref<!tpu.dma_semaphore, #tpu.memory_space<semaphore_mem>>, %arg14: memref<!tpu.dma_semaphore, #tpu.memory_space<semaphore_mem>>, %arg15: memref<!tpu.dma_semaphore, #tpu.memory_space<semaphore_mem>>) attributes {dimension_semantics = [#tpu.dimension_semantics<core_parallel>, #tpu.dimension_semantics<subcore_parallel>], iteration_bounds = array<i64: 2, 16>, scalar_prefetch = 0 : i64, scratch_operands = 7 : i64, tpu.core_type = #tpu.core_type<sc_vector_subcore>, window_params = [{transform_indices = #map}, {transform_indices = #map}, {transform_indices = #map}, {transform_indices = #map}, {transform_indices = #map}, {transform_indices = #map}, {transform_indices = #map}]} {
    %mul3A = arith.constant 640 : i32
    %mul3A_0 = arith.muli %arg1, %mul3A : i32
    %mul3A_1 = arith.constant 320 : i32
    %mul3A_2 = arith.muli %arg1, %mul3A_1 : i32
    %add3A = arith.constant 0 : i32
    %add3A_3 = arith.addi %mul3A_2, %add3A : i32
    %multiple_of3A = tpu.assume_multiple %add3A_3, 8 : i32
    %dma_start3A = arith.constant 0 : i32
    %dma_start3A_4 = arith.constant 0 : i32
    %dma_start3A_5 = arith.constant 0 : i32
    %dma_start3A_6 = tpu.memref_slice %arg9[%dma_start3A, %dma_start3A_4, %dma_start3A_5] : memref<2x16x64xi32, #tpu.memory_space<vmem>> -> memref<1x16x64xi32, #tpu.memory_space<vmem>>
    %dma_start3A_7 = tpu.memref_squeeze %dma_start3A_6 : memref<1x16x64xi32, #tpu.memory_space<vmem>> -> memref<16x64xi32, #tpu.memory_space<vmem>>
    %dma_start3A_8 = arith.constant 0 : i32
    %dma_start3A_9 = tpu.memref_slice %arg4[%multiple_of3A, %dma_start3A_8] : memref<5120x64xi32, #tpu.memory_space<hbm>> -> memref<16x64xi32, #tpu.memory_space<hbm>>
    %dma_start3A_10 = arith.constant 0 : i32
    %dma_start3A_11 = arith.constant 0 : i32
    %dma_start3A_12 = tpu.memref_slice %arg9[%dma_start3A, %dma_start3A_10, %dma_start3A_11] : memref<2x16x64xi32, #tpu.memory_space<vmem>> -> memref<1x16x64xi32, #tpu.memory_space<vmem>>
    %dma_start3A_13 = tpu.memref_squeeze %dma_start3A_12 : memref<1x16x64xi32, #tpu.memory_space<vmem>> -> memref<16x64xi32, #tpu.memory_space<vmem>>
    %dma_start3A_14 = arith.constant 0 : i32
    %dma_start3A_15 = tpu.memref_slice %arg4[%multiple_of3A, %dma_start3A_14] : memref<5120x64xi32, #tpu.memory_space<hbm>> -> memref<16x64xi32, #tpu.memory_space<hbm>>
    tpu.enqueue_dma source(%dma_start3A_15 : memref<16x64xi32, #tpu.memory_space<hbm>>) target(%dma_start3A_13 : memref<16x64xi32, #tpu.memory_space<vmem>>) target_semaphore(%arg15 : memref<!tpu.dma_semaphore, #tpu.memory_space<semaphore_mem>>)
    %dma_start3A_16 = arith.constant 0 : i32
    %dma_start3A_17 = arith.constant 0 : i32
    %dma_start3A_18 = arith.constant 0 : i32
    %dma_start3A_19 = tpu.memref_slice %arg10[%dma_start3A_16, %dma_start3A_17, %dma_start3A_18] : memref<2x16x64xi32, #tpu.memory_space<vmem>> -> memref<1x16x64xi32, #tpu.memory_space<vmem>>
    %dma_start3A_20 = tpu.memref_squeeze %dma_start3A_19 : memref<1x16x64xi32, #tpu.memory_space<vmem>> -> memref<16x64xi32, #tpu.memory_space<vmem>>
    %dma_start3A_21 = arith.constant 0 : i32
    %dma_start3A_22 = tpu.memref_slice %arg5[%multiple_of3A, %dma_start3A_21] : memref<5120x64xi32, #tpu.memory_space<hbm>> -> memref<16x64xi32, #tpu.memory_space<hbm>>
    %dma_start3A_23 = arith.constant 0 : i32
    %dma_start3A_24 = arith.constant 0 : i32
    %dma_start3A_25 = tpu.memref_slice %arg10[%dma_start3A_16, %dma_start3A_23, %dma_start3A_24] : memref<2x16x64xi32, #tpu.memory_space<vmem>> -> memref<1x16x64xi32, #tpu.memory_space<vmem>>
    %dma_start3A_26 = tpu.memref_squeeze %dma_start3A_25 : memref<1x16x64xi32, #tpu.memory_space<vmem>> -> memref<16x64xi32, #tpu.memory_space<vmem>>
    %dma_start3A_27 = arith.constant 0 : i32
    %dma_start3A_28 = tpu.memref_slice %arg5[%multiple_of3A, %dma_start3A_27] : memref<5120x64xi32, #tpu.memory_space<hbm>> -> memref<16x64xi32, #tpu.memory_space<hbm>>
    tpu.enqueue_dma source(%dma_start3A_28 : memref<16x64xi32, #tpu.memory_space<hbm>>) target(%dma_start3A_26 : memref<16x64xi32, #tpu.memory_space<vmem>>) target_semaphore(%arg15 : memref<!tpu.dma_semaphore, #tpu.memory_space<semaphore_mem>>)
    "tpu.region"() ({
      %run_scoped3A = tpu.sem_alloc : memref<!tpu.dma_semaphore, #tpu.memory_space<semaphore_mem>>
      %dma_start3A_76 = arith.constant 0 : i32
      %dma_start3A_77 = tpu.memref_slice %arg12[%mul3A_0, %dma_start3A_76] : memref<10240x128xf32, #tpu.memory_space<vmem_shared>> -> memref<640x128xf32, #tpu.memory_space<vmem_shared>>
      %dma_start3A_78 = arith.constant 0 : i32
      %dma_start3A_79 = tpu.memref_slice %arg6[%mul3A_0, %dma_start3A_78] : memref<10240x128xf32, #tpu.memory_space<hbm>> -> memref<640x128xf32, #tpu.memory_space<hbm>>
      tpu.enqueue_dma source(%dma_start3A_79 : memref<640x128xf32, #tpu.memory_space<hbm>>) target(%dma_start3A_77 : memref<640x128xf32, #tpu.memory_space<vmem_shared>>) target_semaphore(%run_scoped3A : memref<!tpu.dma_semaphore, #tpu.memory_space<semaphore_mem>>)
      %dma_wait3A_80 = arith.constant 0 : i32
      %dma_wait3A_81 = tpu.memref_slice %arg12[%mul3A_0, %dma_wait3A_80] : memref<10240x128xf32, #tpu.memory_space<vmem_shared>> -> memref<640x128xf32, #tpu.memory_space<vmem_shared>>
      %dma_wait3A_82 = arith.constant 0 : i32
      %dma_wait3A_83 = tpu.memref_slice %arg6[%mul3A_0, %dma_wait3A_82] : memref<10240x128xf32, #tpu.memory_space<hbm>> -> memref<640x128xf32, #tpu.memory_space<hbm>>
      tpu.wait_dma2 semaphore(%run_scoped3A : memref<!tpu.dma_semaphore, #tpu.memory_space<semaphore_mem>>) src(%dma_wait3A_83 : memref<640x128xf32, #tpu.memory_space<hbm>>) dst(%dma_wait3A_81 : memref<640x128xf32, #tpu.memory_space<vmem_shared>>)
      tpu.yield
    }) : () -> ()
    %dma_wait3A = arith.constant 0 : i32
    %dma_wait3A_29 = arith.constant 0 : i32
    %dma_wait3A_30 = arith.constant 0 : i32
    %dma_wait3A_31 = tpu.memref_slice %arg9[%dma_wait3A, %dma_wait3A_29, %dma_wait3A_30] : memref<2x16x64xi32, #tpu.memory_space<vmem>> -> memref<1x16x64xi32, #tpu.memory_space<vmem>>
    %dma_wait3A_32 = tpu.memref_squeeze %dma_wait3A_31 : memref<1x16x64xi32, #tpu.memory_space<vmem>> -> memref<16x64xi32, #tpu.memory_space<vmem>>
    %dma_wait3A_33 = arith.constant 0 : i32
    %dma_wait3A_34 = arith.constant 0 : i32
    %dma_wait3A_35 = tpu.memref_slice %arg4[%dma_wait3A_33, %dma_wait3A_34] : memref<5120x64xi32, #tpu.memory_space<hbm>> -> memref<16x64xi32, #tpu.memory_space<hbm>>
    %dma_wait3A_36 = arith.constant 0 : i32
    %dma_wait3A_37 = arith.constant 0 : i32
    %dma_wait3A_38 = tpu.memref_slice %arg9[%dma_wait3A, %dma_wait3A_36, %dma_wait3A_37] : memref<2x16x64xi32, #tpu.memory_space<vmem>> -> memref<1x16x64xi32, #tpu.memory_space<vmem>>
    %dma_wait3A_39 = tpu.memref_squeeze %dma_wait3A_38 : memref<1x16x64xi32, #tpu.memory_space<vmem>> -> memref<16x64xi32, #tpu.memory_space<vmem>>
    %dma_wait3A_40 = arith.constant 0 : i32
    %dma_wait3A_41 = arith.constant 0 : i32
    %dma_wait3A_42 = tpu.memref_slice %arg4[%dma_wait3A_40, %dma_wait3A_41] : memref<5120x64xi32, #tpu.memory_space<hbm>> -> memref<16x64xi32, #tpu.memory_space<hbm>>
    tpu.wait_dma2 semaphore(%arg15 : memref<!tpu.dma_semaphore, #tpu.memory_space<semaphore_mem>>) src(%dma_wait3A_42 : memref<16x64xi32, #tpu.memory_space<hbm>>) dst(%dma_wait3A_39 : memref<16x64xi32, #tpu.memory_space<vmem>>)
    %dma_wait3A_43 = arith.constant 0 : i32
    %dma_wait3A_44 = arith.constant 0 : i32
    %dma_wait3A_45 = arith.constant 0 : i32
    %dma_wait3A_46 = tpu.memref_slice %arg10[%dma_wait3A_43, %dma_wait3A_44, %dma_wait3A_45] : memref<2x16x64xi32, #tpu.memory_space<vmem>> -> memref<1x16x64xi32, #tpu.memory_space<vmem>>
    %dma_wait3A_47 = tpu.memref_squeeze %dma_wait3A_46 : memref<1x16x64xi32, #tpu.memory_space<vmem>> -> memref<16x64xi32, #tpu.memory_space<vmem>>
    %dma_wait3A_48 = arith.constant 0 : i32
    %dma_wait3A_49 = arith.constant 0 : i32
    %dma_wait3A_50 = tpu.memref_slice %arg5[%dma_wait3A_48, %dma_wait3A_49] : memref<5120x64xi32, #tpu.memory_space<hbm>> -> memref<16x64xi32, #tpu.memory_space<hbm>>
    %dma_wait3A_51 = arith.constant 0 : i32
    %dma_wait3A_52 = arith.constant 0 : i32
    %dma_wait3A_53 = tpu.memref_slice %arg10[%dma_wait3A_43, %dma_wait3A_51, %dma_wait3A_52] : memref<2x16x64xi32, #tpu.memory_space<vmem>> -> memref<1x16x64xi32, #tpu.memory_space<vmem>>
    %dma_wait3A_54 = tpu.memref_squeeze %dma_wait3A_53 : memref<1x16x64xi32, #tpu.memory_space<vmem>> -> memref<16x64xi32, #tpu.memory_space<vmem>>
    %dma_wait3A_55 = arith.constant 0 : i32
    %dma_wait3A_56 = arith.constant 0 : i32
    %dma_wait3A_57 = tpu.memref_slice %arg5[%dma_wait3A_55, %dma_wait3A_56] : memref<5120x64xi32, #tpu.memory_space<hbm>> -> memref<16x64xi32, #tpu.memory_space<hbm>>
    tpu.wait_dma2 semaphore(%arg15 : memref<!tpu.dma_semaphore, #tpu.memory_space<semaphore_mem>>) src(%dma_wait3A_57 : memref<16x64xi32, #tpu.memory_space<hbm>>) dst(%dma_wait3A_54 : memref<16x64xi32, #tpu.memory_space<vmem>>)
    %barrier3A = arith.constant 0 : index
    tpu.barrier barrier_id(%barrier3A)
    %eq3A = arith.constant 0 : i32
    %eq3A_58 = arith.cmpi eq, %arg0, %eq3A : i32
    %convert_element_type3A = arith.extui %eq3A_58 : i1 to i32
    %cond3A = arith.constant 0 : i32
    %cond3A_59 = arith.cmpi ne, %convert_element_type3A, %cond3A : i32
    scf.if %cond3A_59 {
      %rem3A = arith.constant 0 : i32
      %rem3A_76 = arith.constant 2 : i32
      %rem3A_77 = arith.remsi %rem3A, %rem3A_76 : i32
      %rem3A_78 = arith.constant 0 : i32
      %rem3A_79 = arith.constant 16 : i32
      %rem3A_80 = arith.remsi %rem3A_78, %rem3A_79 : i32
      %rem3A_81 = arith.constant 0 : i32
      %rem3A_82 = arith.constant 5 : i32
      %rem3A_83 = arith.remsi %rem3A_81, %rem3A_82 : i32
      %dma_start3A_84 = arith.constant 0 : i32
      %dma_start3A_85 = arith.constant 0 : i32
      %dma_start3A_86 = tpu.memref_slice %arg11[%rem3A_83, %dma_start3A_84, %dma_start3A_85] : memref<5x64x128xf32, #tpu.memory_space<vmem>> -> memref<1x64x128xf32, #tpu.memory_space<vmem>>
      %dma_start3A_87 = tpu.memref_squeeze %dma_start3A_86 : memref<1x64x128xf32, #tpu.memory_space<vmem>> -> memref<64x128xf32, #tpu.memory_space<vmem>>
      %dma_start3A_88 = arith.constant 0 : i32
      %dma_start3A_89 = tpu.memref_slice %arg9[%rem3A_77, %rem3A_80, %dma_start3A_88] : memref<2x16x64xi32, #tpu.memory_space<vmem>> -> memref<1x1x64xi32, #tpu.memory_space<vmem>>
      %dma_start3A_90 = tpu.memref_squeeze %dma_start3A_89 : memref<1x1x64xi32, #tpu.memory_space<vmem>> -> memref<64xi32, #tpu.memory_space<vmem>>
      %dma_start3A_91 = arith.constant 0 : i32
      %dma_start3A_92 = arith.constant 0 : i32
      %dma_start3A_93 = tpu.memref_slice %arg2[%dma_start3A_91, %dma_start3A_92] : memref<10000x128xf32, #tpu.memory_space<hbm>> -> memref<10000x128xf32, #tpu.memory_space<hbm>>
      tpu.enqueue_indirect_dma source(%dma_start3A_93 : memref<10000x128xf32, #tpu.memory_space<hbm>>) target(%dma_start3A_87 : memref<64x128xf32, #tpu.memory_space<vmem>>) offsets(%dma_start3A_90 : memref<64xi32, #tpu.memory_space<vmem>>) semaphore(%arg13 : memref<!tpu.dma_semaphore, #tpu.memory_space<semaphore_mem>>)
      %rem3A_94 = arith.constant 0 : i32
      %rem3A_95 = arith.constant 2 : i32
      %rem3A_96 = arith.remsi %rem3A_94, %rem3A_95 : i32
      %rem3A_97 = arith.constant 1 : i32
      %rem3A_98 = arith.constant 16 : i32
      %rem3A_99 = arith.remsi %rem3A_97, %rem3A_98 : i32
      %rem3A_100 = arith.constant 1 : i32
      %rem3A_101 = arith.constant 5 : i32
      %rem3A_102 = arith.remsi %rem3A_100, %rem3A_101 : i32
      %dma_start3A_103 = arith.constant 0 : i32
      %dma_start3A_104 = arith.constant 0 : i32
      %dma_start3A_105 = tpu.memref_slice %arg11[%rem3A_102, %dma_start3A_103, %dma_start3A_104] : memref<5x64x128xf32, #tpu.memory_space<vmem>> -> memref<1x64x128xf32, #tpu.memory_space<vmem>>
      %dma_start3A_106 = tpu.memref_squeeze %dma_start3A_105 : memref<1x64x128xf32, #tpu.memory_space<vmem>> -> memref<64x128xf32, #tpu.memory_space<vmem>>
      %dma_start3A_107 = arith.constant 0 : i32
      %dma_start3A_108 = tpu.memref_slice %arg9[%rem3A_96, %rem3A_99, %dma_start3A_107] : memref<2x16x64xi32, #tpu.memory_space<vmem>> -> memref<1x1x64xi32, #tpu.memory_space<vmem>>
      %dma_start3A_109 = tpu.memref_squeeze %dma_start3A_108 : memref<1x1x64xi32, #tpu.memory_space<vmem>> -> memref<64xi32, #tpu.memory_space<vmem>>
      %dma_start3A_110 = arith.constant 0 : i32
      %dma_start3A_111 = arith.constant 0 : i32
      %dma_start3A_112 = tpu.memref_slice %arg2[%dma_start3A_110, %dma_start3A_111] : memref<10000x128xf32, #tpu.memory_space<hbm>> -> memref<10000x128xf32, #tpu.memory_space<hbm>>
      tpu.enqueue_indirect_dma source(%dma_start3A_112 : memref<10000x128xf32, #tpu.memory_space<hbm>>) target(%dma_start3A_106 : memref<64x128xf32, #tpu.memory_space<vmem>>) offsets(%dma_start3A_109 : memref<64xi32, #tpu.memory_space<vmem>>) semaphore(%arg13 : memref<!tpu.dma_semaphore, #tpu.memory_space<semaphore_mem>>)
      %rem3A_113 = arith.constant 0 : i32
      %rem3A_114 = arith.constant 2 : i32
      %rem3A_115 = arith.remsi %rem3A_113, %rem3A_114 : i32
      %rem3A_116 = arith.constant 2 : i32
      %rem3A_117 = arith.constant 16 : i32
      %rem3A_118 = arith.remsi %rem3A_116, %rem3A_117 : i32
      %rem3A_119 = arith.constant 2 : i32
      %rem3A_120 = arith.constant 5 : i32
      %rem3A_121 = arith.remsi %rem3A_119, %rem3A_120 : i32
      %dma_start3A_122 = arith.constant 0 : i32
      %dma_start3A_123 = arith.constant 0 : i32
      %dma_start3A_124 = tpu.memref_slice %arg11[%rem3A_121, %dma_start3A_122, %dma_start3A_123] : memref<5x64x128xf32, #tpu.memory_space<vmem>> -> memref<1x64x128xf32, #tpu.memory_space<vmem>>
      %dma_start3A_125 = tpu.memref_squeeze %dma_start3A_124 : memref<1x64x128xf32, #tpu.memory_space<vmem>> -> memref<64x128xf32, #tpu.memory_space<vmem>>
      %dma_start3A_126 = arith.constant 0 : i32
      %dma_start3A_127 = tpu.memref_slice %arg9[%rem3A_115, %rem3A_118, %dma_start3A_126] : memref<2x16x64xi32, #tpu.memory_space<vmem>> -> memref<1x1x64xi32, #tpu.memory_space<vmem>>
      %dma_start3A_128 = tpu.memref_squeeze %dma_start3A_127 : memref<1x1x64xi32, #tpu.memory_space<vmem>> -> memref<64xi32, #tpu.memory_space<vmem>>
      %dma_start3A_129 = arith.constant 0 : i32
      %dma_start3A_130 = arith.constant 0 : i32
      %dma_start3A_131 = tpu.memref_slice %arg2[%dma_start3A_129, %dma_start3A_130] : memref<10000x128xf32, #tpu.memory_space<hbm>> -> memref<10000x128xf32, #tpu.memory_space<hbm>>
      tpu.enqueue_indirect_dma source(%dma_start3A_131 : memref<10000x128xf32, #tpu.memory_space<hbm>>) target(%dma_start3A_125 : memref<64x128xf32, #tpu.memory_space<vmem>>) offsets(%dma_start3A_128 : memref<64xi32, #tpu.memory_space<vmem>>) semaphore(%arg13 : memref<!tpu.dma_semaphore, #tpu.memory_space<semaphore_mem>>)
      %rem3A_132 = arith.constant 0 : i32
      %rem3A_133 = arith.constant 2 : i32
      %rem3A_134 = arith.remsi %rem3A_132, %rem3A_133 : i32
      %rem3A_135 = arith.constant 3 : i32
      %rem3A_136 = arith.constant 16 : i32
      %rem3A_137 = arith.remsi %rem3A_135, %rem3A_136 : i32
      %rem3A_138 = arith.constant 3 : i32
      %rem3A_139 = arith.constant 5 : i32
      %rem3A_140 = arith.remsi %rem3A_138, %rem3A_139 : i32
      %dma_start3A_141 = arith.constant 0 : i32
      %dma_start3A_142 = arith.constant 0 : i32
      %dma_start3A_143 = tpu.memref_slice %arg11[%rem3A_140, %dma_start3A_141, %dma_start3A_142] : memref<5x64x128xf32, #tpu.memory_space<vmem>> -> memref<1x64x128xf32, #tpu.memory_space<vmem>>
      %dma_start3A_144 = tpu.memref_squeeze %dma_start3A_143 : memref<1x64x128xf32, #tpu.memory_space<vmem>> -> memref<64x128xf32, #tpu.memory_space<vmem>>
      %dma_start3A_145 = arith.constant 0 : i32
      %dma_start3A_146 = tpu.memref_slice %arg9[%rem3A_134, %rem3A_137, %dma_start3A_145] : memref<2x16x64xi32, #tpu.memory_space<vmem>> -> memref<1x1x64xi32, #tpu.memory_space<vmem>>
      %dma_start3A_147 = tpu.memref_squeeze %dma_start3A_146 : memref<1x1x64xi32, #tpu.memory_space<vmem>> -> memref<64xi32, #tpu.memory_space<vmem>>
      %dma_start3A_148 = arith.constant 0 : i32
      %dma_start3A_149 = arith.constant 0 : i32
      %dma_start3A_150 = tpu.memref_slice %arg2[%dma_start3A_148, %dma_start3A_149] : memref<10000x128xf32, #tpu.memory_space<hbm>> -> memref<10000x128xf32, #tpu.memory_space<hbm>>
      tpu.enqueue_indirect_dma source(%dma_start3A_150 : memref<10000x128xf32, #tpu.memory_space<hbm>>) target(%dma_start3A_144 : memref<64x128xf32, #tpu.memory_space<vmem>>) offsets(%dma_start3A_147 : memref<64xi32, #tpu.memory_space<vmem>>) semaphore(%arg13 : memref<!tpu.dma_semaphore, #tpu.memory_space<semaphore_mem>>)
      %scan3A = arith.constant 0 : i32
      %scan3A_151 = arith.constant 0 : i32
      %scan3A_152 = arith.constant 320 : i32
      %scan3A_153 = arith.addi %scan3A_151, %scan3A_152 : i32
      %scan3A_154 = arith.constant 1 : i32
      scf.for %scan3A_169 = %scan3A_151 to %scan3A_153 step %scan3A_154  : i32 {
        %rem3A_170 = arith.constant 16 : i32
        %rem3A_171 = arith.remsi %scan3A_169, %rem3A_170 : i32
        %dma_wait3A_172 = arith.constant 0 : i32
        %dma_wait3A_173 = arith.constant 0 : i32
        %dma_wait3A_174 = arith.constant 0 : i32
        %dma_wait3A_175 = arith.constant 0 : i32
        %dma_wait3A_176 = arith.constant 0 : i32
        %dma_wait3A_177 = tpu.memref_slice %arg11[%dma_wait3A_174, %dma_wait3A_175, %dma_wait3A_176] : memref<5x64x128xf32, #tpu.memory_space<vmem>> -> memref<1x64x128xf32, #tpu.memory_space<vmem>>
        %dma_wait3A_178 = tpu.memref_squeeze %dma_wait3A_177 : memref<1x64x128xf32, #tpu.memory_space<vmem>> -> memref<64x128xf32, #tpu.memory_space<vmem>>
        %dma_wait3A_179 = arith.constant 0 : i32
        %dma_wait3A_180 = tpu.memref_slice %arg9[%dma_wait3A_172, %dma_wait3A_173, %dma_wait3A_179] : memref<2x16x64xi32, #tpu.memory_space<vmem>> -> memref<1x1x64xi32, #tpu.memory_space<vmem>>
        %dma_wait3A_181 = tpu.memref_squeeze %dma_wait3A_180 : memref<1x1x64xi32, #tpu.memory_space<vmem>> -> memref<64xi32, #tpu.memory_space<vmem>>
        %dma_wait3A_182 = arith.constant 0 : i32
        %dma_wait3A_183 = arith.constant 0 : i32
        %dma_wait3A_184 = tpu.memref_slice %arg2[%dma_wait3A_182, %dma_wait3A_183] : memref<10000x128xf32, #tpu.memory_space<hbm>> -> memref<10000x128xf32, #tpu.memory_space<hbm>>
        tpu.wait_indirect_dma semaphore(%arg13 : memref<!tpu.dma_semaphore, #tpu.memory_space<semaphore_mem>>) src(%dma_wait3A_184 : memref<10000x128xf32, #tpu.memory_space<hbm>>) dst(%dma_wait3A_178 : memref<64x128xf32, #tpu.memory_space<vmem>>)
        %jit3A = arith.constant 16 : i32
        %div3A = arith.divsi %scan3A_169, %jit3A : i32
        %sign3A = arith.constant 0 : i32
        %sign3A_185 = arith.cmpi sgt, %scan3A_169, %sign3A : i32
        %sign3A_186 = arith.extui %sign3A_185 : i1 to i32
        %sign3A_187 = arith.constant 0 : i32
        %sign3A_188 = arith.cmpi slt, %scan3A_169, %sign3A_187 : i32
        %sign3A_189 = arith.extui %sign3A_188 : i1 to i32
        %sign3A_190 = arith.subi %sign3A_186, %sign3A_189 : i32
        %sign3A_191 = arith.constant 0 : i32
        %sign3A_192 = arith.cmpi sgt, %jit3A, %sign3A_191 : i32
        %sign3A_193 = arith.extui %sign3A_192 : i1 to i32
        %sign3A_194 = arith.constant 0 : i32
        %sign3A_195 = arith.cmpi slt, %jit3A, %sign3A_194 : i32
        %sign3A_196 = arith.extui %sign3A_195 : i1 to i32
        %sign3A_197 = arith.subi %sign3A_193, %sign3A_196 : i32
        %ne3A = arith.cmpi ne, %sign3A_190, %sign3A_197 : i32
        %rem3A_198 = arith.remsi %scan3A_169, %jit3A : i32
        %ne3A_199 = arith.constant 0 : i32
        %ne3A_200 = arith.cmpi ne, %rem3A_198, %ne3A_199 : i32
        %and3A = arith.andi %ne3A, %ne3A_200 : i1
        %sub3A = arith.constant 1 : i32
        %sub3A_201 = arith.subi %div3A, %sub3A : i32
        %select_n3A = arith.select %and3A, %sub3A_201, %div3A : i32
        %rem3A_202 = arith.constant 2 : i32
        %rem3A_203 = arith.remsi %select_n3A, %rem3A_202 : i32
        %rem3A_204 = arith.constant 5 : i32
        %rem3A_205 = arith.remsi %scan3A_169, %rem3A_204 : i32
        %rem3A_206 = arith.constant 16 : i32
        %rem3A_207 = arith.remsi %scan3A_169, %rem3A_206 : i32
        %dma_start3A_208 = arith.constant 0 : i32
        %dma_start3A_209 = arith.constant 0 : i32
        %dma_start3A_210 = tpu.memref_slice %arg11[%rem3A_205, %dma_start3A_208, %dma_start3A_209] : memref<5x64x128xf32, #tpu.memory_space<vmem>> -> memref<1x64x128xf32, #tpu.memory_space<vmem>>
        %dma_start3A_211 = tpu.memref_squeeze %dma_start3A_210 : memref<1x64x128xf32, #tpu.memory_space<vmem>> -> memref<64x128xf32, #tpu.memory_space<vmem>>
        %dma_start3A_212 = arith.constant 0 : i32
        %dma_start3A_213 = tpu.memref_slice %arg10[%rem3A_203, %rem3A_207, %dma_start3A_212] : memref<2x16x64xi32, #tpu.memory_space<vmem>> -> memref<1x1x64xi32, #tpu.memory_space<vmem>>
        %dma_start3A_214 = tpu.memref_squeeze %dma_start3A_213 : memref<1x1x64xi32, #tpu.memory_space<vmem>> -> memref<64xi32, #tpu.memory_space<vmem>>
        %dma_start3A_215 = arith.constant 0 : i32
        %dma_start3A_216 = arith.constant 0 : i32
        %dma_start3A_217 = tpu.memref_slice %arg12[%dma_start3A_215, %dma_start3A_216] : memref<10240x128xf32, #tpu.memory_space<vmem_shared>> -> memref<10240x128xf32, #tpu.memory_space<vmem_shared>>
        tpu.enqueue_indirect_dma source(%dma_start3A_211 : memref<64x128xf32, #tpu.memory_space<vmem>>) target(%dma_start3A_217 : memref<10240x128xf32, #tpu.memory_space<vmem_shared>>) offsets(%dma_start3A_214 : memref<64xi32, #tpu.memory_space<vmem>>) semaphore(%arg14 : memref<!tpu.dma_semaphore, #tpu.memory_space<semaphore_mem>>) {add = true}
        %gt3A = arith.constant 0 : i32
        %gt3A_218 = arith.cmpi sgt, %scan3A_169, %gt3A : i32
        %convert_element_type3A_219 = arith.extui %gt3A_218 : i1 to i32
        %cond3A_220 = arith.constant 0 : i32
        %cond3A_221 = arith.cmpi ne, %convert_element_type3A_219, %cond3A_220 : i32
        scf.if %cond3A_221 {
          %dma_wait3A_252 = arith.constant 0 : i32
          %dma_wait3A_253 = arith.constant 0 : i32
          %dma_wait3A_254 = arith.constant 0 : i32
          %dma_wait3A_255 = arith.constant 0 : i32
          %dma_wait3A_256 = arith.constant 0 : i32
          %dma_wait3A_257 = tpu.memref_slice %arg11[%dma_wait3A_252, %dma_wait3A_255, %dma_wait3A_256] : memref<5x64x128xf32, #tpu.memory_space<vmem>> -> memref<1x64x128xf32, #tpu.memory_space<vmem>>
          %dma_wait3A_258 = tpu.memref_squeeze %dma_wait3A_257 : memref<1x64x128xf32, #tpu.memory_space<vmem>> -> memref<64x128xf32, #tpu.memory_space<vmem>>
          %dma_wait3A_259 = arith.constant 0 : i32
          %dma_wait3A_260 = tpu.memref_slice %arg10[%dma_wait3A_253, %dma_wait3A_254, %dma_wait3A_259] : memref<2x16x64xi32, #tpu.memory_space<vmem>> -> memref<1x1x64xi32, #tpu.memory_space<vmem>>
          %dma_wait3A_261 = tpu.memref_squeeze %dma_wait3A_260 : memref<1x1x64xi32, #tpu.memory_space<vmem>> -> memref<64xi32, #tpu.memory_space<vmem>>
          %dma_wait3A_262 = arith.constant 0 : i32
          %dma_wait3A_263 = arith.constant 0 : i32
          %dma_wait3A_264 = tpu.memref_slice %arg12[%dma_wait3A_262, %dma_wait3A_263] : memref<10240x128xf32, #tpu.memory_space<vmem_shared>> -> memref<10240x128xf32, #tpu.memory_space<vmem_shared>>
          tpu.wait_indirect_dma semaphore(%arg14 : memref<!tpu.dma_semaphore, #tpu.memory_space<semaphore_mem>>) src(%dma_wait3A_258 : memref<64x128xf32, #tpu.memory_space<vmem>>) dst(%dma_wait3A_264 : memref<10240x128xf32, #tpu.memory_space<vmem_shared>>)
        } else {
        }
        %eq3A_222 = arith.constant 0 : i32
        %eq3A_223 = arith.cmpi eq, %rem3A_171, %eq3A_222 : i32
        %add3A_224 = arith.constant 16 : i32
        %add3A_225 = arith.addi %scan3A_169, %add3A_224 : i32
        %lt3A = arith.constant 320 : i32
        %lt3A_226 = arith.cmpi slt, %add3A_225, %lt3A : i32
        %and3A_227 = arith.andi %eq3A_223, %lt3A_226 : i1
        %convert_element_type3A_228 = arith.extui %and3A_227 : i1 to i32
        %cond3A_229 = arith.constant 0 : i32
        %cond3A_230 = arith.cmpi ne, %convert_element_type3A_228, %cond3A_229 : i32
        scf.if %cond3A_230 {
          %jit3A_252 = arith.constant 16 : i32
          %div3A_253 = arith.divsi %scan3A_169, %jit3A_252 : i32
          %sign3A_254 = arith.constant 0 : i32
          %sign3A_255 = arith.cmpi sgt, %scan3A_169, %sign3A_254 : i32
          %sign3A_256 = arith.extui %sign3A_255 : i1 to i32
          %sign3A_257 = arith.constant 0 : i32
          %sign3A_258 = arith.cmpi slt, %scan3A_169, %sign3A_257 : i32
          %sign3A_259 = arith.extui %sign3A_258 : i1 to i32
          %sign3A_260 = arith.subi %sign3A_256, %sign3A_259 : i32
          %sign3A_261 = arith.constant 0 : i32
          %sign3A_262 = arith.cmpi sgt, %jit3A_252, %sign3A_261 : i32
          %sign3A_263 = arith.extui %sign3A_262 : i1 to i32
          %sign3A_264 = arith.constant 0 : i32
          %sign3A_265 = arith.cmpi slt, %jit3A_252, %sign3A_264 : i32
          %sign3A_266 = arith.extui %sign3A_265 : i1 to i32
          %sign3A_267 = arith.subi %sign3A_263, %sign3A_266 : i32
          %ne3A_268 = arith.cmpi ne, %sign3A_260, %sign3A_267 : i32
          %rem3A_269 = arith.remsi %scan3A_169, %jit3A_252 : i32
          %ne3A_270 = arith.constant 0 : i32
          %ne3A_271 = arith.cmpi ne, %rem3A_269, %ne3A_270 : i32
          %and3A_272 = arith.andi %ne3A_268, %ne3A_271 : i1
          %sub3A_273 = arith.constant 1 : i32
          %sub3A_274 = arith.subi %div3A_253, %sub3A_273 : i32
          %select_n3A_275 = arith.select %and3A_272, %sub3A_274, %div3A_253 : i32
          %add3A_276 = arith.constant 1 : i32
          %add3A_277 = arith.addi %select_n3A_275, %add3A_276 : i32
          %rem3A_278 = arith.constant 2 : i32
          %rem3A_279 = arith.remsi %add3A_277, %rem3A_278 : i32
          %mul3A_280 = arith.constant 16 : i32
          %mul3A_281 = arith.muli %add3A_277, %mul3A_280 : i32
          %add3A_282 = arith.addi %mul3A_2, %mul3A_281 : i32
          %multiple_of3A_283 = tpu.assume_multiple %add3A_282, 8 : i32
          %dma_start3A_284 = arith.constant 0 : i32
          %dma_start3A_285 = arith.constant 0 : i32
          %dma_start3A_286 = tpu.memref_slice %arg9[%rem3A_279, %dma_start3A_284, %dma_start3A_285] : memref<2x16x64xi32, #tpu.memory_space<vmem>> -> memref<1x16x64xi32, #tpu.memory_space<vmem>>
          %dma_start3A_287 = tpu.memref_squeeze %dma_start3A_286 : memref<1x16x64xi32, #tpu.memory_space<vmem>> -> memref<16x64xi32, #tpu.memory_space<vmem>>
          %dma_start3A_288 = arith.constant 0 : i32
          %dma_start3A_289 = tpu.memref_slice %arg4[%multiple_of3A_283, %dma_start3A_288] : memref<5120x64xi32, #tpu.memory_space<hbm>> -> memref<16x64xi32, #tpu.memory_space<hbm>>
          %dma_start3A_290 = arith.constant 0 : i32
          %dma_start3A_291 = arith.constant 0 : i32
          %dma_start3A_292 = tpu.memref_slice %arg9[%rem3A_279, %dma_start3A_290, %dma_start3A_291] : memref<2x16x64xi32, #tpu.memory_space<vmem>> -> memref<1x16x64xi32, #tpu.memory_space<vmem>>
          %dma_start3A_293 = tpu.memref_squeeze %dma_start3A_292 : memref<1x16x64xi32, #tpu.memory_space<vmem>> -> memref<16x64xi32, #tpu.memory_space<vmem>>
          %dma_start3A_294 = arith.constant 0 : i32
          %dma_start3A_295 = tpu.memref_slice %arg4[%multiple_of3A_283, %dma_start3A_294] : memref<5120x64xi32, #tpu.memory_space<hbm>> -> memref<16x64xi32, #tpu.memory_space<hbm>>
          tpu.enqueue_dma source(%dma_start3A_295 : memref<16x64xi32, #tpu.memory_space<hbm>>) target(%dma_start3A_293 : memref<16x64xi32, #tpu.memory_space<vmem>>) target_semaphore(%arg15 : memref<!tpu.dma_semaphore, #tpu.memory_space<semaphore_mem>>)
          %dma_start3A_296 = arith.constant 0 : i32
          %dma_start3A_297 = arith.constant 0 : i32
          %dma_start3A_298 = tpu.memref_slice %arg10[%rem3A_279, %dma_start3A_296, %dma_start3A_297] : memref<2x16x64xi32, #tpu.memory_space<vmem>> -> memref<1x16x64xi32, #tpu.memory_space<vmem>>
          %dma_start3A_299 = tpu.memref_squeeze %dma_start3A_298 : memref<1x16x64xi32, #tpu.memory_space<vmem>> -> memref<16x64xi32, #tpu.memory_space<vmem>>
          %dma_start3A_300 = arith.constant 0 : i32
          %dma_start3A_301 = tpu.memref_slice %arg5[%multiple_of3A_283, %dma_start3A_300] : memref<5120x64xi32, #tpu.memory_space<hbm>> -> memref<16x64xi32, #tpu.memory_space<hbm>>
          %dma_start3A_302 = arith.constant 0 : i32
          %dma_start3A_303 = arith.constant 0 : i32
          %dma_start3A_304 = tpu.memref_slice %arg10[%rem3A_279, %dma_start3A_302, %dma_start3A_303] : memref<2x16x64xi32, #tpu.memory_space<vmem>> -> memref<1x16x64xi32, #tpu.memory_space<vmem>>
          %dma_start3A_305 = tpu.memref_squeeze %dma_start3A_304 : memref<1x16x64xi32, #tpu.memory_space<vmem>> -> memref<16x64xi32, #tpu.memory_space<vmem>>
          %dma_start3A_306 = arith.constant 0 : i32
          %dma_start3A_307 = tpu.memref_slice %arg5[%multiple_of3A_283, %dma_start3A_306] : memref<5120x64xi32, #tpu.memory_space<hbm>> -> memref<16x64xi32, #tpu.memory_space<hbm>>
          tpu.enqueue_dma source(%dma_start3A_307 : memref<16x64xi32, #tpu.memory_space<hbm>>) target(%dma_start3A_305 : memref<16x64xi32, #tpu.memory_space<vmem>>) target_semaphore(%arg15 : memref<!tpu.dma_semaphore, #tpu.memory_space<semaphore_mem>>)
        } else {
        }
        %eq3A_231 = arith.constant 12 : i32
        %eq3A_232 = arith.cmpi eq, %rem3A_171, %eq3A_231 : i32
        %add3A_233 = arith.constant 5 : i32
        %add3A_234 = arith.addi %scan3A_169, %add3A_233 : i32
        %sub3A_235 = arith.constant 1 : i32
        %sub3A_236 = arith.subi %add3A_234, %sub3A_235 : i32
        %lt3A_237 = arith.constant 320 : i32
        %lt3A_238 = arith.cmpi slt, %sub3A_236, %lt3A_237 : i32
        %and3A_239 = arith.andi %eq3A_232, %lt3A_238 : i1
        %convert_element_type3A_240 = arith.extui %and3A_239 : i1 to i32
        %cond3A_241 = arith.constant 0 : i32
        %cond3A_242 = arith.cmpi ne, %convert_element_type3A_240, %cond3A_241 : i32
        scf.if %cond3A_242 {
          %dma_wait3A_252 = arith.constant 0 : i32
          %dma_wait3A_253 = arith.constant 0 : i32
          %dma_wait3A_254 = arith.constant 0 : i32
          %dma_wait3A_255 = tpu.memref_slice %arg9[%dma_wait3A_252, %dma_wait3A_253, %dma_wait3A_254] : memref<2x16x64xi32, #tpu.memory_space<vmem>> -> memref<1x16x64xi32, #tpu.memory_space<vmem>>
          %dma_wait3A_256 = tpu.memref_squeeze %dma_wait3A_255 : memref<1x16x64xi32, #tpu.memory_space<vmem>> -> memref<16x64xi32, #tpu.memory_space<vmem>>
          %dma_wait3A_257 = arith.constant 0 : i32
          %dma_wait3A_258 = arith.constant 0 : i32
          %dma_wait3A_259 = tpu.memref_slice %arg4[%dma_wait3A_257, %dma_wait3A_258] : memref<5120x64xi32, #tpu.memory_space<hbm>> -> memref<16x64xi32, #tpu.memory_space<hbm>>
          %dma_wait3A_260 = arith.constant 0 : i32
          %dma_wait3A_261 = arith.constant 0 : i32
          %dma_wait3A_262 = tpu.memref_slice %arg9[%dma_wait3A_252, %dma_wait3A_260, %dma_wait3A_261] : memref<2x16x64xi32, #tpu.memory_space<vmem>> -> memref<1x16x64xi32, #tpu.memory_space<vmem>>
          %dma_wait3A_263 = tpu.memref_squeeze %dma_wait3A_262 : memref<1x16x64xi32, #tpu.memory_space<vmem>> -> memref<16x64xi32, #tpu.memory_space<vmem>>
          %dma_wait3A_264 = arith.constant 0 : i32
          %dma_wait3A_265 = arith.constant 0 : i32
          %dma_wait3A_266 = tpu.memref_slice %arg4[%dma_wait3A_264, %dma_wait3A_265] : memref<5120x64xi32, #tpu.memory_space<hbm>> -> memref<16x64xi32, #tpu.memory_space<hbm>>
          tpu.wait_dma2 semaphore(%arg15 : memref<!tpu.dma_semaphore, #tpu.memory_space<semaphore_mem>>) src(%dma_wait3A_266 : memref<16x64xi32, #tpu.memory_space<hbm>>) dst(%dma_wait3A_263 : memref<16x64xi32, #tpu.memory_space<vmem>>)
          %dma_wait3A_267 = arith.constant 0 : i32
          %dma_wait3A_268 = arith.constant 0 : i32
          %dma_wait3A_269 = arith.constant 0 : i32
          %dma_wait3A_270 = tpu.memref_slice %arg10[%dma_wait3A_267, %dma_wait3A_268, %dma_wait3A_269] : memref<2x16x64xi32, #tpu.memory_space<vmem>> -> memref<1x16x64xi32, #tpu.memory_space<vmem>>
          %dma_wait3A_271 = tpu.memref_squeeze %dma_wait3A_270 : memref<1x16x64xi32, #tpu.memory_space<vmem>> -> memref<16x64xi32, #tpu.memory_space<vmem>>
          %dma_wait3A_272 = arith.constant 0 : i32
          %dma_wait3A_273 = arith.constant 0 : i32
          %dma_wait3A_274 = tpu.memref_slice %arg5[%dma_wait3A_272, %dma_wait3A_273] : memref<5120x64xi32, #tpu.memory_space<hbm>> -> memref<16x64xi32, #tpu.memory_space<hbm>>
          %dma_wait3A_275 = arith.constant 0 : i32
          %dma_wait3A_276 = arith.constant 0 : i32
          %dma_wait3A_277 = tpu.memref_slice %arg10[%dma_wait3A_267, %dma_wait3A_275, %dma_wait3A_276] : memref<2x16x64xi32, #tpu.memory_space<vmem>> -> memref<1x16x64xi32, #tpu.memory_space<vmem>>
          %dma_wait3A_278 = tpu.memref_squeeze %dma_wait3A_277 : memref<1x16x64xi32, #tpu.memory_space<vmem>> -> memref<16x64xi32, #tpu.memory_space<vmem>>
          %dma_wait3A_279 = arith.constant 0 : i32
          %dma_wait3A_280 = arith.constant 0 : i32
          %dma_wait3A_281 = tpu.memref_slice %arg5[%dma_wait3A_279, %dma_wait3A_280] : memref<5120x64xi32, #tpu.memory_space<hbm>> -> memref<16x64xi32, #tpu.memory_space<hbm>>
          tpu.wait_dma2 semaphore(%arg15 : memref<!tpu.dma_semaphore, #tpu.memory_space<semaphore_mem>>) src(%dma_wait3A_281 : memref<16x64xi32, #tpu.memory_space<hbm>>) dst(%dma_wait3A_278 : memref<16x64xi32, #tpu.memory_space<vmem>>)
        } else {
        }
        %add3A_243 = arith.constant 5 : i32
        %add3A_244 = arith.addi %scan3A_169, %add3A_243 : i32
        %sub3A_245 = arith.constant 1 : i32
        %sub3A_246 = arith.subi %add3A_244, %sub3A_245 : i32
        %lt3A_247 = arith.constant 320 : i32
        %lt3A_248 = arith.cmpi slt, %sub3A_246, %lt3A_247 : i32
        %convert_element_type3A_249 = arith.extui %lt3A_248 : i1 to i32
        %cond3A_250 = arith.constant 0 : i32
        %cond3A_251 = arith.cmpi ne, %convert_element_type3A_249, %cond3A_250 : i32
        scf.if %cond3A_251 {
          %add3A_252 = arith.constant 5 : i32
          %add3A_253 = arith.addi %scan3A_169, %add3A_252 : i32
          %sub3A_254 = arith.constant 1 : i32
          %sub3A_255 = arith.subi %add3A_253, %sub3A_254 : i32
          %jit3A_256 = arith.constant 16 : i32
          %div3A_257 = arith.divsi %sub3A_255, %jit3A_256 : i32
          %sign3A_258 = arith.constant 0 : i32
          %sign3A_259 = arith.cmpi sgt, %sub3A_255, %sign3A_258 : i32
          %sign3A_260 = arith.extui %sign3A_259 : i1 to i32
          %sign3A_261 = arith.constant 0 : i32
          %sign3A_262 = arith.cmpi slt, %sub3A_255, %sign3A_261 : i32
          %sign3A_263 = arith.extui %sign3A_262 : i1 to i32
          %sign3A_264 = arith.subi %sign3A_260, %sign3A_263 : i32
          %sign3A_265 = arith.constant 0 : i32
          %sign3A_266 = arith.cmpi sgt, %jit3A_256, %sign3A_265 : i32
          %sign3A_267 = arith.extui %sign3A_266 : i1 to i32
          %sign3A_268 = arith.constant 0 : i32
          %sign3A_269 = arith.cmpi slt, %jit3A_256, %sign3A_268 : i32
          %sign3A_270 = arith.extui %sign3A_269 : i1 to i32
          %sign3A_271 = arith.subi %sign3A_267, %sign3A_270 : i32
          %ne3A_272 = arith.cmpi ne, %sign3A_264, %sign3A_271 : i32
          %rem3A_273 = arith.remsi %sub3A_255, %jit3A_256 : i32
          %ne3A_274 = arith.constant 0 : i32
          %ne3A_275 = arith.cmpi ne, %rem3A_273, %ne3A_274 : i32
          %and3A_276 = arith.andi %ne3A_272, %ne3A_275 : i1
          %sub3A_277 = arith.constant 1 : i32
          %sub3A_278 = arith.subi %div3A_257, %sub3A_277 : i32
          %select_n3A_279 = arith.select %and3A_276, %sub3A_278, %div3A_257 : i32
          %rem3A_280 = arith.constant 2 : i32
          %rem3A_281 = arith.remsi %select_n3A_279, %rem3A_280 : i32
          %rem3A_282 = arith.constant 16 : i32
          %rem3A_283 = arith.remsi %sub3A_255, %rem3A_282 : i32
          %rem3A_284 = arith.constant 5 : i32
          %rem3A_285 = arith.remsi %sub3A_255, %rem3A_284 : i32
          %dma_start3A_286 = arith.constant 0 : i32
          %dma_start3A_287 = arith.constant 0 : i32
          %dma_start3A_288 = tpu.memref_slice %arg11[%rem3A_285, %dma_start3A_286, %dma_start3A_287] : memref<5x64x128xf32, #tpu.memory_space<vmem>> -> memref<1x64x128xf32, #tpu.memory_space<vmem>>
          %dma_start3A_289 = tpu.memref_squeeze %dma_start3A_288 : memref<1x64x128xf32, #tpu.memory_space<vmem>> -> memref<64x128xf32, #tpu.memory_space<vmem>>
          %dma_start3A_290 = arith.constant 0 : i32
          %dma_start3A_291 = tpu.memref_slice %arg9[%rem3A_281, %rem3A_283, %dma_start3A_290] : memref<2x16x64xi32, #tpu.memory_space<vmem>> -> memref<1x1x64xi32, #tpu.memory_space<vmem>>
          %dma_start3A_292 = tpu.memref_squeeze %dma_start3A_291 : memref<1x1x64xi32, #tpu.memory_space<vmem>> -> memref<64xi32, #tpu.memory_space<vmem>>
          %dma_start3A_293 = arith.constant 0 : i32
          %dma_start3A_294 = arith.constant 0 : i32
          %dma_start3A_295 = tpu.memref_slice %arg2[%dma_start3A_293, %dma_start3A_294] : memref<10000x128xf32, #tpu.memory_space<hbm>> -> memref<10000x128xf32, #tpu.memory_space<hbm>>
          tpu.enqueue_indirect_dma source(%dma_start3A_295 : memref<10000x128xf32, #tpu.memory_space<hbm>>) target(%dma_start3A_289 : memref<64x128xf32, #tpu.memory_space<vmem>>) offsets(%dma_start3A_292 : memref<64xi32, #tpu.memory_space<vmem>>) semaphore(%arg13 : memref<!tpu.dma_semaphore, #tpu.memory_space<semaphore_mem>>)
        } else {
        }
      }
      %scan3A_155 = arith.constant 320 : i32
      %dma_wait3A_156 = arith.constant 0 : i32
      %dma_wait3A_157 = arith.constant 0 : i32
      %dma_wait3A_158 = arith.constant 0 : i32
      %dma_wait3A_159 = arith.constant 0 : i32
      %dma_wait3A_160 = arith.constant 0 : i32
      %dma_wait3A_161 = tpu.memref_slice %arg11[%dma_wait3A_156, %dma_wait3A_159, %dma_wait3A_160] : memref<5x64x128xf32, #tpu.memory_space<vmem>> -> memref<1x64x128xf32, #tpu.memory_space<vmem>>
      %dma_wait3A_162 = tpu.memref_squeeze %dma_wait3A_161 : memref<1x64x128xf32, #tpu.memory_space<vmem>> -> memref<64x128xf32, #tpu.memory_space<vmem>>
      %dma_wait3A_163 = arith.constant 0 : i32
      %dma_wait3A_164 = tpu.memref_slice %arg10[%dma_wait3A_157, %dma_wait3A_158, %dma_wait3A_163] : memref<2x16x64xi32, #tpu.memory_space<vmem>> -> memref<1x1x64xi32, #tpu.memory_space<vmem>>
      %dma_wait3A_165 = tpu.memref_squeeze %dma_wait3A_164 : memref<1x1x64xi32, #tpu.memory_space<vmem>> -> memref<64xi32, #tpu.memory_space<vmem>>
      %dma_wait3A_166 = arith.constant 0 : i32
      %dma_wait3A_167 = arith.constant 0 : i32
      %dma_wait3A_168 = tpu.memref_slice %arg12[%dma_wait3A_166, %dma_wait3A_167] : memref<10240x128xf32, #tpu.memory_space<vmem_shared>> -> memref<10240x128xf32, #tpu.memory_space<vmem_shared>>
      tpu.wait_indirect_dma semaphore(%arg14 : memref<!tpu.dma_semaphore, #tpu.memory_space<semaphore_mem>>) src(%dma_wait3A_162 : memref<64x128xf32, #tpu.memory_space<vmem>>) dst(%dma_wait3A_168 : memref<10240x128xf32, #tpu.memory_space<vmem_shared>>)
    } else {
    }
    %eq3A_60 = arith.constant 1 : i32
    %eq3A_61 = arith.cmpi eq, %arg0, %eq3A_60 : i32
    %convert_element_type3A_62 = arith.extui %eq3A_61 : i1 to i32
    %cond3A_63 = arith.constant 0 : i32
    %cond3A_64 = arith.cmpi ne, %convert_element_type3A_62, %cond3A_63 : i32
    scf.if %cond3A_64 {
      %rem3A = arith.constant 0 : i32
      %rem3A_76 = arith.constant 2 : i32
      %rem3A_77 = arith.remsi %rem3A, %rem3A_76 : i32
      %rem3A_78 = arith.constant 0 : i32
      %rem3A_79 = arith.constant 16 : i32
      %rem3A_80 = arith.remsi %rem3A_78, %rem3A_79 : i32
      %rem3A_81 = arith.constant 0 : i32
      %rem3A_82 = arith.constant 5 : i32
      %rem3A_83 = arith.remsi %rem3A_81, %rem3A_82 : i32
      %dma_start3A_84 = arith.constant 0 : i32
      %dma_start3A_85 = arith.constant 0 : i32
      %dma_start3A_86 = tpu.memref_slice %arg11[%rem3A_83, %dma_start3A_84, %dma_start3A_85] : memref<5x64x128xf32, #tpu.memory_space<vmem>> -> memref<1x64x128xf32, #tpu.memory_space<vmem>>
      %dma_start3A_87 = tpu.memref_squeeze %dma_start3A_86 : memref<1x64x128xf32, #tpu.memory_space<vmem>> -> memref<64x128xf32, #tpu.memory_space<vmem>>
      %dma_start3A_88 = arith.constant 0 : i32
      %dma_start3A_89 = tpu.memref_slice %arg9[%rem3A_77, %rem3A_80, %dma_start3A_88] : memref<2x16x64xi32, #tpu.memory_space<vmem>> -> memref<1x1x64xi32, #tpu.memory_space<vmem>>
      %dma_start3A_90 = tpu.memref_squeeze %dma_start3A_89 : memref<1x1x64xi32, #tpu.memory_space<vmem>> -> memref<64xi32, #tpu.memory_space<vmem>>
      %dma_start3A_91 = arith.constant 0 : i32
      %dma_start3A_92 = arith.constant 0 : i32
      %dma_start3A_93 = tpu.memref_slice %arg3[%dma_start3A_91, %dma_start3A_92] : memref<10000x128xf32, #tpu.memory_space<hbm>> -> memref<10000x128xf32, #tpu.memory_space<hbm>>
      tpu.enqueue_indirect_dma source(%dma_start3A_93 : memref<10000x128xf32, #tpu.memory_space<hbm>>) target(%dma_start3A_87 : memref<64x128xf32, #tpu.memory_space<vmem>>) offsets(%dma_start3A_90 : memref<64xi32, #tpu.memory_space<vmem>>) semaphore(%arg13 : memref<!tpu.dma_semaphore, #tpu.memory_space<semaphore_mem>>)
      %rem3A_94 = arith.constant 0 : i32
      %rem3A_95 = arith.constant 2 : i32
      %rem3A_96 = arith.remsi %rem3A_94, %rem3A_95 : i32
      %rem3A_97 = arith.constant 1 : i32
      %rem3A_98 = arith.constant 16 : i32
      %rem3A_99 = arith.remsi %rem3A_97, %rem3A_98 : i32
      %rem3A_100 = arith.constant 1 : i32
      %rem3A_101 = arith.constant 5 : i32
      %rem3A_102 = arith.remsi %rem3A_100, %rem3A_101 : i32
      %dma_start3A_103 = arith.constant 0 : i32
      %dma_start3A_104 = arith.constant 0 : i32
      %dma_start3A_105 = tpu.memref_slice %arg11[%rem3A_102, %dma_start3A_103, %dma_start3A_104] : memref<5x64x128xf32, #tpu.memory_space<vmem>> -> memref<1x64x128xf32, #tpu.memory_space<vmem>>
      %dma_start3A_106 = tpu.memref_squeeze %dma_start3A_105 : memref<1x64x128xf32, #tpu.memory_space<vmem>> -> memref<64x128xf32, #tpu.memory_space<vmem>>
      %dma_start3A_107 = arith.constant 0 : i32
      %dma_start3A_108 = tpu.memref_slice %arg9[%rem3A_96, %rem3A_99, %dma_start3A_107] : memref<2x16x64xi32, #tpu.memory_space<vmem>> -> memref<1x1x64xi32, #tpu.memory_space<vmem>>
      %dma_start3A_109 = tpu.memref_squeeze %dma_start3A_108 : memref<1x1x64xi32, #tpu.memory_space<vmem>> -> memref<64xi32, #tpu.memory_space<vmem>>
      %dma_start3A_110 = arith.constant 0 : i32
      %dma_start3A_111 = arith.constant 0 : i32
      %dma_start3A_112 = tpu.memref_slice %arg3[%dma_start3A_110, %dma_start3A_111] : memref<10000x128xf32, #tpu.memory_space<hbm>> -> memref<10000x128xf32, #tpu.memory_space<hbm>>
      tpu.enqueue_indirect_dma source(%dma_start3A_112 : memref<10000x128xf32, #tpu.memory_space<hbm>>) target(%dma_start3A_106 : memref<64x128xf32, #tpu.memory_space<vmem>>) offsets(%dma_start3A_109 : memref<64xi32, #tpu.memory_space<vmem>>) semaphore(%arg13 : memref<!tpu.dma_semaphore, #tpu.memory_space<semaphore_mem>>)
      %rem3A_113 = arith.constant 0 : i32
      %rem3A_114 = arith.constant 2 : i32
      %rem3A_115 = arith.remsi %rem3A_113, %rem3A_114 : i32
      %rem3A_116 = arith.constant 2 : i32
      %rem3A_117 = arith.constant 16 : i32
      %rem3A_118 = arith.remsi %rem3A_116, %rem3A_117 : i32
      %rem3A_119 = arith.constant 2 : i32
      %rem3A_120 = arith.constant 5 : i32
      %rem3A_121 = arith.remsi %rem3A_119, %rem3A_120 : i32
      %dma_start3A_122 = arith.constant 0 : i32
      %dma_start3A_123 = arith.constant 0 : i32
      %dma_start3A_124 = tpu.memref_slice %arg11[%rem3A_121, %dma_start3A_122, %dma_start3A_123] : memref<5x64x128xf32, #tpu.memory_space<vmem>> -> memref<1x64x128xf32, #tpu.memory_space<vmem>>
      %dma_start3A_125 = tpu.memref_squeeze %dma_start3A_124 : memref<1x64x128xf32, #tpu.memory_space<vmem>> -> memref<64x128xf32, #tpu.memory_space<vmem>>
      %dma_start3A_126 = arith.constant 0 : i32
      %dma_start3A_127 = tpu.memref_slice %arg9[%rem3A_115, %rem3A_118, %dma_start3A_126] : memref<2x16x64xi32, #tpu.memory_space<vmem>> -> memref<1x1x64xi32, #tpu.memory_space<vmem>>
      %dma_start3A_128 = tpu.memref_squeeze %dma_start3A_127 : memref<1x1x64xi32, #tpu.memory_space<vmem>> -> memref<64xi32, #tpu.memory_space<vmem>>
      %dma_start3A_129 = arith.constant 0 : i32
      %dma_start3A_130 = arith.constant 0 : i32
      %dma_start3A_131 = tpu.memref_slice %arg3[%dma_start3A_129, %dma_start3A_130] : memref<10000x128xf32, #tpu.memory_space<hbm>> -> memref<10000x128xf32, #tpu.memory_space<hbm>>
      tpu.enqueue_indirect_dma source(%dma_start3A_131 : memref<10000x128xf32, #tpu.memory_space<hbm>>) target(%dma_start3A_125 : memref<64x128xf32, #tpu.memory_space<vmem>>) offsets(%dma_start3A_128 : memref<64xi32, #tpu.memory_space<vmem>>) semaphore(%arg13 : memref<!tpu.dma_semaphore, #tpu.memory_space<semaphore_mem>>)
      %rem3A_132 = arith.constant 0 : i32
      %rem3A_133 = arith.constant 2 : i32
      %rem3A_134 = arith.remsi %rem3A_132, %rem3A_133 : i32
      %rem3A_135 = arith.constant 3 : i32
      %rem3A_136 = arith.constant 16 : i32
      %rem3A_137 = arith.remsi %rem3A_135, %rem3A_136 : i32
      %rem3A_138 = arith.constant 3 : i32
      %rem3A_139 = arith.constant 5 : i32
      %rem3A_140 = arith.remsi %rem3A_138, %rem3A_139 : i32
      %dma_start3A_141 = arith.constant 0 : i32
      %dma_start3A_142 = arith.constant 0 : i32
      %dma_start3A_143 = tpu.memref_slice %arg11[%rem3A_140, %dma_start3A_141, %dma_start3A_142] : memref<5x64x128xf32, #tpu.memory_space<vmem>> -> memref<1x64x128xf32, #tpu.memory_space<vmem>>
      %dma_start3A_144 = tpu.memref_squeeze %dma_start3A_143 : memref<1x64x128xf32, #tpu.memory_space<vmem>> -> memref<64x128xf32, #tpu.memory_space<vmem>>
      %dma_start3A_145 = arith.constant 0 : i32
      %dma_start3A_146 = tpu.memref_slice %arg9[%rem3A_134, %rem3A_137, %dma_start3A_145] : memref<2x16x64xi32, #tpu.memory_space<vmem>> -> memref<1x1x64xi32, #tpu.memory_space<vmem>>
      %dma_start3A_147 = tpu.memref_squeeze %dma_start3A_146 : memref<1x1x64xi32, #tpu.memory_space<vmem>> -> memref<64xi32, #tpu.memory_space<vmem>>
      %dma_start3A_148 = arith.constant 0 : i32
      %dma_start3A_149 = arith.constant 0 : i32
      %dma_start3A_150 = tpu.memref_slice %arg3[%dma_start3A_148, %dma_start3A_149] : memref<10000x128xf32, #tpu.memory_space<hbm>> -> memref<10000x128xf32, #tpu.memory_space<hbm>>
      tpu.enqueue_indirect_dma source(%dma_start3A_150 : memref<10000x128xf32, #tpu.memory_space<hbm>>) target(%dma_start3A_144 : memref<64x128xf32, #tpu.memory_space<vmem>>) offsets(%dma_start3A_147 : memref<64xi32, #tpu.memory_space<vmem>>) semaphore(%arg13 : memref<!tpu.dma_semaphore, #tpu.memory_space<semaphore_mem>>)
      %scan3A = arith.constant 0 : i32
      %scan3A_151 = arith.constant 0 : i32
      %scan3A_152 = arith.constant 320 : i32
      %scan3A_153 = arith.addi %scan3A_151, %scan3A_152 : i32
      %scan3A_154 = arith.constant 1 : i32
      scf.for %scan3A_169 = %scan3A_151 to %scan3A_153 step %scan3A_154  : i32 {
        %rem3A_170 = arith.constant 16 : i32
        %rem3A_171 = arith.remsi %scan3A_169, %rem3A_170 : i32
        %dma_wait3A_172 = arith.constant 0 : i32
        %dma_wait3A_173 = arith.constant 0 : i32
        %dma_wait3A_174 = arith.constant 0 : i32
        %dma_wait3A_175 = arith.constant 0 : i32
        %dma_wait3A_176 = arith.constant 0 : i32
        %dma_wait3A_177 = tpu.memref_slice %arg11[%dma_wait3A_174, %dma_wait3A_175, %dma_wait3A_176] : memref<5x64x128xf32, #tpu.memory_space<vmem>> -> memref<1x64x128xf32, #tpu.memory_space<vmem>>
        %dma_wait3A_178 = tpu.memref_squeeze %dma_wait3A_177 : memref<1x64x128xf32, #tpu.memory_space<vmem>> -> memref<64x128xf32, #tpu.memory_space<vmem>>
        %dma_wait3A_179 = arith.constant 0 : i32
        %dma_wait3A_180 = tpu.memref_slice %arg9[%dma_wait3A_172, %dma_wait3A_173, %dma_wait3A_179] : memref<2x16x64xi32, #tpu.memory_space<vmem>> -> memref<1x1x64xi32, #tpu.memory_space<vmem>>
        %dma_wait3A_181 = tpu.memref_squeeze %dma_wait3A_180 : memref<1x1x64xi32, #tpu.memory_space<vmem>> -> memref<64xi32, #tpu.memory_space<vmem>>
        %dma_wait3A_182 = arith.constant 0 : i32
        %dma_wait3A_183 = arith.constant 0 : i32
        %dma_wait3A_184 = tpu.memref_slice %arg3[%dma_wait3A_182, %dma_wait3A_183] : memref<10000x128xf32, #tpu.memory_space<hbm>> -> memref<10000x128xf32, #tpu.memory_space<hbm>>
        tpu.wait_indirect_dma semaphore(%arg13 : memref<!tpu.dma_semaphore, #tpu.memory_space<semaphore_mem>>) src(%dma_wait3A_184 : memref<10000x128xf32, #tpu.memory_space<hbm>>) dst(%dma_wait3A_178 : memref<64x128xf32, #tpu.memory_space<vmem>>)
        %jit3A = arith.constant 16 : i32
        %div3A = arith.divsi %scan3A_169, %jit3A : i32
        %sign3A = arith.constant 0 : i32
        %sign3A_185 = arith.cmpi sgt, %scan3A_169, %sign3A : i32
        %sign3A_186 = arith.extui %sign3A_185 : i1 to i32
        %sign3A_187 = arith.constant 0 : i32
        %sign3A_188 = arith.cmpi slt, %scan3A_169, %sign3A_187 : i32
        %sign3A_189 = arith.extui %sign3A_188 : i1 to i32
        %sign3A_190 = arith.subi %sign3A_186, %sign3A_189 : i32
        %sign3A_191 = arith.constant 0 : i32
        %sign3A_192 = arith.cmpi sgt, %jit3A, %sign3A_191 : i32
        %sign3A_193 = arith.extui %sign3A_192 : i1 to i32
        %sign3A_194 = arith.constant 0 : i32
        %sign3A_195 = arith.cmpi slt, %jit3A, %sign3A_194 : i32
        %sign3A_196 = arith.extui %sign3A_195 : i1 to i32
        %sign3A_197 = arith.subi %sign3A_193, %sign3A_196 : i32
        %ne3A = arith.cmpi ne, %sign3A_190, %sign3A_197 : i32
        %rem3A_198 = arith.remsi %scan3A_169, %jit3A : i32
        %ne3A_199 = arith.constant 0 : i32
        %ne3A_200 = arith.cmpi ne, %rem3A_198, %ne3A_199 : i32
        %and3A = arith.andi %ne3A, %ne3A_200 : i1
        %sub3A = arith.constant 1 : i32
        %sub3A_201 = arith.subi %div3A, %sub3A : i32
        %select_n3A = arith.select %and3A, %sub3A_201, %div3A : i32
        %rem3A_202 = arith.constant 2 : i32
        %rem3A_203 = arith.remsi %select_n3A, %rem3A_202 : i32
        %rem3A_204 = arith.constant 5 : i32
        %rem3A_205 = arith.remsi %scan3A_169, %rem3A_204 : i32
        %rem3A_206 = arith.constant 16 : i32
        %rem3A_207 = arith.remsi %scan3A_169, %rem3A_206 : i32
        %dma_start3A_208 = arith.constant 0 : i32
        %dma_start3A_209 = arith.constant 0 : i32
        %dma_start3A_210 = tpu.memref_slice %arg11[%rem3A_205, %dma_start3A_208, %dma_start3A_209] : memref<5x64x128xf32, #tpu.memory_space<vmem>> -> memref<1x64x128xf32, #tpu.memory_space<vmem>>
        %dma_start3A_211 = tpu.memref_squeeze %dma_start3A_210 : memref<1x64x128xf32, #tpu.memory_space<vmem>> -> memref<64x128xf32, #tpu.memory_space<vmem>>
        %dma_start3A_212 = arith.constant 0 : i32
        %dma_start3A_213 = tpu.memref_slice %arg10[%rem3A_203, %rem3A_207, %dma_start3A_212] : memref<2x16x64xi32, #tpu.memory_space<vmem>> -> memref<1x1x64xi32, #tpu.memory_space<vmem>>
        %dma_start3A_214 = tpu.memref_squeeze %dma_start3A_213 : memref<1x1x64xi32, #tpu.memory_space<vmem>> -> memref<64xi32, #tpu.memory_space<vmem>>
        %dma_start3A_215 = arith.constant 0 : i32
        %dma_start3A_216 = arith.constant 0 : i32
        %dma_start3A_217 = tpu.memref_slice %arg12[%dma_start3A_215, %dma_start3A_216] : memref<10240x128xf32, #tpu.memory_space<vmem_shared>> -> memref<10240x128xf32, #tpu.memory_space<vmem_shared>>
        tpu.enqueue_indirect_dma source(%dma_start3A_211 : memref<64x128xf32, #tpu.memory_space<vmem>>) target(%dma_start3A_217 : memref<10240x128xf32, #tpu.memory_space<vmem_shared>>) offsets(%dma_start3A_214 : memref<64xi32, #tpu.memory_space<vmem>>) semaphore(%arg14 : memref<!tpu.dma_semaphore, #tpu.memory_space<semaphore_mem>>) {add = true}
        %gt3A = arith.constant 0 : i32
        %gt3A_218 = arith.cmpi sgt, %scan3A_169, %gt3A : i32
        %convert_element_type3A_219 = arith.extui %gt3A_218 : i1 to i32
        %cond3A_220 = arith.constant 0 : i32
        %cond3A_221 = arith.cmpi ne, %convert_element_type3A_219, %cond3A_220 : i32
        scf.if %cond3A_221 {
          %dma_wait3A_252 = arith.constant 0 : i32
          %dma_wait3A_253 = arith.constant 0 : i32
          %dma_wait3A_254 = arith.constant 0 : i32
          %dma_wait3A_255 = arith.constant 0 : i32
          %dma_wait3A_256 = arith.constant 0 : i32
          %dma_wait3A_257 = tpu.memref_slice %arg11[%dma_wait3A_252, %dma_wait3A_255, %dma_wait3A_256] : memref<5x64x128xf32, #tpu.memory_space<vmem>> -> memref<1x64x128xf32, #tpu.memory_space<vmem>>
          %dma_wait3A_258 = tpu.memref_squeeze %dma_wait3A_257 : memref<1x64x128xf32, #tpu.memory_space<vmem>> -> memref<64x128xf32, #tpu.memory_space<vmem>>
          %dma_wait3A_259 = arith.constant 0 : i32
          %dma_wait3A_260 = tpu.memref_slice %arg10[%dma_wait3A_253, %dma_wait3A_254, %dma_wait3A_259] : memref<2x16x64xi32, #tpu.memory_space<vmem>> -> memref<1x1x64xi32, #tpu.memory_space<vmem>>
          %dma_wait3A_261 = tpu.memref_squeeze %dma_wait3A_260 : memref<1x1x64xi32, #tpu.memory_space<vmem>> -> memref<64xi32, #tpu.memory_space<vmem>>
          %dma_wait3A_262 = arith.constant 0 : i32
          %dma_wait3A_263 = arith.constant 0 : i32
          %dma_wait3A_264 = tpu.memref_slice %arg12[%dma_wait3A_262, %dma_wait3A_263] : memref<10240x128xf32, #tpu.memory_space<vmem_shared>> -> memref<10240x128xf32, #tpu.memory_space<vmem_shared>>
          tpu.wait_indirect_dma semaphore(%arg14 : memref<!tpu.dma_semaphore, #tpu.memory_space<semaphore_mem>>) src(%dma_wait3A_258 : memref<64x128xf32, #tpu.memory_space<vmem>>) dst(%dma_wait3A_264 : memref<10240x128xf32, #tpu.memory_space<vmem_shared>>)
        } else {
        }
        %eq3A_222 = arith.constant 0 : i32
        %eq3A_223 = arith.cmpi eq, %rem3A_171, %eq3A_222 : i32
        %add3A_224 = arith.constant 16 : i32
        %add3A_225 = arith.addi %scan3A_169, %add3A_224 : i32
        %lt3A = arith.constant 320 : i32
        %lt3A_226 = arith.cmpi slt, %add3A_225, %lt3A : i32
        %and3A_227 = arith.andi %eq3A_223, %lt3A_226 : i1
        %convert_element_type3A_228 = arith.extui %and3A_227 : i1 to i32
        %cond3A_229 = arith.constant 0 : i32
        %cond3A_230 = arith.cmpi ne, %convert_element_type3A_228, %cond3A_229 : i32
        scf.if %cond3A_230 {
          %jit3A_252 = arith.constant 16 : i32
          %div3A_253 = arith.divsi %scan3A_169, %jit3A_252 : i32
          %sign3A_254 = arith.constant 0 : i32
          %sign3A_255 = arith.cmpi sgt, %scan3A_169, %sign3A_254 : i32
          %sign3A_256 = arith.extui %sign3A_255 : i1 to i32
          %sign3A_257 = arith.constant 0 : i32
          %sign3A_258 = arith.cmpi slt, %scan3A_169, %sign3A_257 : i32
          %sign3A_259 = arith.extui %sign3A_258 : i1 to i32
          %sign3A_260 = arith.subi %sign3A_256, %sign3A_259 : i32
          %sign3A_261 = arith.constant 0 : i32
          %sign3A_262 = arith.cmpi sgt, %jit3A_252, %sign3A_261 : i32
          %sign3A_263 = arith.extui %sign3A_262 : i1 to i32
          %sign3A_264 = arith.constant 0 : i32
          %sign3A_265 = arith.cmpi slt, %jit3A_252, %sign3A_264 : i32
          %sign3A_266 = arith.extui %sign3A_265 : i1 to i32
          %sign3A_267 = arith.subi %sign3A_263, %sign3A_266 : i32
          %ne3A_268 = arith.cmpi ne, %sign3A_260, %sign3A_267 : i32
          %rem3A_269 = arith.remsi %scan3A_169, %jit3A_252 : i32
          %ne3A_270 = arith.constant 0 : i32
          %ne3A_271 = arith.cmpi ne, %rem3A_269, %ne3A_270 : i32
          %and3A_272 = arith.andi %ne3A_268, %ne3A_271 : i1
          %sub3A_273 = arith.constant 1 : i32
          %sub3A_274 = arith.subi %div3A_253, %sub3A_273 : i32
          %select_n3A_275 = arith.select %and3A_272, %sub3A_274, %div3A_253 : i32
          %add3A_276 = arith.constant 1 : i32
          %add3A_277 = arith.addi %select_n3A_275, %add3A_276 : i32
          %rem3A_278 = arith.constant 2 : i32
          %rem3A_279 = arith.remsi %add3A_277, %rem3A_278 : i32
          %mul3A_280 = arith.constant 16 : i32
          %mul3A_281 = arith.muli %add3A_277, %mul3A_280 : i32
          %add3A_282 = arith.addi %mul3A_2, %mul3A_281 : i32
          %multiple_of3A_283 = tpu.assume_multiple %add3A_282, 8 : i32
          %dma_start3A_284 = arith.constant 0 : i32
          %dma_start3A_285 = arith.constant 0 : i32
          %dma_start3A_286 = tpu.memref_slice %arg9[%rem3A_279, %dma_start3A_284, %dma_start3A_285] : memref<2x16x64xi32, #tpu.memory_space<vmem>> -> memref<1x16x64xi32, #tpu.memory_space<vmem>>
          %dma_start3A_287 = tpu.memref_squeeze %dma_start3A_286 : memref<1x16x64xi32, #tpu.memory_space<vmem>> -> memref<16x64xi32, #tpu.memory_space<vmem>>
          %dma_start3A_288 = arith.constant 0 : i32
          %dma_start3A_289 = tpu.memref_slice %arg4[%multiple_of3A_283, %dma_start3A_288] : memref<5120x64xi32, #tpu.memory_space<hbm>> -> memref<16x64xi32, #tpu.memory_space<hbm>>
          %dma_start3A_290 = arith.constant 0 : i32
          %dma_start3A_291 = arith.constant 0 : i32
          %dma_start3A_292 = tpu.memref_slice %arg9[%rem3A_279, %dma_start3A_290, %dma_start3A_291] : memref<2x16x64xi32, #tpu.memory_space<vmem>> -> memref<1x16x64xi32, #tpu.memory_space<vmem>>
          %dma_start3A_293 = tpu.memref_squeeze %dma_start3A_292 : memref<1x16x64xi32, #tpu.memory_space<vmem>> -> memref<16x64xi32, #tpu.memory_space<vmem>>
          %dma_start3A_294 = arith.constant 0 : i32
          %dma_start3A_295 = tpu.memref_slice %arg4[%multiple_of3A_283, %dma_start3A_294] : memref<5120x64xi32, #tpu.memory_space<hbm>> -> memref<16x64xi32, #tpu.memory_space<hbm>>
          tpu.enqueue_dma source(%dma_start3A_295 : memref<16x64xi32, #tpu.memory_space<hbm>>) target(%dma_start3A_293 : memref<16x64xi32, #tpu.memory_space<vmem>>) target_semaphore(%arg15 : memref<!tpu.dma_semaphore, #tpu.memory_space<semaphore_mem>>)
          %dma_start3A_296 = arith.constant 0 : i32
          %dma_start3A_297 = arith.constant 0 : i32
          %dma_start3A_298 = tpu.memref_slice %arg10[%rem3A_279, %dma_start3A_296, %dma_start3A_297] : memref<2x16x64xi32, #tpu.memory_space<vmem>> -> memref<1x16x64xi32, #tpu.memory_space<vmem>>
          %dma_start3A_299 = tpu.memref_squeeze %dma_start3A_298 : memref<1x16x64xi32, #tpu.memory_space<vmem>> -> memref<16x64xi32, #tpu.memory_space<vmem>>
          %dma_start3A_300 = arith.constant 0 : i32
          %dma_start3A_301 = tpu.memref_slice %arg5[%multiple_of3A_283, %dma_start3A_300] : memref<5120x64xi32, #tpu.memory_space<hbm>> -> memref<16x64xi32, #tpu.memory_space<hbm>>
          %dma_start3A_302 = arith.constant 0 : i32
          %dma_start3A_303 = arith.constant 0 : i32
          %dma_start3A_304 = tpu.memref_slice %arg10[%rem3A_279, %dma_start3A_302, %dma_start3A_303] : memref<2x16x64xi32, #tpu.memory_space<vmem>> -> memref<1x16x64xi32, #tpu.memory_space<vmem>>
          %dma_start3A_305 = tpu.memref_squeeze %dma_start3A_304 : memref<1x16x64xi32, #tpu.memory_space<vmem>> -> memref<16x64xi32, #tpu.memory_space<vmem>>
          %dma_start3A_306 = arith.constant 0 : i32
          %dma_start3A_307 = tpu.memref_slice %arg5[%multiple_of3A_283, %dma_start3A_306] : memref<5120x64xi32, #tpu.memory_space<hbm>> -> memref<16x64xi32, #tpu.memory_space<hbm>>
          tpu.enqueue_dma source(%dma_start3A_307 : memref<16x64xi32, #tpu.memory_space<hbm>>) target(%dma_start3A_305 : memref<16x64xi32, #tpu.memory_space<vmem>>) target_semaphore(%arg15 : memref<!tpu.dma_semaphore, #tpu.memory_space<semaphore_mem>>)
        } else {
        }
        %eq3A_231 = arith.constant 12 : i32
        %eq3A_232 = arith.cmpi eq, %rem3A_171, %eq3A_231 : i32
        %add3A_233 = arith.constant 5 : i32
        %add3A_234 = arith.addi %scan3A_169, %add3A_233 : i32
        %sub3A_235 = arith.constant 1 : i32
        %sub3A_236 = arith.subi %add3A_234, %sub3A_235 : i32
        %lt3A_237 = arith.constant 320 : i32
        %lt3A_238 = arith.cmpi slt, %sub3A_236, %lt3A_237 : i32
        %and3A_239 = arith.andi %eq3A_232, %lt3A_238 : i1
        %convert_element_type3A_240 = arith.extui %and3A_239 : i1 to i32
        %cond3A_241 = arith.constant 0 : i32
        %cond3A_242 = arith.cmpi ne, %convert_element_type3A_240, %cond3A_241 : i32
        scf.if %cond3A_242 {
          %dma_wait3A_252 = arith.constant 0 : i32
          %dma_wait3A_253 = arith.constant 0 : i32
          %dma_wait3A_254 = arith.constant 0 : i32
          %dma_wait3A_255 = tpu.memref_slice %arg9[%dma_wait3A_252, %dma_wait3A_253, %dma_wait3A_254] : memref<2x16x64xi32, #tpu.memory_space<vmem>> -> memref<1x16x64xi32, #tpu.memory_space<vmem>>
          %dma_wait3A_256 = tpu.memref_squeeze %dma_wait3A_255 : memref<1x16x64xi32, #tpu.memory_space<vmem>> -> memref<16x64xi32, #tpu.memory_space<vmem>>
          %dma_wait3A_257 = arith.constant 0 : i32
          %dma_wait3A_258 = arith.constant 0 : i32
          %dma_wait3A_259 = tpu.memref_slice %arg4[%dma_wait3A_257, %dma_wait3A_258] : memref<5120x64xi32, #tpu.memory_space<hbm>> -> memref<16x64xi32, #tpu.memory_space<hbm>>
          %dma_wait3A_260 = arith.constant 0 : i32
          %dma_wait3A_261 = arith.constant 0 : i32
          %dma_wait3A_262 = tpu.memref_slice %arg9[%dma_wait3A_252, %dma_wait3A_260, %dma_wait3A_261] : memref<2x16x64xi32, #tpu.memory_space<vmem>> -> memref<1x16x64xi32, #tpu.memory_space<vmem>>
          %dma_wait3A_263 = tpu.memref_squeeze %dma_wait3A_262 : memref<1x16x64xi32, #tpu.memory_space<vmem>> -> memref<16x64xi32, #tpu.memory_space<vmem>>
          %dma_wait3A_264 = arith.constant 0 : i32
          %dma_wait3A_265 = arith.constant 0 : i32
          %dma_wait3A_266 = tpu.memref_slice %arg4[%dma_wait3A_264, %dma_wait3A_265] : memref<5120x64xi32, #tpu.memory_space<hbm>> -> memref<16x64xi32, #tpu.memory_space<hbm>>
          tpu.wait_dma2 semaphore(%arg15 : memref<!tpu.dma_semaphore, #tpu.memory_space<semaphore_mem>>) src(%dma_wait3A_266 : memref<16x64xi32, #tpu.memory_space<hbm>>) dst(%dma_wait3A_263 : memref<16x64xi32, #tpu.memory_space<vmem>>)
          %dma_wait3A_267 = arith.constant 0 : i32
          %dma_wait3A_268 = arith.constant 0 : i32
          %dma_wait3A_269 = arith.constant 0 : i32
          %dma_wait3A_270 = tpu.memref_slice %arg10[%dma_wait3A_267, %dma_wait3A_268, %dma_wait3A_269] : memref<2x16x64xi32, #tpu.memory_space<vmem>> -> memref<1x16x64xi32, #tpu.memory_space<vmem>>
          %dma_wait3A_271 = tpu.memref_squeeze %dma_wait3A_270 : memref<1x16x64xi32, #tpu.memory_space<vmem>> -> memref<16x64xi32, #tpu.memory_space<vmem>>
          %dma_wait3A_272 = arith.constant 0 : i32
          %dma_wait3A_273 = arith.constant 0 : i32
          %dma_wait3A_274 = tpu.memref_slice %arg5[%dma_wait3A_272, %dma_wait3A_273] : memref<5120x64xi32, #tpu.memory_space<hbm>> -> memref<16x64xi32, #tpu.memory_space<hbm>>
          %dma_wait3A_275 = arith.constant 0 : i32
          %dma_wait3A_276 = arith.constant 0 : i32
          %dma_wait3A_277 = tpu.memref_slice %arg10[%dma_wait3A_267, %dma_wait3A_275, %dma_wait3A_276] : memref<2x16x64xi32, #tpu.memory_space<vmem>> -> memref<1x16x64xi32, #tpu.memory_space<vmem>>
          %dma_wait3A_278 = tpu.memref_squeeze %dma_wait3A_277 : memref<1x16x64xi32, #tpu.memory_space<vmem>> -> memref<16x64xi32, #tpu.memory_space<vmem>>
          %dma_wait3A_279 = arith.constant 0 : i32
          %dma_wait3A_280 = arith.constant 0 : i32
          %dma_wait3A_281 = tpu.memref_slice %arg5[%dma_wait3A_279, %dma_wait3A_280] : memref<5120x64xi32, #tpu.memory_space<hbm>> -> memref<16x64xi32, #tpu.memory_space<hbm>>
          tpu.wait_dma2 semaphore(%arg15 : memref<!tpu.dma_semaphore, #tpu.memory_space<semaphore_mem>>) src(%dma_wait3A_281 : memref<16x64xi32, #tpu.memory_space<hbm>>) dst(%dma_wait3A_278 : memref<16x64xi32, #tpu.memory_space<vmem>>)
        } else {
        }
        %add3A_243 = arith.constant 5 : i32
        %add3A_244 = arith.addi %scan3A_169, %add3A_243 : i32
        %sub3A_245 = arith.constant 1 : i32
        %sub3A_246 = arith.subi %add3A_244, %sub3A_245 : i32
        %lt3A_247 = arith.constant 320 : i32
        %lt3A_248 = arith.cmpi slt, %sub3A_246, %lt3A_247 : i32
        %convert_element_type3A_249 = arith.extui %lt3A_248 : i1 to i32
        %cond3A_250 = arith.constant 0 : i32
        %cond3A_251 = arith.cmpi ne, %convert_element_type3A_249, %cond3A_250 : i32
        scf.if %cond3A_251 {
          %add3A_252 = arith.constant 5 : i32
          %add3A_253 = arith.addi %scan3A_169, %add3A_252 : i32
          %sub3A_254 = arith.constant 1 : i32
          %sub3A_255 = arith.subi %add3A_253, %sub3A_254 : i32
          %jit3A_256 = arith.constant 16 : i32
          %div3A_257 = arith.divsi %sub3A_255, %jit3A_256 : i32
          %sign3A_258 = arith.constant 0 : i32
          %sign3A_259 = arith.cmpi sgt, %sub3A_255, %sign3A_258 : i32
          %sign3A_260 = arith.extui %sign3A_259 : i1 to i32
          %sign3A_261 = arith.constant 0 : i32
          %sign3A_262 = arith.cmpi slt, %sub3A_255, %sign3A_261 : i32
          %sign3A_263 = arith.extui %sign3A_262 : i1 to i32
          %sign3A_264 = arith.subi %sign3A_260, %sign3A_263 : i32
          %sign3A_265 = arith.constant 0 : i32
          %sign3A_266 = arith.cmpi sgt, %jit3A_256, %sign3A_265 : i32
          %sign3A_267 = arith.extui %sign3A_266 : i1 to i32
          %sign3A_268 = arith.constant 0 : i32
          %sign3A_269 = arith.cmpi slt, %jit3A_256, %sign3A_268 : i32
          %sign3A_270 = arith.extui %sign3A_269 : i1 to i32
          %sign3A_271 = arith.subi %sign3A_267, %sign3A_270 : i32
          %ne3A_272 = arith.cmpi ne, %sign3A_264, %sign3A_271 : i32
          %rem3A_273 = arith.remsi %sub3A_255, %jit3A_256 : i32
          %ne3A_274 = arith.constant 0 : i32
          %ne3A_275 = arith.cmpi ne, %rem3A_273, %ne3A_274 : i32
          %and3A_276 = arith.andi %ne3A_272, %ne3A_275 : i1
          %sub3A_277 = arith.constant 1 : i32
          %sub3A_278 = arith.subi %div3A_257, %sub3A_277 : i32
          %select_n3A_279 = arith.select %and3A_276, %sub3A_278, %div3A_257 : i32
          %rem3A_280 = arith.constant 2 : i32
          %rem3A_281 = arith.remsi %select_n3A_279, %rem3A_280 : i32
          %rem3A_282 = arith.constant 16 : i32
          %rem3A_283 = arith.remsi %sub3A_255, %rem3A_282 : i32
          %rem3A_284 = arith.constant 5 : i32
          %rem3A_285 = arith.remsi %sub3A_255, %rem3A_284 : i32
          %dma_start3A_286 = arith.constant 0 : i32
          %dma_start3A_287 = arith.constant 0 : i32
          %dma_start3A_288 = tpu.memref_slice %arg11[%rem3A_285, %dma_start3A_286, %dma_start3A_287] : memref<5x64x128xf32, #tpu.memory_space<vmem>> -> memref<1x64x128xf32, #tpu.memory_space<vmem>>
          %dma_start3A_289 = tpu.memref_squeeze %dma_start3A_288 : memref<1x64x128xf32, #tpu.memory_space<vmem>> -> memref<64x128xf32, #tpu.memory_space<vmem>>
          %dma_start3A_290 = arith.constant 0 : i32
          %dma_start3A_291 = tpu.memref_slice %arg9[%rem3A_281, %rem3A_283, %dma_start3A_290] : memref<2x16x64xi32, #tpu.memory_space<vmem>> -> memref<1x1x64xi32, #tpu.memory_space<vmem>>
          %dma_start3A_292 = tpu.memref_squeeze %dma_start3A_291 : memref<1x1x64xi32, #tpu.memory_space<vmem>> -> memref<64xi32, #tpu.memory_space<vmem>>
          %dma_start3A_293 = arith.constant 0 : i32
          %dma_start3A_294 = arith.constant 0 : i32
          %dma_start3A_295 = tpu.memref_slice %arg3[%dma_start3A_293, %dma_start3A_294] : memref<10000x128xf32, #tpu.memory_space<hbm>> -> memref<10000x128xf32, #tpu.memory_space<hbm>>
          tpu.enqueue_indirect_dma source(%dma_start3A_295 : memref<10000x128xf32, #tpu.memory_space<hbm>>) target(%dma_start3A_289 : memref<64x128xf32, #tpu.memory_space<vmem>>) offsets(%dma_start3A_292 : memref<64xi32, #tpu.memory_space<vmem>>) semaphore(%arg13 : memref<!tpu.dma_semaphore, #tpu.memory_space<semaphore_mem>>)
        } else {
        }
      }
      %scan3A_155 = arith.constant 320 : i32
      %dma_wait3A_156 = arith.constant 0 : i32
      %dma_wait3A_157 = arith.constant 0 : i32
      %dma_wait3A_158 = arith.constant 0 : i32
      %dma_wait3A_159 = arith.constant 0 : i32
      %dma_wait3A_160 = arith.constant 0 : i32
      %dma_wait3A_161 = tpu.memref_slice %arg11[%dma_wait3A_156, %dma_wait3A_159, %dma_wait3A_160] : memref<5x64x128xf32, #tpu.memory_space<vmem>> -> memref<1x64x128xf32, #tpu.memory_space<vmem>>
      %dma_wait3A_162 = tpu.memref_squeeze %dma_wait3A_161 : memref<1x64x128xf32, #tpu.memory_space<vmem>> -> memref<64x128xf32, #tpu.memory_space<vmem>>
      %dma_wait3A_163 = arith.constant 0 : i32
      %dma_wait3A_164 = tpu.memref_slice %arg10[%dma_wait3A_157, %dma_wait3A_158, %dma_wait3A_163] : memref<2x16x64xi32, #tpu.memory_space<vmem>> -> memref<1x1x64xi32, #tpu.memory_space<vmem>>
      %dma_wait3A_165 = tpu.memref_squeeze %dma_wait3A_164 : memref<1x1x64xi32, #tpu.memory_space<vmem>> -> memref<64xi32, #tpu.memory_space<vmem>>
      %dma_wait3A_166 = arith.constant 0 : i32
      %dma_wait3A_167 = arith.constant 0 : i32
      %dma_wait3A_168 = tpu.memref_slice %arg12[%dma_wait3A_166, %dma_wait3A_167] : memref<10240x128xf32, #tpu.memory_space<vmem_shared>> -> memref<10240x128xf32, #tpu.memory_space<vmem_shared>>
      tpu.wait_indirect_dma semaphore(%arg14 : memref<!tpu.dma_semaphore, #tpu.memory_space<semaphore_mem>>) src(%dma_wait3A_162 : memref<64x128xf32, #tpu.memory_space<vmem>>) dst(%dma_wait3A_168 : memref<10240x128xf32, #tpu.memory_space<vmem_shared>>)
    } else {
    }
    %barrier3A_65 = arith.constant 0 : index
    tpu.barrier barrier_id(%barrier3A_65)
    %eq3A_66 = arith.constant 0 : i32
    %eq3A_67 = arith.cmpi eq, %arg0, %eq3A_66 : i32
    %convert_element_type3A_68 = arith.extui %eq3A_67 : i1 to i32
    %cond3A_69 = arith.constant 0 : i32
    %cond3A_70 = arith.cmpi ne, %convert_element_type3A_68, %cond3A_69 : i32
    scf.if %cond3A_70 {
      "tpu.region"() ({
        %run_scoped3A = tpu.sem_alloc : memref<!tpu.dma_semaphore, #tpu.memory_space<semaphore_mem>>
        %dma_start3A_76 = arith.constant 0 : i32
        %dma_start3A_77 = tpu.memref_slice %arg7[%mul3A_0, %dma_start3A_76] : memref<10240x128xf32, #tpu.memory_space<hbm>> -> memref<640x128xf32, #tpu.memory_space<hbm>>
        %dma_start3A_78 = arith.constant 0 : i32
        %dma_start3A_79 = tpu.memref_slice %arg12[%mul3A_0, %dma_start3A_78] : memref<10240x128xf32, #tpu.memory_space<vmem_shared>> -> memref<640x128xf32, #tpu.memory_space<vmem_shared>>
        tpu.enqueue_dma source(%dma_start3A_79 : memref<640x128xf32, #tpu.memory_space<vmem_shared>>) target(%dma_start3A_77 : memref<640x128xf32, #tpu.memory_space<hbm>>) target_semaphore(%run_scoped3A : memref<!tpu.dma_semaphore, #tpu.memory_space<semaphore_mem>>)
        %dma_wait3A_80 = arith.constant 0 : i32
        %dma_wait3A_81 = tpu.memref_slice %arg7[%mul3A_0, %dma_wait3A_80] : memref<10240x128xf32, #tpu.memory_space<hbm>> -> memref<640x128xf32, #tpu.memory_space<hbm>>
        %dma_wait3A_82 = arith.constant 0 : i32
        %dma_wait3A_83 = tpu.memref_slice %arg12[%mul3A_0, %dma_wait3A_82] : memref<10240x128xf32, #tpu.memory_space<vmem_shared>> -> memref<640x128xf32, #tpu.memory_space<vmem_shared>>
        tpu.wait_dma2 semaphore(%run_scoped3A : memref<!tpu.dma_semaphore, #tpu.memory_space<semaphore_mem>>) src(%dma_wait3A_83 : memref<640x128xf32, #tpu.memory_space<vmem_shared>>) dst(%dma_wait3A_81 : memref<640x128xf32, #tpu.memory_space<hbm>>)
        tpu.yield
      }) : () -> ()
    } else {
    }
    %eq3A_71 = arith.constant 1 : i32
    %eq3A_72 = arith.cmpi eq, %arg0, %eq3A_71 : i32
    %convert_element_type3A_73 = arith.extui %eq3A_72 : i1 to i32
    %cond3A_74 = arith.constant 0 : i32
    %cond3A_75 = arith.cmpi ne, %convert_element_type3A_73, %cond3A_74 : i32
    scf.if %cond3A_75 {
      "tpu.region"() ({
        %run_scoped3A = tpu.sem_alloc : memref<!tpu.dma_semaphore, #tpu.memory_space<semaphore_mem>>
        %dma_start3A_76 = arith.constant 0 : i32
        %dma_start3A_77 = tpu.memref_slice %arg8[%mul3A_0, %dma_start3A_76] : memref<10240x128xf32, #tpu.memory_space<hbm>> -> memref<640x128xf32, #tpu.memory_space<hbm>>
        %dma_start3A_78 = arith.constant 0 : i32
        %dma_start3A_79 = tpu.memref_slice %arg12[%mul3A_0, %dma_start3A_78] : memref<10240x128xf32, #tpu.memory_space<vmem_shared>> -> memref<640x128xf32, #tpu.memory_space<vmem_shared>>
        tpu.enqueue_dma source(%dma_start3A_79 : memref<640x128xf32, #tpu.memory_space<vmem_shared>>) target(%dma_start3A_77 : memref<640x128xf32, #tpu.memory_space<hbm>>) target_semaphore(%run_scoped3A : memref<!tpu.dma_semaphore, #tpu.memory_space<semaphore_mem>>)
        %dma_wait3A_80 = arith.constant 0 : i32
        %dma_wait3A_81 = tpu.memref_slice %arg8[%mul3A_0, %dma_wait3A_80] : memref<10240x128xf32, #tpu.memory_space<hbm>> -> memref<640x128xf32, #tpu.memory_space<hbm>>
        %dma_wait3A_82 = arith.constant 0 : i32
        %dma_wait3A_83 = tpu.memref_slice %arg12[%mul3A_0, %dma_wait3A_82] : memref<10240x128xf32, #tpu.memory_space<vmem_shared>> -> memref<640x128xf32, #tpu.memory_space<vmem_shared>>
        tpu.wait_dma2 semaphore(%run_scoped3A : memref<!tpu.dma_semaphore, #tpu.memory_space<semaphore_mem>>) src(%dma_wait3A_83 : memref<640x128xf32, #tpu.memory_space<vmem_shared>>) dst(%dma_wait3A_81 : memref<640x128xf32, #tpu.memory_space<hbm>>)
        tpu.yield
      }) : () -> ()
    } else {
    }
    return
  }
}

#map = affine_map<(d0, d1) -> (0, 0)>
module attributes {stable_mosaic.version = 14 : i64} {
  func.func @k(%arg0: i32, %arg1: i32, %arg2: memref<10000x128xf32, #tpu.memory_space<hbm>>, %arg3: memref<10000x128xf32, #tpu.memory_space<hbm>>, %arg4: memref<5120x64xi32, #tpu.memory_space<hbm>>, %arg5: memref<5120x64xi32, #tpu.memory_space<hbm>>, %arg6: memref<10240x128xf32, #tpu.memory_space<hbm>>, %arg7: memref<10240x128xf32, #tpu.memory_space<hbm>>, %arg8: memref<10240x128xf32, #tpu.memory_space<hbm>>, %arg9: memref<2x16x64xi32, #tpu.memory_space<vmem>>, %arg10: memref<2x16x64xi32, #tpu.memory_space<vmem>>, %arg11: memref<5x64x128xf32, #tpu.memory_space<vmem>>, %arg12: memref<10240x128xf32, #tpu.memory_space<vmem_shared>>, %arg13: memref<!tpu.dma_semaphore, #tpu.memory_space<semaphore_mem>>, %arg14: memref<!tpu.dma_semaphore, #tpu.memory_space<semaphore_mem>>, %arg15: memref<!tpu.dma_semaphore, #tpu.memory_space<semaphore_mem>>) attributes {dimension_semantics = [#tpu.dimension_semantics<core_parallel>, #tpu.dimension_semantics<subcore_parallel>], iteration_bounds = array<i64: 2, 16>, scalar_prefetch = 0 : i64, scratch_operands = 7 : i64, tpu.core_type = #tpu.core_type<sc_vector_subcore>, window_params = [{transform_indices = #map}, {transform_indices = #map}, {transform_indices = #map}, {transform_indices = #map}, {transform_indices = #map}, {transform_indices = #map}, {transform_indices = #map}]} {
    %mul3A = arith.constant 640 : i32
    %mul3A_0 = arith.muli %arg1, %mul3A : i32
    %mul3A_1 = arith.constant 320 : i32
    %mul3A_2 = arith.muli %arg1, %mul3A_1 : i32
    %add3A = arith.constant 0 : i32
    %add3A_3 = arith.addi %mul3A_2, %add3A : i32
    %multiple_of3A = tpu.assume_multiple %add3A_3, 8 : i32
    %dma_start3A = arith.constant 0 : i32
    %dma_start3A_4 = arith.constant 0 : i32
    %dma_start3A_5 = arith.constant 0 : i32
    %dma_start3A_6 = tpu.memref_slice %arg9[%dma_start3A, %dma_start3A_4, %dma_start3A_5] : memref<2x16x64xi32, #tpu.memory_space<vmem>> -> memref<1x16x64xi32, #tpu.memory_space<vmem>>
    %dma_start3A_7 = tpu.memref_squeeze %dma_start3A_6 : memref<1x16x64xi32, #tpu.memory_space<vmem>> -> memref<16x64xi32, #tpu.memory_space<vmem>>
    %dma_start3A_8 = arith.constant 0 : i32
    %dma_start3A_9 = tpu.memref_slice %arg4[%multiple_of3A, %dma_start3A_8] : memref<5120x64xi32, #tpu.memory_space<hbm>> -> memref<16x64xi32, #tpu.memory_space<hbm>>
    %dma_start3A_10 = arith.constant 0 : i32
    %dma_start3A_11 = arith.constant 0 : i32
    %dma_start3A_12 = tpu.memref_slice %arg9[%dma_start3A, %dma_start3A_10, %dma_start3A_11] : memref<2x16x64xi32, #tpu.memory_space<vmem>> -> memref<1x16x64xi32, #tpu.memory_space<vmem>>
    %dma_start3A_13 = tpu.memref_squeeze %dma_start3A_12 : memref<1x16x64xi32, #tpu.memory_space<vmem>> -> memref<16x64xi32, #tpu.memory_space<vmem>>
    %dma_start3A_14 = arith.constant 0 : i32
    %dma_start3A_15 = tpu.memref_slice %arg4[%multiple_of3A, %dma_start3A_14] : memref<5120x64xi32, #tpu.memory_space<hbm>> -> memref<16x64xi32, #tpu.memory_space<hbm>>
    tpu.enqueue_dma source(%dma_start3A_15 : memref<16x64xi32, #tpu.memory_space<hbm>>) target(%dma_start3A_13 : memref<16x64xi32, #tpu.memory_space<vmem>>) target_semaphore(%arg15 : memref<!tpu.dma_semaphore, #tpu.memory_space<semaphore_mem>>)
    %dma_start3A_16 = arith.constant 0 : i32
    %dma_start3A_17 = arith.constant 0 : i32
    %dma_start3A_18 = arith.constant 0 : i32
    %dma_start3A_19 = tpu.memref_slice %arg10[%dma_start3A_16, %dma_start3A_17, %dma_start3A_18] : memref<2x16x64xi32, #tpu.memory_space<vmem>> -> memref<1x16x64xi32, #tpu.memory_space<vmem>>
    %dma_start3A_20 = tpu.memref_squeeze %dma_start3A_19 : memref<1x16x64xi32, #tpu.memory_space<vmem>> -> memref<16x64xi32, #tpu.memory_space<vmem>>
    %dma_start3A_21 = arith.constant 0 : i32
    %dma_start3A_22 = tpu.memref_slice %arg5[%multiple_of3A, %dma_start3A_21] : memref<5120x64xi32, #tpu.memory_space<hbm>> -> memref<16x64xi32, #tpu.memory_space<hbm>>
    %dma_start3A_23 = arith.constant 0 : i32
    %dma_start3A_24 = arith.constant 0 : i32
    %dma_start3A_25 = tpu.memref_slice %arg10[%dma_start3A_16, %dma_start3A_23, %dma_start3A_24] : memref<2x16x64xi32, #tpu.memory_space<vmem>> -> memref<1x16x64xi32, #tpu.memory_space<vmem>>
    %dma_start3A_26 = tpu.memref_squeeze %dma_start3A_25 : memref<1x16x64xi32, #tpu.memory_space<vmem>> -> memref<16x64xi32, #tpu.memory_space<vmem>>
    %dma_start3A_27 = arith.constant 0 : i32
    %dma_start3A_28 = tpu.memref_slice %arg5[%multiple_of3A, %dma_start3A_27] : memref<5120x64xi32, #tpu.memory_space<hbm>> -> memref<16x64xi32, #tpu.memory_space<hbm>>
    tpu.enqueue_dma source(%dma_start3A_28 : memref<16x64xi32, #tpu.memory_space<hbm>>) target(%dma_start3A_26 : memref<16x64xi32, #tpu.memory_space<vmem>>) target_semaphore(%arg15 : memref<!tpu.dma_semaphore, #tpu.memory_space<semaphore_mem>>)
    "tpu.region"() ({
      %run_scoped3A = tpu.sem_alloc : memref<!tpu.dma_semaphore, #tpu.memory_space<semaphore_mem>>
      %dma_start3A_76 = arith.constant 0 : i32
      %dma_start3A_77 = tpu.memref_slice %arg12[%mul3A_0, %dma_start3A_76] : memref<10240x128xf32, #tpu.memory_space<vmem_shared>> -> memref<640x128xf32, #tpu.memory_space<vmem_shared>>
      %dma_start3A_78 = arith.constant 0 : i32
      %dma_start3A_79 = tpu.memref_slice %arg6[%mul3A_0, %dma_start3A_78] : memref<10240x128xf32, #tpu.memory_space<hbm>> -> memref<640x128xf32, #tpu.memory_space<hbm>>
      tpu.enqueue_dma source(%dma_start3A_79 : memref<640x128xf32, #tpu.memory_space<hbm>>) target(%dma_start3A_77 : memref<640x128xf32, #tpu.memory_space<vmem_shared>>) target_semaphore(%run_scoped3A : memref<!tpu.dma_semaphore, #tpu.memory_space<semaphore_mem>>)
      %dma_wait3A_80 = arith.constant 0 : i32
      %dma_wait3A_81 = tpu.memref_slice %arg12[%mul3A_0, %dma_wait3A_80] : memref<10240x128xf32, #tpu.memory_space<vmem_shared>> -> memref<640x128xf32, #tpu.memory_space<vmem_shared>>
      %dma_wait3A_82 = arith.constant 0 : i32
      %dma_wait3A_83 = tpu.memref_slice %arg6[%mul3A_0, %dma_wait3A_82] : memref<10240x128xf32, #tpu.memory_space<hbm>> -> memref<640x128xf32, #tpu.memory_space<hbm>>
      tpu.wait_dma2 semaphore(%run_scoped3A : memref<!tpu.dma_semaphore, #tpu.memory_space<semaphore_mem>>) src(%dma_wait3A_83 : memref<640x128xf32, #tpu.memory_space<hbm>>) dst(%dma_wait3A_81 : memref<640x128xf32, #tpu.memory_space<vmem_shared>>)
      tpu.yield
    }) : () -> ()
    %dma_wait3A = arith.constant 0 : i32
    %dma_wait3A_29 = arith.constant 0 : i32
    %dma_wait3A_30 = arith.constant 0 : i32
    %dma_wait3A_31 = tpu.memref_slice %arg9[%dma_wait3A, %dma_wait3A_29, %dma_wait3A_30] : memref<2x16x64xi32, #tpu.memory_space<vmem>> -> memref<1x16x64xi32, #tpu.memory_space<vmem>>
    %dma_wait3A_32 = tpu.memref_squeeze %dma_wait3A_31 : memref<1x16x64xi32, #tpu.memory_space<vmem>> -> memref<16x64xi32, #tpu.memory_space<vmem>>
    %dma_wait3A_33 = arith.constant 0 : i32
    %dma_wait3A_34 = arith.constant 0 : i32
    %dma_wait3A_35 = tpu.memref_slice %arg4[%dma_wait3A_33, %dma_wait3A_34] : memref<5120x64xi32, #tpu.memory_space<hbm>> -> memref<16x64xi32, #tpu.memory_space<hbm>>
    %dma_wait3A_36 = arith.constant 0 : i32
    %dma_wait3A_37 = arith.constant 0 : i32
    %dma_wait3A_38 = tpu.memref_slice %arg9[%dma_wait3A, %dma_wait3A_36, %dma_wait3A_37] : memref<2x16x64xi32, #tpu.memory_space<vmem>> -> memref<1x16x64xi32, #tpu.memory_space<vmem>>
    %dma_wait3A_39 = tpu.memref_squeeze %dma_wait3A_38 : memref<1x16x64xi32, #tpu.memory_space<vmem>> -> memref<16x64xi32, #tpu.memory_space<vmem>>
    %dma_wait3A_40 = arith.constant 0 : i32
    %dma_wait3A_41 = arith.constant 0 : i32
    %dma_wait3A_42 = tpu.memref_slice %arg4[%dma_wait3A_40, %dma_wait3A_41] : memref<5120x64xi32, #tpu.memory_space<hbm>> -> memref<16x64xi32, #tpu.memory_space<hbm>>
    tpu.wait_dma2 semaphore(%arg15 : memref<!tpu.dma_semaphore, #tpu.memory_space<semaphore_mem>>) src(%dma_wait3A_42 : memref<16x64xi32, #tpu.memory_space<hbm>>) dst(%dma_wait3A_39 : memref<16x64xi32, #tpu.memory_space<vmem>>)
    %dma_wait3A_43 = arith.constant 0 : i32
    %dma_wait3A_44 = arith.constant 0 : i32
    %dma_wait3A_45 = arith.constant 0 : i32
    %dma_wait3A_46 = tpu.memref_slice %arg10[%dma_wait3A_43, %dma_wait3A_44, %dma_wait3A_45] : memref<2x16x64xi32, #tpu.memory_space<vmem>> -> memref<1x16x64xi32, #tpu.memory_space<vmem>>
    %dma_wait3A_47 = tpu.memref_squeeze %dma_wait3A_46 : memref<1x16x64xi32, #tpu.memory_space<vmem>> -> memref<16x64xi32, #tpu.memory_space<vmem>>
    %dma_wait3A_48 = arith.constant 0 : i32
    %dma_wait3A_49 = arith.constant 0 : i32
    %dma_wait3A_50 = tpu.memref_slice %arg5[%dma_wait3A_48, %dma_wait3A_49] : memref<5120x64xi32, #tpu.memory_space<hbm>> -> memref<16x64xi32, #tpu.memory_space<hbm>>
    %dma_wait3A_51 = arith.constant 0 : i32
    %dma_wait3A_52 = arith.constant 0 : i32
    %dma_wait3A_53 = tpu.memref_slice %arg10[%dma_wait3A_43, %dma_wait3A_51, %dma_wait3A_52] : memref<2x16x64xi32, #tpu.memory_space<vmem>> -> memref<1x16x64xi32, #tpu.memory_space<vmem>>
    %dma_wait3A_54 = tpu.memref_squeeze %dma_wait3A_53 : memref<1x16x64xi32, #tpu.memory_space<vmem>> -> memref<16x64xi32, #tpu.memory_space<vmem>>
    %dma_wait3A_55 = arith.constant 0 : i32
    %dma_wait3A_56 = arith.constant 0 : i32
    %dma_wait3A_57 = tpu.memref_slice %arg5[%dma_wait3A_55, %dma_wait3A_56] : memref<5120x64xi32, #tpu.memory_space<hbm>> -> memref<16x64xi32, #tpu.memory_space<hbm>>
    tpu.wait_dma2 semaphore(%arg15 : memref<!tpu.dma_semaphore, #tpu.memory_space<semaphore_mem>>) src(%dma_wait3A_57 : memref<16x64xi32, #tpu.memory_space<hbm>>) dst(%dma_wait3A_54 : memref<16x64xi32, #tpu.memory_space<vmem>>)
    %barrier3A = arith.constant 0 : index
    tpu.barrier barrier_id(%barrier3A)
    %eq3A = arith.constant 0 : i32
    %eq3A_58 = arith.cmpi eq, %arg0, %eq3A : i32
    %convert_element_type3A = arith.extui %eq3A_58 : i1 to i32
    %cond3A = arith.constant 0 : i32
    %cond3A_59 = arith.cmpi ne, %convert_element_type3A, %cond3A : i32
    scf.if %cond3A_59 {
      %rem3A = arith.constant 0 : i32
      %rem3A_76 = arith.constant 2 : i32
      %rem3A_77 = arith.remsi %rem3A, %rem3A_76 : i32
      %rem3A_78 = arith.constant 0 : i32
      %rem3A_79 = arith.constant 16 : i32
      %rem3A_80 = arith.remsi %rem3A_78, %rem3A_79 : i32
      %rem3A_81 = arith.constant 0 : i32
      %rem3A_82 = arith.constant 5 : i32
      %rem3A_83 = arith.remsi %rem3A_81, %rem3A_82 : i32
      %dma_start3A_84 = arith.constant 0 : i32
      %dma_start3A_85 = arith.constant 0 : i32
      %dma_start3A_86 = tpu.memref_slice %arg11[%rem3A_83, %dma_start3A_84, %dma_start3A_85] : memref<5x64x128xf32, #tpu.memory_space<vmem>> -> memref<1x64x128xf32, #tpu.memory_space<vmem>>
      %dma_start3A_87 = tpu.memref_squeeze %dma_start3A_86 : memref<1x64x128xf32, #tpu.memory_space<vmem>> -> memref<64x128xf32, #tpu.memory_space<vmem>>
      %dma_start3A_88 = arith.constant 0 : i32
      %dma_start3A_89 = tpu.memref_slice %arg9[%rem3A_77, %rem3A_80, %dma_start3A_88] : memref<2x16x64xi32, #tpu.memory_space<vmem>> -> memref<1x1x64xi32, #tpu.memory_space<vmem>>
      %dma_start3A_90 = tpu.memref_squeeze %dma_start3A_89 : memref<1x1x64xi32, #tpu.memory_space<vmem>> -> memref<64xi32, #tpu.memory_space<vmem>>
      %dma_start3A_91 = arith.constant 0 : i32
      %dma_start3A_92 = arith.constant 0 : i32
      %dma_start3A_93 = tpu.memref_slice %arg2[%dma_start3A_91, %dma_start3A_92] : memref<10000x128xf32, #tpu.memory_space<hbm>> -> memref<10000x128xf32, #tpu.memory_space<hbm>>
      tpu.enqueue_indirect_dma source(%dma_start3A_93 : memref<10000x128xf32, #tpu.memory_space<hbm>>) target(%dma_start3A_87 : memref<64x128xf32, #tpu.memory_space<vmem>>) offsets(%dma_start3A_90 : memref<64xi32, #tpu.memory_space<vmem>>) semaphore(%arg13 : memref<!tpu.dma_semaphore, #tpu.memory_space<semaphore_mem>>)
      %rem3A_94 = arith.constant 0 : i32
      %rem3A_95 = arith.constant 2 : i32
      %rem3A_96 = arith.remsi %rem3A_94, %rem3A_95 : i32
      %rem3A_97 = arith.constant 1 : i32
      %rem3A_98 = arith.constant 16 : i32
      %rem3A_99 = arith.remsi %rem3A_97, %rem3A_98 : i32
      %rem3A_100 = arith.constant 1 : i32
      %rem3A_101 = arith.constant 5 : i32
      %rem3A_102 = arith.remsi %rem3A_100, %rem3A_101 : i32
      %dma_start3A_103 = arith.constant 0 : i32
      %dma_start3A_104 = arith.constant 0 : i32
      %dma_start3A_105 = tpu.memref_slice %arg11[%rem3A_102, %dma_start3A_103, %dma_start3A_104] : memref<5x64x128xf32, #tpu.memory_space<vmem>> -> memref<1x64x128xf32, #tpu.memory_space<vmem>>
      %dma_start3A_106 = tpu.memref_squeeze %dma_start3A_105 : memref<1x64x128xf32, #tpu.memory_space<vmem>> -> memref<64x128xf32, #tpu.memory_space<vmem>>
      %dma_start3A_107 = arith.constant 0 : i32
      %dma_start3A_108 = tpu.memref_slice %arg9[%rem3A_96, %rem3A_99, %dma_start3A_107] : memref<2x16x64xi32, #tpu.memory_space<vmem>> -> memref<1x1x64xi32, #tpu.memory_space<vmem>>
      %dma_start3A_109 = tpu.memref_squeeze %dma_start3A_108 : memref<1x1x64xi32, #tpu.memory_space<vmem>> -> memref<64xi32, #tpu.memory_space<vmem>>
      %dma_start3A_110 = arith.constant 0 : i32
      %dma_start3A_111 = arith.constant 0 : i32
      %dma_start3A_112 = tpu.memref_slice %arg2[%dma_start3A_110, %dma_start3A_111] : memref<10000x128xf32, #tpu.memory_space<hbm>> -> memref<10000x128xf32, #tpu.memory_space<hbm>>
      tpu.enqueue_indirect_dma source(%dma_start3A_112 : memref<10000x128xf32, #tpu.memory_space<hbm>>) target(%dma_start3A_106 : memref<64x128xf32, #tpu.memory_space<vmem>>) offsets(%dma_start3A_109 : memref<64xi32, #tpu.memory_space<vmem>>) semaphore(%arg13 : memref<!tpu.dma_semaphore, #tpu.memory_space<semaphore_mem>>)
      %rem3A_113 = arith.constant 0 : i32
      %rem3A_114 = arith.constant 2 : i32
      %rem3A_115 = arith.remsi %rem3A_113, %rem3A_114 : i32
      %rem3A_116 = arith.constant 2 : i32
      %rem3A_117 = arith.constant 16 : i32
      %rem3A_118 = arith.remsi %rem3A_116, %rem3A_117 : i32
      %rem3A_119 = arith.constant 2 : i32
      %rem3A_120 = arith.constant 5 : i32
      %rem3A_121 = arith.remsi %rem3A_119, %rem3A_120 : i32
      %dma_start3A_122 = arith.constant 0 : i32
      %dma_start3A_123 = arith.constant 0 : i32
      %dma_start3A_124 = tpu.memref_slice %arg11[%rem3A_121, %dma_start3A_122, %dma_start3A_123] : memref<5x64x128xf32, #tpu.memory_space<vmem>> -> memref<1x64x128xf32, #tpu.memory_space<vmem>>
      %dma_start3A_125 = tpu.memref_squeeze %dma_start3A_124 : memref<1x64x128xf32, #tpu.memory_space<vmem>> -> memref<64x128xf32, #tpu.memory_space<vmem>>
      %dma_start3A_126 = arith.constant 0 : i32
      %dma_start3A_127 = tpu.memref_slice %arg9[%rem3A_115, %rem3A_118, %dma_start3A_126] : memref<2x16x64xi32, #tpu.memory_space<vmem>> -> memref<1x1x64xi32, #tpu.memory_space<vmem>>
      %dma_start3A_128 = tpu.memref_squeeze %dma_start3A_127 : memref<1x1x64xi32, #tpu.memory_space<vmem>> -> memref<64xi32, #tpu.memory_space<vmem>>
      %dma_start3A_129 = arith.constant 0 : i32
      %dma_start3A_130 = arith.constant 0 : i32
      %dma_start3A_131 = tpu.memref_slice %arg2[%dma_start3A_129, %dma_start3A_130] : memref<10000x128xf32, #tpu.memory_space<hbm>> -> memref<10000x128xf32, #tpu.memory_space<hbm>>
      tpu.enqueue_indirect_dma source(%dma_start3A_131 : memref<10000x128xf32, #tpu.memory_space<hbm>>) target(%dma_start3A_125 : memref<64x128xf32, #tpu.memory_space<vmem>>) offsets(%dma_start3A_128 : memref<64xi32, #tpu.memory_space<vmem>>) semaphore(%arg13 : memref<!tpu.dma_semaphore, #tpu.memory_space<semaphore_mem>>)
      %rem3A_132 = arith.constant 0 : i32
      %rem3A_133 = arith.constant 2 : i32
      %rem3A_134 = arith.remsi %rem3A_132, %rem3A_133 : i32
      %rem3A_135 = arith.constant 3 : i32
      %rem3A_136 = arith.constant 16 : i32
      %rem3A_137 = arith.remsi %rem3A_135, %rem3A_136 : i32
      %rem3A_138 = arith.constant 3 : i32
      %rem3A_139 = arith.constant 5 : i32
      %rem3A_140 = arith.remsi %rem3A_138, %rem3A_139 : i32
      %dma_start3A_141 = arith.constant 0 : i32
      %dma_start3A_142 = arith.constant 0 : i32
      %dma_start3A_143 = tpu.memref_slice %arg11[%rem3A_140, %dma_start3A_141, %dma_start3A_142] : memref<5x64x128xf32, #tpu.memory_space<vmem>> -> memref<1x64x128xf32, #tpu.memory_space<vmem>>
      %dma_start3A_144 = tpu.memref_squeeze %dma_start3A_143 : memref<1x64x128xf32, #tpu.memory_space<vmem>> -> memref<64x128xf32, #tpu.memory_space<vmem>>
      %dma_start3A_145 = arith.constant 0 : i32
      %dma_start3A_146 = tpu.memref_slice %arg9[%rem3A_134, %rem3A_137, %dma_start3A_145] : memref<2x16x64xi32, #tpu.memory_space<vmem>> -> memref<1x1x64xi32, #tpu.memory_space<vmem>>
      %dma_start3A_147 = tpu.memref_squeeze %dma_start3A_146 : memref<1x1x64xi32, #tpu.memory_space<vmem>> -> memref<64xi32, #tpu.memory_space<vmem>>
      %dma_start3A_148 = arith.constant 0 : i32
      %dma_start3A_149 = arith.constant 0 : i32
      %dma_start3A_150 = tpu.memref_slice %arg2[%dma_start3A_148, %dma_start3A_149] : memref<10000x128xf32, #tpu.memory_space<hbm>> -> memref<10000x128xf32, #tpu.memory_space<hbm>>
      tpu.enqueue_indirect_dma source(%dma_start3A_150 : memref<10000x128xf32, #tpu.memory_space<hbm>>) target(%dma_start3A_144 : memref<64x128xf32, #tpu.memory_space<vmem>>) offsets(%dma_start3A_147 : memref<64xi32, #tpu.memory_space<vmem>>) semaphore(%arg13 : memref<!tpu.dma_semaphore, #tpu.memory_space<semaphore_mem>>)
      %scan3A = arith.constant 0 : i32
      %scan3A_151 = arith.constant 0 : i32
      %scan3A_152 = arith.constant 320 : i32
      %scan3A_153 = arith.addi %scan3A_151, %scan3A_152 : i32
      %scan3A_154 = arith.constant 1 : i32
      scf.for %scan3A_169 = %scan3A_151 to %scan3A_153 step %scan3A_154  : i32 {
        %rem3A_170 = arith.constant 16 : i32
        %rem3A_171 = arith.remsi %scan3A_169, %rem3A_170 : i32
        %dma_wait3A_172 = arith.constant 0 : i32
        %dma_wait3A_173 = arith.constant 0 : i32
        %dma_wait3A_174 = arith.constant 0 : i32
        %dma_wait3A_175 = arith.constant 0 : i32
        %dma_wait3A_176 = arith.constant 0 : i32
        %dma_wait3A_177 = tpu.memref_slice %arg11[%dma_wait3A_174, %dma_wait3A_175, %dma_wait3A_176] : memref<5x64x128xf32, #tpu.memory_space<vmem>> -> memref<1x64x128xf32, #tpu.memory_space<vmem>>
        %dma_wait3A_178 = tpu.memref_squeeze %dma_wait3A_177 : memref<1x64x128xf32, #tpu.memory_space<vmem>> -> memref<64x128xf32, #tpu.memory_space<vmem>>
        %dma_wait3A_179 = arith.constant 0 : i32
        %dma_wait3A_180 = tpu.memref_slice %arg9[%dma_wait3A_172, %dma_wait3A_173, %dma_wait3A_179] : memref<2x16x64xi32, #tpu.memory_space<vmem>> -> memref<1x1x64xi32, #tpu.memory_space<vmem>>
        %dma_wait3A_181 = tpu.memref_squeeze %dma_wait3A_180 : memref<1x1x64xi32, #tpu.memory_space<vmem>> -> memref<64xi32, #tpu.memory_space<vmem>>
        %dma_wait3A_182 = arith.constant 0 : i32
        %dma_wait3A_183 = arith.constant 0 : i32
        %dma_wait3A_184 = tpu.memref_slice %arg2[%dma_wait3A_182, %dma_wait3A_183] : memref<10000x128xf32, #tpu.memory_space<hbm>> -> memref<10000x128xf32, #tpu.memory_space<hbm>>
        tpu.wait_indirect_dma semaphore(%arg13 : memref<!tpu.dma_semaphore, #tpu.memory_space<semaphore_mem>>) src(%dma_wait3A_184 : memref<10000x128xf32, #tpu.memory_space<hbm>>) dst(%dma_wait3A_178 : memref<64x128xf32, #tpu.memory_space<vmem>>)
        %jit3A = arith.constant 16 : i32
        %div3A = arith.divsi %scan3A_169, %jit3A : i32
        %sign3A = arith.constant 0 : i32
        %sign3A_185 = arith.cmpi sgt, %scan3A_169, %sign3A : i32
        %sign3A_186 = arith.extui %sign3A_185 : i1 to i32
        %sign3A_187 = arith.constant 0 : i32
        %sign3A_188 = arith.cmpi slt, %scan3A_169, %sign3A_187 : i32
        %sign3A_189 = arith.extui %sign3A_188 : i1 to i32
        %sign3A_190 = arith.subi %sign3A_186, %sign3A_189 : i32
        %sign3A_191 = arith.constant 0 : i32
        %sign3A_192 = arith.cmpi sgt, %jit3A, %sign3A_191 : i32
        %sign3A_193 = arith.extui %sign3A_192 : i1 to i32
        %sign3A_194 = arith.constant 0 : i32
        %sign3A_195 = arith.cmpi slt, %jit3A, %sign3A_194 : i32
        %sign3A_196 = arith.extui %sign3A_195 : i1 to i32
        %sign3A_197 = arith.subi %sign3A_193, %sign3A_196 : i32
        %ne3A = arith.cmpi ne, %sign3A_190, %sign3A_197 : i32
        %rem3A_198 = arith.remsi %scan3A_169, %jit3A : i32
        %ne3A_199 = arith.constant 0 : i32
        %ne3A_200 = arith.cmpi ne, %rem3A_198, %ne3A_199 : i32
        %and3A = arith.andi %ne3A, %ne3A_200 : i1
        %sub3A = arith.constant 1 : i32
        %sub3A_201 = arith.subi %div3A, %sub3A : i32
        %select_n3A = arith.select %and3A, %sub3A_201, %div3A : i32
        %rem3A_202 = arith.constant 2 : i32
        %rem3A_203 = arith.remsi %select_n3A, %rem3A_202 : i32
        %rem3A_204 = arith.constant 5 : i32
        %rem3A_205 = arith.remsi %scan3A_169, %rem3A_204 : i32
        %rem3A_206 = arith.constant 16 : i32
        %rem3A_207 = arith.remsi %scan3A_169, %rem3A_206 : i32
        %dma_start3A_208 = arith.constant 0 : i32
        %dma_start3A_209 = arith.constant 0 : i32
        %dma_start3A_210 = tpu.memref_slice %arg11[%rem3A_205, %dma_start3A_208, %dma_start3A_209] : memref<5x64x128xf32, #tpu.memory_space<vmem>> -> memref<1x64x128xf32, #tpu.memory_space<vmem>>
        %dma_start3A_211 = tpu.memref_squeeze %dma_start3A_210 : memref<1x64x128xf32, #tpu.memory_space<vmem>> -> memref<64x128xf32, #tpu.memory_space<vmem>>
        %dma_start3A_212 = arith.constant 0 : i32
        %dma_start3A_213 = tpu.memref_slice %arg10[%rem3A_203, %rem3A_207, %dma_start3A_212] : memref<2x16x64xi32, #tpu.memory_space<vmem>> -> memref<1x1x64xi32, #tpu.memory_space<vmem>>
        %dma_start3A_214 = tpu.memref_squeeze %dma_start3A_213 : memref<1x1x64xi32, #tpu.memory_space<vmem>> -> memref<64xi32, #tpu.memory_space<vmem>>
        %dma_start3A_215 = arith.constant 0 : i32
        %dma_start3A_216 = arith.constant 0 : i32
        %dma_start3A_217 = tpu.memref_slice %arg12[%dma_start3A_215, %dma_start3A_216] : memref<10240x128xf32, #tpu.memory_space<vmem_shared>> -> memref<10240x128xf32, #tpu.memory_space<vmem_shared>>
        tpu.enqueue_indirect_dma source(%dma_start3A_211 : memref<64x128xf32, #tpu.memory_space<vmem>>) target(%dma_start3A_217 : memref<10240x128xf32, #tpu.memory_space<vmem_shared>>) offsets(%dma_start3A_214 : memref<64xi32, #tpu.memory_space<vmem>>) semaphore(%arg14 : memref<!tpu.dma_semaphore, #tpu.memory_space<semaphore_mem>>) {add = true}
        %gt3A = arith.constant 0 : i32
        %gt3A_218 = arith.cmpi sgt, %scan3A_169, %gt3A : i32
        %convert_element_type3A_219 = arith.extui %gt3A_218 : i1 to i32
        %cond3A_220 = arith.constant 0 : i32
        %cond3A_221 = arith.cmpi ne, %convert_element_type3A_219, %cond3A_220 : i32
        scf.if %cond3A_221 {
          %dma_wait3A_252 = arith.constant 0 : i32
          %dma_wait3A_253 = arith.constant 0 : i32
          %dma_wait3A_254 = arith.constant 0 : i32
          %dma_wait3A_255 = arith.constant 0 : i32
          %dma_wait3A_256 = arith.constant 0 : i32
          %dma_wait3A_257 = tpu.memref_slice %arg11[%dma_wait3A_252, %dma_wait3A_255, %dma_wait3A_256] : memref<5x64x128xf32, #tpu.memory_space<vmem>> -> memref<1x64x128xf32, #tpu.memory_space<vmem>>
          %dma_wait3A_258 = tpu.memref_squeeze %dma_wait3A_257 : memref<1x64x128xf32, #tpu.memory_space<vmem>> -> memref<64x128xf32, #tpu.memory_space<vmem>>
          %dma_wait3A_259 = arith.constant 0 : i32
          %dma_wait3A_260 = tpu.memref_slice %arg10[%dma_wait3A_253, %dma_wait3A_254, %dma_wait3A_259] : memref<2x16x64xi32, #tpu.memory_space<vmem>> -> memref<1x1x64xi32, #tpu.memory_space<vmem>>
          %dma_wait3A_261 = tpu.memref_squeeze %dma_wait3A_260 : memref<1x1x64xi32, #tpu.memory_space<vmem>> -> memref<64xi32, #tpu.memory_space<vmem>>
          %dma_wait3A_262 = arith.constant 0 : i32
          %dma_wait3A_263 = arith.constant 0 : i32
          %dma_wait3A_264 = tpu.memref_slice %arg12[%dma_wait3A_262, %dma_wait3A_263] : memref<10240x128xf32, #tpu.memory_space<vmem_shared>> -> memref<10240x128xf32, #tpu.memory_space<vmem_shared>>
          tpu.wait_indirect_dma semaphore(%arg14 : memref<!tpu.dma_semaphore, #tpu.memory_space<semaphore_mem>>) src(%dma_wait3A_258 : memref<64x128xf32, #tpu.memory_space<vmem>>) dst(%dma_wait3A_264 : memref<10240x128xf32, #tpu.memory_space<vmem_shared>>)
        } else {
        }
        %eq3A_222 = arith.constant 0 : i32
        %eq3A_223 = arith.cmpi eq, %rem3A_171, %eq3A_222 : i32
        %add3A_224 = arith.constant 16 : i32
        %add3A_225 = arith.addi %scan3A_169, %add3A_224 : i32
        %lt3A = arith.constant 320 : i32
        %lt3A_226 = arith.cmpi slt, %add3A_225, %lt3A : i32
        %and3A_227 = arith.andi %eq3A_223, %lt3A_226 : i1
        %convert_element_type3A_228 = arith.extui %and3A_227 : i1 to i32
        %cond3A_229 = arith.constant 0 : i32
        %cond3A_230 = arith.cmpi ne, %convert_element_type3A_228, %cond3A_229 : i32
        scf.if %cond3A_230 {
          %jit3A_252 = arith.constant 16 : i32
          %div3A_253 = arith.divsi %scan3A_169, %jit3A_252 : i32
          %sign3A_254 = arith.constant 0 : i32
          %sign3A_255 = arith.cmpi sgt, %scan3A_169, %sign3A_254 : i32
          %sign3A_256 = arith.extui %sign3A_255 : i1 to i32
          %sign3A_257 = arith.constant 0 : i32
          %sign3A_258 = arith.cmpi slt, %scan3A_169, %sign3A_257 : i32
          %sign3A_259 = arith.extui %sign3A_258 : i1 to i32
          %sign3A_260 = arith.subi %sign3A_256, %sign3A_259 : i32
          %sign3A_261 = arith.constant 0 : i32
          %sign3A_262 = arith.cmpi sgt, %jit3A_252, %sign3A_261 : i32
          %sign3A_263 = arith.extui %sign3A_262 : i1 to i32
          %sign3A_264 = arith.constant 0 : i32
          %sign3A_265 = arith.cmpi slt, %jit3A_252, %sign3A_264 : i32
          %sign3A_266 = arith.extui %sign3A_265 : i1 to i32
          %sign3A_267 = arith.subi %sign3A_263, %sign3A_266 : i32
          %ne3A_268 = arith.cmpi ne, %sign3A_260, %sign3A_267 : i32
          %rem3A_269 = arith.remsi %scan3A_169, %jit3A_252 : i32
          %ne3A_270 = arith.constant 0 : i32
          %ne3A_271 = arith.cmpi ne, %rem3A_269, %ne3A_270 : i32
          %and3A_272 = arith.andi %ne3A_268, %ne3A_271 : i1
          %sub3A_273 = arith.constant 1 : i32
          %sub3A_274 = arith.subi %div3A_253, %sub3A_273 : i32
          %select_n3A_275 = arith.select %and3A_272, %sub3A_274, %div3A_253 : i32
          %add3A_276 = arith.constant 1 : i32
          %add3A_277 = arith.addi %select_n3A_275, %add3A_276 : i32
          %rem3A_278 = arith.constant 2 : i32
          %rem3A_279 = arith.remsi %add3A_277, %rem3A_278 : i32
          %mul3A_280 = arith.constant 16 : i32
          %mul3A_281 = arith.muli %add3A_277, %mul3A_280 : i32
          %add3A_282 = arith.addi %mul3A_2, %mul3A_281 : i32
          %multiple_of3A_283 = tpu.assume_multiple %add3A_282, 8 : i32
          %dma_start3A_284 = arith.constant 0 : i32
          %dma_start3A_285 = arith.constant 0 : i32
          %dma_start3A_286 = tpu.memref_slice %arg9[%rem3A_279, %dma_start3A_284, %dma_start3A_285] : memref<2x16x64xi32, #tpu.memory_space<vmem>> -> memref<1x16x64xi32, #tpu.memory_space<vmem>>
          %dma_start3A_287 = tpu.memref_squeeze %dma_start3A_286 : memref<1x16x64xi32, #tpu.memory_space<vmem>> -> memref<16x64xi32, #tpu.memory_space<vmem>>
          %dma_start3A_288 = arith.constant 0 : i32
          %dma_start3A_289 = tpu.memref_slice %arg4[%multiple_of3A_283, %dma_start3A_288] : memref<5120x64xi32, #tpu.memory_space<hbm>> -> memref<16x64xi32, #tpu.memory_space<hbm>>
          %dma_start3A_290 = arith.constant 0 : i32
          %dma_start3A_291 = arith.constant 0 : i32
          %dma_start3A_292 = tpu.memref_slice %arg9[%rem3A_279, %dma_start3A_290, %dma_start3A_291] : memref<2x16x64xi32, #tpu.memory_space<vmem>> -> memref<1x16x64xi32, #tpu.memory_space<vmem>>
          %dma_start3A_293 = tpu.memref_squeeze %dma_start3A_292 : memref<1x16x64xi32, #tpu.memory_space<vmem>> -> memref<16x64xi32, #tpu.memory_space<vmem>>
          %dma_start3A_294 = arith.constant 0 : i32
          %dma_start3A_295 = tpu.memref_slice %arg4[%multiple_of3A_283, %dma_start3A_294] : memref<5120x64xi32, #tpu.memory_space<hbm>> -> memref<16x64xi32, #tpu.memory_space<hbm>>
          tpu.enqueue_dma source(%dma_start3A_295 : memref<16x64xi32, #tpu.memory_space<hbm>>) target(%dma_start3A_293 : memref<16x64xi32, #tpu.memory_space<vmem>>) target_semaphore(%arg15 : memref<!tpu.dma_semaphore, #tpu.memory_space<semaphore_mem>>)
          %dma_start3A_296 = arith.constant 0 : i32
          %dma_start3A_297 = arith.constant 0 : i32
          %dma_start3A_298 = tpu.memref_slice %arg10[%rem3A_279, %dma_start3A_296, %dma_start3A_297] : memref<2x16x64xi32, #tpu.memory_space<vmem>> -> memref<1x16x64xi32, #tpu.memory_space<vmem>>
          %dma_start3A_299 = tpu.memref_squeeze %dma_start3A_298 : memref<1x16x64xi32, #tpu.memory_space<vmem>> -> memref<16x64xi32, #tpu.memory_space<vmem>>
          %dma_start3A_300 = arith.constant 0 : i32
          %dma_start3A_301 = tpu.memref_slice %arg5[%multiple_of3A_283, %dma_start3A_300] : memref<5120x64xi32, #tpu.memory_space<hbm>> -> memref<16x64xi32, #tpu.memory_space<hbm>>
          %dma_start3A_302 = arith.constant 0 : i32
          %dma_start3A_303 = arith.constant 0 : i32
          %dma_start3A_304 = tpu.memref_slice %arg10[%rem3A_279, %dma_start3A_302, %dma_start3A_303] : memref<2x16x64xi32, #tpu.memory_space<vmem>> -> memref<1x16x64xi32, #tpu.memory_space<vmem>>
          %dma_start3A_305 = tpu.memref_squeeze %dma_start3A_304 : memref<1x16x64xi32, #tpu.memory_space<vmem>> -> memref<16x64xi32, #tpu.memory_space<vmem>>
          %dma_start3A_306 = arith.constant 0 : i32
          %dma_start3A_307 = tpu.memref_slice %arg5[%multiple_of3A_283, %dma_start3A_306] : memref<5120x64xi32, #tpu.memory_space<hbm>> -> memref<16x64xi32, #tpu.memory_space<hbm>>
          tpu.enqueue_dma source(%dma_start3A_307 : memref<16x64xi32, #tpu.memory_space<hbm>>) target(%dma_start3A_305 : memref<16x64xi32, #tpu.memory_space<vmem>>) target_semaphore(%arg15 : memref<!tpu.dma_semaphore, #tpu.memory_space<semaphore_mem>>)
        } else {
        }
        %eq3A_231 = arith.constant 12 : i32
        %eq3A_232 = arith.cmpi eq, %rem3A_171, %eq3A_231 : i32
        %add3A_233 = arith.constant 5 : i32
        %add3A_234 = arith.addi %scan3A_169, %add3A_233 : i32
        %sub3A_235 = arith.constant 1 : i32
        %sub3A_236 = arith.subi %add3A_234, %sub3A_235 : i32
        %lt3A_237 = arith.constant 320 : i32
        %lt3A_238 = arith.cmpi slt, %sub3A_236, %lt3A_237 : i32
        %and3A_239 = arith.andi %eq3A_232, %lt3A_238 : i1
        %convert_element_type3A_240 = arith.extui %and3A_239 : i1 to i32
        %cond3A_241 = arith.constant 0 : i32
        %cond3A_242 = arith.cmpi ne, %convert_element_type3A_240, %cond3A_241 : i32
        scf.if %cond3A_242 {
          %dma_wait3A_252 = arith.constant 0 : i32
          %dma_wait3A_253 = arith.constant 0 : i32
          %dma_wait3A_254 = arith.constant 0 : i32
          %dma_wait3A_255 = tpu.memref_slice %arg9[%dma_wait3A_252, %dma_wait3A_253, %dma_wait3A_254] : memref<2x16x64xi32, #tpu.memory_space<vmem>> -> memref<1x16x64xi32, #tpu.memory_space<vmem>>
          %dma_wait3A_256 = tpu.memref_squeeze %dma_wait3A_255 : memref<1x16x64xi32, #tpu.memory_space<vmem>> -> memref<16x64xi32, #tpu.memory_space<vmem>>
          %dma_wait3A_257 = arith.constant 0 : i32
          %dma_wait3A_258 = arith.constant 0 : i32
          %dma_wait3A_259 = tpu.memref_slice %arg4[%dma_wait3A_257, %dma_wait3A_258] : memref<5120x64xi32, #tpu.memory_space<hbm>> -> memref<16x64xi32, #tpu.memory_space<hbm>>
          %dma_wait3A_260 = arith.constant 0 : i32
          %dma_wait3A_261 = arith.constant 0 : i32
          %dma_wait3A_262 = tpu.memref_slice %arg9[%dma_wait3A_252, %dma_wait3A_260, %dma_wait3A_261] : memref<2x16x64xi32, #tpu.memory_space<vmem>> -> memref<1x16x64xi32, #tpu.memory_space<vmem>>
          %dma_wait3A_263 = tpu.memref_squeeze %dma_wait3A_262 : memref<1x16x64xi32, #tpu.memory_space<vmem>> -> memref<16x64xi32, #tpu.memory_space<vmem>>
          %dma_wait3A_264 = arith.constant 0 : i32
          %dma_wait3A_265 = arith.constant 0 : i32
          %dma_wait3A_266 = tpu.memref_slice %arg4[%dma_wait3A_264, %dma_wait3A_265] : memref<5120x64xi32, #tpu.memory_space<hbm>> -> memref<16x64xi32, #tpu.memory_space<hbm>>
          tpu.wait_dma2 semaphore(%arg15 : memref<!tpu.dma_semaphore, #tpu.memory_space<semaphore_mem>>) src(%dma_wait3A_266 : memref<16x64xi32, #tpu.memory_space<hbm>>) dst(%dma_wait3A_263 : memref<16x64xi32, #tpu.memory_space<vmem>>)
          %dma_wait3A_267 = arith.constant 0 : i32
          %dma_wait3A_268 = arith.constant 0 : i32
          %dma_wait3A_269 = arith.constant 0 : i32
          %dma_wait3A_270 = tpu.memref_slice %arg10[%dma_wait3A_267, %dma_wait3A_268, %dma_wait3A_269] : memref<2x16x64xi32, #tpu.memory_space<vmem>> -> memref<1x16x64xi32, #tpu.memory_space<vmem>>
          %dma_wait3A_271 = tpu.memref_squeeze %dma_wait3A_270 : memref<1x16x64xi32, #tpu.memory_space<vmem>> -> memref<16x64xi32, #tpu.memory_space<vmem>>
          %dma_wait3A_272 = arith.constant 0 : i32
          %dma_wait3A_273 = arith.constant 0 : i32
          %dma_wait3A_274 = tpu.memref_slice %arg5[%dma_wait3A_272, %dma_wait3A_273] : memref<5120x64xi32, #tpu.memory_space<hbm>> -> memref<16x64xi32, #tpu.memory_space<hbm>>
          %dma_wait3A_275 = arith.constant 0 : i32
          %dma_wait3A_276 = arith.constant 0 : i32
          %dma_wait3A_277 = tpu.memref_slice %arg10[%dma_wait3A_267, %dma_wait3A_275, %dma_wait3A_276] : memref<2x16x64xi32, #tpu.memory_space<vmem>> -> memref<1x16x64xi32, #tpu.memory_space<vmem>>
          %dma_wait3A_278 = tpu.memref_squeeze %dma_wait3A_277 : memref<1x16x64xi32, #tpu.memory_space<vmem>> -> memref<16x64xi32, #tpu.memory_space<vmem>>
          %dma_wait3A_279 = arith.constant 0 : i32
          %dma_wait3A_280 = arith.constant 0 : i32
          %dma_wait3A_281 = tpu.memref_slice %arg5[%dma_wait3A_279, %dma_wait3A_280] : memref<5120x64xi32, #tpu.memory_space<hbm>> -> memref<16x64xi32, #tpu.memory_space<hbm>>
          tpu.wait_dma2 semaphore(%arg15 : memref<!tpu.dma_semaphore, #tpu.memory_space<semaphore_mem>>) src(%dma_wait3A_281 : memref<16x64xi32, #tpu.memory_space<hbm>>) dst(%dma_wait3A_278 : memref<16x64xi32, #tpu.memory_space<vmem>>)
        } else {
        }
        %add3A_243 = arith.constant 5 : i32
        %add3A_244 = arith.addi %scan3A_169, %add3A_243 : i32
        %sub3A_245 = arith.constant 1 : i32
        %sub3A_246 = arith.subi %add3A_244, %sub3A_245 : i32
        %lt3A_247 = arith.constant 320 : i32
        %lt3A_248 = arith.cmpi slt, %sub3A_246, %lt3A_247 : i32
        %convert_element_type3A_249 = arith.extui %lt3A_248 : i1 to i32
        %cond3A_250 = arith.constant 0 : i32
        %cond3A_251 = arith.cmpi ne, %convert_element_type3A_249, %cond3A_250 : i32
        scf.if %cond3A_251 {
          %add3A_252 = arith.constant 5 : i32
          %add3A_253 = arith.addi %scan3A_169, %add3A_252 : i32
          %sub3A_254 = arith.constant 1 : i32
          %sub3A_255 = arith.subi %add3A_253, %sub3A_254 : i32
          %jit3A_256 = arith.constant 16 : i32
          %div3A_257 = arith.divsi %sub3A_255, %jit3A_256 : i32
          %sign3A_258 = arith.constant 0 : i32
          %sign3A_259 = arith.cmpi sgt, %sub3A_255, %sign3A_258 : i32
          %sign3A_260 = arith.extui %sign3A_259 : i1 to i32
          %sign3A_261 = arith.constant 0 : i32
          %sign3A_262 = arith.cmpi slt, %sub3A_255, %sign3A_261 : i32
          %sign3A_263 = arith.extui %sign3A_262 : i1 to i32
          %sign3A_264 = arith.subi %sign3A_260, %sign3A_263 : i32
          %sign3A_265 = arith.constant 0 : i32
          %sign3A_266 = arith.cmpi sgt, %jit3A_256, %sign3A_265 : i32
          %sign3A_267 = arith.extui %sign3A_266 : i1 to i32
          %sign3A_268 = arith.constant 0 : i32
          %sign3A_269 = arith.cmpi slt, %jit3A_256, %sign3A_268 : i32
          %sign3A_270 = arith.extui %sign3A_269 : i1 to i32
          %sign3A_271 = arith.subi %sign3A_267, %sign3A_270 : i32
          %ne3A_272 = arith.cmpi ne, %sign3A_264, %sign3A_271 : i32
          %rem3A_273 = arith.remsi %sub3A_255, %jit3A_256 : i32
          %ne3A_274 = arith.constant 0 : i32
          %ne3A_275 = arith.cmpi ne, %rem3A_273, %ne3A_274 : i32
          %and3A_276 = arith.andi %ne3A_272, %ne3A_275 : i1
          %sub3A_277 = arith.constant 1 : i32
          %sub3A_278 = arith.subi %div3A_257, %sub3A_277 : i32
          %select_n3A_279 = arith.select %and3A_276, %sub3A_278, %div3A_257 : i32
          %rem3A_280 = arith.constant 2 : i32
          %rem3A_281 = arith.remsi %select_n3A_279, %rem3A_280 : i32
          %rem3A_282 = arith.constant 16 : i32
          %rem3A_283 = arith.remsi %sub3A_255, %rem3A_282 : i32
          %rem3A_284 = arith.constant 5 : i32
          %rem3A_285 = arith.remsi %sub3A_255, %rem3A_284 : i32
          %dma_start3A_286 = arith.constant 0 : i32
          %dma_start3A_287 = arith.constant 0 : i32
          %dma_start3A_288 = tpu.memref_slice %arg11[%rem3A_285, %dma_start3A_286, %dma_start3A_287] : memref<5x64x128xf32, #tpu.memory_space<vmem>> -> memref<1x64x128xf32, #tpu.memory_space<vmem>>
          %dma_start3A_289 = tpu.memref_squeeze %dma_start3A_288 : memref<1x64x128xf32, #tpu.memory_space<vmem>> -> memref<64x128xf32, #tpu.memory_space<vmem>>
          %dma_start3A_290 = arith.constant 0 : i32
          %dma_start3A_291 = tpu.memref_slice %arg9[%rem3A_281, %rem3A_283, %dma_start3A_290] : memref<2x16x64xi32, #tpu.memory_space<vmem>> -> memref<1x1x64xi32, #tpu.memory_space<vmem>>
          %dma_start3A_292 = tpu.memref_squeeze %dma_start3A_291 : memref<1x1x64xi32, #tpu.memory_space<vmem>> -> memref<64xi32, #tpu.memory_space<vmem>>
          %dma_start3A_293 = arith.constant 0 : i32
          %dma_start3A_294 = arith.constant 0 : i32
          %dma_start3A_295 = tpu.memref_slice %arg2[%dma_start3A_293, %dma_start3A_294] : memref<10000x128xf32, #tpu.memory_space<hbm>> -> memref<10000x128xf32, #tpu.memory_space<hbm>>
          tpu.enqueue_indirect_dma source(%dma_start3A_295 : memref<10000x128xf32, #tpu.memory_space<hbm>>) target(%dma_start3A_289 : memref<64x128xf32, #tpu.memory_space<vmem>>) offsets(%dma_start3A_292 : memref<64xi32, #tpu.memory_space<vmem>>) semaphore(%arg13 : memref<!tpu.dma_semaphore, #tpu.memory_space<semaphore_mem>>)
        } else {
        }
      }
      %scan3A_155 = arith.constant 320 : i32
      %dma_wait3A_156 = arith.constant 0 : i32
      %dma_wait3A_157 = arith.constant 0 : i32
      %dma_wait3A_158 = arith.constant 0 : i32
      %dma_wait3A_159 = arith.constant 0 : i32
      %dma_wait3A_160 = arith.constant 0 : i32
      %dma_wait3A_161 = tpu.memref_slice %arg11[%dma_wait3A_156, %dma_wait3A_159, %dma_wait3A_160] : memref<5x64x128xf32, #tpu.memory_space<vmem>> -> memref<1x64x128xf32, #tpu.memory_space<vmem>>
      %dma_wait3A_162 = tpu.memref_squeeze %dma_wait3A_161 : memref<1x64x128xf32, #tpu.memory_space<vmem>> -> memref<64x128xf32, #tpu.memory_space<vmem>>
      %dma_wait3A_163 = arith.constant 0 : i32
      %dma_wait3A_164 = tpu.memref_slice %arg10[%dma_wait3A_157, %dma_wait3A_158, %dma_wait3A_163] : memref<2x16x64xi32, #tpu.memory_space<vmem>> -> memref<1x1x64xi32, #tpu.memory_space<vmem>>
      %dma_wait3A_165 = tpu.memref_squeeze %dma_wait3A_164 : memref<1x1x64xi32, #tpu.memory_space<vmem>> -> memref<64xi32, #tpu.memory_space<vmem>>
      %dma_wait3A_166 = arith.constant 0 : i32
      %dma_wait3A_167 = arith.constant 0 : i32
      %dma_wait3A_168 = tpu.memref_slice %arg12[%dma_wait3A_166, %dma_wait3A_167] : memref<10240x128xf32, #tpu.memory_space<vmem_shared>> -> memref<10240x128xf32, #tpu.memory_space<vmem_shared>>
      tpu.wait_indirect_dma semaphore(%arg14 : memref<!tpu.dma_semaphore, #tpu.memory_space<semaphore_mem>>) src(%dma_wait3A_162 : memref<64x128xf32, #tpu.memory_space<vmem>>) dst(%dma_wait3A_168 : memref<10240x128xf32, #tpu.memory_space<vmem_shared>>)
    } else {
    }
    %eq3A_60 = arith.constant 1 : i32
    %eq3A_61 = arith.cmpi eq, %arg0, %eq3A_60 : i32
    %convert_element_type3A_62 = arith.extui %eq3A_61 : i1 to i32
    %cond3A_63 = arith.constant 0 : i32
    %cond3A_64 = arith.cmpi ne, %convert_element_type3A_62, %cond3A_63 : i32
    scf.if %cond3A_64 {
      %rem3A = arith.constant 0 : i32
      %rem3A_76 = arith.constant 2 : i32
      %rem3A_77 = arith.remsi %rem3A, %rem3A_76 : i32
      %rem3A_78 = arith.constant 0 : i32
      %rem3A_79 = arith.constant 16 : i32
      %rem3A_80 = arith.remsi %rem3A_78, %rem3A_79 : i32
      %rem3A_81 = arith.constant 0 : i32
      %rem3A_82 = arith.constant 5 : i32
      %rem3A_83 = arith.remsi %rem3A_81, %rem3A_82 : i32
      %dma_start3A_84 = arith.constant 0 : i32
      %dma_start3A_85 = arith.constant 0 : i32
      %dma_start3A_86 = tpu.memref_slice %arg11[%rem3A_83, %dma_start3A_84, %dma_start3A_85] : memref<5x64x128xf32, #tpu.memory_space<vmem>> -> memref<1x64x128xf32, #tpu.memory_space<vmem>>
      %dma_start3A_87 = tpu.memref_squeeze %dma_start3A_86 : memref<1x64x128xf32, #tpu.memory_space<vmem>> -> memref<64x128xf32, #tpu.memory_space<vmem>>
      %dma_start3A_88 = arith.constant 0 : i32
      %dma_start3A_89 = tpu.memref_slice %arg9[%rem3A_77, %rem3A_80, %dma_start3A_88] : memref<2x16x64xi32, #tpu.memory_space<vmem>> -> memref<1x1x64xi32, #tpu.memory_space<vmem>>
      %dma_start3A_90 = tpu.memref_squeeze %dma_start3A_89 : memref<1x1x64xi32, #tpu.memory_space<vmem>> -> memref<64xi32, #tpu.memory_space<vmem>>
      %dma_start3A_91 = arith.constant 0 : i32
      %dma_start3A_92 = arith.constant 0 : i32
      %dma_start3A_93 = tpu.memref_slice %arg3[%dma_start3A_91, %dma_start3A_92] : memref<10000x128xf32, #tpu.memory_space<hbm>> -> memref<10000x128xf32, #tpu.memory_space<hbm>>
      tpu.enqueue_indirect_dma source(%dma_start3A_93 : memref<10000x128xf32, #tpu.memory_space<hbm>>) target(%dma_start3A_87 : memref<64x128xf32, #tpu.memory_space<vmem>>) offsets(%dma_start3A_90 : memref<64xi32, #tpu.memory_space<vmem>>) semaphore(%arg13 : memref<!tpu.dma_semaphore, #tpu.memory_space<semaphore_mem>>)
      %rem3A_94 = arith.constant 0 : i32
      %rem3A_95 = arith.constant 2 : i32
      %rem3A_96 = arith.remsi %rem3A_94, %rem3A_95 : i32
      %rem3A_97 = arith.constant 1 : i32
      %rem3A_98 = arith.constant 16 : i32
      %rem3A_99 = arith.remsi %rem3A_97, %rem3A_98 : i32
      %rem3A_100 = arith.constant 1 : i32
      %rem3A_101 = arith.constant 5 : i32
      %rem3A_102 = arith.remsi %rem3A_100, %rem3A_101 : i32
      %dma_start3A_103 = arith.constant 0 : i32
      %dma_start3A_104 = arith.constant 0 : i32
      %dma_start3A_105 = tpu.memref_slice %arg11[%rem3A_102, %dma_start3A_103, %dma_start3A_104] : memref<5x64x128xf32, #tpu.memory_space<vmem>> -> memref<1x64x128xf32, #tpu.memory_space<vmem>>
      %dma_start3A_106 = tpu.memref_squeeze %dma_start3A_105 : memref<1x64x128xf32, #tpu.memory_space<vmem>> -> memref<64x128xf32, #tpu.memory_space<vmem>>
      %dma_start3A_107 = arith.constant 0 : i32
      %dma_start3A_108 = tpu.memref_slice %arg9[%rem3A_96, %rem3A_99, %dma_start3A_107] : memref<2x16x64xi32, #tpu.memory_space<vmem>> -> memref<1x1x64xi32, #tpu.memory_space<vmem>>
      %dma_start3A_109 = tpu.memref_squeeze %dma_start3A_108 : memref<1x1x64xi32, #tpu.memory_space<vmem>> -> memref<64xi32, #tpu.memory_space<vmem>>
      %dma_start3A_110 = arith.constant 0 : i32
      %dma_start3A_111 = arith.constant 0 : i32
      %dma_start3A_112 = tpu.memref_slice %arg3[%dma_start3A_110, %dma_start3A_111] : memref<10000x128xf32, #tpu.memory_space<hbm>> -> memref<10000x128xf32, #tpu.memory_space<hbm>>
      tpu.enqueue_indirect_dma source(%dma_start3A_112 : memref<10000x128xf32, #tpu.memory_space<hbm>>) target(%dma_start3A_106 : memref<64x128xf32, #tpu.memory_space<vmem>>) offsets(%dma_start3A_109 : memref<64xi32, #tpu.memory_space<vmem>>) semaphore(%arg13 : memref<!tpu.dma_semaphore, #tpu.memory_space<semaphore_mem>>)
      %rem3A_113 = arith.constant 0 : i32
      %rem3A_114 = arith.constant 2 : i32
      %rem3A_115 = arith.remsi %rem3A_113, %rem3A_114 : i32
      %rem3A_116 = arith.constant 2 : i32
      %rem3A_117 = arith.constant 16 : i32
      %rem3A_118 = arith.remsi %rem3A_116, %rem3A_117 : i32
      %rem3A_119 = arith.constant 2 : i32
      %rem3A_120 = arith.constant 5 : i32
      %rem3A_121 = arith.remsi %rem3A_119, %rem3A_120 : i32
      %dma_start3A_122 = arith.constant 0 : i32
      %dma_start3A_123 = arith.constant 0 : i32
      %dma_start3A_124 = tpu.memref_slice %arg11[%rem3A_121, %dma_start3A_122, %dma_start3A_123] : memref<5x64x128xf32, #tpu.memory_space<vmem>> -> memref<1x64x128xf32, #tpu.memory_space<vmem>>
      %dma_start3A_125 = tpu.memref_squeeze %dma_start3A_124 : memref<1x64x128xf32, #tpu.memory_space<vmem>> -> memref<64x128xf32, #tpu.memory_space<vmem>>
      %dma_start3A_126 = arith.constant 0 : i32
      %dma_start3A_127 = tpu.memref_slice %arg9[%rem3A_115, %rem3A_118, %dma_start3A_126] : memref<2x16x64xi32, #tpu.memory_space<vmem>> -> memref<1x1x64xi32, #tpu.memory_space<vmem>>
      %dma_start3A_128 = tpu.memref_squeeze %dma_start3A_127 : memref<1x1x64xi32, #tpu.memory_space<vmem>> -> memref<64xi32, #tpu.memory_space<vmem>>
      %dma_start3A_129 = arith.constant 0 : i32
      %dma_start3A_130 = arith.constant 0 : i32
      %dma_start3A_131 = tpu.memref_slice %arg3[%dma_start3A_129, %dma_start3A_130] : memref<10000x128xf32, #tpu.memory_space<hbm>> -> memref<10000x128xf32, #tpu.memory_space<hbm>>
      tpu.enqueue_indirect_dma source(%dma_start3A_131 : memref<10000x128xf32, #tpu.memory_space<hbm>>) target(%dma_start3A_125 : memref<64x128xf32, #tpu.memory_space<vmem>>) offsets(%dma_start3A_128 : memref<64xi32, #tpu.memory_space<vmem>>) semaphore(%arg13 : memref<!tpu.dma_semaphore, #tpu.memory_space<semaphore_mem>>)
      %rem3A_132 = arith.constant 0 : i32
      %rem3A_133 = arith.constant 2 : i32
      %rem3A_134 = arith.remsi %rem3A_132, %rem3A_133 : i32
      %rem3A_135 = arith.constant 3 : i32
      %rem3A_136 = arith.constant 16 : i32
      %rem3A_137 = arith.remsi %rem3A_135, %rem3A_136 : i32
      %rem3A_138 = arith.constant 3 : i32
      %rem3A_139 = arith.constant 5 : i32
      %rem3A_140 = arith.remsi %rem3A_138, %rem3A_139 : i32
      %dma_start3A_141 = arith.constant 0 : i32
      %dma_start3A_142 = arith.constant 0 : i32
      %dma_start3A_143 = tpu.memref_slice %arg11[%rem3A_140, %dma_start3A_141, %dma_start3A_142] : memref<5x64x128xf32, #tpu.memory_space<vmem>> -> memref<1x64x128xf32, #tpu.memory_space<vmem>>
      %dma_start3A_144 = tpu.memref_squeeze %dma_start3A_143 : memref<1x64x128xf32, #tpu.memory_space<vmem>> -> memref<64x128xf32, #tpu.memory_space<vmem>>
      %dma_start3A_145 = arith.constant 0 : i32
      %dma_start3A_146 = tpu.memref_slice %arg9[%rem3A_134, %rem3A_137, %dma_start3A_145] : memref<2x16x64xi32, #tpu.memory_space<vmem>> -> memref<1x1x64xi32, #tpu.memory_space<vmem>>
      %dma_start3A_147 = tpu.memref_squeeze %dma_start3A_146 : memref<1x1x64xi32, #tpu.memory_space<vmem>> -> memref<64xi32, #tpu.memory_space<vmem>>
      %dma_start3A_148 = arith.constant 0 : i32
      %dma_start3A_149 = arith.constant 0 : i32
      %dma_start3A_150 = tpu.memref_slice %arg3[%dma_start3A_148, %dma_start3A_149] : memref<10000x128xf32, #tpu.memory_space<hbm>> -> memref<10000x128xf32, #tpu.memory_space<hbm>>
      tpu.enqueue_indirect_dma source(%dma_start3A_150 : memref<10000x128xf32, #tpu.memory_space<hbm>>) target(%dma_start3A_144 : memref<64x128xf32, #tpu.memory_space<vmem>>) offsets(%dma_start3A_147 : memref<64xi32, #tpu.memory_space<vmem>>) semaphore(%arg13 : memref<!tpu.dma_semaphore, #tpu.memory_space<semaphore_mem>>)
      %scan3A = arith.constant 0 : i32
      %scan3A_151 = arith.constant 0 : i32
      %scan3A_152 = arith.constant 320 : i32
      %scan3A_153 = arith.addi %scan3A_151, %scan3A_152 : i32
      %scan3A_154 = arith.constant 1 : i32
      scf.for %scan3A_169 = %scan3A_151 to %scan3A_153 step %scan3A_154  : i32 {
        %rem3A_170 = arith.constant 16 : i32
        %rem3A_171 = arith.remsi %scan3A_169, %rem3A_170 : i32
        %dma_wait3A_172 = arith.constant 0 : i32
        %dma_wait3A_173 = arith.constant 0 : i32
        %dma_wait3A_174 = arith.constant 0 : i32
        %dma_wait3A_175 = arith.constant 0 : i32
        %dma_wait3A_176 = arith.constant 0 : i32
        %dma_wait3A_177 = tpu.memref_slice %arg11[%dma_wait3A_174, %dma_wait3A_175, %dma_wait3A_176] : memref<5x64x128xf32, #tpu.memory_space<vmem>> -> memref<1x64x128xf32, #tpu.memory_space<vmem>>
        %dma_wait3A_178 = tpu.memref_squeeze %dma_wait3A_177 : memref<1x64x128xf32, #tpu.memory_space<vmem>> -> memref<64x128xf32, #tpu.memory_space<vmem>>
        %dma_wait3A_179 = arith.constant 0 : i32
        %dma_wait3A_180 = tpu.memref_slice %arg9[%dma_wait3A_172, %dma_wait3A_173, %dma_wait3A_179] : memref<2x16x64xi32, #tpu.memory_space<vmem>> -> memref<1x1x64xi32, #tpu.memory_space<vmem>>
        %dma_wait3A_181 = tpu.memref_squeeze %dma_wait3A_180 : memref<1x1x64xi32, #tpu.memory_space<vmem>> -> memref<64xi32, #tpu.memory_space<vmem>>
        %dma_wait3A_182 = arith.constant 0 : i32
        %dma_wait3A_183 = arith.constant 0 : i32
        %dma_wait3A_184 = tpu.memref_slice %arg3[%dma_wait3A_182, %dma_wait3A_183] : memref<10000x128xf32, #tpu.memory_space<hbm>> -> memref<10000x128xf32, #tpu.memory_space<hbm>>
        tpu.wait_indirect_dma semaphore(%arg13 : memref<!tpu.dma_semaphore, #tpu.memory_space<semaphore_mem>>) src(%dma_wait3A_184 : memref<10000x128xf32, #tpu.memory_space<hbm>>) dst(%dma_wait3A_178 : memref<64x128xf32, #tpu.memory_space<vmem>>)
        %jit3A = arith.constant 16 : i32
        %div3A = arith.divsi %scan3A_169, %jit3A : i32
        %sign3A = arith.constant 0 : i32
        %sign3A_185 = arith.cmpi sgt, %scan3A_169, %sign3A : i32
        %sign3A_186 = arith.extui %sign3A_185 : i1 to i32
        %sign3A_187 = arith.constant 0 : i32
        %sign3A_188 = arith.cmpi slt, %scan3A_169, %sign3A_187 : i32
        %sign3A_189 = arith.extui %sign3A_188 : i1 to i32
        %sign3A_190 = arith.subi %sign3A_186, %sign3A_189 : i32
        %sign3A_191 = arith.constant 0 : i32
        %sign3A_192 = arith.cmpi sgt, %jit3A, %sign3A_191 : i32
        %sign3A_193 = arith.extui %sign3A_192 : i1 to i32
        %sign3A_194 = arith.constant 0 : i32
        %sign3A_195 = arith.cmpi slt, %jit3A, %sign3A_194 : i32
        %sign3A_196 = arith.extui %sign3A_195 : i1 to i32
        %sign3A_197 = arith.subi %sign3A_193, %sign3A_196 : i32
        %ne3A = arith.cmpi ne, %sign3A_190, %sign3A_197 : i32
        %rem3A_198 = arith.remsi %scan3A_169, %jit3A : i32
        %ne3A_199 = arith.constant 0 : i32
        %ne3A_200 = arith.cmpi ne, %rem3A_198, %ne3A_199 : i32
        %and3A = arith.andi %ne3A, %ne3A_200 : i1
        %sub3A = arith.constant 1 : i32
        %sub3A_201 = arith.subi %div3A, %sub3A : i32
        %select_n3A = arith.select %and3A, %sub3A_201, %div3A : i32
        %rem3A_202 = arith.constant 2 : i32
        %rem3A_203 = arith.remsi %select_n3A, %rem3A_202 : i32
        %rem3A_204 = arith.constant 5 : i32
        %rem3A_205 = arith.remsi %scan3A_169, %rem3A_204 : i32
        %rem3A_206 = arith.constant 16 : i32
        %rem3A_207 = arith.remsi %scan3A_169, %rem3A_206 : i32
        %dma_start3A_208 = arith.constant 0 : i32
        %dma_start3A_209 = arith.constant 0 : i32
        %dma_start3A_210 = tpu.memref_slice %arg11[%rem3A_205, %dma_start3A_208, %dma_start3A_209] : memref<5x64x128xf32, #tpu.memory_space<vmem>> -> memref<1x64x128xf32, #tpu.memory_space<vmem>>
        %dma_start3A_211 = tpu.memref_squeeze %dma_start3A_210 : memref<1x64x128xf32, #tpu.memory_space<vmem>> -> memref<64x128xf32, #tpu.memory_space<vmem>>
        %dma_start3A_212 = arith.constant 0 : i32
        %dma_start3A_213 = tpu.memref_slice %arg10[%rem3A_203, %rem3A_207, %dma_start3A_212] : memref<2x16x64xi32, #tpu.memory_space<vmem>> -> memref<1x1x64xi32, #tpu.memory_space<vmem>>
        %dma_start3A_214 = tpu.memref_squeeze %dma_start3A_213 : memref<1x1x64xi32, #tpu.memory_space<vmem>> -> memref<64xi32, #tpu.memory_space<vmem>>
        %dma_start3A_215 = arith.constant 0 : i32
        %dma_start3A_216 = arith.constant 0 : i32
        %dma_start3A_217 = tpu.memref_slice %arg12[%dma_start3A_215, %dma_start3A_216] : memref<10240x128xf32, #tpu.memory_space<vmem_shared>> -> memref<10240x128xf32, #tpu.memory_space<vmem_shared>>
        tpu.enqueue_indirect_dma source(%dma_start3A_211 : memref<64x128xf32, #tpu.memory_space<vmem>>) target(%dma_start3A_217 : memref<10240x128xf32, #tpu.memory_space<vmem_shared>>) offsets(%dma_start3A_214 : memref<64xi32, #tpu.memory_space<vmem>>) semaphore(%arg14 : memref<!tpu.dma_semaphore, #tpu.memory_space<semaphore_mem>>) {add = true}
        %gt3A = arith.constant 0 : i32
        %gt3A_218 = arith.cmpi sgt, %scan3A_169, %gt3A : i32
        %convert_element_type3A_219 = arith.extui %gt3A_218 : i1 to i32
        %cond3A_220 = arith.constant 0 : i32
        %cond3A_221 = arith.cmpi ne, %convert_element_type3A_219, %cond3A_220 : i32
        scf.if %cond3A_221 {
          %dma_wait3A_252 = arith.constant 0 : i32
          %dma_wait3A_253 = arith.constant 0 : i32
          %dma_wait3A_254 = arith.constant 0 : i32
          %dma_wait3A_255 = arith.constant 0 : i32
          %dma_wait3A_256 = arith.constant 0 : i32
          %dma_wait3A_257 = tpu.memref_slice %arg11[%dma_wait3A_252, %dma_wait3A_255, %dma_wait3A_256] : memref<5x64x128xf32, #tpu.memory_space<vmem>> -> memref<1x64x128xf32, #tpu.memory_space<vmem>>
          %dma_wait3A_258 = tpu.memref_squeeze %dma_wait3A_257 : memref<1x64x128xf32, #tpu.memory_space<vmem>> -> memref<64x128xf32, #tpu.memory_space<vmem>>
          %dma_wait3A_259 = arith.constant 0 : i32
          %dma_wait3A_260 = tpu.memref_slice %arg10[%dma_wait3A_253, %dma_wait3A_254, %dma_wait3A_259] : memref<2x16x64xi32, #tpu.memory_space<vmem>> -> memref<1x1x64xi32, #tpu.memory_space<vmem>>
          %dma_wait3A_261 = tpu.memref_squeeze %dma_wait3A_260 : memref<1x1x64xi32, #tpu.memory_space<vmem>> -> memref<64xi32, #tpu.memory_space<vmem>>
          %dma_wait3A_262 = arith.constant 0 : i32
          %dma_wait3A_263 = arith.constant 0 : i32
          %dma_wait3A_264 = tpu.memref_slice %arg12[%dma_wait3A_262, %dma_wait3A_263] : memref<10240x128xf32, #tpu.memory_space<vmem_shared>> -> memref<10240x128xf32, #tpu.memory_space<vmem_shared>>
          tpu.wait_indirect_dma semaphore(%arg14 : memref<!tpu.dma_semaphore, #tpu.memory_space<semaphore_mem>>) src(%dma_wait3A_258 : memref<64x128xf32, #tpu.memory_space<vmem>>) dst(%dma_wait3A_264 : memref<10240x128xf32, #tpu.memory_space<vmem_shared>>)
        } else {
        }
        %eq3A_222 = arith.constant 0 : i32
        %eq3A_223 = arith.cmpi eq, %rem3A_171, %eq3A_222 : i32
        %add3A_224 = arith.constant 16 : i32
        %add3A_225 = arith.addi %scan3A_169, %add3A_224 : i32
        %lt3A = arith.constant 320 : i32
        %lt3A_226 = arith.cmpi slt, %add3A_225, %lt3A : i32
        %and3A_227 = arith.andi %eq3A_223, %lt3A_226 : i1
        %convert_element_type3A_228 = arith.extui %and3A_227 : i1 to i32
        %cond3A_229 = arith.constant 0 : i32
        %cond3A_230 = arith.cmpi ne, %convert_element_type3A_228, %cond3A_229 : i32
        scf.if %cond3A_230 {
          %jit3A_252 = arith.constant 16 : i32
          %div3A_253 = arith.divsi %scan3A_169, %jit3A_252 : i32
          %sign3A_254 = arith.constant 0 : i32
          %sign3A_255 = arith.cmpi sgt, %scan3A_169, %sign3A_254 : i32
          %sign3A_256 = arith.extui %sign3A_255 : i1 to i32
          %sign3A_257 = arith.constant 0 : i32
          %sign3A_258 = arith.cmpi slt, %scan3A_169, %sign3A_257 : i32
          %sign3A_259 = arith.extui %sign3A_258 : i1 to i32
          %sign3A_260 = arith.subi %sign3A_256, %sign3A_259 : i32
          %sign3A_261 = arith.constant 0 : i32
          %sign3A_262 = arith.cmpi sgt, %jit3A_252, %sign3A_261 : i32
          %sign3A_263 = arith.extui %sign3A_262 : i1 to i32
          %sign3A_264 = arith.constant 0 : i32
          %sign3A_265 = arith.cmpi slt, %jit3A_252, %sign3A_264 : i32
          %sign3A_266 = arith.extui %sign3A_265 : i1 to i32
          %sign3A_267 = arith.subi %sign3A_263, %sign3A_266 : i32
          %ne3A_268 = arith.cmpi ne, %sign3A_260, %sign3A_267 : i32
          %rem3A_269 = arith.remsi %scan3A_169, %jit3A_252 : i32
          %ne3A_270 = arith.constant 0 : i32
          %ne3A_271 = arith.cmpi ne, %rem3A_269, %ne3A_270 : i32
          %and3A_272 = arith.andi %ne3A_268, %ne3A_271 : i1
          %sub3A_273 = arith.constant 1 : i32
          %sub3A_274 = arith.subi %div3A_253, %sub3A_273 : i32
          %select_n3A_275 = arith.select %and3A_272, %sub3A_274, %div3A_253 : i32
          %add3A_276 = arith.constant 1 : i32
          %add3A_277 = arith.addi %select_n3A_275, %add3A_276 : i32
          %rem3A_278 = arith.constant 2 : i32
          %rem3A_279 = arith.remsi %add3A_277, %rem3A_278 : i32
          %mul3A_280 = arith.constant 16 : i32
          %mul3A_281 = arith.muli %add3A_277, %mul3A_280 : i32
          %add3A_282 = arith.addi %mul3A_2, %mul3A_281 : i32
          %multiple_of3A_283 = tpu.assume_multiple %add3A_282, 8 : i32
          %dma_start3A_284 = arith.constant 0 : i32
          %dma_start3A_285 = arith.constant 0 : i32
          %dma_start3A_286 = tpu.memref_slice %arg9[%rem3A_279, %dma_start3A_284, %dma_start3A_285] : memref<2x16x64xi32, #tpu.memory_space<vmem>> -> memref<1x16x64xi32, #tpu.memory_space<vmem>>
          %dma_start3A_287 = tpu.memref_squeeze %dma_start3A_286 : memref<1x16x64xi32, #tpu.memory_space<vmem>> -> memref<16x64xi32, #tpu.memory_space<vmem>>
          %dma_start3A_288 = arith.constant 0 : i32
          %dma_start3A_289 = tpu.memref_slice %arg4[%multiple_of3A_283, %dma_start3A_288] : memref<5120x64xi32, #tpu.memory_space<hbm>> -> memref<16x64xi32, #tpu.memory_space<hbm>>
          %dma_start3A_290 = arith.constant 0 : i32
          %dma_start3A_291 = arith.constant 0 : i32
          %dma_start3A_292 = tpu.memref_slice %arg9[%rem3A_279, %dma_start3A_290, %dma_start3A_291] : memref<2x16x64xi32, #tpu.memory_space<vmem>> -> memref<1x16x64xi32, #tpu.memory_space<vmem>>
          %dma_start3A_293 = tpu.memref_squeeze %dma_start3A_292 : memref<1x16x64xi32, #tpu.memory_space<vmem>> -> memref<16x64xi32, #tpu.memory_space<vmem>>
          %dma_start3A_294 = arith.constant 0 : i32
          %dma_start3A_295 = tpu.memref_slice %arg4[%multiple_of3A_283, %dma_start3A_294] : memref<5120x64xi32, #tpu.memory_space<hbm>> -> memref<16x64xi32, #tpu.memory_space<hbm>>
          tpu.enqueue_dma source(%dma_start3A_295 : memref<16x64xi32, #tpu.memory_space<hbm>>) target(%dma_start3A_293 : memref<16x64xi32, #tpu.memory_space<vmem>>) target_semaphore(%arg15 : memref<!tpu.dma_semaphore, #tpu.memory_space<semaphore_mem>>)
          %dma_start3A_296 = arith.constant 0 : i32
          %dma_start3A_297 = arith.constant 0 : i32
          %dma_start3A_298 = tpu.memref_slice %arg10[%rem3A_279, %dma_start3A_296, %dma_start3A_297] : memref<2x16x64xi32, #tpu.memory_space<vmem>> -> memref<1x16x64xi32, #tpu.memory_space<vmem>>
          %dma_start3A_299 = tpu.memref_squeeze %dma_start3A_298 : memref<1x16x64xi32, #tpu.memory_space<vmem>> -> memref<16x64xi32, #tpu.memory_space<vmem>>
          %dma_start3A_300 = arith.constant 0 : i32
          %dma_start3A_301 = tpu.memref_slice %arg5[%multiple_of3A_283, %dma_start3A_300] : memref<5120x64xi32, #tpu.memory_space<hbm>> -> memref<16x64xi32, #tpu.memory_space<hbm>>
          %dma_start3A_302 = arith.constant 0 : i32
          %dma_start3A_303 = arith.constant 0 : i32
          %dma_start3A_304 = tpu.memref_slice %arg10[%rem3A_279, %dma_start3A_302, %dma_start3A_303] : memref<2x16x64xi32, #tpu.memory_space<vmem>> -> memref<1x16x64xi32, #tpu.memory_space<vmem>>
          %dma_start3A_305 = tpu.memref_squeeze %dma_start3A_304 : memref<1x16x64xi32, #tpu.memory_space<vmem>> -> memref<16x64xi32, #tpu.memory_space<vmem>>
          %dma_start3A_306 = arith.constant 0 : i32
          %dma_start3A_307 = tpu.memref_slice %arg5[%multiple_of3A_283, %dma_start3A_306] : memref<5120x64xi32, #tpu.memory_space<hbm>> -> memref<16x64xi32, #tpu.memory_space<hbm>>
          tpu.enqueue_dma source(%dma_start3A_307 : memref<16x64xi32, #tpu.memory_space<hbm>>) target(%dma_start3A_305 : memref<16x64xi32, #tpu.memory_space<vmem>>) target_semaphore(%arg15 : memref<!tpu.dma_semaphore, #tpu.memory_space<semaphore_mem>>)
        } else {
        }
        %eq3A_231 = arith.constant 12 : i32
        %eq3A_232 = arith.cmpi eq, %rem3A_171, %eq3A_231 : i32
        %add3A_233 = arith.constant 5 : i32
        %add3A_234 = arith.addi %scan3A_169, %add3A_233 : i32
        %sub3A_235 = arith.constant 1 : i32
        %sub3A_236 = arith.subi %add3A_234, %sub3A_235 : i32
        %lt3A_237 = arith.constant 320 : i32
        %lt3A_238 = arith.cmpi slt, %sub3A_236, %lt3A_237 : i32
        %and3A_239 = arith.andi %eq3A_232, %lt3A_238 : i1
        %convert_element_type3A_240 = arith.extui %and3A_239 : i1 to i32
        %cond3A_241 = arith.constant 0 : i32
        %cond3A_242 = arith.cmpi ne, %convert_element_type3A_240, %cond3A_241 : i32
        scf.if %cond3A_242 {
          %dma_wait3A_252 = arith.constant 0 : i32
          %dma_wait3A_253 = arith.constant 0 : i32
          %dma_wait3A_254 = arith.constant 0 : i32
          %dma_wait3A_255 = tpu.memref_slice %arg9[%dma_wait3A_252, %dma_wait3A_253, %dma_wait3A_254] : memref<2x16x64xi32, #tpu.memory_space<vmem>> -> memref<1x16x64xi32, #tpu.memory_space<vmem>>
          %dma_wait3A_256 = tpu.memref_squeeze %dma_wait3A_255 : memref<1x16x64xi32, #tpu.memory_space<vmem>> -> memref<16x64xi32, #tpu.memory_space<vmem>>
          %dma_wait3A_257 = arith.constant 0 : i32
          %dma_wait3A_258 = arith.constant 0 : i32
          %dma_wait3A_259 = tpu.memref_slice %arg4[%dma_wait3A_257, %dma_wait3A_258] : memref<5120x64xi32, #tpu.memory_space<hbm>> -> memref<16x64xi32, #tpu.memory_space<hbm>>
          %dma_wait3A_260 = arith.constant 0 : i32
          %dma_wait3A_261 = arith.constant 0 : i32
          %dma_wait3A_262 = tpu.memref_slice %arg9[%dma_wait3A_252, %dma_wait3A_260, %dma_wait3A_261] : memref<2x16x64xi32, #tpu.memory_space<vmem>> -> memref<1x16x64xi32, #tpu.memory_space<vmem>>
          %dma_wait3A_263 = tpu.memref_squeeze %dma_wait3A_262 : memref<1x16x64xi32, #tpu.memory_space<vmem>> -> memref<16x64xi32, #tpu.memory_space<vmem>>
          %dma_wait3A_264 = arith.constant 0 : i32
          %dma_wait3A_265 = arith.constant 0 : i32
          %dma_wait3A_266 = tpu.memref_slice %arg4[%dma_wait3A_264, %dma_wait3A_265] : memref<5120x64xi32, #tpu.memory_space<hbm>> -> memref<16x64xi32, #tpu.memory_space<hbm>>
          tpu.wait_dma2 semaphore(%arg15 : memref<!tpu.dma_semaphore, #tpu.memory_space<semaphore_mem>>) src(%dma_wait3A_266 : memref<16x64xi32, #tpu.memory_space<hbm>>) dst(%dma_wait3A_263 : memref<16x64xi32, #tpu.memory_space<vmem>>)
          %dma_wait3A_267 = arith.constant 0 : i32
          %dma_wait3A_268 = arith.constant 0 : i32
          %dma_wait3A_269 = arith.constant 0 : i32
          %dma_wait3A_270 = tpu.memref_slice %arg10[%dma_wait3A_267, %dma_wait3A_268, %dma_wait3A_269] : memref<2x16x64xi32, #tpu.memory_space<vmem>> -> memref<1x16x64xi32, #tpu.memory_space<vmem>>
          %dma_wait3A_271 = tpu.memref_squeeze %dma_wait3A_270 : memref<1x16x64xi32, #tpu.memory_space<vmem>> -> memref<16x64xi32, #tpu.memory_space<vmem>>
          %dma_wait3A_272 = arith.constant 0 : i32
          %dma_wait3A_273 = arith.constant 0 : i32
          %dma_wait3A_274 = tpu.memref_slice %arg5[%dma_wait3A_272, %dma_wait3A_273] : memref<5120x64xi32, #tpu.memory_space<hbm>> -> memref<16x64xi32, #tpu.memory_space<hbm>>
          %dma_wait3A_275 = arith.constant 0 : i32
          %dma_wait3A_276 = arith.constant 0 : i32
          %dma_wait3A_277 = tpu.memref_slice %arg10[%dma_wait3A_267, %dma_wait3A_275, %dma_wait3A_276] : memref<2x16x64xi32, #tpu.memory_space<vmem>> -> memref<1x16x64xi32, #tpu.memory_space<vmem>>
          %dma_wait3A_278 = tpu.memref_squeeze %dma_wait3A_277 : memref<1x16x64xi32, #tpu.memory_space<vmem>> -> memref<16x64xi32, #tpu.memory_space<vmem>>
          %dma_wait3A_279 = arith.constant 0 : i32
          %dma_wait3A_280 = arith.constant 0 : i32
          %dma_wait3A_281 = tpu.memref_slice %arg5[%dma_wait3A_279, %dma_wait3A_280] : memref<5120x64xi32, #tpu.memory_space<hbm>> -> memref<16x64xi32, #tpu.memory_space<hbm>>
          tpu.wait_dma2 semaphore(%arg15 : memref<!tpu.dma_semaphore, #tpu.memory_space<semaphore_mem>>) src(%dma_wait3A_281 : memref<16x64xi32, #tpu.memory_space<hbm>>) dst(%dma_wait3A_278 : memref<16x64xi32, #tpu.memory_space<vmem>>)
        } else {
        }
        %add3A_243 = arith.constant 5 : i32
        %add3A_244 = arith.addi %scan3A_169, %add3A_243 : i32
        %sub3A_245 = arith.constant 1 : i32
        %sub3A_246 = arith.subi %add3A_244, %sub3A_245 : i32
        %lt3A_247 = arith.constant 320 : i32
        %lt3A_248 = arith.cmpi slt, %sub3A_246, %lt3A_247 : i32
        %convert_element_type3A_249 = arith.extui %lt3A_248 : i1 to i32
        %cond3A_250 = arith.constant 0 : i32
        %cond3A_251 = arith.cmpi ne, %convert_element_type3A_249, %cond3A_250 : i32
        scf.if %cond3A_251 {
          %add3A_252 = arith.constant 5 : i32
          %add3A_253 = arith.addi %scan3A_169, %add3A_252 : i32
          %sub3A_254 = arith.constant 1 : i32
          %sub3A_255 = arith.subi %add3A_253, %sub3A_254 : i32
          %jit3A_256 = arith.constant 16 : i32
          %div3A_257 = arith.divsi %sub3A_255, %jit3A_256 : i32
          %sign3A_258 = arith.constant 0 : i32
          %sign3A_259 = arith.cmpi sgt, %sub3A_255, %sign3A_258 : i32
          %sign3A_260 = arith.extui %sign3A_259 : i1 to i32
          %sign3A_261 = arith.constant 0 : i32
          %sign3A_262 = arith.cmpi slt, %sub3A_255, %sign3A_261 : i32
          %sign3A_263 = arith.extui %sign3A_262 : i1 to i32
          %sign3A_264 = arith.subi %sign3A_260, %sign3A_263 : i32
          %sign3A_265 = arith.constant 0 : i32
          %sign3A_266 = arith.cmpi sgt, %jit3A_256, %sign3A_265 : i32
          %sign3A_267 = arith.extui %sign3A_266 : i1 to i32
          %sign3A_268 = arith.constant 0 : i32
          %sign3A_269 = arith.cmpi slt, %jit3A_256, %sign3A_268 : i32
          %sign3A_270 = arith.extui %sign3A_269 : i1 to i32
          %sign3A_271 = arith.subi %sign3A_267, %sign3A_270 : i32
          %ne3A_272 = arith.cmpi ne, %sign3A_264, %sign3A_271 : i32
          %rem3A_273 = arith.remsi %sub3A_255, %jit3A_256 : i32
          %ne3A_274 = arith.constant 0 : i32
          %ne3A_275 = arith.cmpi ne, %rem3A_273, %ne3A_274 : i32
          %and3A_276 = arith.andi %ne3A_272, %ne3A_275 : i1
          %sub3A_277 = arith.constant 1 : i32
          %sub3A_278 = arith.subi %div3A_257, %sub3A_277 : i32
          %select_n3A_279 = arith.select %and3A_276, %sub3A_278, %div3A_257 : i32
          %rem3A_280 = arith.constant 2 : i32
          %rem3A_281 = arith.remsi %select_n3A_279, %rem3A_280 : i32
          %rem3A_282 = arith.constant 16 : i32
          %rem3A_283 = arith.remsi %sub3A_255, %rem3A_282 : i32
          %rem3A_284 = arith.constant 5 : i32
          %rem3A_285 = arith.remsi %sub3A_255, %rem3A_284 : i32
          %dma_start3A_286 = arith.constant 0 : i32
          %dma_start3A_287 = arith.constant 0 : i32
          %dma_start3A_288 = tpu.memref_slice %arg11[%rem3A_285, %dma_start3A_286, %dma_start3A_287] : memref<5x64x128xf32, #tpu.memory_space<vmem>> -> memref<1x64x128xf32, #tpu.memory_space<vmem>>
          %dma_start3A_289 = tpu.memref_squeeze %dma_start3A_288 : memref<1x64x128xf32, #tpu.memory_space<vmem>> -> memref<64x128xf32, #tpu.memory_space<vmem>>
          %dma_start3A_290 = arith.constant 0 : i32
          %dma_start3A_291 = tpu.memref_slice %arg9[%rem3A_281, %rem3A_283, %dma_start3A_290] : memref<2x16x64xi32, #tpu.memory_space<vmem>> -> memref<1x1x64xi32, #tpu.memory_space<vmem>>
          %dma_start3A_292 = tpu.memref_squeeze %dma_start3A_291 : memref<1x1x64xi32, #tpu.memory_space<vmem>> -> memref<64xi32, #tpu.memory_space<vmem>>
          %dma_start3A_293 = arith.constant 0 : i32
          %dma_start3A_294 = arith.constant 0 : i32
          %dma_start3A_295 = tpu.memref_slice %arg3[%dma_start3A_293, %dma_start3A_294] : memref<10000x128xf32, #tpu.memory_space<hbm>> -> memref<10000x128xf32, #tpu.memory_space<hbm>>
          tpu.enqueue_indirect_dma source(%dma_start3A_295 : memref<10000x128xf32, #tpu.memory_space<hbm>>) target(%dma_start3A_289 : memref<64x128xf32, #tpu.memory_space<vmem>>) offsets(%dma_start3A_292 : memref<64xi32, #tpu.memory_space<vmem>>) semaphore(%arg13 : memref<!tpu.dma_semaphore, #tpu.memory_space<semaphore_mem>>)
        } else {
        }
      }
      %scan3A_155 = arith.constant 320 : i32
      %dma_wait3A_156 = arith.constant 0 : i32
      %dma_wait3A_157 = arith.constant 0 : i32
      %dma_wait3A_158 = arith.constant 0 : i32
      %dma_wait3A_159 = arith.constant 0 : i32
      %dma_wait3A_160 = arith.constant 0 : i32
      %dma_wait3A_161 = tpu.memref_slice %arg11[%dma_wait3A_156, %dma_wait3A_159, %dma_wait3A_160] : memref<5x64x128xf32, #tpu.memory_space<vmem>> -> memref<1x64x128xf32, #tpu.memory_space<vmem>>
      %dma_wait3A_162 = tpu.memref_squeeze %dma_wait3A_161 : memref<1x64x128xf32, #tpu.memory_space<vmem>> -> memref<64x128xf32, #tpu.memory_space<vmem>>
      %dma_wait3A_163 = arith.constant 0 : i32
      %dma_wait3A_164 = tpu.memref_slice %arg10[%dma_wait3A_157, %dma_wait3A_158, %dma_wait3A_163] : memref<2x16x64xi32, #tpu.memory_space<vmem>> -> memref<1x1x64xi32, #tpu.memory_space<vmem>>
      %dma_wait3A_165 = tpu.memref_squeeze %dma_wait3A_164 : memref<1x1x64xi32, #tpu.memory_space<vmem>> -> memref<64xi32, #tpu.memory_space<vmem>>
      %dma_wait3A_166 = arith.constant 0 : i32
      %dma_wait3A_167 = arith.constant 0 : i32
      %dma_wait3A_168 = tpu.memref_slice %arg12[%dma_wait3A_166, %dma_wait3A_167] : memref<10240x128xf32, #tpu.memory_space<vmem_shared>> -> memref<10240x128xf32, #tpu.memory_space<vmem_shared>>
      tpu.wait_indirect_dma semaphore(%arg14 : memref<!tpu.dma_semaphore, #tpu.memory_space<semaphore_mem>>) src(%dma_wait3A_162 : memref<64x128xf32, #tpu.memory_space<vmem>>) dst(%dma_wait3A_168 : memref<10240x128xf32, #tpu.memory_space<vmem_shared>>)
    } else {
    }
    %barrier3A_65 = arith.constant 0 : index
    tpu.barrier barrier_id(%barrier3A_65)
    %eq3A_66 = arith.constant 0 : i32
    %eq3A_67 = arith.cmpi eq, %arg0, %eq3A_66 : i32
    %convert_element_type3A_68 = arith.extui %eq3A_67 : i1 to i32
    %cond3A_69 = arith.constant 0 : i32
    %cond3A_70 = arith.cmpi ne, %convert_element_type3A_68, %cond3A_69 : i32
    scf.if %cond3A_70 {
      "tpu.region"() ({
        %run_scoped3A = tpu.sem_alloc : memref<!tpu.dma_semaphore, #tpu.memory_space<semaphore_mem>>
        %dma_start3A_76 = arith.constant 0 : i32
        %dma_start3A_77 = tpu.memref_slice %arg7[%mul3A_0, %dma_start3A_76] : memref<10240x128xf32, #tpu.memory_space<hbm>> -> memref<640x128xf32, #tpu.memory_space<hbm>>
        %dma_start3A_78 = arith.constant 0 : i32
        %dma_start3A_79 = tpu.memref_slice %arg12[%mul3A_0, %dma_start3A_78] : memref<10240x128xf32, #tpu.memory_space<vmem_shared>> -> memref<640x128xf32, #tpu.memory_space<vmem_shared>>
        tpu.enqueue_dma source(%dma_start3A_79 : memref<640x128xf32, #tpu.memory_space<vmem_shared>>) target(%dma_start3A_77 : memref<640x128xf32, #tpu.memory_space<hbm>>) target_semaphore(%run_scoped3A : memref<!tpu.dma_semaphore, #tpu.memory_space<semaphore_mem>>)
        %dma_wait3A_80 = arith.constant 0 : i32
        %dma_wait3A_81 = tpu.memref_slice %arg7[%mul3A_0, %dma_wait3A_80] : memref<10240x128xf32, #tpu.memory_space<hbm>> -> memref<640x128xf32, #tpu.memory_space<hbm>>
        %dma_wait3A_82 = arith.constant 0 : i32
        %dma_wait3A_83 = tpu.memref_slice %arg12[%mul3A_0, %dma_wait3A_82] : memref<10240x128xf32, #tpu.memory_space<vmem_shared>> -> memref<640x128xf32, #tpu.memory_space<vmem_shared>>
        tpu.wait_dma2 semaphore(%run_scoped3A : memref<!tpu.dma_semaphore, #tpu.memory_space<semaphore_mem>>) src(%dma_wait3A_83 : memref<640x128xf32, #tpu.memory_space<vmem_shared>>) dst(%dma_wait3A_81 : memref<640x128xf32, #tpu.memory_space<hbm>>)
        tpu.yield
      }) : () -> ()
    } else {
    }
    %eq3A_71 = arith.constant 1 : i32
    %eq3A_72 = arith.cmpi eq, %arg0, %eq3A_71 : i32
    %convert_element_type3A_73 = arith.extui %eq3A_72 : i1 to i32
    %cond3A_74 = arith.constant 0 : i32
    %cond3A_75 = arith.cmpi ne, %convert_element_type3A_73, %cond3A_74 : i32
    scf.if %cond3A_75 {
      "tpu.region"() ({
        %run_scoped3A = tpu.sem_alloc : memref<!tpu.dma_semaphore, #tpu.memory_space<semaphore_mem>>
        %dma_start3A_76 = arith.constant 0 : i32
        %dma_start3A_77 = tpu.memref_slice %arg8[%mul3A_0, %dma_start3A_76] : memref<10240x128xf32, #tpu.memory_space<hbm>> -> memref<640x128xf32, #tpu.memory_space<hbm>>
        %dma_start3A_78 = arith.constant 0 : i32
        %dma_start3A_79 = tpu.memref_slice %arg12[%mul3A_0, %dma_start3A_78] : memref<10240x128xf32, #tpu.memory_space<vmem_shared>> -> memref<640x128xf32, #tpu.memory_space<vmem_shared>>
        tpu.enqueue_dma source(%dma_start3A_79 : memref<640x128xf32, #tpu.memory_space<vmem_shared>>) target(%dma_start3A_77 : memref<640x128xf32, #tpu.memory_space<hbm>>) target_semaphore(%run_scoped3A : memref<!tpu.dma_semaphore, #tpu.memory_space<semaphore_mem>>)
        %dma_wait3A_80 = arith.constant 0 : i32
        %dma_wait3A_81 = tpu.memref_slice %arg8[%mul3A_0, %dma_wait3A_80] : memref<10240x128xf32, #tpu.memory_space<hbm>> -> memref<640x128xf32, #tpu.memory_space<hbm>>
        %dma_wait3A_82 = arith.constant 0 : i32
        %dma_wait3A_83 = tpu.memref_slice %arg12[%mul3A_0, %dma_wait3A_82] : memref<10240x128xf32, #tpu.memory_space<vmem_shared>> -> memref<640x128xf32, #tpu.memory_space<vmem_shared>>
        tpu.wait_dma2 semaphore(%run_scoped3A : memref<!tpu.dma_semaphore, #tpu.memory_space<semaphore_mem>>) src(%dma_wait3A_83 : memref<640x128xf32, #tpu.memory_space<vmem_shared>>) dst(%dma_wait3A_81 : memref<640x128xf32, #tpu.memory_space<hbm>>)
        tpu.yield
      }) : () -> ()
    } else {
    }
    return
  }
}

#map = affine_map<(d0, d1) -> (0, 0)>
module attributes {stable_mosaic.version = 14 : i64} {
  func.func @k(%arg0: i32, %arg1: i32, %arg2: memref<10000x128xf32, #tpu.memory_space<hbm>>, %arg3: memref<10000x128xf32, #tpu.memory_space<hbm>>, %arg4: memref<5120x64xi32, #tpu.memory_space<hbm>>, %arg5: memref<5120x64xi32, #tpu.memory_space<hbm>>, %arg6: memref<10240x128xf32, #tpu.memory_space<hbm>>, %arg7: memref<10240x128xf32, #tpu.memory_space<hbm>>, %arg8: memref<10240x128xf32, #tpu.memory_space<hbm>>, %arg9: memref<2x16x64xi32, #tpu.memory_space<vmem>>, %arg10: memref<2x16x64xi32, #tpu.memory_space<vmem>>, %arg11: memref<5x64x128xf32, #tpu.memory_space<vmem>>, %arg12: memref<10240x128xf32, #tpu.memory_space<vmem_shared>>, %arg13: memref<!tpu.dma_semaphore, #tpu.memory_space<semaphore_mem>>, %arg14: memref<!tpu.dma_semaphore, #tpu.memory_space<semaphore_mem>>, %arg15: memref<!tpu.dma_semaphore, #tpu.memory_space<semaphore_mem>>) attributes {dimension_semantics = [#tpu.dimension_semantics<core_parallel>, #tpu.dimension_semantics<subcore_parallel>], iteration_bounds = array<i64: 2, 16>, scalar_prefetch = 0 : i64, scratch_operands = 7 : i64, tpu.core_type = #tpu.core_type<sc_vector_subcore>, window_params = [{transform_indices = #map}, {transform_indices = #map}, {transform_indices = #map}, {transform_indices = #map}, {transform_indices = #map}, {transform_indices = #map}, {transform_indices = #map}]} {
    %mul3A = arith.constant 640 : i32
    %mul3A_0 = arith.muli %arg1, %mul3A : i32
    %mul3A_1 = arith.constant 320 : i32
    %mul3A_2 = arith.muli %arg1, %mul3A_1 : i32
    %add3A = arith.constant 0 : i32
    %add3A_3 = arith.addi %mul3A_2, %add3A : i32
    %multiple_of3A = tpu.assume_multiple %add3A_3, 8 : i32
    %dma_start3A = arith.constant 0 : i32
    %dma_start3A_4 = arith.constant 0 : i32
    %dma_start3A_5 = arith.constant 0 : i32
    %dma_start3A_6 = tpu.memref_slice %arg9[%dma_start3A, %dma_start3A_4, %dma_start3A_5] : memref<2x16x64xi32, #tpu.memory_space<vmem>> -> memref<1x16x64xi32, #tpu.memory_space<vmem>>
    %dma_start3A_7 = tpu.memref_squeeze %dma_start3A_6 : memref<1x16x64xi32, #tpu.memory_space<vmem>> -> memref<16x64xi32, #tpu.memory_space<vmem>>
    %dma_start3A_8 = arith.constant 0 : i32
    %dma_start3A_9 = tpu.memref_slice %arg4[%multiple_of3A, %dma_start3A_8] : memref<5120x64xi32, #tpu.memory_space<hbm>> -> memref<16x64xi32, #tpu.memory_space<hbm>>
    %dma_start3A_10 = arith.constant 0 : i32
    %dma_start3A_11 = arith.constant 0 : i32
    %dma_start3A_12 = tpu.memref_slice %arg9[%dma_start3A, %dma_start3A_10, %dma_start3A_11] : memref<2x16x64xi32, #tpu.memory_space<vmem>> -> memref<1x16x64xi32, #tpu.memory_space<vmem>>
    %dma_start3A_13 = tpu.memref_squeeze %dma_start3A_12 : memref<1x16x64xi32, #tpu.memory_space<vmem>> -> memref<16x64xi32, #tpu.memory_space<vmem>>
    %dma_start3A_14 = arith.constant 0 : i32
    %dma_start3A_15 = tpu.memref_slice %arg4[%multiple_of3A, %dma_start3A_14] : memref<5120x64xi32, #tpu.memory_space<hbm>> -> memref<16x64xi32, #tpu.memory_space<hbm>>
    tpu.enqueue_dma source(%dma_start3A_15 : memref<16x64xi32, #tpu.memory_space<hbm>>) target(%dma_start3A_13 : memref<16x64xi32, #tpu.memory_space<vmem>>) target_semaphore(%arg15 : memref<!tpu.dma_semaphore, #tpu.memory_space<semaphore_mem>>)
    %dma_start3A_16 = arith.constant 0 : i32
    %dma_start3A_17 = arith.constant 0 : i32
    %dma_start3A_18 = arith.constant 0 : i32
    %dma_start3A_19 = tpu.memref_slice %arg10[%dma_start3A_16, %dma_start3A_17, %dma_start3A_18] : memref<2x16x64xi32, #tpu.memory_space<vmem>> -> memref<1x16x64xi32, #tpu.memory_space<vmem>>
    %dma_start3A_20 = tpu.memref_squeeze %dma_start3A_19 : memref<1x16x64xi32, #tpu.memory_space<vmem>> -> memref<16x64xi32, #tpu.memory_space<vmem>>
    %dma_start3A_21 = arith.constant 0 : i32
    %dma_start3A_22 = tpu.memref_slice %arg5[%multiple_of3A, %dma_start3A_21] : memref<5120x64xi32, #tpu.memory_space<hbm>> -> memref<16x64xi32, #tpu.memory_space<hbm>>
    %dma_start3A_23 = arith.constant 0 : i32
    %dma_start3A_24 = arith.constant 0 : i32
    %dma_start3A_25 = tpu.memref_slice %arg10[%dma_start3A_16, %dma_start3A_23, %dma_start3A_24] : memref<2x16x64xi32, #tpu.memory_space<vmem>> -> memref<1x16x64xi32, #tpu.memory_space<vmem>>
    %dma_start3A_26 = tpu.memref_squeeze %dma_start3A_25 : memref<1x16x64xi32, #tpu.memory_space<vmem>> -> memref<16x64xi32, #tpu.memory_space<vmem>>
    %dma_start3A_27 = arith.constant 0 : i32
    %dma_start3A_28 = tpu.memref_slice %arg5[%multiple_of3A, %dma_start3A_27] : memref<5120x64xi32, #tpu.memory_space<hbm>> -> memref<16x64xi32, #tpu.memory_space<hbm>>
    tpu.enqueue_dma source(%dma_start3A_28 : memref<16x64xi32, #tpu.memory_space<hbm>>) target(%dma_start3A_26 : memref<16x64xi32, #tpu.memory_space<vmem>>) target_semaphore(%arg15 : memref<!tpu.dma_semaphore, #tpu.memory_space<semaphore_mem>>)
    "tpu.region"() ({
      %run_scoped3A = tpu.sem_alloc : memref<!tpu.dma_semaphore, #tpu.memory_space<semaphore_mem>>
      %dma_start3A_76 = arith.constant 0 : i32
      %dma_start3A_77 = tpu.memref_slice %arg12[%mul3A_0, %dma_start3A_76] : memref<10240x128xf32, #tpu.memory_space<vmem_shared>> -> memref<640x128xf32, #tpu.memory_space<vmem_shared>>
      %dma_start3A_78 = arith.constant 0 : i32
      %dma_start3A_79 = tpu.memref_slice %arg6[%mul3A_0, %dma_start3A_78] : memref<10240x128xf32, #tpu.memory_space<hbm>> -> memref<640x128xf32, #tpu.memory_space<hbm>>
      tpu.enqueue_dma source(%dma_start3A_79 : memref<640x128xf32, #tpu.memory_space<hbm>>) target(%dma_start3A_77 : memref<640x128xf32, #tpu.memory_space<vmem_shared>>) target_semaphore(%run_scoped3A : memref<!tpu.dma_semaphore, #tpu.memory_space<semaphore_mem>>)
      %dma_wait3A_80 = arith.constant 0 : i32
      %dma_wait3A_81 = tpu.memref_slice %arg12[%mul3A_0, %dma_wait3A_80] : memref<10240x128xf32, #tpu.memory_space<vmem_shared>> -> memref<640x128xf32, #tpu.memory_space<vmem_shared>>
      %dma_wait3A_82 = arith.constant 0 : i32
      %dma_wait3A_83 = tpu.memref_slice %arg6[%mul3A_0, %dma_wait3A_82] : memref<10240x128xf32, #tpu.memory_space<hbm>> -> memref<640x128xf32, #tpu.memory_space<hbm>>
      tpu.wait_dma2 semaphore(%run_scoped3A : memref<!tpu.dma_semaphore, #tpu.memory_space<semaphore_mem>>) src(%dma_wait3A_83 : memref<640x128xf32, #tpu.memory_space<hbm>>) dst(%dma_wait3A_81 : memref<640x128xf32, #tpu.memory_space<vmem_shared>>)
      tpu.yield
    }) : () -> ()
    %dma_wait3A = arith.constant 0 : i32
    %dma_wait3A_29 = arith.constant 0 : i32
    %dma_wait3A_30 = arith.constant 0 : i32
    %dma_wait3A_31 = tpu.memref_slice %arg9[%dma_wait3A, %dma_wait3A_29, %dma_wait3A_30] : memref<2x16x64xi32, #tpu.memory_space<vmem>> -> memref<1x16x64xi32, #tpu.memory_space<vmem>>
    %dma_wait3A_32 = tpu.memref_squeeze %dma_wait3A_31 : memref<1x16x64xi32, #tpu.memory_space<vmem>> -> memref<16x64xi32, #tpu.memory_space<vmem>>
    %dma_wait3A_33 = arith.constant 0 : i32
    %dma_wait3A_34 = arith.constant 0 : i32
    %dma_wait3A_35 = tpu.memref_slice %arg4[%dma_wait3A_33, %dma_wait3A_34] : memref<5120x64xi32, #tpu.memory_space<hbm>> -> memref<16x64xi32, #tpu.memory_space<hbm>>
    %dma_wait3A_36 = arith.constant 0 : i32
    %dma_wait3A_37 = arith.constant 0 : i32
    %dma_wait3A_38 = tpu.memref_slice %arg9[%dma_wait3A, %dma_wait3A_36, %dma_wait3A_37] : memref<2x16x64xi32, #tpu.memory_space<vmem>> -> memref<1x16x64xi32, #tpu.memory_space<vmem>>
    %dma_wait3A_39 = tpu.memref_squeeze %dma_wait3A_38 : memref<1x16x64xi32, #tpu.memory_space<vmem>> -> memref<16x64xi32, #tpu.memory_space<vmem>>
    %dma_wait3A_40 = arith.constant 0 : i32
    %dma_wait3A_41 = arith.constant 0 : i32
    %dma_wait3A_42 = tpu.memref_slice %arg4[%dma_wait3A_40, %dma_wait3A_41] : memref<5120x64xi32, #tpu.memory_space<hbm>> -> memref<16x64xi32, #tpu.memory_space<hbm>>
    tpu.wait_dma2 semaphore(%arg15 : memref<!tpu.dma_semaphore, #tpu.memory_space<semaphore_mem>>) src(%dma_wait3A_42 : memref<16x64xi32, #tpu.memory_space<hbm>>) dst(%dma_wait3A_39 : memref<16x64xi32, #tpu.memory_space<vmem>>)
    %dma_wait3A_43 = arith.constant 0 : i32
    %dma_wait3A_44 = arith.constant 0 : i32
    %dma_wait3A_45 = arith.constant 0 : i32
    %dma_wait3A_46 = tpu.memref_slice %arg10[%dma_wait3A_43, %dma_wait3A_44, %dma_wait3A_45] : memref<2x16x64xi32, #tpu.memory_space<vmem>> -> memref<1x16x64xi32, #tpu.memory_space<vmem>>
    %dma_wait3A_47 = tpu.memref_squeeze %dma_wait3A_46 : memref<1x16x64xi32, #tpu.memory_space<vmem>> -> memref<16x64xi32, #tpu.memory_space<vmem>>
    %dma_wait3A_48 = arith.constant 0 : i32
    %dma_wait3A_49 = arith.constant 0 : i32
    %dma_wait3A_50 = tpu.memref_slice %arg5[%dma_wait3A_48, %dma_wait3A_49] : memref<5120x64xi32, #tpu.memory_space<hbm>> -> memref<16x64xi32, #tpu.memory_space<hbm>>
    %dma_wait3A_51 = arith.constant 0 : i32
    %dma_wait3A_52 = arith.constant 0 : i32
    %dma_wait3A_53 = tpu.memref_slice %arg10[%dma_wait3A_43, %dma_wait3A_51, %dma_wait3A_52] : memref<2x16x64xi32, #tpu.memory_space<vmem>> -> memref<1x16x64xi32, #tpu.memory_space<vmem>>
    %dma_wait3A_54 = tpu.memref_squeeze %dma_wait3A_53 : memref<1x16x64xi32, #tpu.memory_space<vmem>> -> memref<16x64xi32, #tpu.memory_space<vmem>>
    %dma_wait3A_55 = arith.constant 0 : i32
    %dma_wait3A_56 = arith.constant 0 : i32
    %dma_wait3A_57 = tpu.memref_slice %arg5[%dma_wait3A_55, %dma_wait3A_56] : memref<5120x64xi32, #tpu.memory_space<hbm>> -> memref<16x64xi32, #tpu.memory_space<hbm>>
    tpu.wait_dma2 semaphore(%arg15 : memref<!tpu.dma_semaphore, #tpu.memory_space<semaphore_mem>>) src(%dma_wait3A_57 : memref<16x64xi32, #tpu.memory_space<hbm>>) dst(%dma_wait3A_54 : memref<16x64xi32, #tpu.memory_space<vmem>>)
    %barrier3A = arith.constant 0 : index
    tpu.barrier barrier_id(%barrier3A)
    %eq3A = arith.constant 0 : i32
    %eq3A_58 = arith.cmpi eq, %arg0, %eq3A : i32
    %convert_element_type3A = arith.extui %eq3A_58 : i1 to i32
    %cond3A = arith.constant 0 : i32
    %cond3A_59 = arith.cmpi ne, %convert_element_type3A, %cond3A : i32
    scf.if %cond3A_59 {
      %rem3A = arith.constant 0 : i32
      %rem3A_76 = arith.constant 2 : i32
      %rem3A_77 = arith.remsi %rem3A, %rem3A_76 : i32
      %rem3A_78 = arith.constant 0 : i32
      %rem3A_79 = arith.constant 16 : i32
      %rem3A_80 = arith.remsi %rem3A_78, %rem3A_79 : i32
      %rem3A_81 = arith.constant 0 : i32
      %rem3A_82 = arith.constant 5 : i32
      %rem3A_83 = arith.remsi %rem3A_81, %rem3A_82 : i32
      %dma_start3A_84 = arith.constant 0 : i32
      %dma_start3A_85 = arith.constant 0 : i32
      %dma_start3A_86 = tpu.memref_slice %arg11[%rem3A_83, %dma_start3A_84, %dma_start3A_85] : memref<5x64x128xf32, #tpu.memory_space<vmem>> -> memref<1x64x128xf32, #tpu.memory_space<vmem>>
      %dma_start3A_87 = tpu.memref_squeeze %dma_start3A_86 : memref<1x64x128xf32, #tpu.memory_space<vmem>> -> memref<64x128xf32, #tpu.memory_space<vmem>>
      %dma_start3A_88 = arith.constant 0 : i32
      %dma_start3A_89 = tpu.memref_slice %arg9[%rem3A_77, %rem3A_80, %dma_start3A_88] : memref<2x16x64xi32, #tpu.memory_space<vmem>> -> memref<1x1x64xi32, #tpu.memory_space<vmem>>
      %dma_start3A_90 = tpu.memref_squeeze %dma_start3A_89 : memref<1x1x64xi32, #tpu.memory_space<vmem>> -> memref<64xi32, #tpu.memory_space<vmem>>
      %dma_start3A_91 = arith.constant 0 : i32
      %dma_start3A_92 = arith.constant 0 : i32
      %dma_start3A_93 = tpu.memref_slice %arg2[%dma_start3A_91, %dma_start3A_92] : memref<10000x128xf32, #tpu.memory_space<hbm>> -> memref<10000x128xf32, #tpu.memory_space<hbm>>
      tpu.enqueue_indirect_dma source(%dma_start3A_93 : memref<10000x128xf32, #tpu.memory_space<hbm>>) target(%dma_start3A_87 : memref<64x128xf32, #tpu.memory_space<vmem>>) offsets(%dma_start3A_90 : memref<64xi32, #tpu.memory_space<vmem>>) semaphore(%arg13 : memref<!tpu.dma_semaphore, #tpu.memory_space<semaphore_mem>>)
      %rem3A_94 = arith.constant 0 : i32
      %rem3A_95 = arith.constant 2 : i32
      %rem3A_96 = arith.remsi %rem3A_94, %rem3A_95 : i32
      %rem3A_97 = arith.constant 1 : i32
      %rem3A_98 = arith.constant 16 : i32
      %rem3A_99 = arith.remsi %rem3A_97, %rem3A_98 : i32
      %rem3A_100 = arith.constant 1 : i32
      %rem3A_101 = arith.constant 5 : i32
      %rem3A_102 = arith.remsi %rem3A_100, %rem3A_101 : i32
      %dma_start3A_103 = arith.constant 0 : i32
      %dma_start3A_104 = arith.constant 0 : i32
      %dma_start3A_105 = tpu.memref_slice %arg11[%rem3A_102, %dma_start3A_103, %dma_start3A_104] : memref<5x64x128xf32, #tpu.memory_space<vmem>> -> memref<1x64x128xf32, #tpu.memory_space<vmem>>
      %dma_start3A_106 = tpu.memref_squeeze %dma_start3A_105 : memref<1x64x128xf32, #tpu.memory_space<vmem>> -> memref<64x128xf32, #tpu.memory_space<vmem>>
      %dma_start3A_107 = arith.constant 0 : i32
      %dma_start3A_108 = tpu.memref_slice %arg9[%rem3A_96, %rem3A_99, %dma_start3A_107] : memref<2x16x64xi32, #tpu.memory_space<vmem>> -> memref<1x1x64xi32, #tpu.memory_space<vmem>>
      %dma_start3A_109 = tpu.memref_squeeze %dma_start3A_108 : memref<1x1x64xi32, #tpu.memory_space<vmem>> -> memref<64xi32, #tpu.memory_space<vmem>>
      %dma_start3A_110 = arith.constant 0 : i32
      %dma_start3A_111 = arith.constant 0 : i32
      %dma_start3A_112 = tpu.memref_slice %arg2[%dma_start3A_110, %dma_start3A_111] : memref<10000x128xf32, #tpu.memory_space<hbm>> -> memref<10000x128xf32, #tpu.memory_space<hbm>>
      tpu.enqueue_indirect_dma source(%dma_start3A_112 : memref<10000x128xf32, #tpu.memory_space<hbm>>) target(%dma_start3A_106 : memref<64x128xf32, #tpu.memory_space<vmem>>) offsets(%dma_start3A_109 : memref<64xi32, #tpu.memory_space<vmem>>) semaphore(%arg13 : memref<!tpu.dma_semaphore, #tpu.memory_space<semaphore_mem>>)
      %rem3A_113 = arith.constant 0 : i32
      %rem3A_114 = arith.constant 2 : i32
      %rem3A_115 = arith.remsi %rem3A_113, %rem3A_114 : i32
      %rem3A_116 = arith.constant 2 : i32
      %rem3A_117 = arith.constant 16 : i32
      %rem3A_118 = arith.remsi %rem3A_116, %rem3A_117 : i32
      %rem3A_119 = arith.constant 2 : i32
      %rem3A_120 = arith.constant 5 : i32
      %rem3A_121 = arith.remsi %rem3A_119, %rem3A_120 : i32
      %dma_start3A_122 = arith.constant 0 : i32
      %dma_start3A_123 = arith.constant 0 : i32
      %dma_start3A_124 = tpu.memref_slice %arg11[%rem3A_121, %dma_start3A_122, %dma_start3A_123] : memref<5x64x128xf32, #tpu.memory_space<vmem>> -> memref<1x64x128xf32, #tpu.memory_space<vmem>>
      %dma_start3A_125 = tpu.memref_squeeze %dma_start3A_124 : memref<1x64x128xf32, #tpu.memory_space<vmem>> -> memref<64x128xf32, #tpu.memory_space<vmem>>
      %dma_start3A_126 = arith.constant 0 : i32
      %dma_start3A_127 = tpu.memref_slice %arg9[%rem3A_115, %rem3A_118, %dma_start3A_126] : memref<2x16x64xi32, #tpu.memory_space<vmem>> -> memref<1x1x64xi32, #tpu.memory_space<vmem>>
      %dma_start3A_128 = tpu.memref_squeeze %dma_start3A_127 : memref<1x1x64xi32, #tpu.memory_space<vmem>> -> memref<64xi32, #tpu.memory_space<vmem>>
      %dma_start3A_129 = arith.constant 0 : i32
      %dma_start3A_130 = arith.constant 0 : i32
      %dma_start3A_131 = tpu.memref_slice %arg2[%dma_start3A_129, %dma_start3A_130] : memref<10000x128xf32, #tpu.memory_space<hbm>> -> memref<10000x128xf32, #tpu.memory_space<hbm>>
      tpu.enqueue_indirect_dma source(%dma_start3A_131 : memref<10000x128xf32, #tpu.memory_space<hbm>>) target(%dma_start3A_125 : memref<64x128xf32, #tpu.memory_space<vmem>>) offsets(%dma_start3A_128 : memref<64xi32, #tpu.memory_space<vmem>>) semaphore(%arg13 : memref<!tpu.dma_semaphore, #tpu.memory_space<semaphore_mem>>)
      %rem3A_132 = arith.constant 0 : i32
      %rem3A_133 = arith.constant 2 : i32
      %rem3A_134 = arith.remsi %rem3A_132, %rem3A_133 : i32
      %rem3A_135 = arith.constant 3 : i32
      %rem3A_136 = arith.constant 16 : i32
      %rem3A_137 = arith.remsi %rem3A_135, %rem3A_136 : i32
      %rem3A_138 = arith.constant 3 : i32
      %rem3A_139 = arith.constant 5 : i32
      %rem3A_140 = arith.remsi %rem3A_138, %rem3A_139 : i32
      %dma_start3A_141 = arith.constant 0 : i32
      %dma_start3A_142 = arith.constant 0 : i32
      %dma_start3A_143 = tpu.memref_slice %arg11[%rem3A_140, %dma_start3A_141, %dma_start3A_142] : memref<5x64x128xf32, #tpu.memory_space<vmem>> -> memref<1x64x128xf32, #tpu.memory_space<vmem>>
      %dma_start3A_144 = tpu.memref_squeeze %dma_start3A_143 : memref<1x64x128xf32, #tpu.memory_space<vmem>> -> memref<64x128xf32, #tpu.memory_space<vmem>>
      %dma_start3A_145 = arith.constant 0 : i32
      %dma_start3A_146 = tpu.memref_slice %arg9[%rem3A_134, %rem3A_137, %dma_start3A_145] : memref<2x16x64xi32, #tpu.memory_space<vmem>> -> memref<1x1x64xi32, #tpu.memory_space<vmem>>
      %dma_start3A_147 = tpu.memref_squeeze %dma_start3A_146 : memref<1x1x64xi32, #tpu.memory_space<vmem>> -> memref<64xi32, #tpu.memory_space<vmem>>
      %dma_start3A_148 = arith.constant 0 : i32
      %dma_start3A_149 = arith.constant 0 : i32
      %dma_start3A_150 = tpu.memref_slice %arg2[%dma_start3A_148, %dma_start3A_149] : memref<10000x128xf32, #tpu.memory_space<hbm>> -> memref<10000x128xf32, #tpu.memory_space<hbm>>
      tpu.enqueue_indirect_dma source(%dma_start3A_150 : memref<10000x128xf32, #tpu.memory_space<hbm>>) target(%dma_start3A_144 : memref<64x128xf32, #tpu.memory_space<vmem>>) offsets(%dma_start3A_147 : memref<64xi32, #tpu.memory_space<vmem>>) semaphore(%arg13 : memref<!tpu.dma_semaphore, #tpu.memory_space<semaphore_mem>>)
      %scan3A = arith.constant 0 : i32
      %scan3A_151 = arith.constant 0 : i32
      %scan3A_152 = arith.constant 320 : i32
      %scan3A_153 = arith.addi %scan3A_151, %scan3A_152 : i32
      %scan3A_154 = arith.constant 1 : i32
      scf.for %scan3A_169 = %scan3A_151 to %scan3A_153 step %scan3A_154  : i32 {
        %rem3A_170 = arith.constant 16 : i32
        %rem3A_171 = arith.remsi %scan3A_169, %rem3A_170 : i32
        %dma_wait3A_172 = arith.constant 0 : i32
        %dma_wait3A_173 = arith.constant 0 : i32
        %dma_wait3A_174 = arith.constant 0 : i32
        %dma_wait3A_175 = arith.constant 0 : i32
        %dma_wait3A_176 = arith.constant 0 : i32
        %dma_wait3A_177 = tpu.memref_slice %arg11[%dma_wait3A_174, %dma_wait3A_175, %dma_wait3A_176] : memref<5x64x128xf32, #tpu.memory_space<vmem>> -> memref<1x64x128xf32, #tpu.memory_space<vmem>>
        %dma_wait3A_178 = tpu.memref_squeeze %dma_wait3A_177 : memref<1x64x128xf32, #tpu.memory_space<vmem>> -> memref<64x128xf32, #tpu.memory_space<vmem>>
        %dma_wait3A_179 = arith.constant 0 : i32
        %dma_wait3A_180 = tpu.memref_slice %arg9[%dma_wait3A_172, %dma_wait3A_173, %dma_wait3A_179] : memref<2x16x64xi32, #tpu.memory_space<vmem>> -> memref<1x1x64xi32, #tpu.memory_space<vmem>>
        %dma_wait3A_181 = tpu.memref_squeeze %dma_wait3A_180 : memref<1x1x64xi32, #tpu.memory_space<vmem>> -> memref<64xi32, #tpu.memory_space<vmem>>
        %dma_wait3A_182 = arith.constant 0 : i32
        %dma_wait3A_183 = arith.constant 0 : i32
        %dma_wait3A_184 = tpu.memref_slice %arg2[%dma_wait3A_182, %dma_wait3A_183] : memref<10000x128xf32, #tpu.memory_space<hbm>> -> memref<10000x128xf32, #tpu.memory_space<hbm>>
        tpu.wait_indirect_dma semaphore(%arg13 : memref<!tpu.dma_semaphore, #tpu.memory_space<semaphore_mem>>) src(%dma_wait3A_184 : memref<10000x128xf32, #tpu.memory_space<hbm>>) dst(%dma_wait3A_178 : memref<64x128xf32, #tpu.memory_space<vmem>>)
        %jit3A = arith.constant 16 : i32
        %div3A = arith.divsi %scan3A_169, %jit3A : i32
        %sign3A = arith.constant 0 : i32
        %sign3A_185 = arith.cmpi sgt, %scan3A_169, %sign3A : i32
        %sign3A_186 = arith.extui %sign3A_185 : i1 to i32
        %sign3A_187 = arith.constant 0 : i32
        %sign3A_188 = arith.cmpi slt, %scan3A_169, %sign3A_187 : i32
        %sign3A_189 = arith.extui %sign3A_188 : i1 to i32
        %sign3A_190 = arith.subi %sign3A_186, %sign3A_189 : i32
        %sign3A_191 = arith.constant 0 : i32
        %sign3A_192 = arith.cmpi sgt, %jit3A, %sign3A_191 : i32
        %sign3A_193 = arith.extui %sign3A_192 : i1 to i32
        %sign3A_194 = arith.constant 0 : i32
        %sign3A_195 = arith.cmpi slt, %jit3A, %sign3A_194 : i32
        %sign3A_196 = arith.extui %sign3A_195 : i1 to i32
        %sign3A_197 = arith.subi %sign3A_193, %sign3A_196 : i32
        %ne3A = arith.cmpi ne, %sign3A_190, %sign3A_197 : i32
        %rem3A_198 = arith.remsi %scan3A_169, %jit3A : i32
        %ne3A_199 = arith.constant 0 : i32
        %ne3A_200 = arith.cmpi ne, %rem3A_198, %ne3A_199 : i32
        %and3A = arith.andi %ne3A, %ne3A_200 : i1
        %sub3A = arith.constant 1 : i32
        %sub3A_201 = arith.subi %div3A, %sub3A : i32
        %select_n3A = arith.select %and3A, %sub3A_201, %div3A : i32
        %rem3A_202 = arith.constant 2 : i32
        %rem3A_203 = arith.remsi %select_n3A, %rem3A_202 : i32
        %rem3A_204 = arith.constant 5 : i32
        %rem3A_205 = arith.remsi %scan3A_169, %rem3A_204 : i32
        %rem3A_206 = arith.constant 16 : i32
        %rem3A_207 = arith.remsi %scan3A_169, %rem3A_206 : i32
        %dma_start3A_208 = arith.constant 0 : i32
        %dma_start3A_209 = arith.constant 0 : i32
        %dma_start3A_210 = tpu.memref_slice %arg11[%rem3A_205, %dma_start3A_208, %dma_start3A_209] : memref<5x64x128xf32, #tpu.memory_space<vmem>> -> memref<1x64x128xf32, #tpu.memory_space<vmem>>
        %dma_start3A_211 = tpu.memref_squeeze %dma_start3A_210 : memref<1x64x128xf32, #tpu.memory_space<vmem>> -> memref<64x128xf32, #tpu.memory_space<vmem>>
        %dma_start3A_212 = arith.constant 0 : i32
        %dma_start3A_213 = tpu.memref_slice %arg10[%rem3A_203, %rem3A_207, %dma_start3A_212] : memref<2x16x64xi32, #tpu.memory_space<vmem>> -> memref<1x1x64xi32, #tpu.memory_space<vmem>>
        %dma_start3A_214 = tpu.memref_squeeze %dma_start3A_213 : memref<1x1x64xi32, #tpu.memory_space<vmem>> -> memref<64xi32, #tpu.memory_space<vmem>>
        %dma_start3A_215 = arith.constant 0 : i32
        %dma_start3A_216 = arith.constant 0 : i32
        %dma_start3A_217 = tpu.memref_slice %arg12[%dma_start3A_215, %dma_start3A_216] : memref<10240x128xf32, #tpu.memory_space<vmem_shared>> -> memref<10240x128xf32, #tpu.memory_space<vmem_shared>>
        tpu.enqueue_indirect_dma source(%dma_start3A_211 : memref<64x128xf32, #tpu.memory_space<vmem>>) target(%dma_start3A_217 : memref<10240x128xf32, #tpu.memory_space<vmem_shared>>) offsets(%dma_start3A_214 : memref<64xi32, #tpu.memory_space<vmem>>) semaphore(%arg14 : memref<!tpu.dma_semaphore, #tpu.memory_space<semaphore_mem>>) {add = true}
        %gt3A = arith.constant 0 : i32
        %gt3A_218 = arith.cmpi sgt, %scan3A_169, %gt3A : i32
        %convert_element_type3A_219 = arith.extui %gt3A_218 : i1 to i32
        %cond3A_220 = arith.constant 0 : i32
        %cond3A_221 = arith.cmpi ne, %convert_element_type3A_219, %cond3A_220 : i32
        scf.if %cond3A_221 {
          %dma_wait3A_252 = arith.constant 0 : i32
          %dma_wait3A_253 = arith.constant 0 : i32
          %dma_wait3A_254 = arith.constant 0 : i32
          %dma_wait3A_255 = arith.constant 0 : i32
          %dma_wait3A_256 = arith.constant 0 : i32
          %dma_wait3A_257 = tpu.memref_slice %arg11[%dma_wait3A_252, %dma_wait3A_255, %dma_wait3A_256] : memref<5x64x128xf32, #tpu.memory_space<vmem>> -> memref<1x64x128xf32, #tpu.memory_space<vmem>>
          %dma_wait3A_258 = tpu.memref_squeeze %dma_wait3A_257 : memref<1x64x128xf32, #tpu.memory_space<vmem>> -> memref<64x128xf32, #tpu.memory_space<vmem>>
          %dma_wait3A_259 = arith.constant 0 : i32
          %dma_wait3A_260 = tpu.memref_slice %arg10[%dma_wait3A_253, %dma_wait3A_254, %dma_wait3A_259] : memref<2x16x64xi32, #tpu.memory_space<vmem>> -> memref<1x1x64xi32, #tpu.memory_space<vmem>>
          %dma_wait3A_261 = tpu.memref_squeeze %dma_wait3A_260 : memref<1x1x64xi32, #tpu.memory_space<vmem>> -> memref<64xi32, #tpu.memory_space<vmem>>
          %dma_wait3A_262 = arith.constant 0 : i32
          %dma_wait3A_263 = arith.constant 0 : i32
          %dma_wait3A_264 = tpu.memref_slice %arg12[%dma_wait3A_262, %dma_wait3A_263] : memref<10240x128xf32, #tpu.memory_space<vmem_shared>> -> memref<10240x128xf32, #tpu.memory_space<vmem_shared>>
          tpu.wait_indirect_dma semaphore(%arg14 : memref<!tpu.dma_semaphore, #tpu.memory_space<semaphore_mem>>) src(%dma_wait3A_258 : memref<64x128xf32, #tpu.memory_space<vmem>>) dst(%dma_wait3A_264 : memref<10240x128xf32, #tpu.memory_space<vmem_shared>>)
        } else {
        }
        %eq3A_222 = arith.constant 0 : i32
        %eq3A_223 = arith.cmpi eq, %rem3A_171, %eq3A_222 : i32
        %add3A_224 = arith.constant 16 : i32
        %add3A_225 = arith.addi %scan3A_169, %add3A_224 : i32
        %lt3A = arith.constant 320 : i32
        %lt3A_226 = arith.cmpi slt, %add3A_225, %lt3A : i32
        %and3A_227 = arith.andi %eq3A_223, %lt3A_226 : i1
        %convert_element_type3A_228 = arith.extui %and3A_227 : i1 to i32
        %cond3A_229 = arith.constant 0 : i32
        %cond3A_230 = arith.cmpi ne, %convert_element_type3A_228, %cond3A_229 : i32
        scf.if %cond3A_230 {
          %jit3A_252 = arith.constant 16 : i32
          %div3A_253 = arith.divsi %scan3A_169, %jit3A_252 : i32
          %sign3A_254 = arith.constant 0 : i32
          %sign3A_255 = arith.cmpi sgt, %scan3A_169, %sign3A_254 : i32
          %sign3A_256 = arith.extui %sign3A_255 : i1 to i32
          %sign3A_257 = arith.constant 0 : i32
          %sign3A_258 = arith.cmpi slt, %scan3A_169, %sign3A_257 : i32
          %sign3A_259 = arith.extui %sign3A_258 : i1 to i32
          %sign3A_260 = arith.subi %sign3A_256, %sign3A_259 : i32
          %sign3A_261 = arith.constant 0 : i32
          %sign3A_262 = arith.cmpi sgt, %jit3A_252, %sign3A_261 : i32
          %sign3A_263 = arith.extui %sign3A_262 : i1 to i32
          %sign3A_264 = arith.constant 0 : i32
          %sign3A_265 = arith.cmpi slt, %jit3A_252, %sign3A_264 : i32
          %sign3A_266 = arith.extui %sign3A_265 : i1 to i32
          %sign3A_267 = arith.subi %sign3A_263, %sign3A_266 : i32
          %ne3A_268 = arith.cmpi ne, %sign3A_260, %sign3A_267 : i32
          %rem3A_269 = arith.remsi %scan3A_169, %jit3A_252 : i32
          %ne3A_270 = arith.constant 0 : i32
          %ne3A_271 = arith.cmpi ne, %rem3A_269, %ne3A_270 : i32
          %and3A_272 = arith.andi %ne3A_268, %ne3A_271 : i1
          %sub3A_273 = arith.constant 1 : i32
          %sub3A_274 = arith.subi %div3A_253, %sub3A_273 : i32
          %select_n3A_275 = arith.select %and3A_272, %sub3A_274, %div3A_253 : i32
          %add3A_276 = arith.constant 1 : i32
          %add3A_277 = arith.addi %select_n3A_275, %add3A_276 : i32
          %rem3A_278 = arith.constant 2 : i32
          %rem3A_279 = arith.remsi %add3A_277, %rem3A_278 : i32
          %mul3A_280 = arith.constant 16 : i32
          %mul3A_281 = arith.muli %add3A_277, %mul3A_280 : i32
          %add3A_282 = arith.addi %mul3A_2, %mul3A_281 : i32
          %multiple_of3A_283 = tpu.assume_multiple %add3A_282, 8 : i32
          %dma_start3A_284 = arith.constant 0 : i32
          %dma_start3A_285 = arith.constant 0 : i32
          %dma_start3A_286 = tpu.memref_slice %arg9[%rem3A_279, %dma_start3A_284, %dma_start3A_285] : memref<2x16x64xi32, #tpu.memory_space<vmem>> -> memref<1x16x64xi32, #tpu.memory_space<vmem>>
          %dma_start3A_287 = tpu.memref_squeeze %dma_start3A_286 : memref<1x16x64xi32, #tpu.memory_space<vmem>> -> memref<16x64xi32, #tpu.memory_space<vmem>>
          %dma_start3A_288 = arith.constant 0 : i32
          %dma_start3A_289 = tpu.memref_slice %arg4[%multiple_of3A_283, %dma_start3A_288] : memref<5120x64xi32, #tpu.memory_space<hbm>> -> memref<16x64xi32, #tpu.memory_space<hbm>>
          %dma_start3A_290 = arith.constant 0 : i32
          %dma_start3A_291 = arith.constant 0 : i32
          %dma_start3A_292 = tpu.memref_slice %arg9[%rem3A_279, %dma_start3A_290, %dma_start3A_291] : memref<2x16x64xi32, #tpu.memory_space<vmem>> -> memref<1x16x64xi32, #tpu.memory_space<vmem>>
          %dma_start3A_293 = tpu.memref_squeeze %dma_start3A_292 : memref<1x16x64xi32, #tpu.memory_space<vmem>> -> memref<16x64xi32, #tpu.memory_space<vmem>>
          %dma_start3A_294 = arith.constant 0 : i32
          %dma_start3A_295 = tpu.memref_slice %arg4[%multiple_of3A_283, %dma_start3A_294] : memref<5120x64xi32, #tpu.memory_space<hbm>> -> memref<16x64xi32, #tpu.memory_space<hbm>>
          tpu.enqueue_dma source(%dma_start3A_295 : memref<16x64xi32, #tpu.memory_space<hbm>>) target(%dma_start3A_293 : memref<16x64xi32, #tpu.memory_space<vmem>>) target_semaphore(%arg15 : memref<!tpu.dma_semaphore, #tpu.memory_space<semaphore_mem>>)
          %dma_start3A_296 = arith.constant 0 : i32
          %dma_start3A_297 = arith.constant 0 : i32
          %dma_start3A_298 = tpu.memref_slice %arg10[%rem3A_279, %dma_start3A_296, %dma_start3A_297] : memref<2x16x64xi32, #tpu.memory_space<vmem>> -> memref<1x16x64xi32, #tpu.memory_space<vmem>>
          %dma_start3A_299 = tpu.memref_squeeze %dma_start3A_298 : memref<1x16x64xi32, #tpu.memory_space<vmem>> -> memref<16x64xi32, #tpu.memory_space<vmem>>
          %dma_start3A_300 = arith.constant 0 : i32
          %dma_start3A_301 = tpu.memref_slice %arg5[%multiple_of3A_283, %dma_start3A_300] : memref<5120x64xi32, #tpu.memory_space<hbm>> -> memref<16x64xi32, #tpu.memory_space<hbm>>
          %dma_start3A_302 = arith.constant 0 : i32
          %dma_start3A_303 = arith.constant 0 : i32
          %dma_start3A_304 = tpu.memref_slice %arg10[%rem3A_279, %dma_start3A_302, %dma_start3A_303] : memref<2x16x64xi32, #tpu.memory_space<vmem>> -> memref<1x16x64xi32, #tpu.memory_space<vmem>>
          %dma_start3A_305 = tpu.memref_squeeze %dma_start3A_304 : memref<1x16x64xi32, #tpu.memory_space<vmem>> -> memref<16x64xi32, #tpu.memory_space<vmem>>
          %dma_start3A_306 = arith.constant 0 : i32
          %dma_start3A_307 = tpu.memref_slice %arg5[%multiple_of3A_283, %dma_start3A_306] : memref<5120x64xi32, #tpu.memory_space<hbm>> -> memref<16x64xi32, #tpu.memory_space<hbm>>
          tpu.enqueue_dma source(%dma_start3A_307 : memref<16x64xi32, #tpu.memory_space<hbm>>) target(%dma_start3A_305 : memref<16x64xi32, #tpu.memory_space<vmem>>) target_semaphore(%arg15 : memref<!tpu.dma_semaphore, #tpu.memory_space<semaphore_mem>>)
        } else {
        }
        %eq3A_231 = arith.constant 12 : i32
        %eq3A_232 = arith.cmpi eq, %rem3A_171, %eq3A_231 : i32
        %add3A_233 = arith.constant 5 : i32
        %add3A_234 = arith.addi %scan3A_169, %add3A_233 : i32
        %sub3A_235 = arith.constant 1 : i32
        %sub3A_236 = arith.subi %add3A_234, %sub3A_235 : i32
        %lt3A_237 = arith.constant 320 : i32
        %lt3A_238 = arith.cmpi slt, %sub3A_236, %lt3A_237 : i32
        %and3A_239 = arith.andi %eq3A_232, %lt3A_238 : i1
        %convert_element_type3A_240 = arith.extui %and3A_239 : i1 to i32
        %cond3A_241 = arith.constant 0 : i32
        %cond3A_242 = arith.cmpi ne, %convert_element_type3A_240, %cond3A_241 : i32
        scf.if %cond3A_242 {
          %dma_wait3A_252 = arith.constant 0 : i32
          %dma_wait3A_253 = arith.constant 0 : i32
          %dma_wait3A_254 = arith.constant 0 : i32
          %dma_wait3A_255 = tpu.memref_slice %arg9[%dma_wait3A_252, %dma_wait3A_253, %dma_wait3A_254] : memref<2x16x64xi32, #tpu.memory_space<vmem>> -> memref<1x16x64xi32, #tpu.memory_space<vmem>>
          %dma_wait3A_256 = tpu.memref_squeeze %dma_wait3A_255 : memref<1x16x64xi32, #tpu.memory_space<vmem>> -> memref<16x64xi32, #tpu.memory_space<vmem>>
          %dma_wait3A_257 = arith.constant 0 : i32
          %dma_wait3A_258 = arith.constant 0 : i32
          %dma_wait3A_259 = tpu.memref_slice %arg4[%dma_wait3A_257, %dma_wait3A_258] : memref<5120x64xi32, #tpu.memory_space<hbm>> -> memref<16x64xi32, #tpu.memory_space<hbm>>
          %dma_wait3A_260 = arith.constant 0 : i32
          %dma_wait3A_261 = arith.constant 0 : i32
          %dma_wait3A_262 = tpu.memref_slice %arg9[%dma_wait3A_252, %dma_wait3A_260, %dma_wait3A_261] : memref<2x16x64xi32, #tpu.memory_space<vmem>> -> memref<1x16x64xi32, #tpu.memory_space<vmem>>
          %dma_wait3A_263 = tpu.memref_squeeze %dma_wait3A_262 : memref<1x16x64xi32, #tpu.memory_space<vmem>> -> memref<16x64xi32, #tpu.memory_space<vmem>>
          %dma_wait3A_264 = arith.constant 0 : i32
          %dma_wait3A_265 = arith.constant 0 : i32
          %dma_wait3A_266 = tpu.memref_slice %arg4[%dma_wait3A_264, %dma_wait3A_265] : memref<5120x64xi32, #tpu.memory_space<hbm>> -> memref<16x64xi32, #tpu.memory_space<hbm>>
          tpu.wait_dma2 semaphore(%arg15 : memref<!tpu.dma_semaphore, #tpu.memory_space<semaphore_mem>>) src(%dma_wait3A_266 : memref<16x64xi32, #tpu.memory_space<hbm>>) dst(%dma_wait3A_263 : memref<16x64xi32, #tpu.memory_space<vmem>>)
          %dma_wait3A_267 = arith.constant 0 : i32
          %dma_wait3A_268 = arith.constant 0 : i32
          %dma_wait3A_269 = arith.constant 0 : i32
          %dma_wait3A_270 = tpu.memref_slice %arg10[%dma_wait3A_267, %dma_wait3A_268, %dma_wait3A_269] : memref<2x16x64xi32, #tpu.memory_space<vmem>> -> memref<1x16x64xi32, #tpu.memory_space<vmem>>
          %dma_wait3A_271 = tpu.memref_squeeze %dma_wait3A_270 : memref<1x16x64xi32, #tpu.memory_space<vmem>> -> memref<16x64xi32, #tpu.memory_space<vmem>>
          %dma_wait3A_272 = arith.constant 0 : i32
          %dma_wait3A_273 = arith.constant 0 : i32
          %dma_wait3A_274 = tpu.memref_slice %arg5[%dma_wait3A_272, %dma_wait3A_273] : memref<5120x64xi32, #tpu.memory_space<hbm>> -> memref<16x64xi32, #tpu.memory_space<hbm>>
          %dma_wait3A_275 = arith.constant 0 : i32
          %dma_wait3A_276 = arith.constant 0 : i32
          %dma_wait3A_277 = tpu.memref_slice %arg10[%dma_wait3A_267, %dma_wait3A_275, %dma_wait3A_276] : memref<2x16x64xi32, #tpu.memory_space<vmem>> -> memref<1x16x64xi32, #tpu.memory_space<vmem>>
          %dma_wait3A_278 = tpu.memref_squeeze %dma_wait3A_277 : memref<1x16x64xi32, #tpu.memory_space<vmem>> -> memref<16x64xi32, #tpu.memory_space<vmem>>
          %dma_wait3A_279 = arith.constant 0 : i32
          %dma_wait3A_280 = arith.constant 0 : i32
          %dma_wait3A_281 = tpu.memref_slice %arg5[%dma_wait3A_279, %dma_wait3A_280] : memref<5120x64xi32, #tpu.memory_space<hbm>> -> memref<16x64xi32, #tpu.memory_space<hbm>>
          tpu.wait_dma2 semaphore(%arg15 : memref<!tpu.dma_semaphore, #tpu.memory_space<semaphore_mem>>) src(%dma_wait3A_281 : memref<16x64xi32, #tpu.memory_space<hbm>>) dst(%dma_wait3A_278 : memref<16x64xi32, #tpu.memory_space<vmem>>)
        } else {
        }
        %add3A_243 = arith.constant 5 : i32
        %add3A_244 = arith.addi %scan3A_169, %add3A_243 : i32
        %sub3A_245 = arith.constant 1 : i32
        %sub3A_246 = arith.subi %add3A_244, %sub3A_245 : i32
        %lt3A_247 = arith.constant 320 : i32
        %lt3A_248 = arith.cmpi slt, %sub3A_246, %lt3A_247 : i32
        %convert_element_type3A_249 = arith.extui %lt3A_248 : i1 to i32
        %cond3A_250 = arith.constant 0 : i32
        %cond3A_251 = arith.cmpi ne, %convert_element_type3A_249, %cond3A_250 : i32
        scf.if %cond3A_251 {
          %add3A_252 = arith.constant 5 : i32
          %add3A_253 = arith.addi %scan3A_169, %add3A_252 : i32
          %sub3A_254 = arith.constant 1 : i32
          %sub3A_255 = arith.subi %add3A_253, %sub3A_254 : i32
          %jit3A_256 = arith.constant 16 : i32
          %div3A_257 = arith.divsi %sub3A_255, %jit3A_256 : i32
          %sign3A_258 = arith.constant 0 : i32
          %sign3A_259 = arith.cmpi sgt, %sub3A_255, %sign3A_258 : i32
          %sign3A_260 = arith.extui %sign3A_259 : i1 to i32
          %sign3A_261 = arith.constant 0 : i32
          %sign3A_262 = arith.cmpi slt, %sub3A_255, %sign3A_261 : i32
          %sign3A_263 = arith.extui %sign3A_262 : i1 to i32
          %sign3A_264 = arith.subi %sign3A_260, %sign3A_263 : i32
          %sign3A_265 = arith.constant 0 : i32
          %sign3A_266 = arith.cmpi sgt, %jit3A_256, %sign3A_265 : i32
          %sign3A_267 = arith.extui %sign3A_266 : i1 to i32
          %sign3A_268 = arith.constant 0 : i32
          %sign3A_269 = arith.cmpi slt, %jit3A_256, %sign3A_268 : i32
          %sign3A_270 = arith.extui %sign3A_269 : i1 to i32
          %sign3A_271 = arith.subi %sign3A_267, %sign3A_270 : i32
          %ne3A_272 = arith.cmpi ne, %sign3A_264, %sign3A_271 : i32
          %rem3A_273 = arith.remsi %sub3A_255, %jit3A_256 : i32
          %ne3A_274 = arith.constant 0 : i32
          %ne3A_275 = arith.cmpi ne, %rem3A_273, %ne3A_274 : i32
          %and3A_276 = arith.andi %ne3A_272, %ne3A_275 : i1
          %sub3A_277 = arith.constant 1 : i32
          %sub3A_278 = arith.subi %div3A_257, %sub3A_277 : i32
          %select_n3A_279 = arith.select %and3A_276, %sub3A_278, %div3A_257 : i32
          %rem3A_280 = arith.constant 2 : i32
          %rem3A_281 = arith.remsi %select_n3A_279, %rem3A_280 : i32
          %rem3A_282 = arith.constant 16 : i32
          %rem3A_283 = arith.remsi %sub3A_255, %rem3A_282 : i32
          %rem3A_284 = arith.constant 5 : i32
          %rem3A_285 = arith.remsi %sub3A_255, %rem3A_284 : i32
          %dma_start3A_286 = arith.constant 0 : i32
          %dma_start3A_287 = arith.constant 0 : i32
          %dma_start3A_288 = tpu.memref_slice %arg11[%rem3A_285, %dma_start3A_286, %dma_start3A_287] : memref<5x64x128xf32, #tpu.memory_space<vmem>> -> memref<1x64x128xf32, #tpu.memory_space<vmem>>
          %dma_start3A_289 = tpu.memref_squeeze %dma_start3A_288 : memref<1x64x128xf32, #tpu.memory_space<vmem>> -> memref<64x128xf32, #tpu.memory_space<vmem>>
          %dma_start3A_290 = arith.constant 0 : i32
          %dma_start3A_291 = tpu.memref_slice %arg9[%rem3A_281, %rem3A_283, %dma_start3A_290] : memref<2x16x64xi32, #tpu.memory_space<vmem>> -> memref<1x1x64xi32, #tpu.memory_space<vmem>>
          %dma_start3A_292 = tpu.memref_squeeze %dma_start3A_291 : memref<1x1x64xi32, #tpu.memory_space<vmem>> -> memref<64xi32, #tpu.memory_space<vmem>>
          %dma_start3A_293 = arith.constant 0 : i32
          %dma_start3A_294 = arith.constant 0 : i32
          %dma_start3A_295 = tpu.memref_slice %arg2[%dma_start3A_293, %dma_start3A_294] : memref<10000x128xf32, #tpu.memory_space<hbm>> -> memref<10000x128xf32, #tpu.memory_space<hbm>>
          tpu.enqueue_indirect_dma source(%dma_start3A_295 : memref<10000x128xf32, #tpu.memory_space<hbm>>) target(%dma_start3A_289 : memref<64x128xf32, #tpu.memory_space<vmem>>) offsets(%dma_start3A_292 : memref<64xi32, #tpu.memory_space<vmem>>) semaphore(%arg13 : memref<!tpu.dma_semaphore, #tpu.memory_space<semaphore_mem>>)
        } else {
        }
      }
      %scan3A_155 = arith.constant 320 : i32
      %dma_wait3A_156 = arith.constant 0 : i32
      %dma_wait3A_157 = arith.constant 0 : i32
      %dma_wait3A_158 = arith.constant 0 : i32
      %dma_wait3A_159 = arith.constant 0 : i32
      %dma_wait3A_160 = arith.constant 0 : i32
      %dma_wait3A_161 = tpu.memref_slice %arg11[%dma_wait3A_156, %dma_wait3A_159, %dma_wait3A_160] : memref<5x64x128xf32, #tpu.memory_space<vmem>> -> memref<1x64x128xf32, #tpu.memory_space<vmem>>
      %dma_wait3A_162 = tpu.memref_squeeze %dma_wait3A_161 : memref<1x64x128xf32, #tpu.memory_space<vmem>> -> memref<64x128xf32, #tpu.memory_space<vmem>>
      %dma_wait3A_163 = arith.constant 0 : i32
      %dma_wait3A_164 = tpu.memref_slice %arg10[%dma_wait3A_157, %dma_wait3A_158, %dma_wait3A_163] : memref<2x16x64xi32, #tpu.memory_space<vmem>> -> memref<1x1x64xi32, #tpu.memory_space<vmem>>
      %dma_wait3A_165 = tpu.memref_squeeze %dma_wait3A_164 : memref<1x1x64xi32, #tpu.memory_space<vmem>> -> memref<64xi32, #tpu.memory_space<vmem>>
      %dma_wait3A_166 = arith.constant 0 : i32
      %dma_wait3A_167 = arith.constant 0 : i32
      %dma_wait3A_168 = tpu.memref_slice %arg12[%dma_wait3A_166, %dma_wait3A_167] : memref<10240x128xf32, #tpu.memory_space<vmem_shared>> -> memref<10240x128xf32, #tpu.memory_space<vmem_shared>>
      tpu.wait_indirect_dma semaphore(%arg14 : memref<!tpu.dma_semaphore, #tpu.memory_space<semaphore_mem>>) src(%dma_wait3A_162 : memref<64x128xf32, #tpu.memory_space<vmem>>) dst(%dma_wait3A_168 : memref<10240x128xf32, #tpu.memory_space<vmem_shared>>)
    } else {
    }
    %eq3A_60 = arith.constant 1 : i32
    %eq3A_61 = arith.cmpi eq, %arg0, %eq3A_60 : i32
    %convert_element_type3A_62 = arith.extui %eq3A_61 : i1 to i32
    %cond3A_63 = arith.constant 0 : i32
    %cond3A_64 = arith.cmpi ne, %convert_element_type3A_62, %cond3A_63 : i32
    scf.if %cond3A_64 {
      %rem3A = arith.constant 0 : i32
      %rem3A_76 = arith.constant 2 : i32
      %rem3A_77 = arith.remsi %rem3A, %rem3A_76 : i32
      %rem3A_78 = arith.constant 0 : i32
      %rem3A_79 = arith.constant 16 : i32
      %rem3A_80 = arith.remsi %rem3A_78, %rem3A_79 : i32
      %rem3A_81 = arith.constant 0 : i32
      %rem3A_82 = arith.constant 5 : i32
      %rem3A_83 = arith.remsi %rem3A_81, %rem3A_82 : i32
      %dma_start3A_84 = arith.constant 0 : i32
      %dma_start3A_85 = arith.constant 0 : i32
      %dma_start3A_86 = tpu.memref_slice %arg11[%rem3A_83, %dma_start3A_84, %dma_start3A_85] : memref<5x64x128xf32, #tpu.memory_space<vmem>> -> memref<1x64x128xf32, #tpu.memory_space<vmem>>
      %dma_start3A_87 = tpu.memref_squeeze %dma_start3A_86 : memref<1x64x128xf32, #tpu.memory_space<vmem>> -> memref<64x128xf32, #tpu.memory_space<vmem>>
      %dma_start3A_88 = arith.constant 0 : i32
      %dma_start3A_89 = tpu.memref_slice %arg9[%rem3A_77, %rem3A_80, %dma_start3A_88] : memref<2x16x64xi32, #tpu.memory_space<vmem>> -> memref<1x1x64xi32, #tpu.memory_space<vmem>>
      %dma_start3A_90 = tpu.memref_squeeze %dma_start3A_89 : memref<1x1x64xi32, #tpu.memory_space<vmem>> -> memref<64xi32, #tpu.memory_space<vmem>>
      %dma_start3A_91 = arith.constant 0 : i32
      %dma_start3A_92 = arith.constant 0 : i32
      %dma_start3A_93 = tpu.memref_slice %arg3[%dma_start3A_91, %dma_start3A_92] : memref<10000x128xf32, #tpu.memory_space<hbm>> -> memref<10000x128xf32, #tpu.memory_space<hbm>>
      tpu.enqueue_indirect_dma source(%dma_start3A_93 : memref<10000x128xf32, #tpu.memory_space<hbm>>) target(%dma_start3A_87 : memref<64x128xf32, #tpu.memory_space<vmem>>) offsets(%dma_start3A_90 : memref<64xi32, #tpu.memory_space<vmem>>) semaphore(%arg13 : memref<!tpu.dma_semaphore, #tpu.memory_space<semaphore_mem>>)
      %rem3A_94 = arith.constant 0 : i32
      %rem3A_95 = arith.constant 2 : i32
      %rem3A_96 = arith.remsi %rem3A_94, %rem3A_95 : i32
      %rem3A_97 = arith.constant 1 : i32
      %rem3A_98 = arith.constant 16 : i32
      %rem3A_99 = arith.remsi %rem3A_97, %rem3A_98 : i32
      %rem3A_100 = arith.constant 1 : i32
      %rem3A_101 = arith.constant 5 : i32
      %rem3A_102 = arith.remsi %rem3A_100, %rem3A_101 : i32
      %dma_start3A_103 = arith.constant 0 : i32
      %dma_start3A_104 = arith.constant 0 : i32
      %dma_start3A_105 = tpu.memref_slice %arg11[%rem3A_102, %dma_start3A_103, %dma_start3A_104] : memref<5x64x128xf32, #tpu.memory_space<vmem>> -> memref<1x64x128xf32, #tpu.memory_space<vmem>>
      %dma_start3A_106 = tpu.memref_squeeze %dma_start3A_105 : memref<1x64x128xf32, #tpu.memory_space<vmem>> -> memref<64x128xf32, #tpu.memory_space<vmem>>
      %dma_start3A_107 = arith.constant 0 : i32
      %dma_start3A_108 = tpu.memref_slice %arg9[%rem3A_96, %rem3A_99, %dma_start3A_107] : memref<2x16x64xi32, #tpu.memory_space<vmem>> -> memref<1x1x64xi32, #tpu.memory_space<vmem>>
      %dma_start3A_109 = tpu.memref_squeeze %dma_start3A_108 : memref<1x1x64xi32, #tpu.memory_space<vmem>> -> memref<64xi32, #tpu.memory_space<vmem>>
      %dma_start3A_110 = arith.constant 0 : i32
      %dma_start3A_111 = arith.constant 0 : i32
      %dma_start3A_112 = tpu.memref_slice %arg3[%dma_start3A_110, %dma_start3A_111] : memref<10000x128xf32, #tpu.memory_space<hbm>> -> memref<10000x128xf32, #tpu.memory_space<hbm>>
      tpu.enqueue_indirect_dma source(%dma_start3A_112 : memref<10000x128xf32, #tpu.memory_space<hbm>>) target(%dma_start3A_106 : memref<64x128xf32, #tpu.memory_space<vmem>>) offsets(%dma_start3A_109 : memref<64xi32, #tpu.memory_space<vmem>>) semaphore(%arg13 : memref<!tpu.dma_semaphore, #tpu.memory_space<semaphore_mem>>)
      %rem3A_113 = arith.constant 0 : i32
      %rem3A_114 = arith.constant 2 : i32
      %rem3A_115 = arith.remsi %rem3A_113, %rem3A_114 : i32
      %rem3A_116 = arith.constant 2 : i32
      %rem3A_117 = arith.constant 16 : i32
      %rem3A_118 = arith.remsi %rem3A_116, %rem3A_117 : i32
      %rem3A_119 = arith.constant 2 : i32
      %rem3A_120 = arith.constant 5 : i32
      %rem3A_121 = arith.remsi %rem3A_119, %rem3A_120 : i32
      %dma_start3A_122 = arith.constant 0 : i32
      %dma_start3A_123 = arith.constant 0 : i32
      %dma_start3A_124 = tpu.memref_slice %arg11[%rem3A_121, %dma_start3A_122, %dma_start3A_123] : memref<5x64x128xf32, #tpu.memory_space<vmem>> -> memref<1x64x128xf32, #tpu.memory_space<vmem>>
      %dma_start3A_125 = tpu.memref_squeeze %dma_start3A_124 : memref<1x64x128xf32, #tpu.memory_space<vmem>> -> memref<64x128xf32, #tpu.memory_space<vmem>>
      %dma_start3A_126 = arith.constant 0 : i32
      %dma_start3A_127 = tpu.memref_slice %arg9[%rem3A_115, %rem3A_118, %dma_start3A_126] : memref<2x16x64xi32, #tpu.memory_space<vmem>> -> memref<1x1x64xi32, #tpu.memory_space<vmem>>
      %dma_start3A_128 = tpu.memref_squeeze %dma_start3A_127 : memref<1x1x64xi32, #tpu.memory_space<vmem>> -> memref<64xi32, #tpu.memory_space<vmem>>
      %dma_start3A_129 = arith.constant 0 : i32
      %dma_start3A_130 = arith.constant 0 : i32
      %dma_start3A_131 = tpu.memref_slice %arg3[%dma_start3A_129, %dma_start3A_130] : memref<10000x128xf32, #tpu.memory_space<hbm>> -> memref<10000x128xf32, #tpu.memory_space<hbm>>
      tpu.enqueue_indirect_dma source(%dma_start3A_131 : memref<10000x128xf32, #tpu.memory_space<hbm>>) target(%dma_start3A_125 : memref<64x128xf32, #tpu.memory_space<vmem>>) offsets(%dma_start3A_128 : memref<64xi32, #tpu.memory_space<vmem>>) semaphore(%arg13 : memref<!tpu.dma_semaphore, #tpu.memory_space<semaphore_mem>>)
      %rem3A_132 = arith.constant 0 : i32
      %rem3A_133 = arith.constant 2 : i32
      %rem3A_134 = arith.remsi %rem3A_132, %rem3A_133 : i32
      %rem3A_135 = arith.constant 3 : i32
      %rem3A_136 = arith.constant 16 : i32
      %rem3A_137 = arith.remsi %rem3A_135, %rem3A_136 : i32
      %rem3A_138 = arith.constant 3 : i32
      %rem3A_139 = arith.constant 5 : i32
      %rem3A_140 = arith.remsi %rem3A_138, %rem3A_139 : i32
      %dma_start3A_141 = arith.constant 0 : i32
      %dma_start3A_142 = arith.constant 0 : i32
      %dma_start3A_143 = tpu.memref_slice %arg11[%rem3A_140, %dma_start3A_141, %dma_start3A_142] : memref<5x64x128xf32, #tpu.memory_space<vmem>> -> memref<1x64x128xf32, #tpu.memory_space<vmem>>
      %dma_start3A_144 = tpu.memref_squeeze %dma_start3A_143 : memref<1x64x128xf32, #tpu.memory_space<vmem>> -> memref<64x128xf32, #tpu.memory_space<vmem>>
      %dma_start3A_145 = arith.constant 0 : i32
      %dma_start3A_146 = tpu.memref_slice %arg9[%rem3A_134, %rem3A_137, %dma_start3A_145] : memref<2x16x64xi32, #tpu.memory_space<vmem>> -> memref<1x1x64xi32, #tpu.memory_space<vmem>>
      %dma_start3A_147 = tpu.memref_squeeze %dma_start3A_146 : memref<1x1x64xi32, #tpu.memory_space<vmem>> -> memref<64xi32, #tpu.memory_space<vmem>>
      %dma_start3A_148 = arith.constant 0 : i32
      %dma_start3A_149 = arith.constant 0 : i32
      %dma_start3A_150 = tpu.memref_slice %arg3[%dma_start3A_148, %dma_start3A_149] : memref<10000x128xf32, #tpu.memory_space<hbm>> -> memref<10000x128xf32, #tpu.memory_space<hbm>>
      tpu.enqueue_indirect_dma source(%dma_start3A_150 : memref<10000x128xf32, #tpu.memory_space<hbm>>) target(%dma_start3A_144 : memref<64x128xf32, #tpu.memory_space<vmem>>) offsets(%dma_start3A_147 : memref<64xi32, #tpu.memory_space<vmem>>) semaphore(%arg13 : memref<!tpu.dma_semaphore, #tpu.memory_space<semaphore_mem>>)
      %scan3A = arith.constant 0 : i32
      %scan3A_151 = arith.constant 0 : i32
      %scan3A_152 = arith.constant 320 : i32
      %scan3A_153 = arith.addi %scan3A_151, %scan3A_152 : i32
      %scan3A_154 = arith.constant 1 : i32
      scf.for %scan3A_169 = %scan3A_151 to %scan3A_153 step %scan3A_154  : i32 {
        %rem3A_170 = arith.constant 16 : i32
        %rem3A_171 = arith.remsi %scan3A_169, %rem3A_170 : i32
        %dma_wait3A_172 = arith.constant 0 : i32
        %dma_wait3A_173 = arith.constant 0 : i32
        %dma_wait3A_174 = arith.constant 0 : i32
        %dma_wait3A_175 = arith.constant 0 : i32
        %dma_wait3A_176 = arith.constant 0 : i32
        %dma_wait3A_177 = tpu.memref_slice %arg11[%dma_wait3A_174, %dma_wait3A_175, %dma_wait3A_176] : memref<5x64x128xf32, #tpu.memory_space<vmem>> -> memref<1x64x128xf32, #tpu.memory_space<vmem>>
        %dma_wait3A_178 = tpu.memref_squeeze %dma_wait3A_177 : memref<1x64x128xf32, #tpu.memory_space<vmem>> -> memref<64x128xf32, #tpu.memory_space<vmem>>
        %dma_wait3A_179 = arith.constant 0 : i32
        %dma_wait3A_180 = tpu.memref_slice %arg9[%dma_wait3A_172, %dma_wait3A_173, %dma_wait3A_179] : memref<2x16x64xi32, #tpu.memory_space<vmem>> -> memref<1x1x64xi32, #tpu.memory_space<vmem>>
        %dma_wait3A_181 = tpu.memref_squeeze %dma_wait3A_180 : memref<1x1x64xi32, #tpu.memory_space<vmem>> -> memref<64xi32, #tpu.memory_space<vmem>>
        %dma_wait3A_182 = arith.constant 0 : i32
        %dma_wait3A_183 = arith.constant 0 : i32
        %dma_wait3A_184 = tpu.memref_slice %arg3[%dma_wait3A_182, %dma_wait3A_183] : memref<10000x128xf32, #tpu.memory_space<hbm>> -> memref<10000x128xf32, #tpu.memory_space<hbm>>
        tpu.wait_indirect_dma semaphore(%arg13 : memref<!tpu.dma_semaphore, #tpu.memory_space<semaphore_mem>>) src(%dma_wait3A_184 : memref<10000x128xf32, #tpu.memory_space<hbm>>) dst(%dma_wait3A_178 : memref<64x128xf32, #tpu.memory_space<vmem>>)
        %jit3A = arith.constant 16 : i32
        %div3A = arith.divsi %scan3A_169, %jit3A : i32
        %sign3A = arith.constant 0 : i32
        %sign3A_185 = arith.cmpi sgt, %scan3A_169, %sign3A : i32
        %sign3A_186 = arith.extui %sign3A_185 : i1 to i32
        %sign3A_187 = arith.constant 0 : i32
        %sign3A_188 = arith.cmpi slt, %scan3A_169, %sign3A_187 : i32
        %sign3A_189 = arith.extui %sign3A_188 : i1 to i32
        %sign3A_190 = arith.subi %sign3A_186, %sign3A_189 : i32
        %sign3A_191 = arith.constant 0 : i32
        %sign3A_192 = arith.cmpi sgt, %jit3A, %sign3A_191 : i32
        %sign3A_193 = arith.extui %sign3A_192 : i1 to i32
        %sign3A_194 = arith.constant 0 : i32
        %sign3A_195 = arith.cmpi slt, %jit3A, %sign3A_194 : i32
        %sign3A_196 = arith.extui %sign3A_195 : i1 to i32
        %sign3A_197 = arith.subi %sign3A_193, %sign3A_196 : i32
        %ne3A = arith.cmpi ne, %sign3A_190, %sign3A_197 : i32
        %rem3A_198 = arith.remsi %scan3A_169, %jit3A : i32
        %ne3A_199 = arith.constant 0 : i32
        %ne3A_200 = arith.cmpi ne, %rem3A_198, %ne3A_199 : i32
        %and3A = arith.andi %ne3A, %ne3A_200 : i1
        %sub3A = arith.constant 1 : i32
        %sub3A_201 = arith.subi %div3A, %sub3A : i32
        %select_n3A = arith.select %and3A, %sub3A_201, %div3A : i32
        %rem3A_202 = arith.constant 2 : i32
        %rem3A_203 = arith.remsi %select_n3A, %rem3A_202 : i32
        %rem3A_204 = arith.constant 5 : i32
        %rem3A_205 = arith.remsi %scan3A_169, %rem3A_204 : i32
        %rem3A_206 = arith.constant 16 : i32
        %rem3A_207 = arith.remsi %scan3A_169, %rem3A_206 : i32
        %dma_start3A_208 = arith.constant 0 : i32
        %dma_start3A_209 = arith.constant 0 : i32
        %dma_start3A_210 = tpu.memref_slice %arg11[%rem3A_205, %dma_start3A_208, %dma_start3A_209] : memref<5x64x128xf32, #tpu.memory_space<vmem>> -> memref<1x64x128xf32, #tpu.memory_space<vmem>>
        %dma_start3A_211 = tpu.memref_squeeze %dma_start3A_210 : memref<1x64x128xf32, #tpu.memory_space<vmem>> -> memref<64x128xf32, #tpu.memory_space<vmem>>
        %dma_start3A_212 = arith.constant 0 : i32
        %dma_start3A_213 = tpu.memref_slice %arg10[%rem3A_203, %rem3A_207, %dma_start3A_212] : memref<2x16x64xi32, #tpu.memory_space<vmem>> -> memref<1x1x64xi32, #tpu.memory_space<vmem>>
        %dma_start3A_214 = tpu.memref_squeeze %dma_start3A_213 : memref<1x1x64xi32, #tpu.memory_space<vmem>> -> memref<64xi32, #tpu.memory_space<vmem>>
        %dma_start3A_215 = arith.constant 0 : i32
        %dma_start3A_216 = arith.constant 0 : i32
        %dma_start3A_217 = tpu.memref_slice %arg12[%dma_start3A_215, %dma_start3A_216] : memref<10240x128xf32, #tpu.memory_space<vmem_shared>> -> memref<10240x128xf32, #tpu.memory_space<vmem_shared>>
        tpu.enqueue_indirect_dma source(%dma_start3A_211 : memref<64x128xf32, #tpu.memory_space<vmem>>) target(%dma_start3A_217 : memref<10240x128xf32, #tpu.memory_space<vmem_shared>>) offsets(%dma_start3A_214 : memref<64xi32, #tpu.memory_space<vmem>>) semaphore(%arg14 : memref<!tpu.dma_semaphore, #tpu.memory_space<semaphore_mem>>) {add = true}
        %gt3A = arith.constant 0 : i32
        %gt3A_218 = arith.cmpi sgt, %scan3A_169, %gt3A : i32
        %convert_element_type3A_219 = arith.extui %gt3A_218 : i1 to i32
        %cond3A_220 = arith.constant 0 : i32
        %cond3A_221 = arith.cmpi ne, %convert_element_type3A_219, %cond3A_220 : i32
        scf.if %cond3A_221 {
          %dma_wait3A_252 = arith.constant 0 : i32
          %dma_wait3A_253 = arith.constant 0 : i32
          %dma_wait3A_254 = arith.constant 0 : i32
          %dma_wait3A_255 = arith.constant 0 : i32
          %dma_wait3A_256 = arith.constant 0 : i32
          %dma_wait3A_257 = tpu.memref_slice %arg11[%dma_wait3A_252, %dma_wait3A_255, %dma_wait3A_256] : memref<5x64x128xf32, #tpu.memory_space<vmem>> -> memref<1x64x128xf32, #tpu.memory_space<vmem>>
          %dma_wait3A_258 = tpu.memref_squeeze %dma_wait3A_257 : memref<1x64x128xf32, #tpu.memory_space<vmem>> -> memref<64x128xf32, #tpu.memory_space<vmem>>
          %dma_wait3A_259 = arith.constant 0 : i32
          %dma_wait3A_260 = tpu.memref_slice %arg10[%dma_wait3A_253, %dma_wait3A_254, %dma_wait3A_259] : memref<2x16x64xi32, #tpu.memory_space<vmem>> -> memref<1x1x64xi32, #tpu.memory_space<vmem>>
          %dma_wait3A_261 = tpu.memref_squeeze %dma_wait3A_260 : memref<1x1x64xi32, #tpu.memory_space<vmem>> -> memref<64xi32, #tpu.memory_space<vmem>>
          %dma_wait3A_262 = arith.constant 0 : i32
          %dma_wait3A_263 = arith.constant 0 : i32
          %dma_wait3A_264 = tpu.memref_slice %arg12[%dma_wait3A_262, %dma_wait3A_263] : memref<10240x128xf32, #tpu.memory_space<vmem_shared>> -> memref<10240x128xf32, #tpu.memory_space<vmem_shared>>
          tpu.wait_indirect_dma semaphore(%arg14 : memref<!tpu.dma_semaphore, #tpu.memory_space<semaphore_mem>>) src(%dma_wait3A_258 : memref<64x128xf32, #tpu.memory_space<vmem>>) dst(%dma_wait3A_264 : memref<10240x128xf32, #tpu.memory_space<vmem_shared>>)
        } else {
        }
        %eq3A_222 = arith.constant 0 : i32
        %eq3A_223 = arith.cmpi eq, %rem3A_171, %eq3A_222 : i32
        %add3A_224 = arith.constant 16 : i32
        %add3A_225 = arith.addi %scan3A_169, %add3A_224 : i32
        %lt3A = arith.constant 320 : i32
        %lt3A_226 = arith.cmpi slt, %add3A_225, %lt3A : i32
        %and3A_227 = arith.andi %eq3A_223, %lt3A_226 : i1
        %convert_element_type3A_228 = arith.extui %and3A_227 : i1 to i32
        %cond3A_229 = arith.constant 0 : i32
        %cond3A_230 = arith.cmpi ne, %convert_element_type3A_228, %cond3A_229 : i32
        scf.if %cond3A_230 {
          %jit3A_252 = arith.constant 16 : i32
          %div3A_253 = arith.divsi %scan3A_169, %jit3A_252 : i32
          %sign3A_254 = arith.constant 0 : i32
          %sign3A_255 = arith.cmpi sgt, %scan3A_169, %sign3A_254 : i32
          %sign3A_256 = arith.extui %sign3A_255 : i1 to i32
          %sign3A_257 = arith.constant 0 : i32
          %sign3A_258 = arith.cmpi slt, %scan3A_169, %sign3A_257 : i32
          %sign3A_259 = arith.extui %sign3A_258 : i1 to i32
          %sign3A_260 = arith.subi %sign3A_256, %sign3A_259 : i32
          %sign3A_261 = arith.constant 0 : i32
          %sign3A_262 = arith.cmpi sgt, %jit3A_252, %sign3A_261 : i32
          %sign3A_263 = arith.extui %sign3A_262 : i1 to i32
          %sign3A_264 = arith.constant 0 : i32
          %sign3A_265 = arith.cmpi slt, %jit3A_252, %sign3A_264 : i32
          %sign3A_266 = arith.extui %sign3A_265 : i1 to i32
          %sign3A_267 = arith.subi %sign3A_263, %sign3A_266 : i32
          %ne3A_268 = arith.cmpi ne, %sign3A_260, %sign3A_267 : i32
          %rem3A_269 = arith.remsi %scan3A_169, %jit3A_252 : i32
          %ne3A_270 = arith.constant 0 : i32
          %ne3A_271 = arith.cmpi ne, %rem3A_269, %ne3A_270 : i32
          %and3A_272 = arith.andi %ne3A_268, %ne3A_271 : i1
          %sub3A_273 = arith.constant 1 : i32
          %sub3A_274 = arith.subi %div3A_253, %sub3A_273 : i32
          %select_n3A_275 = arith.select %and3A_272, %sub3A_274, %div3A_253 : i32
          %add3A_276 = arith.constant 1 : i32
          %add3A_277 = arith.addi %select_n3A_275, %add3A_276 : i32
          %rem3A_278 = arith.constant 2 : i32
          %rem3A_279 = arith.remsi %add3A_277, %rem3A_278 : i32
          %mul3A_280 = arith.constant 16 : i32
          %mul3A_281 = arith.muli %add3A_277, %mul3A_280 : i32
          %add3A_282 = arith.addi %mul3A_2, %mul3A_281 : i32
          %multiple_of3A_283 = tpu.assume_multiple %add3A_282, 8 : i32
          %dma_start3A_284 = arith.constant 0 : i32
          %dma_start3A_285 = arith.constant 0 : i32
          %dma_start3A_286 = tpu.memref_slice %arg9[%rem3A_279, %dma_start3A_284, %dma_start3A_285] : memref<2x16x64xi32, #tpu.memory_space<vmem>> -> memref<1x16x64xi32, #tpu.memory_space<vmem>>
          %dma_start3A_287 = tpu.memref_squeeze %dma_start3A_286 : memref<1x16x64xi32, #tpu.memory_space<vmem>> -> memref<16x64xi32, #tpu.memory_space<vmem>>
          %dma_start3A_288 = arith.constant 0 : i32
          %dma_start3A_289 = tpu.memref_slice %arg4[%multiple_of3A_283, %dma_start3A_288] : memref<5120x64xi32, #tpu.memory_space<hbm>> -> memref<16x64xi32, #tpu.memory_space<hbm>>
          %dma_start3A_290 = arith.constant 0 : i32
          %dma_start3A_291 = arith.constant 0 : i32
          %dma_start3A_292 = tpu.memref_slice %arg9[%rem3A_279, %dma_start3A_290, %dma_start3A_291] : memref<2x16x64xi32, #tpu.memory_space<vmem>> -> memref<1x16x64xi32, #tpu.memory_space<vmem>>
          %dma_start3A_293 = tpu.memref_squeeze %dma_start3A_292 : memref<1x16x64xi32, #tpu.memory_space<vmem>> -> memref<16x64xi32, #tpu.memory_space<vmem>>
          %dma_start3A_294 = arith.constant 0 : i32
          %dma_start3A_295 = tpu.memref_slice %arg4[%multiple_of3A_283, %dma_start3A_294] : memref<5120x64xi32, #tpu.memory_space<hbm>> -> memref<16x64xi32, #tpu.memory_space<hbm>>
          tpu.enqueue_dma source(%dma_start3A_295 : memref<16x64xi32, #tpu.memory_space<hbm>>) target(%dma_start3A_293 : memref<16x64xi32, #tpu.memory_space<vmem>>) target_semaphore(%arg15 : memref<!tpu.dma_semaphore, #tpu.memory_space<semaphore_mem>>)
          %dma_start3A_296 = arith.constant 0 : i32
          %dma_start3A_297 = arith.constant 0 : i32
          %dma_start3A_298 = tpu.memref_slice %arg10[%rem3A_279, %dma_start3A_296, %dma_start3A_297] : memref<2x16x64xi32, #tpu.memory_space<vmem>> -> memref<1x16x64xi32, #tpu.memory_space<vmem>>
          %dma_start3A_299 = tpu.memref_squeeze %dma_start3A_298 : memref<1x16x64xi32, #tpu.memory_space<vmem>> -> memref<16x64xi32, #tpu.memory_space<vmem>>
          %dma_start3A_300 = arith.constant 0 : i32
          %dma_start3A_301 = tpu.memref_slice %arg5[%multiple_of3A_283, %dma_start3A_300] : memref<5120x64xi32, #tpu.memory_space<hbm>> -> memref<16x64xi32, #tpu.memory_space<hbm>>
          %dma_start3A_302 = arith.constant 0 : i32
          %dma_start3A_303 = arith.constant 0 : i32
          %dma_start3A_304 = tpu.memref_slice %arg10[%rem3A_279, %dma_start3A_302, %dma_start3A_303] : memref<2x16x64xi32, #tpu.memory_space<vmem>> -> memref<1x16x64xi32, #tpu.memory_space<vmem>>
          %dma_start3A_305 = tpu.memref_squeeze %dma_start3A_304 : memref<1x16x64xi32, #tpu.memory_space<vmem>> -> memref<16x64xi32, #tpu.memory_space<vmem>>
          %dma_start3A_306 = arith.constant 0 : i32
          %dma_start3A_307 = tpu.memref_slice %arg5[%multiple_of3A_283, %dma_start3A_306] : memref<5120x64xi32, #tpu.memory_space<hbm>> -> memref<16x64xi32, #tpu.memory_space<hbm>>
          tpu.enqueue_dma source(%dma_start3A_307 : memref<16x64xi32, #tpu.memory_space<hbm>>) target(%dma_start3A_305 : memref<16x64xi32, #tpu.memory_space<vmem>>) target_semaphore(%arg15 : memref<!tpu.dma_semaphore, #tpu.memory_space<semaphore_mem>>)
        } else {
        }
        %eq3A_231 = arith.constant 12 : i32
        %eq3A_232 = arith.cmpi eq, %rem3A_171, %eq3A_231 : i32
        %add3A_233 = arith.constant 5 : i32
        %add3A_234 = arith.addi %scan3A_169, %add3A_233 : i32
        %sub3A_235 = arith.constant 1 : i32
        %sub3A_236 = arith.subi %add3A_234, %sub3A_235 : i32
        %lt3A_237 = arith.constant 320 : i32
        %lt3A_238 = arith.cmpi slt, %sub3A_236, %lt3A_237 : i32
        %and3A_239 = arith.andi %eq3A_232, %lt3A_238 : i1
        %convert_element_type3A_240 = arith.extui %and3A_239 : i1 to i32
        %cond3A_241 = arith.constant 0 : i32
        %cond3A_242 = arith.cmpi ne, %convert_element_type3A_240, %cond3A_241 : i32
        scf.if %cond3A_242 {
          %dma_wait3A_252 = arith.constant 0 : i32
          %dma_wait3A_253 = arith.constant 0 : i32
          %dma_wait3A_254 = arith.constant 0 : i32
          %dma_wait3A_255 = tpu.memref_slice %arg9[%dma_wait3A_252, %dma_wait3A_253, %dma_wait3A_254] : memref<2x16x64xi32, #tpu.memory_space<vmem>> -> memref<1x16x64xi32, #tpu.memory_space<vmem>>
          %dma_wait3A_256 = tpu.memref_squeeze %dma_wait3A_255 : memref<1x16x64xi32, #tpu.memory_space<vmem>> -> memref<16x64xi32, #tpu.memory_space<vmem>>
          %dma_wait3A_257 = arith.constant 0 : i32
          %dma_wait3A_258 = arith.constant 0 : i32
          %dma_wait3A_259 = tpu.memref_slice %arg4[%dma_wait3A_257, %dma_wait3A_258] : memref<5120x64xi32, #tpu.memory_space<hbm>> -> memref<16x64xi32, #tpu.memory_space<hbm>>
          %dma_wait3A_260 = arith.constant 0 : i32
          %dma_wait3A_261 = arith.constant 0 : i32
          %dma_wait3A_262 = tpu.memref_slice %arg9[%dma_wait3A_252, %dma_wait3A_260, %dma_wait3A_261] : memref<2x16x64xi32, #tpu.memory_space<vmem>> -> memref<1x16x64xi32, #tpu.memory_space<vmem>>
          %dma_wait3A_263 = tpu.memref_squeeze %dma_wait3A_262 : memref<1x16x64xi32, #tpu.memory_space<vmem>> -> memref<16x64xi32, #tpu.memory_space<vmem>>
          %dma_wait3A_264 = arith.constant 0 : i32
          %dma_wait3A_265 = arith.constant 0 : i32
          %dma_wait3A_266 = tpu.memref_slice %arg4[%dma_wait3A_264, %dma_wait3A_265] : memref<5120x64xi32, #tpu.memory_space<hbm>> -> memref<16x64xi32, #tpu.memory_space<hbm>>
          tpu.wait_dma2 semaphore(%arg15 : memref<!tpu.dma_semaphore, #tpu.memory_space<semaphore_mem>>) src(%dma_wait3A_266 : memref<16x64xi32, #tpu.memory_space<hbm>>) dst(%dma_wait3A_263 : memref<16x64xi32, #tpu.memory_space<vmem>>)
          %dma_wait3A_267 = arith.constant 0 : i32
          %dma_wait3A_268 = arith.constant 0 : i32
          %dma_wait3A_269 = arith.constant 0 : i32
          %dma_wait3A_270 = tpu.memref_slice %arg10[%dma_wait3A_267, %dma_wait3A_268, %dma_wait3A_269] : memref<2x16x64xi32, #tpu.memory_space<vmem>> -> memref<1x16x64xi32, #tpu.memory_space<vmem>>
          %dma_wait3A_271 = tpu.memref_squeeze %dma_wait3A_270 : memref<1x16x64xi32, #tpu.memory_space<vmem>> -> memref<16x64xi32, #tpu.memory_space<vmem>>
          %dma_wait3A_272 = arith.constant 0 : i32
          %dma_wait3A_273 = arith.constant 0 : i32
          %dma_wait3A_274 = tpu.memref_slice %arg5[%dma_wait3A_272, %dma_wait3A_273] : memref<5120x64xi32, #tpu.memory_space<hbm>> -> memref<16x64xi32, #tpu.memory_space<hbm>>
          %dma_wait3A_275 = arith.constant 0 : i32
          %dma_wait3A_276 = arith.constant 0 : i32
          %dma_wait3A_277 = tpu.memref_slice %arg10[%dma_wait3A_267, %dma_wait3A_275, %dma_wait3A_276] : memref<2x16x64xi32, #tpu.memory_space<vmem>> -> memref<1x16x64xi32, #tpu.memory_space<vmem>>
          %dma_wait3A_278 = tpu.memref_squeeze %dma_wait3A_277 : memref<1x16x64xi32, #tpu.memory_space<vmem>> -> memref<16x64xi32, #tpu.memory_space<vmem>>
          %dma_wait3A_279 = arith.constant 0 : i32
          %dma_wait3A_280 = arith.constant 0 : i32
          %dma_wait3A_281 = tpu.memref_slice %arg5[%dma_wait3A_279, %dma_wait3A_280] : memref<5120x64xi32, #tpu.memory_space<hbm>> -> memref<16x64xi32, #tpu.memory_space<hbm>>
          tpu.wait_dma2 semaphore(%arg15 : memref<!tpu.dma_semaphore, #tpu.memory_space<semaphore_mem>>) src(%dma_wait3A_281 : memref<16x64xi32, #tpu.memory_space<hbm>>) dst(%dma_wait3A_278 : memref<16x64xi32, #tpu.memory_space<vmem>>)
        } else {
        }
        %add3A_243 = arith.constant 5 : i32
        %add3A_244 = arith.addi %scan3A_169, %add3A_243 : i32
        %sub3A_245 = arith.constant 1 : i32
        %sub3A_246 = arith.subi %add3A_244, %sub3A_245 : i32
        %lt3A_247 = arith.constant 320 : i32
        %lt3A_248 = arith.cmpi slt, %sub3A_246, %lt3A_247 : i32
        %convert_element_type3A_249 = arith.extui %lt3A_248 : i1 to i32
        %cond3A_250 = arith.constant 0 : i32
        %cond3A_251 = arith.cmpi ne, %convert_element_type3A_249, %cond3A_250 : i32
        scf.if %cond3A_251 {
          %add3A_252 = arith.constant 5 : i32
          %add3A_253 = arith.addi %scan3A_169, %add3A_252 : i32
          %sub3A_254 = arith.constant 1 : i32
          %sub3A_255 = arith.subi %add3A_253, %sub3A_254 : i32
          %jit3A_256 = arith.constant 16 : i32
          %div3A_257 = arith.divsi %sub3A_255, %jit3A_256 : i32
          %sign3A_258 = arith.constant 0 : i32
          %sign3A_259 = arith.cmpi sgt, %sub3A_255, %sign3A_258 : i32
          %sign3A_260 = arith.extui %sign3A_259 : i1 to i32
          %sign3A_261 = arith.constant 0 : i32
          %sign3A_262 = arith.cmpi slt, %sub3A_255, %sign3A_261 : i32
          %sign3A_263 = arith.extui %sign3A_262 : i1 to i32
          %sign3A_264 = arith.subi %sign3A_260, %sign3A_263 : i32
          %sign3A_265 = arith.constant 0 : i32
          %sign3A_266 = arith.cmpi sgt, %jit3A_256, %sign3A_265 : i32
          %sign3A_267 = arith.extui %sign3A_266 : i1 to i32
          %sign3A_268 = arith.constant 0 : i32
          %sign3A_269 = arith.cmpi slt, %jit3A_256, %sign3A_268 : i32
          %sign3A_270 = arith.extui %sign3A_269 : i1 to i32
          %sign3A_271 = arith.subi %sign3A_267, %sign3A_270 : i32
          %ne3A_272 = arith.cmpi ne, %sign3A_264, %sign3A_271 : i32
          %rem3A_273 = arith.remsi %sub3A_255, %jit3A_256 : i32
          %ne3A_274 = arith.constant 0 : i32
          %ne3A_275 = arith.cmpi ne, %rem3A_273, %ne3A_274 : i32
          %and3A_276 = arith.andi %ne3A_272, %ne3A_275 : i1
          %sub3A_277 = arith.constant 1 : i32
          %sub3A_278 = arith.subi %div3A_257, %sub3A_277 : i32
          %select_n3A_279 = arith.select %and3A_276, %sub3A_278, %div3A_257 : i32
          %rem3A_280 = arith.constant 2 : i32
          %rem3A_281 = arith.remsi %select_n3A_279, %rem3A_280 : i32
          %rem3A_282 = arith.constant 16 : i32
          %rem3A_283 = arith.remsi %sub3A_255, %rem3A_282 : i32
          %rem3A_284 = arith.constant 5 : i32
          %rem3A_285 = arith.remsi %sub3A_255, %rem3A_284 : i32
          %dma_start3A_286 = arith.constant 0 : i32
          %dma_start3A_287 = arith.constant 0 : i32
          %dma_start3A_288 = tpu.memref_slice %arg11[%rem3A_285, %dma_start3A_286, %dma_start3A_287] : memref<5x64x128xf32, #tpu.memory_space<vmem>> -> memref<1x64x128xf32, #tpu.memory_space<vmem>>
          %dma_start3A_289 = tpu.memref_squeeze %dma_start3A_288 : memref<1x64x128xf32, #tpu.memory_space<vmem>> -> memref<64x128xf32, #tpu.memory_space<vmem>>
          %dma_start3A_290 = arith.constant 0 : i32
          %dma_start3A_291 = tpu.memref_slice %arg9[%rem3A_281, %rem3A_283, %dma_start3A_290] : memref<2x16x64xi32, #tpu.memory_space<vmem>> -> memref<1x1x64xi32, #tpu.memory_space<vmem>>
          %dma_start3A_292 = tpu.memref_squeeze %dma_start3A_291 : memref<1x1x64xi32, #tpu.memory_space<vmem>> -> memref<64xi32, #tpu.memory_space<vmem>>
          %dma_start3A_293 = arith.constant 0 : i32
          %dma_start3A_294 = arith.constant 0 : i32
          %dma_start3A_295 = tpu.memref_slice %arg3[%dma_start3A_293, %dma_start3A_294] : memref<10000x128xf32, #tpu.memory_space<hbm>> -> memref<10000x128xf32, #tpu.memory_space<hbm>>
          tpu.enqueue_indirect_dma source(%dma_start3A_295 : memref<10000x128xf32, #tpu.memory_space<hbm>>) target(%dma_start3A_289 : memref<64x128xf32, #tpu.memory_space<vmem>>) offsets(%dma_start3A_292 : memref<64xi32, #tpu.memory_space<vmem>>) semaphore(%arg13 : memref<!tpu.dma_semaphore, #tpu.memory_space<semaphore_mem>>)
        } else {
        }
      }
      %scan3A_155 = arith.constant 320 : i32
      %dma_wait3A_156 = arith.constant 0 : i32
      %dma_wait3A_157 = arith.constant 0 : i32
      %dma_wait3A_158 = arith.constant 0 : i32
      %dma_wait3A_159 = arith.constant 0 : i32
      %dma_wait3A_160 = arith.constant 0 : i32
      %dma_wait3A_161 = tpu.memref_slice %arg11[%dma_wait3A_156, %dma_wait3A_159, %dma_wait3A_160] : memref<5x64x128xf32, #tpu.memory_space<vmem>> -> memref<1x64x128xf32, #tpu.memory_space<vmem>>
      %dma_wait3A_162 = tpu.memref_squeeze %dma_wait3A_161 : memref<1x64x128xf32, #tpu.memory_space<vmem>> -> memref<64x128xf32, #tpu.memory_space<vmem>>
      %dma_wait3A_163 = arith.constant 0 : i32
      %dma_wait3A_164 = tpu.memref_slice %arg10[%dma_wait3A_157, %dma_wait3A_158, %dma_wait3A_163] : memref<2x16x64xi32, #tpu.memory_space<vmem>> -> memref<1x1x64xi32, #tpu.memory_space<vmem>>
      %dma_wait3A_165 = tpu.memref_squeeze %dma_wait3A_164 : memref<1x1x64xi32, #tpu.memory_space<vmem>> -> memref<64xi32, #tpu.memory_space<vmem>>
      %dma_wait3A_166 = arith.constant 0 : i32
      %dma_wait3A_167 = arith.constant 0 : i32
      %dma_wait3A_168 = tpu.memref_slice %arg12[%dma_wait3A_166, %dma_wait3A_167] : memref<10240x128xf32, #tpu.memory_space<vmem_shared>> -> memref<10240x128xf32, #tpu.memory_space<vmem_shared>>
      tpu.wait_indirect_dma semaphore(%arg14 : memref<!tpu.dma_semaphore, #tpu.memory_space<semaphore_mem>>) src(%dma_wait3A_162 : memref<64x128xf32, #tpu.memory_space<vmem>>) dst(%dma_wait3A_168 : memref<10240x128xf32, #tpu.memory_space<vmem_shared>>)
    } else {
    }
    %barrier3A_65 = arith.constant 0 : index
    tpu.barrier barrier_id(%barrier3A_65)
    %eq3A_66 = arith.constant 0 : i32
    %eq3A_67 = arith.cmpi eq, %arg0, %eq3A_66 : i32
    %convert_element_type3A_68 = arith.extui %eq3A_67 : i1 to i32
    %cond3A_69 = arith.constant 0 : i32
    %cond3A_70 = arith.cmpi ne, %convert_element_type3A_68, %cond3A_69 : i32
    scf.if %cond3A_70 {
      "tpu.region"() ({
        %run_scoped3A = tpu.sem_alloc : memref<!tpu.dma_semaphore, #tpu.memory_space<semaphore_mem>>
        %dma_start3A_76 = arith.constant 0 : i32
        %dma_start3A_77 = tpu.memref_slice %arg7[%mul3A_0, %dma_start3A_76] : memref<10240x128xf32, #tpu.memory_space<hbm>> -> memref<640x128xf32, #tpu.memory_space<hbm>>
        %dma_start3A_78 = arith.constant 0 : i32
        %dma_start3A_79 = tpu.memref_slice %arg12[%mul3A_0, %dma_start3A_78] : memref<10240x128xf32, #tpu.memory_space<vmem_shared>> -> memref<640x128xf32, #tpu.memory_space<vmem_shared>>
        tpu.enqueue_dma source(%dma_start3A_79 : memref<640x128xf32, #tpu.memory_space<vmem_shared>>) target(%dma_start3A_77 : memref<640x128xf32, #tpu.memory_space<hbm>>) target_semaphore(%run_scoped3A : memref<!tpu.dma_semaphore, #tpu.memory_space<semaphore_mem>>)
        %dma_wait3A_80 = arith.constant 0 : i32
        %dma_wait3A_81 = tpu.memref_slice %arg7[%mul3A_0, %dma_wait3A_80] : memref<10240x128xf32, #tpu.memory_space<hbm>> -> memref<640x128xf32, #tpu.memory_space<hbm>>
        %dma_wait3A_82 = arith.constant 0 : i32
        %dma_wait3A_83 = tpu.memref_slice %arg12[%mul3A_0, %dma_wait3A_82] : memref<10240x128xf32, #tpu.memory_space<vmem_shared>> -> memref<640x128xf32, #tpu.memory_space<vmem_shared>>
        tpu.wait_dma2 semaphore(%run_scoped3A : memref<!tpu.dma_semaphore, #tpu.memory_space<semaphore_mem>>) src(%dma_wait3A_83 : memref<640x128xf32, #tpu.memory_space<vmem_shared>>) dst(%dma_wait3A_81 : memref<640x128xf32, #tpu.memory_space<hbm>>)
        tpu.yield
      }) : () -> ()
    } else {
    }
    %eq3A_71 = arith.constant 1 : i32
    %eq3A_72 = arith.cmpi eq, %arg0, %eq3A_71 : i32
    %convert_element_type3A_73 = arith.extui %eq3A_72 : i1 to i32
    %cond3A_74 = arith.constant 0 : i32
    %cond3A_75 = arith.cmpi ne, %convert_element_type3A_73, %cond3A_74 : i32
    scf.if %cond3A_75 {
      "tpu.region"() ({
        %run_scoped3A = tpu.sem_alloc : memref<!tpu.dma_semaphore, #tpu.memory_space<semaphore_mem>>
        %dma_start3A_76 = arith.constant 0 : i32
        %dma_start3A_77 = tpu.memref_slice %arg8[%mul3A_0, %dma_start3A_76] : memref<10240x128xf32, #tpu.memory_space<hbm>> -> memref<640x128xf32, #tpu.memory_space<hbm>>
        %dma_start3A_78 = arith.constant 0 : i32
        %dma_start3A_79 = tpu.memref_slice %arg12[%mul3A_0, %dma_start3A_78] : memref<10240x128xf32, #tpu.memory_space<vmem_shared>> -> memref<640x128xf32, #tpu.memory_space<vmem_shared>>
        tpu.enqueue_dma source(%dma_start3A_79 : memref<640x128xf32, #tpu.memory_space<vmem_shared>>) target(%dma_start3A_77 : memref<640x128xf32, #tpu.memory_space<hbm>>) target_semaphore(%run_scoped3A : memref<!tpu.dma_semaphore, #tpu.memory_space<semaphore_mem>>)
        %dma_wait3A_80 = arith.constant 0 : i32
        %dma_wait3A_81 = tpu.memref_slice %arg8[%mul3A_0, %dma_wait3A_80] : memref<10240x128xf32, #tpu.memory_space<hbm>> -> memref<640x128xf32, #tpu.memory_space<hbm>>
        %dma_wait3A_82 = arith.constant 0 : i32
        %dma_wait3A_83 = tpu.memref_slice %arg12[%mul3A_0, %dma_wait3A_82] : memref<10240x128xf32, #tpu.memory_space<vmem_shared>> -> memref<640x128xf32, #tpu.memory_space<vmem_shared>>
        tpu.wait_dma2 semaphore(%run_scoped3A : memref<!tpu.dma_semaphore, #tpu.memory_space<semaphore_mem>>) src(%dma_wait3A_83 : memref<640x128xf32, #tpu.memory_space<vmem_shared>>) dst(%dma_wait3A_81 : memref<640x128xf32, #tpu.memory_space<hbm>>)
        tpu.yield
      }) : () -> ()
    } else {
    }
    return
  }
}

module attributes {stable_mosaic.version = 14 : i64} {
  func.func @body(%arg0: i32, %arg1: memref<400x128xf32, #tpu.memory_space<vmem>>, %arg2: memref<400x128xf32, #tpu.memory_space<vmem>>, %arg3: memref<400x128xf32, #tpu.memory_space<vmem>>, %arg4: memref<128x256xf32, #tpu.memory_space<vmem>>, %arg5: memref<128x256xf32, #tpu.memory_space<vmem>>, %arg6: memref<128x256xf32, #tpu.memory_space<vmem>>, %arg7: memref<1x256xf32, #tpu.memory_space<vmem>>, %arg8: memref<400x128xf32, #tpu.memory_space<vmem>>, %arg9: memref<400x128xf32, #tpu.memory_space<vmem>>) attributes {dimension_semantics = [#tpu.dimension_semantics<arbitrary>], iteration_bounds = array<i64: 25>, scalar_prefetch = 0 : i64, scratch_operands = 0 : i64, tpu.core_type = #tpu.core_type<tc>, window_params = [{transform_indices = @transform_0, window_bounds = array<i64: 400, 128>}, {transform_indices = @transform_1, window_bounds = array<i64: 400, 128>}, {transform_indices = @transform_2, window_bounds = array<i64: 400, 128>}, {pipeline_mode = #tpu.pipeline_mode<synchronous>, transform_indices = @transform_3, window_bounds = array<i64: 128, 256>}, {pipeline_mode = #tpu.pipeline_mode<synchronous>, transform_indices = @transform_4, window_bounds = array<i64: 128, 256>}, {pipeline_mode = #tpu.pipeline_mode<synchronous>, transform_indices = @transform_5, window_bounds = array<i64: 128, 256>}, {pipeline_mode = #tpu.pipeline_mode<synchronous>, transform_indices = @transform_6, window_bounds = array<i64: 1, 256>}, {transform_indices = @transform_7, window_bounds = array<i64: 400, 128>}, {transform_indices = @transform_8, window_bounds = array<i64: 400, 128>}]} {
    %get3A = arith.constant 0 : index
    %get3A_0 = arith.constant 0 : index
    %get3A_1 = vector.load %arg1[%get3A, %get3A_0] : memref<400x128xf32, #tpu.memory_space<vmem>>, vector<400x128xf32>
    %get3A_2 = arith.constant 0 : index
    %get3A_3 = arith.constant 0 : index
    %get3A_4 = vector.load %arg4[%get3A_2, %get3A_3] : memref<128x256xf32, #tpu.memory_space<vmem>>, vector<128x256xf32>
    %dot_general3A = arith.constant dense<0.000000e+00> : vector<400x256xf32>
    %dot_general3A_5 = tpu.matmul %get3A_1, %get3A_4, %dot_general3A {dimension_numbers = #tpu.dot_dimension_numbers<[1], [0], [0], [1], [0, 0, 1, 1], [], []>, transpose_lhs_hint = false} : vector<400x128xf32>, vector<128x256xf32>, vector<400x256xf32> -> vector<400x256xf32>
    %get3A_6 = arith.constant 0 : index
    %get3A_7 = arith.constant 0 : index
    %get3A_8 = vector.load %arg2[%get3A_6, %get3A_7] : memref<400x128xf32, #tpu.memory_space<vmem>>, vector<400x128xf32>
    %get3A_9 = arith.constant 0 : index
    %get3A_10 = arith.constant 0 : index
    %get3A_11 = vector.load %arg5[%get3A_9, %get3A_10] : memref<128x256xf32, #tpu.memory_space<vmem>>, vector<128x256xf32>
    %dot_general3A_12 = arith.constant dense<0.000000e+00> : vector<400x256xf32>
    %dot_general3A_13 = tpu.matmul %get3A_8, %get3A_11, %dot_general3A_12 {dimension_numbers = #tpu.dot_dimension_numbers<[1], [0], [0], [1], [0, 0, 1, 1], [], []>, transpose_lhs_hint = false} : vector<400x128xf32>, vector<128x256xf32>, vector<400x256xf32> -> vector<400x256xf32>
    %get3A_14 = arith.constant 0 : index
    %get3A_15 = arith.constant 0 : index
    %get3A_16 = vector.load %arg3[%get3A_14, %get3A_15] : memref<400x128xf32, #tpu.memory_space<vmem>>, vector<400x128xf32>
    %get3A_17 = arith.constant 0 : index
    %get3A_18 = arith.constant 0 : index
    %get3A_19 = vector.load %arg6[%get3A_17, %get3A_18] : memref<128x256xf32, #tpu.memory_space<vmem>>, vector<128x256xf32>
    %dot_general3A_20 = arith.constant dense<0.000000e+00> : vector<400x256xf32>
    %dot_general3A_21 = tpu.matmul %get3A_16, %get3A_19, %dot_general3A_20 {dimension_numbers = #tpu.dot_dimension_numbers<[1], [0], [0], [1], [0, 0, 1, 1], [], []>, transpose_lhs_hint = false} : vector<400x128xf32>, vector<128x256xf32>, vector<400x256xf32> -> vector<400x256xf32>
    %add3A = arith.addf %dot_general3A_13, %dot_general3A_21 : vector<400x256xf32>
    %get3A_22 = arith.constant 0 : index
    %get3A_23 = arith.constant 0 : index
    %get3A_24 = vector.load %arg2[%get3A_22, %get3A_23] : memref<400x128xf32, #tpu.memory_space<vmem>>, vector<400x128xf32>
    %slice3A = vector.extract_strided_slice %get3A_24 {offsets = [0, 64], sizes = [400, 1], strides = [1, 1]} : vector<400x128xf32> to vector<400x1xf32>
    %max3A = arith.constant 1.000000e+00 : f32
    %max3A_25 = vector.broadcast %max3A : f32 to vector<400x1xf32>
    %max3A_26 = arith.maximumf %slice3A, %max3A_25 : vector<400x1xf32>
    %div3A = vector.broadcast %max3A_26 : vector<400x1xf32> to vector<400x256xf32>
    %div3A_27 = arith.divf %add3A, %div3A : vector<400x256xf32>
    %add3A_28 = arith.addf %dot_general3A_5, %div3A_27 : vector<400x256xf32>
    %get3A_29 = arith.constant 0 : index
    %get3A_30 = arith.constant 0 : index
    %get3A_31 = vector.load %arg7[%get3A_29, %get3A_30] : memref<1x256xf32, #tpu.memory_space<vmem>>, vector<1x256xf32>
    %add3A_32 = vector.broadcast %get3A_31 : vector<1x256xf32> to vector<400x256xf32>
    %add3A_33 = arith.addf %add3A_28, %add3A_32 : vector<400x256xf32>
    %max3A_34 = arith.constant 0.000000e+00 : f32
    %max3A_35 = vector.broadcast %max3A_34 : f32 to vector<400x256xf32>
    %max3A_36 = arith.maximumf %add3A_33, %max3A_35 : vector<400x256xf32>
    %slice3A_37 = vector.extract_strided_slice %max3A_36 {offsets = [0, 0], sizes = [400, 128], strides = [1, 1]} : vector<400x256xf32> to vector<400x128xf32>
    %swap3A = arith.constant 0 : index
    %swap3A_38 = arith.constant 0 : index
    %swap3A_39 = vector.load %arg8[%swap3A, %swap3A_38] : memref<400x128xf32, #tpu.memory_space<vmem>>, vector<400x128xf32>
    tpu.vector_store %arg8[%swap3A, %swap3A_38], %slice3A_37 {strides = array<i32>} : memref<400x128xf32, #tpu.memory_space<vmem>>, vector<400x128xf32>,
    %slice3A_40 = vector.extract_strided_slice %max3A_36 {offsets = [0, 128], sizes = [400, 128], strides = [1, 1]} : vector<400x256xf32> to vector<400x128xf32>
    %swap3A_41 = arith.constant 0 : index
    %swap3A_42 = arith.constant 0 : index
    %swap3A_43 = vector.load %arg9[%swap3A_41, %swap3A_42] : memref<400x128xf32, #tpu.memory_space<vmem>>, vector<400x128xf32>
    tpu.vector_store %arg9[%swap3A_41, %swap3A_42], %slice3A_40 {strides = array<i32>} : memref<400x128xf32, #tpu.memory_space<vmem>>, vector<400x128xf32>,
    return
  }
  func.func @transform_0(%arg0: i32) -> (i32, i32) {
    %c0_i32 = arith.constant 0 : i32
    %c0_i32_0 = arith.constant 0 : i32
    return %arg0, %c0_i32 : i32, i32
  }
  func.func @transform_1(%arg0: i32) -> (i32, i32) {
    %c0_i32 = arith.constant 0 : i32
    %c0_i32_0 = arith.constant 0 : i32
    return %arg0, %c0_i32 : i32, i32
  }
  func.func @transform_2(%arg0: i32) -> (i32, i32) {
    %c0_i32 = arith.constant 0 : i32
    %c0_i32_0 = arith.constant 0 : i32
    return %arg0, %c0_i32 : i32, i32
  }
  func.func @transform_3(%arg0: i32) -> (i32, i32) {
    %c0_i32 = arith.constant 0 : i32
    %c0_i32_0 = arith.constant 0 : i32
    %c0_i32_1 = arith.constant 0 : i32
    return %c0_i32, %c0_i32_0 : i32, i32
  }
  func.func @transform_4(%arg0: i32) -> (i32, i32) {
    %c0_i32 = arith.constant 0 : i32
    %c0_i32_0 = arith.constant 0 : i32
    %c0_i32_1 = arith.constant 0 : i32
    return %c0_i32, %c0_i32_0 : i32, i32
  }
  func.func @transform_5(%arg0: i32) -> (i32, i32) {
    %c0_i32 = arith.constant 0 : i32
    %c0_i32_0 = arith.constant 0 : i32
    %c0_i32_1 = arith.constant 0 : i32
    return %c0_i32, %c0_i32_0 : i32, i32
  }
  func.func @transform_6(%arg0: i32) -> (i32, i32) {
    %c0_i32 = arith.constant 0 : i32
    %c0_i32_0 = arith.constant 0 : i32
    %c0_i32_1 = arith.constant 0 : i32
    return %c0_i32, %c0_i32_0 : i32, i32
  }
  func.func @transform_7(%arg0: i32) -> (i32, i32) {
    %c0_i32 = arith.constant 0 : i32
    %c0_i32_0 = arith.constant 0 : i32
    return %arg0, %c0_i32 : i32, i32
  }
  func.func @transform_8(%arg0: i32) -> (i32, i32) {
    %c0_i32 = arith.constant 0 : i32
    %c0_i32_0 = arith.constant 0 : i32
    return %arg0, %c0_i32 : i32, i32
  }
}

module attributes {stable_mosaic.version = 14 : i64} {
  func.func @body(%arg0: i32, %arg1: memref<400x128xf32, #tpu.memory_space<vmem>>, %arg2: memref<400x128xf32, #tpu.memory_space<vmem>>, %arg3: memref<400x128xf32, #tpu.memory_space<vmem>>, %arg4: memref<400x128xf32, #tpu.memory_space<vmem>>, %arg5: memref<400x128xf32, #tpu.memory_space<vmem>>, %arg6: memref<128x256xf32, #tpu.memory_space<vmem>>, %arg7: memref<128x256xf32, #tpu.memory_space<vmem>>, %arg8: memref<128x256xf32, #tpu.memory_space<vmem>>, %arg9: memref<128x256xf32, #tpu.memory_space<vmem>>, %arg10: memref<1x256xf32, #tpu.memory_space<vmem>>, %arg11: memref<400x128xf32, #tpu.memory_space<vmem>>, %arg12: memref<400x128xf32, #tpu.memory_space<vmem>>) attributes {dimension_semantics = [#tpu.dimension_semantics<arbitrary>], iteration_bounds = array<i64: 25>, scalar_prefetch = 0 : i64, scratch_operands = 0 : i64, tpu.core_type = #tpu.core_type<tc>, window_params = [{transform_indices = @transform_0, window_bounds = array<i64: 400, 128>}, {transform_indices = @transform_1, window_bounds = array<i64: 400, 128>}, {transform_indices = @transform_2, window_bounds = array<i64: 400, 128>}, {transform_indices = @transform_3, window_bounds = array<i64: 400, 128>}, {transform_indices = @transform_4, window_bounds = array<i64: 400, 128>}, {pipeline_mode = #tpu.pipeline_mode<synchronous>, transform_indices = @transform_5, window_bounds = array<i64: 128, 256>}, {pipeline_mode = #tpu.pipeline_mode<synchronous>, transform_indices = @transform_6, window_bounds = array<i64: 128, 256>}, {pipeline_mode = #tpu.pipeline_mode<synchronous>, transform_indices = @transform_7, window_bounds = array<i64: 128, 256>}, {pipeline_mode = #tpu.pipeline_mode<synchronous>, transform_indices = @transform_8, window_bounds = array<i64: 128, 256>}, {pipeline_mode = #tpu.pipeline_mode<synchronous>, transform_indices = @transform_9, window_bounds = array<i64: 1, 256>}, {transform_indices = @transform_10, window_bounds = array<i64: 400, 128>}, {transform_indices = @transform_11, window_bounds = array<i64: 400, 128>}]} {
    %get3A = arith.constant 0 : index
    %get3A_0 = arith.constant 0 : index
    %get3A_1 = vector.load %arg1[%get3A, %get3A_0] : memref<400x128xf32, #tpu.memory_space<vmem>>, vector<400x128xf32>
    %get3A_2 = arith.constant 0 : index
    %get3A_3 = arith.constant 0 : index
    %get3A_4 = vector.load %arg6[%get3A_2, %get3A_3] : memref<128x256xf32, #tpu.memory_space<vmem>>, vector<128x256xf32>
    %dot_general3A = arith.constant dense<0.000000e+00> : vector<400x256xf32>
    %dot_general3A_5 = tpu.matmul %get3A_1, %get3A_4, %dot_general3A {dimension_numbers = #tpu.dot_dimension_numbers<[1], [0], [0], [1], [0, 0, 1, 1], [], []>, transpose_lhs_hint = false} : vector<400x128xf32>, vector<128x256xf32>, vector<400x256xf32> -> vector<400x256xf32>
    %get3A_6 = arith.constant 0 : index
    %get3A_7 = arith.constant 0 : index
    %get3A_8 = vector.load %arg2[%get3A_6, %get3A_7] : memref<400x128xf32, #tpu.memory_space<vmem>>, vector<400x128xf32>
    %get3A_9 = arith.constant 0 : index
    %get3A_10 = arith.constant 0 : index
    %get3A_11 = vector.load %arg7[%get3A_9, %get3A_10] : memref<128x256xf32, #tpu.memory_space<vmem>>, vector<128x256xf32>
    %dot_general3A_12 = arith.constant dense<0.000000e+00> : vector<400x256xf32>
    %dot_general3A_13 = tpu.matmul %get3A_8, %get3A_11, %dot_general3A_12 {dimension_numbers = #tpu.dot_dimension_numbers<[1], [0], [0], [1], [0, 0, 1, 1], [], []>, transpose_lhs_hint = false} : vector<400x128xf32>, vector<128x256xf32>, vector<400x256xf32> -> vector<400x256xf32>
    %add3A = arith.addf %dot_general3A_5, %dot_general3A_13 : vector<400x256xf32>
    %get3A_14 = arith.constant 0 : index
    %get3A_15 = arith.constant 0 : index
    %get3A_16 = vector.load %arg3[%get3A_14, %get3A_15] : memref<400x128xf32, #tpu.memory_space<vmem>>, vector<400x128xf32>
    %get3A_17 = arith.constant 0 : index
    %get3A_18 = arith.constant 0 : index
    %get3A_19 = vector.load %arg8[%get3A_17, %get3A_18] : memref<128x256xf32, #tpu.memory_space<vmem>>, vector<128x256xf32>
    %dot_general3A_20 = arith.constant dense<0.000000e+00> : vector<400x256xf32>
    %dot_general3A_21 = tpu.matmul %get3A_16, %get3A_19, %dot_general3A_20 {dimension_numbers = #tpu.dot_dimension_numbers<[1], [0], [0], [1], [0, 0, 1, 1], [], []>, transpose_lhs_hint = false} : vector<400x128xf32>, vector<128x256xf32>, vector<400x256xf32> -> vector<400x256xf32>
    %get3A_22 = arith.constant 0 : index
    %get3A_23 = arith.constant 0 : index
    %get3A_24 = vector.load %arg4[%get3A_22, %get3A_23] : memref<400x128xf32, #tpu.memory_space<vmem>>, vector<400x128xf32>
    %get3A_25 = arith.constant 0 : index
    %get3A_26 = arith.constant 0 : index
    %get3A_27 = vector.load %arg9[%get3A_25, %get3A_26] : memref<128x256xf32, #tpu.memory_space<vmem>>, vector<128x256xf32>
    %dot_general3A_28 = arith.constant dense<0.000000e+00> : vector<400x256xf32>
    %dot_general3A_29 = tpu.matmul %get3A_24, %get3A_27, %dot_general3A_28 {dimension_numbers = #tpu.dot_dimension_numbers<[1], [0], [0], [1], [0, 0, 1, 1], [], []>, transpose_lhs_hint = false} : vector<400x128xf32>, vector<128x256xf32>, vector<400x256xf32> -> vector<400x256xf32>
    %add3A_30 = arith.addf %dot_general3A_21, %dot_general3A_29 : vector<400x256xf32>
    %get3A_31 = arith.constant 0 : index
    %get3A_32 = arith.constant 0 : index
    %get3A_33 = vector.load %arg5[%get3A_31, %get3A_32] : memref<400x128xf32, #tpu.memory_space<vmem>>, vector<400x128xf32>
    %slice3A = vector.extract_strided_slice %get3A_33 {offsets = [0, 64], sizes = [400, 1], strides = [1, 1]} : vector<400x128xf32> to vector<400x1xf32>
    %max3A = arith.constant 1.000000e+00 : f32
    %max3A_34 = vector.broadcast %max3A : f32 to vector<400x1xf32>
    %max3A_35 = arith.maximumf %slice3A, %max3A_34 : vector<400x1xf32>
    %div3A = vector.broadcast %max3A_35 : vector<400x1xf32> to vector<400x256xf32>
    %div3A_36 = arith.divf %add3A_30, %div3A : vector<400x256xf32>
    %add3A_37 = arith.addf %add3A, %div3A_36 : vector<400x256xf32>
    %get3A_38 = arith.constant 0 : index
    %get3A_39 = arith.constant 0 : index
    %get3A_40 = vector.load %arg10[%get3A_38, %get3A_39] : memref<1x256xf32, #tpu.memory_space<vmem>>, vector<1x256xf32>
    %add3A_41 = vector.broadcast %get3A_40 : vector<1x256xf32> to vector<400x256xf32>
    %add3A_42 = arith.addf %add3A_37, %add3A_41 : vector<400x256xf32>
    %max3A_43 = arith.constant 0.000000e+00 : f32
    %max3A_44 = vector.broadcast %max3A_43 : f32 to vector<400x256xf32>
    %max3A_45 = arith.maximumf %add3A_42, %max3A_44 : vector<400x256xf32>
    %slice3A_46 = vector.extract_strided_slice %max3A_45 {offsets = [0, 0], sizes = [400, 128], strides = [1, 1]} : vector<400x256xf32> to vector<400x128xf32>
    %swap3A = arith.constant 0 : index
    %swap3A_47 = arith.constant 0 : index
    %swap3A_48 = vector.load %arg11[%swap3A, %swap3A_47] : memref<400x128xf32, #tpu.memory_space<vmem>>, vector<400x128xf32>
    tpu.vector_store %arg11[%swap3A, %swap3A_47], %slice3A_46 {strides = array<i32>} : memref<400x128xf32, #tpu.memory_space<vmem>>, vector<400x128xf32>,
    %slice3A_49 = vector.extract_strided_slice %max3A_45 {offsets = [0, 128], sizes = [400, 128], strides = [1, 1]} : vector<400x256xf32> to vector<400x128xf32>
    %swap3A_50 = arith.constant 0 : index
    %swap3A_51 = arith.constant 0 : index
    %swap3A_52 = vector.load %arg12[%swap3A_50, %swap3A_51] : memref<400x128xf32, #tpu.memory_space<vmem>>, vector<400x128xf32>
    tpu.vector_store %arg12[%swap3A_50, %swap3A_51], %slice3A_49 {strides = array<i32>} : memref<400x128xf32, #tpu.memory_space<vmem>>, vector<400x128xf32>,
    return
  }
  func.func @transform_0(%arg0: i32) -> (i32, i32) {
    %c0_i32 = arith.constant 0 : i32
    %c0_i32_0 = arith.constant 0 : i32
    return %arg0, %c0_i32 : i32, i32
  }
  func.func @transform_1(%arg0: i32) -> (i32, i32) {
    %c0_i32 = arith.constant 0 : i32
    %c0_i32_0 = arith.constant 0 : i32
    return %arg0, %c0_i32 : i32, i32
  }
  func.func @transform_2(%arg0: i32) -> (i32, i32) {
    %c0_i32 = arith.constant 0 : i32
    %c0_i32_0 = arith.constant 0 : i32
    return %arg0, %c0_i32 : i32, i32
  }
  func.func @transform_3(%arg0: i32) -> (i32, i32) {
    %c0_i32 = arith.constant 0 : i32
    %c0_i32_0 = arith.constant 0 : i32
    return %arg0, %c0_i32 : i32, i32
  }
  func.func @transform_4(%arg0: i32) -> (i32, i32) {
    %c0_i32 = arith.constant 0 : i32
    %c0_i32_0 = arith.constant 0 : i32
    return %arg0, %c0_i32 : i32, i32
  }
  func.func @transform_5(%arg0: i32) -> (i32, i32) {
    %c0_i32 = arith.constant 0 : i32
    %c0_i32_0 = arith.constant 0 : i32
    %c0_i32_1 = arith.constant 0 : i32
    return %c0_i32, %c0_i32_0 : i32, i32
  }
  func.func @transform_6(%arg0: i32) -> (i32, i32) {
    %c0_i32 = arith.constant 0 : i32
    %c0_i32_0 = arith.constant 0 : i32
    %c0_i32_1 = arith.constant 0 : i32
    return %c0_i32, %c0_i32_0 : i32, i32
  }
  func.func @transform_7(%arg0: i32) -> (i32, i32) {
    %c0_i32 = arith.constant 0 : i32
    %c0_i32_0 = arith.constant 0 : i32
    %c0_i32_1 = arith.constant 0 : i32
    return %c0_i32, %c0_i32_0 : i32, i32
  }
  func.func @transform_8(%arg0: i32) -> (i32, i32) {
    %c0_i32 = arith.constant 0 : i32
    %c0_i32_0 = arith.constant 0 : i32
    %c0_i32_1 = arith.constant 0 : i32
    return %c0_i32, %c0_i32_0 : i32, i32
  }
  func.func @transform_9(%arg0: i32) -> (i32, i32) {
    %c0_i32 = arith.constant 0 : i32
    %c0_i32_0 = arith.constant 0 : i32
    %c0_i32_1 = arith.constant 0 : i32
    return %c0_i32, %c0_i32_0 : i32, i32
  }
  func.func @transform_10(%arg0: i32) -> (i32, i32) {
    %c0_i32 = arith.constant 0 : i32
    %c0_i32_0 = arith.constant 0 : i32
    return %arg0, %c0_i32 : i32, i32
  }
  func.func @transform_11(%arg0: i32) -> (i32, i32) {
    %c0_i32 = arith.constant 0 : i32
    %c0_i32_0 = arith.constant 0 : i32
    return %arg0, %c0_i32 : i32, i32
  }
}

module attributes {stable_mosaic.version = 14 : i64} {
  func.func @body(%arg0: i32, %arg1: memref<400x128xf32, #tpu.memory_space<vmem>>, %arg2: memref<400x128xf32, #tpu.memory_space<vmem>>, %arg3: memref<400x128xf32, #tpu.memory_space<vmem>>, %arg4: memref<400x128xf32, #tpu.memory_space<vmem>>, %arg5: memref<400x128xf32, #tpu.memory_space<vmem>>, %arg6: memref<128x256xf32, #tpu.memory_space<vmem>>, %arg7: memref<128x256xf32, #tpu.memory_space<vmem>>, %arg8: memref<128x256xf32, #tpu.memory_space<vmem>>, %arg9: memref<128x256xf32, #tpu.memory_space<vmem>>, %arg10: memref<1x256xf32, #tpu.memory_space<vmem>>, %arg11: memref<256x10xf32, #tpu.memory_space<vmem>>, %arg12: memref<1x10xf32, #tpu.memory_space<vmem>>, %arg13: memref<1x256xf32, #tpu.memory_space<vmem>>, %arg14: memref<1x10xf32, #tpu.memory_space<vmem>>) attributes {dimension_semantics = [#tpu.dimension_semantics<arbitrary>], iteration_bounds = array<i64: 25>, scalar_prefetch = 0 : i64, scratch_operands = 0 : i64, tpu.core_type = #tpu.core_type<tc>, window_params = [{transform_indices = @transform_0, window_bounds = array<i64: 400, 128>}, {transform_indices = @transform_1, window_bounds = array<i64: 400, 128>}, {transform_indices = @transform_2, window_bounds = array<i64: 400, 128>}, {transform_indices = @transform_3, window_bounds = array<i64: 400, 128>}, {transform_indices = @transform_4, window_bounds = array<i64: 400, 128>}, {pipeline_mode = #tpu.pipeline_mode<synchronous>, transform_indices = @transform_5, window_bounds = array<i64: 128, 256>}, {pipeline_mode = #tpu.pipeline_mode<synchronous>, transform_indices = @transform_6, window_bounds = array<i64: 128, 256>}, {pipeline_mode = #tpu.pipeline_mode<synchronous>, transform_indices = @transform_7, window_bounds = array<i64: 128, 256>}, {pipeline_mode = #tpu.pipeline_mode<synchronous>, transform_indices = @transform_8, window_bounds = array<i64: 128, 256>}, {pipeline_mode = #tpu.pipeline_mode<synchronous>, transform_indices = @transform_9, window_bounds = array<i64: 1, 256>}, {pipeline_mode = #tpu.pipeline_mode<synchronous>, transform_indices = @transform_10, window_bounds = array<i64: 256, 10>}, {pipeline_mode = #tpu.pipeline_mode<synchronous>, transform_indices = @transform_11, window_bounds = array<i64: 1, 10>}, {pipeline_mode = #tpu.pipeline_mode<synchronous>, transform_indices = @transform_12, window_bounds = array<i64: 1, 256>}, {pipeline_mode = #tpu.pipeline_mode<synchronous>, transform_indices = @transform_13, window_bounds = array<i64: 1, 10>}]} {
    %get3A = arith.constant 0 : index
    %get3A_0 = arith.constant 0 : index
    %get3A_1 = vector.load %arg1[%get3A, %get3A_0] : memref<400x128xf32, #tpu.memory_space<vmem>>, vector<400x128xf32>
    %get3A_2 = arith.constant 0 : index
    %get3A_3 = arith.constant 0 : index
    %get3A_4 = vector.load %arg6[%get3A_2, %get3A_3] : memref<128x256xf32, #tpu.memory_space<vmem>>, vector<128x256xf32>
    %dot_general3A = arith.constant dense<0.000000e+00> : vector<400x256xf32>
    %dot_general3A_5 = tpu.matmul %get3A_1, %get3A_4, %dot_general3A {dimension_numbers = #tpu.dot_dimension_numbers<[1], [0], [0], [1], [0, 0, 1, 1], [], []>, transpose_lhs_hint = false} : vector<400x128xf32>, vector<128x256xf32>, vector<400x256xf32> -> vector<400x256xf32>
    %get3A_6 = arith.constant 0 : index
    %get3A_7 = arith.constant 0 : index
    %get3A_8 = vector.load %arg2[%get3A_6, %get3A_7] : memref<400x128xf32, #tpu.memory_space<vmem>>, vector<400x128xf32>
    %get3A_9 = arith.constant 0 : index
    %get3A_10 = arith.constant 0 : index
    %get3A_11 = vector.load %arg7[%get3A_9, %get3A_10] : memref<128x256xf32, #tpu.memory_space<vmem>>, vector<128x256xf32>
    %dot_general3A_12 = arith.constant dense<0.000000e+00> : vector<400x256xf32>
    %dot_general3A_13 = tpu.matmul %get3A_8, %get3A_11, %dot_general3A_12 {dimension_numbers = #tpu.dot_dimension_numbers<[1], [0], [0], [1], [0, 0, 1, 1], [], []>, transpose_lhs_hint = false} : vector<400x128xf32>, vector<128x256xf32>, vector<400x256xf32> -> vector<400x256xf32>
    %add3A = arith.addf %dot_general3A_5, %dot_general3A_13 : vector<400x256xf32>
    %get3A_14 = arith.constant 0 : index
    %get3A_15 = arith.constant 0 : index
    %get3A_16 = vector.load %arg3[%get3A_14, %get3A_15] : memref<400x128xf32, #tpu.memory_space<vmem>>, vector<400x128xf32>
    %get3A_17 = arith.constant 0 : index
    %get3A_18 = arith.constant 0 : index
    %get3A_19 = vector.load %arg8[%get3A_17, %get3A_18] : memref<128x256xf32, #tpu.memory_space<vmem>>, vector<128x256xf32>
    %dot_general3A_20 = arith.constant dense<0.000000e+00> : vector<400x256xf32>
    %dot_general3A_21 = tpu.matmul %get3A_16, %get3A_19, %dot_general3A_20 {dimension_numbers = #tpu.dot_dimension_numbers<[1], [0], [0], [1], [0, 0, 1, 1], [], []>, transpose_lhs_hint = false} : vector<400x128xf32>, vector<128x256xf32>, vector<400x256xf32> -> vector<400x256xf32>
    %get3A_22 = arith.constant 0 : index
    %get3A_23 = arith.constant 0 : index
    %get3A_24 = vector.load %arg4[%get3A_22, %get3A_23] : memref<400x128xf32, #tpu.memory_space<vmem>>, vector<400x128xf32>
    %get3A_25 = arith.constant 0 : index
    %get3A_26 = arith.constant 0 : index
    %get3A_27 = vector.load %arg9[%get3A_25, %get3A_26] : memref<128x256xf32, #tpu.memory_space<vmem>>, vector<128x256xf32>
    %dot_general3A_28 = arith.constant dense<0.000000e+00> : vector<400x256xf32>
    %dot_general3A_29 = tpu.matmul %get3A_24, %get3A_27, %dot_general3A_28 {dimension_numbers = #tpu.dot_dimension_numbers<[1], [0], [0], [1], [0, 0, 1, 1], [], []>, transpose_lhs_hint = false} : vector<400x128xf32>, vector<128x256xf32>, vector<400x256xf32> -> vector<400x256xf32>
    %add3A_30 = arith.addf %dot_general3A_21, %dot_general3A_29 : vector<400x256xf32>
    %get3A_31 = arith.constant 0 : index
    %get3A_32 = arith.constant 0 : index
    %get3A_33 = vector.load %arg5[%get3A_31, %get3A_32] : memref<400x128xf32, #tpu.memory_space<vmem>>, vector<400x128xf32>
    %slice3A = vector.extract_strided_slice %get3A_33 {offsets = [0, 64], sizes = [400, 1], strides = [1, 1]} : vector<400x128xf32> to vector<400x1xf32>
    %max3A = arith.constant 1.000000e+00 : f32
    %max3A_34 = vector.broadcast %max3A : f32 to vector<400x1xf32>
    %max3A_35 = arith.maximumf %slice3A, %max3A_34 : vector<400x1xf32>
    %div3A = vector.broadcast %max3A_35 : vector<400x1xf32> to vector<400x256xf32>
    %div3A_36 = arith.divf %add3A_30, %div3A : vector<400x256xf32>
    %add3A_37 = arith.addf %add3A, %div3A_36 : vector<400x256xf32>
    %get3A_38 = arith.constant 0 : index
    %get3A_39 = arith.constant 0 : index
    %get3A_40 = vector.load %arg10[%get3A_38, %get3A_39] : memref<1x256xf32, #tpu.memory_space<vmem>>, vector<1x256xf32>
    %add3A_41 = vector.broadcast %get3A_40 : vector<1x256xf32> to vector<400x256xf32>
    %add3A_42 = arith.addf %add3A_37, %add3A_41 : vector<400x256xf32>
    %max3A_43 = arith.constant 0.000000e+00 : f32
    %max3A_44 = vector.broadcast %max3A_43 : f32 to vector<400x256xf32>
    %max3A_45 = arith.maximumf %add3A_42, %max3A_44 : vector<400x256xf32>
    %reduce_sum3A = arith.constant dense<0.000000e+00> : vector<256xf32>
    %reduce_sum3A_46 = vector.multi_reduction <add>, %max3A_45, %reduce_sum3A [0] : vector<400x256xf32> to vector<256xf32>
    %broadcast_in_dim3A = vector.shape_cast %reduce_sum3A_46 : vector<256xf32> to vector<1x256xf32>
    %eq3A = arith.constant 0 : i32
    %eq3A_47 = arith.cmpi eq, %arg0, %eq3A : i32
    %convert_element_type3A = arith.extui %eq3A_47 : i1 to i32
    %cond3A = arith.constant 0 : i32
    %cond3A_48 = arith.cmpi ne, %convert_element_type3A, %cond3A : i32
    scf.if %cond3A_48 {
      %swap3A = arith.constant 0 : index
      %swap3A_58 = arith.constant 0 : index
      %swap3A_59 = vector.load %arg13[%swap3A, %swap3A_58] : memref<1x256xf32, #tpu.memory_space<vmem>>, vector<1x256xf32>
      tpu.vector_store %arg13[%swap3A, %swap3A_58], %broadcast_in_dim3A {strides = array<i32>} : memref<1x256xf32, #tpu.memory_space<vmem>>, vector<1x256xf32>,
    } else {
    }
    %gt3A = arith.constant 0 : i32
    %gt3A_49 = arith.cmpi sgt, %arg0, %gt3A : i32
    %convert_element_type3A_50 = arith.extui %gt3A_49 : i1 to i32
    %cond3A_51 = arith.constant 0 : i32
    %cond3A_52 = arith.cmpi ne, %convert_element_type3A_50, %cond3A_51 : i32
    scf.if %cond3A_52 {
      %get3A_58 = arith.constant 0 : index
      %get3A_59 = arith.constant 0 : index
      %get3A_60 = vector.load %arg13[%get3A_58, %get3A_59] : memref<1x256xf32, #tpu.memory_space<vmem>>, vector<1x256xf32>
      %add3A_61 = arith.addf %get3A_60, %broadcast_in_dim3A : vector<1x256xf32>
      %swap3A = arith.constant 0 : index
      %swap3A_62 = arith.constant 0 : index
      %swap3A_63 = vector.load %arg13[%swap3A, %swap3A_62] : memref<1x256xf32, #tpu.memory_space<vmem>>, vector<1x256xf32>
      tpu.vector_store %arg13[%swap3A, %swap3A_62], %add3A_61 {strides = array<i32>} : memref<1x256xf32, #tpu.memory_space<vmem>>, vector<1x256xf32>,
    } else {
    }
    %eq3A_53 = arith.constant 24 : i32
    %eq3A_54 = arith.cmpi eq, %arg0, %eq3A_53 : i32
    %convert_element_type3A_55 = arith.extui %eq3A_54 : i1 to i32
    %cond3A_56 = arith.constant 0 : i32
    %cond3A_57 = arith.cmpi ne, %convert_element_type3A_55, %cond3A_56 : i32
    scf.if %cond3A_57 {
      %get3A_58 = arith.constant 0 : index
      %get3A_59 = arith.constant 0 : index
      %get3A_60 = vector.load %arg13[%get3A_58, %get3A_59] : memref<1x256xf32, #tpu.memory_space<vmem>>, vector<1x256xf32>
      %mul3A = arith.constant 9.99999974E-5 : f32
      %mul3A_61 = vector.broadcast %mul3A : f32 to vector<1x256xf32>
      %mul3A_62 = arith.mulf %get3A_60, %mul3A_61 : vector<1x256xf32>
      %get3A_63 = arith.constant 0 : index
      %get3A_64 = arith.constant 0 : index
      %get3A_65 = vector.load %arg11[%get3A_63, %get3A_64] : memref<256x10xf32, #tpu.memory_space<vmem>>, vector<256x10xf32>
      %dot_general3A_66 = arith.constant dense<0.000000e+00> : vector<1x10xf32>
      %dot_general3A_67 = tpu.matmul %mul3A_62, %get3A_65, %dot_general3A_66 {dimension_numbers = #tpu.dot_dimension_numbers<[1], [0], [0], [1], [0, 0, 1, 1], [], []>, transpose_lhs_hint = false} : vector<1x256xf32>, vector<256x10xf32>, vector<1x10xf32> -> vector<1x10xf32>
      %get3A_68 = arith.constant 0 : index
      %get3A_69 = arith.constant 0 : index
      %get3A_70 = vector.load %arg12[%get3A_68, %get3A_69] : memref<1x10xf32, #tpu.memory_space<vmem>>, vector<1x10xf32>
      %add3A_71 = arith.addf %dot_general3A_67, %get3A_70 : vector<1x10xf32>
      %swap3A = arith.constant 0 : index
      %swap3A_72 = arith.constant 0 : index
      %swap3A_73 = vector.load %arg14[%swap3A, %swap3A_72] : memref<1x10xf32, #tpu.memory_space<vmem>>, vector<1x10xf32>
      tpu.vector_store %arg14[%swap3A, %swap3A_72], %add3A_71 {strides = array<i32>} : memref<1x10xf32, #tpu.memory_space<vmem>>, vector<1x10xf32>,
    } else {
    }
    return
  }
  func.func @transform_0(%arg0: i32) -> (i32, i32) {
    %c0_i32 = arith.constant 0 : i32
    %c0_i32_0 = arith.constant 0 : i32
    return %arg0, %c0_i32 : i32, i32
  }
  func.func @transform_1(%arg0: i32) -> (i32, i32) {
    %c0_i32 = arith.constant 0 : i32
    %c0_i32_0 = arith.constant 0 : i32
    return %arg0, %c0_i32 : i32, i32
  }
  func.func @transform_2(%arg0: i32) -> (i32, i32) {
    %c0_i32 = arith.constant 0 : i32
    %c0_i32_0 = arith.constant 0 : i32
    return %arg0, %c0_i32 : i32, i32
  }
  func.func @transform_3(%arg0: i32) -> (i32, i32) {
    %c0_i32 = arith.constant 0 : i32
    %c0_i32_0 = arith.constant 0 : i32
    return %arg0, %c0_i32 : i32, i32
  }
  func.func @transform_4(%arg0: i32) -> (i32, i32) {
    %c0_i32 = arith.constant 0 : i32
    %c0_i32_0 = arith.constant 0 : i32
    return %arg0, %c0_i32 : i32, i32
  }
  func.func @transform_5(%arg0: i32) -> (i32, i32) {
    %c0_i32 = arith.constant 0 : i32
    %c0_i32_0 = arith.constant 0 : i32
    %c0_i32_1 = arith.constant 0 : i32
    return %c0_i32, %c0_i32_0 : i32, i32
  }
  func.func @transform_6(%arg0: i32) -> (i32, i32) {
    %c0_i32 = arith.constant 0 : i32
    %c0_i32_0 = arith.constant 0 : i32
    %c0_i32_1 = arith.constant 0 : i32
    return %c0_i32, %c0_i32_0 : i32, i32
  }
  func.func @transform_7(%arg0: i32) -> (i32, i32) {
    %c0_i32 = arith.constant 0 : i32
    %c0_i32_0 = arith.constant 0 : i32
    %c0_i32_1 = arith.constant 0 : i32
    return %c0_i32, %c0_i32_0 : i32, i32
  }
  func.func @transform_8(%arg0: i32) -> (i32, i32) {
    %c0_i32 = arith.constant 0 : i32
    %c0_i32_0 = arith.constant 0 : i32
    %c0_i32_1 = arith.constant 0 : i32
    return %c0_i32, %c0_i32_0 : i32, i32
  }
  func.func @transform_9(%arg0: i32) -> (i32, i32) {
    %c0_i32 = arith.constant 0 : i32
    %c0_i32_0 = arith.constant 0 : i32
    %c0_i32_1 = arith.constant 0 : i32
    return %c0_i32, %c0_i32_0 : i32, i32
  }
  func.func @transform_10(%arg0: i32) -> (i32, i32) {
    %c0_i32 = arith.constant 0 : i32
    %c0_i32_0 = arith.constant 0 : i32
    %c0_i32_1 = arith.constant 0 : i32
    return %c0_i32, %c0_i32_0 : i32, i32
  }
  func.func @transform_11(%arg0: i32) -> (i32, i32) {
    %c0_i32 = arith.constant 0 : i32
    %c0_i32_0 = arith.constant 0 : i32
    %c0_i32_1 = arith.constant 0 : i32
    return %c0_i32, %c0_i32_0 : i32, i32
  }
  func.func @transform_12(%arg0: i32) -> (i32, i32) {
    %c0_i32 = arith.constant 0 : i32
    %c0_i32_0 = arith.constant 0 : i32
    %c0_i32_1 = arith.constant 0 : i32
    return %c0_i32, %c0_i32_0 : i32, i32
  }
  func.func @transform_13(%arg0: i32) -> (i32, i32) {
    %c0_i32 = arith.constant 0 : i32
    %c0_i32_0 = arith.constant 0 : i32
    %c0_i32_1 = arith.constant 0 : i32
    return %c0_i32, %c0_i32_0 : i32, i32
  }
}

</mosaic_0001>

<sc_bundles>
// kernel: kernel.11.cloned.1.call-start
scs
__scs_entry_jumppad:
0x0: {  	(pc) =	sbr.rel $0x88, $3  }
0x1: {  	(tag) =	ssettag $0x0;
	lr =	simm.s32 $0x1  }
0x2: {  	[smem:$0x3F91] =	sst lr;
	_ =	strace $0xD0000000  }
0x3: {  	_ = 	snop  }
0x4: {  	_ = 	snop  }
0x5: {  	_ = 	snop  }
0x6: {  	_ = 	snop  }
0x7: {  	_ = 	snop  }
__scs_overlays_trampoline_lowered:
0x8: {  	[smem:$0x3FA0] =	sst s0  }
0x9: {  	[smem:$0x3FA1] =	sst s1  }
0xa: {  	[smem:$0x3FA2] =	sst s2  }
0xb: {  	[smem:$0x3FA3] =	sst s3  }
0xc: {  	[smem:$0x3FA4] =	sst s4  }
0xd: {  	[smem:$0x3FA5] =	sst s5  }
0xe: {  	[smem:$0x3FA6] =	sst s6  }
0xf: {  	[smem:$0x3FA7] =	sst s7  }
0x10: {  	[smem:$0x3FA8] =	sst s8  }
0x11: {  	[smem:$0x3FA9] =	sst s9;
	s0 =	simm.s32 @!p0 $0x0  }
0x12: {  	s1 =	sld [smem:$0x3F8F];
	s0 =	simm.s32 @p0 $0x1  }
0x13: {  	[smem:$0x3FAA] =	sst s0;
	s0 =	simm.s32 @!p1 $0x0  }
0x14: {  	s2 =	sld [smem:$0x3F8E];
	s0 =	simm.s32 @p1 $0x1  }
0x15: {  	[smem:$0x3FAB] =	sst s0;
	s0 =	simm.s32 @!p2 $0x0  }
0x16: {  	s3 =	sld [smem:$0x3FDB];
	s0 =	simm.s32 @p2 $0x1  }
0x17: {  	s4 =	simm.s32 $0x1BF5;
	[smem:$0x3FAD] =	sst s0  }
0x18: {  	s0 =	sld [smem:$0x3F90];
	_ =	swait.ge [sflag:s4], $0x0  }
0x19: {  	s7 =	sld [smem:$0x3F91]  }
0x1a: {  	s8 =	sadd.s32 $0xFFFFE003, lr  }
0x1b: {  	s9 =	sadd.s32 $0xFFFFFEF7, lr;
	s5 =	simm.s32 $0xFFFFFFFF;
	p2 =	slt.u32 s8, $0xFFFFF086  }
0x1c: {  	p1 =	slt.u32 s9, $0xF7A;
	s5 =	simm.s32 @!p2 $0x0  }
0x1d: {  	s5 =	simm.s32 @p1 $0x1;
	p0 =	seq.s32 s7, s2  }
0x1e: {  	s7 =	smul.u32 @!p0 $0xF7A, s2;
	p2 =	seq.s32 @!p0 s5, $0x0  }
0x1f: {  	s9 =	smul.u32 $0xF7A, s1;
	s8 =	simm.s32 @!p0 $0x1BF5;
	p2 =	por !p2, p0  }
0x20: {  	[sflag:s8] =	ssyncset.s32 @!p0 $0xFFFFF086;
	s6 =	sadd.s32 @!p0 s3, s7;
	s7 =	simm.s32 @!p0 $0x108  }
0x21: {  	s3 =	sadd.s32 s3, s9;
	s6 =	sadd.s32 @!p0 $0x88, s6;
	s7 =	simm.s32 @p2 $0x1082  }
0x22: {  	[simem:s7], [sflag:s8] =	dma.local @!p0 [hbm:s6], $0xF7A  }
0x23: {  	s9 =	sor.u32 $0xD0000000, s2;
	s6 =	simm.s32 $0x108;
	_ =	swait.ge @!p0 [sflag:s8], $0x0  }
0x24: {  	s3 =	sadd.s32 $0x88, s3;
	s6 =	simm.s32 @!p1 $0x1082;
	[sflag:s4] =	ssyncset.s32 $0xFFFFF086  }
0x25: {  	[simem:s6], [sflag:s4] =	dma.local [hbm:s3], $0xF7A  }
0x26: {  	[smem:$0x3F91] =	sst s1;
	(tag) =	ssettag s2;
	_ =	strace s9  }
0x27: {  	s1 =	sld [smem:$0x3FA1]  }
0x28: {  	s2 =	sld [smem:$0x3FA2]  }
0x29: {  	s4 =	sld [smem:$0x3FA4]  }
0x2a: {  	p0 =	seq.s32 s5, $0x0;
	s5 =	sld [smem:$0x3FA5]  }
0x2b: {  	s6 =	sld [smem:$0x3FA6]  }
0x2c: {  	s7 =	sld [smem:$0x3FA7]  }
0x2d: {  	s3 =	simm.s32 $0x108;
	s8 =	sld [smem:$0x3FA8]  }
0x2e: {  	s3 =	simm.s32 @!p0 $0x1082;
	s9 =	sld [smem:$0x3FA9]  }
0x2f: {  	lr =	sadd.s32 s0, s3;
	s0 =	sld [smem:$0x3FA0]  }
0x30: {  	s3 =	sld [smem:$0x3FA3]  }
0x31: {  	[smem:$0x3FAC] =	sst s10  }
0x32: {  	s10 =	sld [smem:$0x3FAA];
	_ =	sdelay $0x3  }
0x33: {  	p0 =	seq.s32 s10, $0x1;
	s10 =	sld [smem:$0x3FAC];
	_ =	sdelay $0x3  }
0x34: {  	[smem:$0x3FAC] =	sst s10  }
0x35: {  	s10 =	sld [smem:$0x3FAB];
	_ =	sdelay $0x3  }
0x36: {  	p1 =	seq.s32 s10, $0x1;
	s10 =	sld [smem:$0x3FAC];
	_ =	sdelay $0x3  }
0x37: {  	[smem:$0x3FAC] =	sst s10  }
0x38: {  	s10 =	sld [smem:$0x3FAD]  }
0x39: {  	_ = 	snop;
	(pc) =	sbr.ind lr, $3  }
0x3a: {  	_ = 	snop  }
0x3b: {  	_ = 	snop  }
0x3c: {  	p2 =	seq.s32 s10, $0x1;
	s10 =	sld [smem:$0x3FAC]  }
0x3d: {  	_ =	shalt  }
0x3e: {  	_ =	shalt  }
0x3f: {  	_ =	shalt  }
0x40: {  	_ =	shalt  }
0x41: {  	_ =	shalt  }
0x42: {  	_ =	shalt  }
0x43: {  	_ =	shalt  }
0x44: {  	_ =	shalt  }
0x45: {  	_ =	shalt  }
0x46: {  	_ =	shalt  }
0x47: {  	_ =	shalt  }
0x48: {  	_ =	shalt  }
0x49: {  	_ =	shalt  }
0x4a: {  	_ =	shalt  }
0x4b: {  	_ =	shalt  }
0x4c: {  	_ =	shalt  }
0x4d: {  	_ =	shalt  }
0x4e: {  	_ =	shalt  }
0x4f: {  	_ =	shalt  }
0x50: {  	_ =	shalt  }
0x51: {  	_ =	shalt  }
0x52: {  	_ =	shalt  }
0x53: {  	_ =	shalt  }
0x54: {  	_ =	shalt  }
0x55: {  	_ =	shalt  }
0x56: {  	_ =	shalt  }
0x57: {  	_ =	shalt  }
0x58: {  	_ =	shalt  }
0x59: {  	_ =	shalt  }
0x5a: {  	_ =	shalt  }
0x5b: {  	_ =	shalt  }
0x5c: {  	_ =	shalt  }
0x5d: {  	_ =	shalt  }
0x5e: {  	_ =	shalt  }
0x5f: {  	_ =	shalt  }
0x60: {  	_ =	shalt  }
0x61: {  	_ =	shalt  }
0x62: {  	_ =	shalt  }
0x63: {  	_ =	shalt  }
0x64: {  	_ =	shalt  }
0x65: {  	_ =	shalt  }
0x66: {  	_ =	shalt  }
0x67: {  	_ =	shalt  }
0x68: {  	_ =	shalt  }
0x69: {  	_ =	shalt  }
0x6a: {  	_ =	shalt  }
0x6b: {  	_ =	shalt  }
0x6c: {  	_ =	shalt  }
0x6d: {  	_ =	shalt  }
0x6e: {  	_ =	shalt  }
0x6f: {  	_ =	shalt  }
0x70: {  	_ =	shalt  }
0x71: {  	_ =	shalt  }
0x72: {  	_ =	shalt  }
0x73: {  	_ =	shalt  }
0x74: {  	_ =	shalt  }
0x75: {  	_ =	shalt  }
0x76: {  	_ =	shalt  }
0x77: {  	_ =	shalt  }
0x78: {  	_ =	shalt  }
0x79: {  	_ =	shalt  }
0x7a: {  	_ =	shalt  }
0x7b: {  	_ =	shalt  }
0x7c: {  	_ =	shalt  }
0x7d: {  	_ =	shalt  }
0x7e: {  	_ =	shalt  }
0x7f: {  	_ =	shalt  }
0x80: {  	_ =	shalt  }
0x81: {  	_ =	shalt  }
0x82: {  	_ =	shalt  }
0x83: {  	_ =	shalt  }
0x84: {  	_ =	shalt  }
0x85: {  	_ =	shalt  }
0x86: {  	_ =	shalt  }
0x87: {  	_ =	shalt  }
.Lfunc_end0:
.L_simem_size_0:
called_computation.1_lowered:
.L_overlay_start_0:
0x88: {  	s2 =	sld [smem:$0x3FD9]  }
0x89: {  	s3 =	sld [smem:$0x3FFE];
	_ =	sdelay $0x1  }
0x8a: {  	s1 =	srdreg.scid  }
0x8b: {  	s0 =	sand.u32 $0x1, s1  }
0x8c: {  	s16 =	sshll.u32 s0, $0xA;
	s2 =	sadd.s32 s3, s2  }
0x8d: {  	s2 =	sadd.s32 s2, s16  }
0x8e: {  	[smem:$0x3FB8] =	sst s2  }
0x8f: {  	_ = 	snop  }
0x90: {  	(tm) =	ssettm $0x1  }
0x91: {  	s17 =	sld [smem:$0x3FFB];
	_ =	sdelay $0x3  }
0x92: {  	_ =	strace s17  }
0x93: {  	s2 =	sld [smem:$0x3FFC];
	_ =	sdelay $0x3  }
0x94: {  	_ =	strace s2  }
0x95: {  	s2 =	sld [smem:$0x3FFD];
	_ =	sdelay $0x3  }
0x96: {  	_ =	strace s2  }
0x97: {  	_ =	strace $0x8FFFFFFF  }
0x98: {  	s18 =	sld [smem:$0x3FDB];
	_ =	sdelay $0x1  }
0x99: {  	s19 =	simm.s32 $_scs_section_size  }
0x9a: {  	s4 =	simm.s32 $_size__tile_overlayer_lowered;
	s5 =	simm.s32 $_tile_overlayer_lowered  }
0x9b: {  	s22 =	simm.s32 $0x1BFF;
	s21 =	sshll.u32 s5, $0x1;
	s2 =	sadd.s32 s19, s18  }
0x9c: {  	s6 =	simm.s32 $0x0;
	s20 =	sshll.u32 s4, $0x1;
	s4 =	sadd.s32 s21, s2  }
0x9d: {  	[timem:s6], [sflag:s22] =	dma.local [hbm:s4], s20  }
0x9e: {  	_ =	swait.ge [sflag:s22], s20  }
0x9f: {  	s3 =	ssub.s32 $0x0, s20;
	[sflag:s22] =	ssyncset.done $0x0  }
0xa0: {  	[sflag:s22] =	ssyncadd.s32 s3;
	_ =	sdelay $0x1  }
0xa1: {  	s23 =	simm.s32 $0x1B8B  }
0xa2: {  	_ =	swait.ge [sflag:s23], $0x1  }
0xa3: {  	[sflag:s23] =	ssyncset.done $0x0  }
0xa4: {  	s25 =	simm.s32 $0x1B8E;
	s24 =	sld [smem:$0x3FFE];
	[sflag:s23] =	ssyncadd.s32 $0xFFFFFFFF  }
0xa5: {  	s26 =	simm.s32 $execute0_lowered;
	[smem:$0x3FD2] =	sst s25  }
0xa6: {  	s4 =	sshll.u32 s26, $0x1;
	_ =	strace $0x80000049;
	[dreg:$0x1] =	wrdreg $0xFFFFFFFF  }
0xa7: {  	s28 =	simm.s32 $_size_execute0_lowered;
	s2 =	sadd.s32 s2, s4;
	[dreg:$0x0] =	wrdreg $0x0  }
0xa8: {  	s4 =	sshll.u32 s28, $0x1;
	[dreg:$0x2] =	wrdreg s2  }
0xa9: {  	[dreg:$0x3] =	wrdreg s4  }
0xaa: {  	[dreg:$0x4] =	wrdreg $0xC0  }
0xab: {  	_ =	task [dreg:s6], $0x5FFFF  }
0xac: {  	[dreg:$0x1] =	wrdreg $0xFFFFFFFF  }
0xad: {  	[dreg:$0x0] =	wrdreg $0x60  }
0xae: {  	[dreg:$0x2] =	wrdreg s24  }
0xaf: {  	[dreg:$0x3] =	wrdreg $0xC0000  }
0xb0: {  	[dreg:$0x4] =	wrdreg $0x9  }
0xb1: {  	_ =	task.clear_ibuf [dreg:s6], $0x5FFFF;
	_ =	strace $0x90000049  }
0xb2: {  	s29 =	simm.s32 $0x9;
	_ =	strace $0x8000004B  }
0xb3: {  	_ =	swait.ge [sflag:s29], $0x1  }
0xb4: {  	[sflag:s29] =	ssyncadd.s32 $0xFFFFFFFF  }
0xb5: {  	_ =	strace $0x9000004B  }
0xb6: {  	_ =	sfence  }
0xb7: {  	s30 =	sld [smem:$0x0];
	_ =	sdelay $0x2  }
0xb8: {  	s31 =	sshll.u32 s1, $0xD;
	s1 =	sshrl.u32 s1, $0x2  }
0xb9: {  	s3 =	sand.u32 $0x4000, s31;
	s1 =	sadd.s32 s1, s30  }
0xba: {  	s0 =	sor.u32 s3, s0;
	s1 =	sshll.u32 s1, $0x11  }
0xbb: {  	s0 =	sor.u32 s1, s0  }
0xbc: {  	s0 =	sadd.s32 $0x8F2B, s0  }
0xbd: {  	[sflag:s0] =	ssyncadd.remote.s32 $0x1  }
0xbe: {  	_ =	sfence.sel $0xFFFF  }
0xbf: {  	[dreg:$0x0] =	wrdreg $0xFFFFFFFF;
	(pc) =	sbr.abs _section_cstart, $3  }
0xc0: {  	[dreg:$0x1] =	wrdreg $0xFFFFFFFF  }
0xc1: {  	_ =	task.clear_ibuf [dreg:s6], $0x2FFFF;
	_ =	strace $0x9FFFFFFF  }
0xc2: {  	(tm) =	ssettm $0x7FFFFFFF  }
0xc3: {  	_ =	shalt  }
tec
execute0_lowered:
.L_overlay_start_1:
0x0: {  	(tag) =	ssettag $0x1  }
0x1: {  	s0 =	rddreg [dreg:$0x0]  }
0x2: {  	s1 =	rddreg [dreg:$0x1]  }
0x3: {  	s3 =	simm.s32 $0x0;
	s10 =	stileid.u32;
	s2 =	srdreg.scid  }
0x4: {  	s19 =	simm.s32 $0x4;
	s20 =	simm.s32 $0x3;
	s21 =	simm.s32 $0x40  }
0x5: {  	s28 =	simm.s32 $0x180;
	s29 =	simm.s32 $0x8000;
	s30 =	simm.s32 $0x1  }
0x6: {  	s31 =	simm.s32 $0x2;
	[smem:$0x7FF] =	sst s3;
	s4 =	sadd.s32 $0xA5000, s0  }
0x7: {  	s5 =	sadd.s32 $0x2EC00, s0;
	s6 =	smul.u32 $0x2800, s10;
	s7 =	sadd.s32 $0x6C00, s0  }
0x8: {  	s8 =	sadd.s32 $0x1AC00, s0;
	s2 =	sand.u32 $0x1, s2;
	s12 =	smul.u32 $0x1400, s10  }
0x9: {  	s13 =	sadd.s32 $0xF5000, s0;
	s14 =	smul.u32 $0x50000, s10;
	s26 =	sshll.u32 s10, $0x6  }
0xa: {  	s15 =	smul.u32 $0xA000, s10;
	_ =	strace $0x8000004A;
	s11 =	ssub.s32 $0x2, s2  }
0xb: {  	[dreg:$0x3] =	wrdreg s13;
	p0 =	sne.s32 s2, $0x0;
	s9 =	sadd.s32 s6, s0  }
0xc: {  	s23 =	sshrl.u32 s11, $0x1;
	s0 =	sadd.s32 $0x11D000, s0;
	s25 =	sshrl.u32 s14, $0x2  }
.Ltmp0:
0xd: {  	s14 =	sor.u32 $0x1C04, s26;
	s26 =	simm.s32 $0x6000;
	(pc) =	sbr.rel .LBB2_1-.Ltmp0, $4  }
0xe: {  	[dreg:$0x4] =	wrdreg s0;
	s24 =	ssub.s32 s11, s23;
	s11 =	sadd.s32 s7, s12  }
0xf: {  	s12 =	sadd.s32 s8, s12;
	s18 =	sadd.s32 s25, s1;
	s13 =	sadd.s32 $0x7D000, s9  }
0x10: {  	s23 =	simm.s32 $0x80;
	s25 =	simm.s32 $0x100;
	s0 =	simm.s32 $0x0  }
0x11: {  	s16 =	smax.u32 s24, $0x1;
	s18 =	sshrl.u32 s18, $0x3;
	s24 =	simm.s32 $0x4000  }
.LBB2_19:
0x12: {  	s2 =	rddreg [dreg:$0x4]  }
.LBB2_20:
0x13: {  	_ =	swait.ge [sflag:s31], $0x2000  }
0x14: {  	s0 =	sadd.s32 $0x1, s0;
	[sflag:s31] =	ssyncset.done $0x0  }
0x15: {  	p1 =	sne.s32 s0, s16;
	[sflag:s31] =	ssyncadd.s32 $0xFFFFE000  }
.Ltmp1:
0x16: {  	s2 =	sadd.s32 s2, s6;
	[bflag:$0x0] =	sbarrier.arrive $0xFFFF;
	(pc) =	sbr.rel @!p1 .LBB2_21-.Ltmp1, $4  }
0x17: {  	[hbm:s2], [sflag:s14] =	dma.local [spmem:s18], $0x2800  }
0x18: {  	_ =	swait.ge [sflag:s19], $0x2800  }
0x19: {  	[sflag:s19] =	ssyncset.done $0x0  }
0x1a: {  	[sflag:s19] =	ssyncadd.s32 $0xFFFFD800  }
.LBB2_1:
0x1b: {  	[tilespmem:s3], [sflag:$0x3] =	stream.linear.gather [hbm4b:s11+s3], $0x800, $0x38;
	v63 =	vld [tilespmem:$0x0]  }
0x1c: {  	s2 =	simm.s32 $0x1000  }
0x1d: {  	[tilespmem:s2], [sflag:$0x3] =	stream.linear.gather [hbm4b:s12+s3], $0x800, $0x38;
	v63 =	vld [tilespmem:$0x0]  }
0x1e: {  	[spmem:s18], [sflag:s14] =	dma.local [hbm:s13], $0x2800  }
0x1f: {  	_ =	swait.ge [sflag:s19], $0x2800  }
0x20: {  	[sflag:s19] =	ssyncset.done $0x0  }
0x21: {  	[sflag:s19] =	ssyncadd.s32 $0xFFFFD800  }
0x22: {  	_ =	swait.ge [sflag:s20], $0x800  }
0x23: {  	[sflag:s20] =	ssyncset.done $0x0  }
0x24: {  	[sflag:s20] =	ssyncadd.s32 $0xFFFFF800  }
.Ltmp2:
0x25: {  	_ =	swait.ge [sflag:s20], $0x800;
	(pc) =	sbr.rel @p0 .LBB2_11-.Ltmp2, $4  }
0x26: {  	[sflag:s20] =	ssyncset.done $0x0  }
0x27: {  	[sflag:s20] =	ssyncadd.s32 $0xFFFFF800  }
0x28: {  	[bflag:$0x0] =	sbarrier.arrive $0xFFFF  }
0x29: {  	s9 =	simm.s32 $0x2000;
	s2 =	simm.s32 $0x0  }
0x2a: {  	[tilespmem:s9], [sflag:$0x1] =	stream.indirect.gather [hbm4b:s4+s21], $0x80, s2, s21, $0xb8;
	v63 =	vld [tilespmem:$0x0]  }
0x2b: {  	_ = 	snop  }
0x2c: {  	[tilespmem:s24], [sflag:$0x1] =	stream.indirect.gather [hbm4b:s4+s21], $0x80, s23, s21, $0xb8;
	v63 =	vld [tilespmem:$0x0]  }
0x2d: {  	_ = 	snop  }
0x2e: {  	[tilespmem:s26], [sflag:$0x1] =	stream.indirect.gather [hbm4b:s4+s21], $0x80, s25, s21, $0xb8;
	v63 =	vld [tilespmem:$0x0]  }
0x2f: {  	_ = 	snop  }
0x30: {  	[tilespmem:s29], [sflag:$0x1] =	stream.indirect.gather [hbm4b:s4+s21], $0x80, s28, s21, $0xb8;
	v63 =	vld [tilespmem:$0x0]  }
.LBB2_3:
0x31: {  	s9 =	smul.u32 $0xCCCD, s2;
	_ =	sdelay $0x1  }
0x32: {  	s9 =	sshrl.u32 s9, $0x12  }
0x33: {  	_ =	swait.ge [sflag:s30], $0x2000;
	s10 =	smul.u32 $0x5, s9  }
0x34: {  	s17 =	sshll.u32 s2, $0x7;
	p2 =	sgt.u32 s2, $0x12F;
	[sflag:s30] =	ssyncset.done $0x0  }
0x35: {  	s17 =	sand.u32 $0x800, s17;
	s9 =	sand.u32 $0xF, s2;
	s10 =	ssub.s32 s2, s10  }
0x36: {  	[sflag:s30] =	ssyncadd.s32 $0xFFFFE000;
	s22 =	sshll.u32 s9, $0x7;
	s10 =	sand.u32 $0xFFFF, s10  }
0x37: {  	p3 =	sne.s32 @!p2 s9, $0x0;
	s17 =	sor.u32 s22, s17;
	s10 =	sshll.u32 s10, $0xD  }
0x38: {  	p2 =	por p2, p3;
	s17 =	sor.u32 $0x1000, s17;
	s10 =	sadd.s32 $0x2000, s10  }
0x39: {  	[spmem:s1] =	stream.indirect.scatter.add.f32 [tilespmem:s10], [sflag:$0x2], $0x80, s17, s21, $0xb8;
	v63 =	vld [tilespmem:$0x0]  }
.Ltmp3:
0x3a: {  	p1 =	seq.s32 s2, $0x0;
	(pc) =	sbr.rel @p2 .LBB2_5-.Ltmp3, $4  }
0x3b: {  	s10 =	simm.s32 @!p1 $0x2  }
0x3c: {  	_ =	swait.ge @!p1 [sflag:s10], $0x2000  }
0x3d: {  	[sflag:s10] =	ssyncset.done @!p1 $0x0  }
0x3e: {  	[sflag:s10] =	ssyncadd.s32 @!p1 $0xFFFFE000  }
0x3f: {  	s9 =	sshrl.u32 s2, $0x4  }
0x40: {  	s9 =	sshll.u32 s9, $0xB  }
0x41: {  	s9 =	sadd.s32 $0x800, s9  }
0x42: {  	s10 =	sadd.s32 s15, s9  }
0x43: {  	s10 =	sshrl.u32 s10, $0x3  }
.Ltmp4:
0x44: {  	s9 =	sand.u32 $0x800, s9;
	s17 =	sadd.s32 s7, s10;
	(pc) =	sbr.rel .LBB2_8-.Ltmp4, $4  }
0x45: {  	[tilespmem:s9], [sflag:$0x3] =	stream.linear.gather [hbm4b:s17+s3], $0x800, $0x38;
	v63 =	vld [tilespmem:$0x0]  }
0x46: {  	s10 =	sadd.s32 s8, s10;
	s9 =	sor.u32 $0x1000, s9  }
0x47: {  	[tilespmem:s9], [sflag:$0x3] =	stream.linear.gather [hbm4b:s10+s3], $0x800, $0x38;
	v63 =	vld [tilespmem:$0x0]  }
0x48: {  	s9 =	sadd.s32 $0x4, s2  }
.LBB2_5:
0x49: {  	p1 =	sgt.u32 s2, $0x13B  }
0x4a: {  	p2 =	sne.s32 @!p1 s9, $0xC  }
0x4b: {  	p2 =	por p1, p2  }
.Ltmp5:
0x4c: {  	_ = 	snop;
	(pc) =	sbr.rel @p2 .LBB2_7-.Ltmp5, $2  }
0x4d: {  	_ =	sdelay $0x2  }
0x4e: {  	s9 =	sadd.s32 $0x4, s2  }
0x4f: {  	_ =	swait.ge [sflag:s20], $0x800  }
0x50: {  	[sflag:s20] =	ssyncset.done $0x0  }
0x51: {  	[sflag:s20] =	ssyncadd.s32 $0xFFFFF800  }
0x52: {  	_ =	swait.ge [sflag:s20], $0x800  }
0x53: {  	[sflag:s20] =	ssyncset.done $0x0  }
0x54: {  	[sflag:s20] =	ssyncadd.s32 $0xFFFFF800  }
.LBB2_8:
0x55: {  	s10 =	smul.u32 $0xCCCD, s9;
	_ =	sdelay $0x1  }
0x56: {  	s10 =	sshrl.u32 s10, $0x12  }
0x57: {  	s10 =	smul.u32 $0x5, s10;
	_ =	sdelay $0x1  }
0x58: {  	s10 =	ssub.s32 s9, s10  }
0x59: {  	s10 =	sand.u32 $0xFFFF, s10  }
0x5a: {  	s22 =	sshll.u32 s9, $0x7;
	s10 =	sshll.u32 s10, $0xD  }
0x5b: {  	s9 =	sand.u32 $0xF80, s22;
	s10 =	sadd.s32 $0x2000, s10  }
0x5c: {  	[tilespmem:s10], [sflag:$0x1] =	stream.indirect.gather [hbm4b:s4+s21], $0x80, s9, s21, $0xb8;
	v63 =	vld [tilespmem:$0x0]  }
.LBB2_9:
0x5d: {  	s2 =	sadd.s32 $0x1, s2  }
0x5e: {  	p1 =	seq.s32 s2, $0x140  }
.Ltmp6:
0x5f: {  	_ = 	snop;
	(pc) =	sbr.rel @!p1 .LBB2_3-.Ltmp6, $4  }
.Ltmp7:
0x60: {  	_ = 	snop;
	(pc) =	sbr.rel @p1 .LBB2_10-.Ltmp7, $4  }
0x61: {  	_ = 	snop  }
0x62: {  	_ = 	snop  }
0x63: {  	_ = 	snop  }
0x64: {  	_ = 	snop  }
.LBB2_7:
.Ltmp8:
0x65: {  	(pc) =	sbr.rel @p1 .LBB2_9-.Ltmp8, $4  }
.Ltmp9:
0x66: {  	(pc) =	sbr.rel @!p1 .LBB2_8-.Ltmp9, $4  }
0x67: {  	_ = 	snop  }
0x68: {  	_ = 	snop  }
0x69: {  	_ = 	snop  }
0x6a: {  	_ = 	snop  }
.LBB2_11:
0x6b: {  	[tilespmem:s9], [sflag:$0x1] =	stream.indirect.gather [hbm4b:s5+s21], $0x80, s2, s21, $0xb8;
	v63 =	vld [tilespmem:$0x0]  }
0x6c: {  	_ = 	snop  }
0x6d: {  	[tilespmem:s24], [sflag:$0x1] =	stream.indirect.gather [hbm4b:s5+s21], $0x80, s23, s21, $0xb8;
	v63 =	vld [tilespmem:$0x0]  }
0x6e: {  	_ = 	snop  }
0x6f: {  	[tilespmem:s26], [sflag:$0x1] =	stream.indirect.gather [hbm4b:s5+s21], $0x80, s25, s21, $0xb8;
	v63 =	vld [tilespmem:$0x0]  }
0x70: {  	_ = 	snop  }
0x71: {  	[tilespmem:s29], [sflag:$0x1] =	stream.indirect.gather [hbm4b:s5+s21], $0x80, s28, s21, $0xb8;
	v63 =	vld [tilespmem:$0x0]  }
.LBB2_12:
0x72: {  	s9 =	smul.u32 $0xCCCD, s2;
	_ =	sdelay $0x1  }
0x73: {  	s9 =	sshrl.u32 s9, $0x12  }
0x74: {  	_ =	swait.ge [sflag:s30], $0x2000;
	s10 =	smul.u32 $0x5, s9  }
0x75: {  	s17 =	sshll.u32 s2, $0x7;
	p2 =	sgt.u32 s2, $0x12F;
	[sflag:s30] =	ssyncset.done $0x0  }
0x76: {  	s17 =	sand.u32 $0x800, s17;
	s9 =	sand.u32 $0xF, s2;
	s10 =	ssub.s32 s2, s10  }
0x77: {  	[sflag:s30] =	ssyncadd.s32 $0xFFFFE000;
	s22 =	sshll.u32 s9, $0x7;
	s10 =	sand.u32 $0xFFFF, s10  }
0x78: {  	p3 =	sne.s32 @!p2 s9, $0x0;
	s17 =	sor.u32 s22, s17;
	s10 =	sshll.u32 s10, $0xD  }
0x79: {  	p2 =	por p2, p3;
	s17 =	sor.u32 $0x1000, s17;
	s10 =	sadd.s32 $0x2000, s10  }
0x7a: {  	[spmem:s1] =	stream.indirect.scatter.add.f32 [tilespmem:s10], [sflag:$0x2], $0x80, s17, s21, $0xb8;
	v63 =	vld [tilespmem:$0x0]  }
.Ltmp10:
0x7b: {  	p1 =	seq.s32 s2, $0x0;
	(pc) =	sbr.rel @p2 .LBB2_14-.Ltmp10, $4  }
0x7c: {  	s10 =	simm.s32 @!p1 $0x2  }
0x7d: {  	_ =	swait.ge @!p1 [sflag:s10], $0x2000  }
0x7e: {  	[sflag:s10] =	ssyncset.done @!p1 $0x0  }
0x7f: {  	[sflag:s10] =	ssyncadd.s32 @!p1 $0xFFFFE000  }
0x80: {  	s9 =	sshrl.u32 s2, $0x4  }
0x81: {  	s9 =	sshll.u32 s9, $0xB  }
0x82: {  	s9 =	sadd.s32 $0x800, s9  }
0x83: {  	s10 =	sadd.s32 s15, s9  }
0x84: {  	s10 =	sshrl.u32 s10, $0x3  }
.Ltmp11:
0x85: {  	s9 =	sand.u32 $0x800, s9;
	s17 =	sadd.s32 s7, s10;
	(pc) =	sbr.rel .LBB2_17-.Ltmp11, $4  }
0x86: {  	[tilespmem:s9], [sflag:$0x3] =	stream.linear.gather [hbm4b:s17+s3], $0x800, $0x38;
	v63 =	vld [tilespmem:$0x0]  }
0x87: {  	s10 =	sadd.s32 s8, s10;
	s9 =	sor.u32 $0x1000, s9  }
0x88: {  	[tilespmem:s9], [sflag:$0x3] =	stream.linear.gather [hbm4b:s10+s3], $0x800, $0x38;
	v63 =	vld [tilespmem:$0x0]  }
0x89: {  	s9 =	sadd.s32 $0x4, s2  }
.LBB2_14:
0x8a: {  	p1 =	sgt.u32 s2, $0x13B  }
0x8b: {  	p2 =	sne.s32 @!p1 s9, $0xC  }
0x8c: {  	p2 =	por p1, p2  }
.Ltmp12:
0x8d: {  	_ = 	snop;
	(pc) =	sbr.rel @p2 .LBB2_16-.Ltmp12, $2  }
0x8e: {  	_ =	sdelay $0x2  }
0x8f: {  	s9 =	sadd.s32 $0x4, s2  }
0x90: {  	_ =	swait.ge [sflag:s20], $0x800  }
0x91: {  	[sflag:s20] =	ssyncset.done $0x0  }
0x92: {  	[sflag:s20] =	ssyncadd.s32 $0xFFFFF800  }
0x93: {  	_ =	swait.ge [sflag:s20], $0x800  }
0x94: {  	[sflag:s20] =	ssyncset.done $0x0  }
0x95: {  	[sflag:s20] =	ssyncadd.s32 $0xFFFFF800  }
.LBB2_17:
0x96: {  	s10 =	smul.u32 $0xCCCD, s9;
	_ =	sdelay $0x1  }
0x97: {  	s10 =	sshrl.u32 s10, $0x12  }
0x98: {  	s10 =	smul.u32 $0x5, s10;
	_ =	sdelay $0x1  }
0x99: {  	s10 =	ssub.s32 s9, s10  }
0x9a: {  	s10 =	sand.u32 $0xFFFF, s10  }
0x9b: {  	s22 =	sshll.u32 s9, $0x7;
	s10 =	sshll.u32 s10, $0xD  }
0x9c: {  	s9 =	sand.u32 $0xF80, s22;
	s10 =	sadd.s32 $0x2000, s10  }
0x9d: {  	[tilespmem:s10], [sflag:$0x1] =	stream.indirect.gather [hbm4b:s5+s21], $0x80, s9, s21, $0xb8;
	v63 =	vld [tilespmem:$0x0]  }
.LBB2_18:
0x9e: {  	s2 =	sadd.s32 $0x1, s2  }
0x9f: {  	p1 =	sne.s32 s2, $0x140  }
.Ltmp13:
0xa0: {  	_ = 	snop;
	(pc) =	sbr.rel @p1 .LBB2_12-.Ltmp13, $4  }
.Ltmp14:
0xa1: {  	_ = 	snop;
	(pc) =	sbr.rel @!p1 .LBB2_19-.Ltmp14, $4  }
0xa2: {  	_ = 	snop  }
0xa3: {  	_ = 	snop  }
0xa4: {  	_ = 	snop  }
0xa5: {  	_ = 	snop  }
.LBB2_16:
.Ltmp15:
0xa6: {  	(pc) =	sbr.rel @p1 .LBB2_18-.Ltmp15, $4  }
.Ltmp16:
0xa7: {  	(pc) =	sbr.rel @!p1 .LBB2_17-.Ltmp16, $4  }
0xa8: {  	_ = 	snop  }
0xa9: {  	_ = 	snop  }
0xaa: {  	_ = 	snop  }
0xab: {  	_ = 	snop  }
.LBB2_10:
.Ltmp17:
0xac: {  	(pc) =	sbr.rel .LBB2_20-.Ltmp17, $2  }
0xad: {  	_ =	sdelay $0x2  }
0xae: {  	s2 =	rddreg [dreg:$0x3]  }
.LBB2_21:
0xaf: {  	_ =	sfence.sel $0x180000  }
0xb0: {  	[bflag:$0x0] =	sbarrier.arrive $0xFFFF  }
0xb1: {  	_ =	strace $0x9000004A  }
0xb2: {  	s0 =	stileid.u32;
	[bflag:$0x2] =	sbarrier.arrive $0xFFFF  }
0xb3: {  	p0 =	sne.s32 s0, $0x0;
	s0 =	rddreg [dreg:$0x2]  }
0xb4: {  	s0 =	sadd.s32 @!p0 $0x100000, s0  }
0xb5: {  	[sflag:s0] =	ssyncadd.tile.s32 @!p0 $0x1;
	_ =	shalt  }
.Lfunc_end2:
_tile_overlayer_lowered:
.L_overlay_start_2:
0xb6: {  	(tag) =	ssettag $0x2  }
0xb7: {  	s0 =	rddreg [dreg:$0x0];
	s2 =	stileid.u32  }
0xb8: {  	s1 =	rddreg [dreg:$0x1];
	p0 =	sne.s32 s2, $0x0  }
0xb9: {  	s3 =	rddreg [dreg:$0x2];
	[bflag:$0x3] =	sbarrier.arrive $0xFFFF;
	s2 =	simm.s32 @!p0 $0x1C04  }
0xba: {  	[timem:s3], [sflag:s2] =	dma.local @!p0 [hbm:s0], s1  }
0xbb: {  	s0 =	simm.s32 @!p0 $0x4  }
0xbc: {  	_ =	swait.ge @!p0 [sflag:s0], s1  }
0xbd: {  	s1 =	ssub.s32 @!p0 $0x0, s1;
	[sflag:s0] =	ssyncset.done @!p0 $0x0  }
0xbe: {  	[sflag:s0] =	ssyncadd.s32 @!p0 s1  }
0xbf: {  	[bflag:$0x3] =	sbarrier.arrive $0xFFFF  }
0xc0: {  	_ =	shalt  }

// kernel: kernel.14.cloned.1.call-start
scs
__scs_entry_jumppad:
0x0: {  	(pc) =	sbr.rel $0x88, $3  }
0x1: {  	(tag) =	ssettag $0x0;
	lr =	simm.s32 $0x1  }
0x2: {  	[smem:$0x3F91] =	sst lr;
	_ =	strace $0xD0000000  }
0x3: {  	_ = 	snop  }
0x4: {  	_ = 	snop  }
0x5: {  	_ = 	snop  }
0x6: {  	_ = 	snop  }
0x7: {  	_ = 	snop  }
__scs_overlays_trampoline_lowered:
0x8: {  	[smem:$0x3FA0] =	sst s0  }
0x9: {  	[smem:$0x3FA1] =	sst s1  }
0xa: {  	[smem:$0x3FA2] =	sst s2  }
0xb: {  	[smem:$0x3FA3] =	sst s3  }
0xc: {  	[smem:$0x3FA4] =	sst s4  }
0xd: {  	[smem:$0x3FA5] =	sst s5  }
0xe: {  	[smem:$0x3FA6] =	sst s6  }
0xf: {  	[smem:$0x3FA7] =	sst s7  }
0x10: {  	[smem:$0x3FA8] =	sst s8  }
0x11: {  	[smem:$0x3FA9] =	sst s9;
	s0 =	simm.s32 @!p0 $0x0  }
0x12: {  	s1 =	sld [smem:$0x3F8F];
	s0 =	simm.s32 @p0 $0x1  }
0x13: {  	[smem:$0x3FAA] =	sst s0;
	s0 =	simm.s32 @!p1 $0x0  }
0x14: {  	s2 =	sld [smem:$0x3F8E];
	s0 =	simm.s32 @p1 $0x1  }
0x15: {  	[smem:$0x3FAB] =	sst s0;
	s0 =	simm.s32 @!p2 $0x0  }
0x16: {  	s3 =	sld [smem:$0x3FDB];
	s0 =	simm.s32 @p2 $0x1  }
0x17: {  	s4 =	simm.s32 $0x1BF5;
	[smem:$0x3FAD] =	sst s0  }
0x18: {  	s0 =	sld [smem:$0x3F90];
	_ =	swait.ge [sflag:s4], $0x0  }
0x19: {  	s7 =	sld [smem:$0x3F91]  }
0x1a: {  	s8 =	sadd.s32 $0xFFFFE003, lr  }
0x1b: {  	s9 =	sadd.s32 $0xFFFFFEF7, lr;
	s5 =	simm.s32 $0xFFFFFFFF;
	p2 =	slt.u32 s8, $0xFFFFF086  }
0x1c: {  	p1 =	slt.u32 s9, $0xF7A;
	s5 =	simm.s32 @!p2 $0x0  }
0x1d: {  	s5 =	simm.s32 @p1 $0x1;
	p0 =	seq.s32 s7, s2  }
0x1e: {  	s7 =	smul.u32 @!p0 $0xF7A, s2;
	p2 =	seq.s32 @!p0 s5, $0x0  }
0x1f: {  	s9 =	smul.u32 $0xF7A, s1;
	s8 =	simm.s32 @!p0 $0x1BF5;
	p2 =	por !p2, p0  }
0x20: {  	[sflag:s8] =	ssyncset.s32 @!p0 $0xFFFFF086;
	s6 =	sadd.s32 @!p0 s3, s7;
	s7 =	simm.s32 @!p0 $0x108  }
0x21: {  	s3 =	sadd.s32 s3, s9;
	s6 =	sadd.s32 @!p0 $0x88, s6;
	s7 =	simm.s32 @p2 $0x1082  }
0x22: {  	[simem:s7], [sflag:s8] =	dma.local @!p0 [hbm:s6], $0xF7A  }
0x23: {  	s9 =	sor.u32 $0xD0000000, s2;
	s6 =	simm.s32 $0x108;
	_ =	swait.ge @!p0 [sflag:s8], $0x0  }
0x24: {  	s3 =	sadd.s32 $0x88, s3;
	s6 =	simm.s32 @!p1 $0x1082;
	[sflag:s4] =	ssyncset.s32 $0xFFFFF086  }
0x25: {  	[simem:s6], [sflag:s4] =	dma.local [hbm:s3], $0xF7A  }
0x26: {  	[smem:$0x3F91] =	sst s1;
	(tag) =	ssettag s2;
	_ =	strace s9  }
0x27: {  	s1 =	sld [smem:$0x3FA1]  }
0x28: {  	s2 =	sld [smem:$0x3FA2]  }
0x29: {  	s4 =	sld [smem:$0x3FA4]  }
0x2a: {  	p0 =	seq.s32 s5, $0x0;
	s5 =	sld [smem:$0x3FA5]  }
0x2b: {  	s6 =	sld [smem:$0x3FA6]  }
0x2c: {  	s7 =	sld [smem:$0x3FA7]  }
0x2d: {  	s3 =	simm.s32 $0x108;
	s8 =	sld [smem:$0x3FA8]  }
0x2e: {  	s3 =	simm.s32 @!p0 $0x1082;
	s9 =	sld [smem:$0x3FA9]  }
0x2f: {  	lr =	sadd.s32 s0, s3;
	s0 =	sld [smem:$0x3FA0]  }
0x30: {  	s3 =	sld [smem:$0x3FA3]  }
0x31: {  	[smem:$0x3FAC] =	sst s10  }
0x32: {  	s10 =	sld [smem:$0x3FAA];
	_ =	sdelay $0x3  }
0x33: {  	p0 =	seq.s32 s10, $0x1;
	s10 =	sld [smem:$0x3FAC];
	_ =	sdelay $0x3  }
0x34: {  	[smem:$0x3FAC] =	sst s10  }
0x35: {  	s10 =	sld [smem:$0x3FAB];
	_ =	sdelay $0x3  }
0x36: {  	p1 =	seq.s32 s10, $0x1;
	s10 =	sld [smem:$0x3FAC];
	_ =	sdelay $0x3  }
0x37: {  	[smem:$0x3FAC] =	sst s10  }
0x38: {  	s10 =	sld [smem:$0x3FAD]  }
0x39: {  	_ = 	snop;
	(pc) =	sbr.ind lr, $3  }
0x3a: {  	_ = 	snop  }
0x3b: {  	_ = 	snop  }
0x3c: {  	p2 =	seq.s32 s10, $0x1;
	s10 =	sld [smem:$0x3FAC]  }
0x3d: {  	_ =	shalt  }
0x3e: {  	_ =	shalt  }
0x3f: {  	_ =	shalt  }
0x40: {  	_ =	shalt  }
0x41: {  	_ =	shalt  }
0x42: {  	_ =	shalt  }
0x43: {  	_ =	shalt  }
0x44: {  	_ =	shalt  }
0x45: {  	_ =	shalt  }
0x46: {  	_ =	shalt  }
0x47: {  	_ =	shalt  }
0x48: {  	_ =	shalt  }
0x49: {  	_ =	shalt  }
0x4a: {  	_ =	shalt  }
0x4b: {  	_ =	shalt  }
0x4c: {  	_ =	shalt  }
0x4d: {  	_ =	shalt  }
0x4e: {  	_ =	shalt  }
0x4f: {  	_ =	shalt  }
0x50: {  	_ =	shalt  }
0x51: {  	_ =	shalt  }
0x52: {  	_ =	shalt  }
0x53: {  	_ =	shalt  }
0x54: {  	_ =	shalt  }
0x55: {  	_ =	shalt  }
0x56: {  	_ =	shalt  }
0x57: {  	_ =	shalt  }
0x58: {  	_ =	shalt  }
0x59: {  	_ =	shalt  }
0x5a: {  	_ =	shalt  }
0x5b: {  	_ =	shalt  }
0x5c: {  	_ =	shalt  }
0x5d: {  	_ =	shalt  }
0x5e: {  	_ =	shalt  }
0x5f: {  	_ =	shalt  }
0x60: {  	_ =	shalt  }
0x61: {  	_ =	shalt  }
0x62: {  	_ =	shalt  }
0x63: {  	_ =	shalt  }
0x64: {  	_ =	shalt  }
0x65: {  	_ =	shalt  }
0x66: {  	_ =	shalt  }
0x67: {  	_ =	shalt  }
0x68: {  	_ =	shalt  }
0x69: {  	_ =	shalt  }
0x6a: {  	_ =	shalt  }
0x6b: {  	_ =	shalt  }
0x6c: {  	_ =	shalt  }
0x6d: {  	_ =	shalt  }
0x6e: {  	_ =	shalt  }
0x6f: {  	_ =	shalt  }
0x70: {  	_ =	shalt  }
0x71: {  	_ =	shalt  }
0x72: {  	_ =	shalt  }
0x73: {  	_ =	shalt  }
0x74: {  	_ =	shalt  }
0x75: {  	_ =	shalt  }
0x76: {  	_ =	shalt  }
0x77: {  	_ =	shalt  }
0x78: {  	_ =	shalt  }
0x79: {  	_ =	shalt  }
0x7a: {  	_ =	shalt  }
0x7b: {  	_ =	shalt  }
0x7c: {  	_ =	shalt  }
0x7d: {  	_ =	shalt  }
0x7e: {  	_ =	shalt  }
0x7f: {  	_ =	shalt  }
0x80: {  	_ =	shalt  }
0x81: {  	_ =	shalt  }
0x82: {  	_ =	shalt  }
0x83: {  	_ =	shalt  }
0x84: {  	_ =	shalt  }
0x85: {  	_ =	shalt  }
0x86: {  	_ =	shalt  }
0x87: {  	_ =	shalt  }
.Lfunc_end0:
.L_simem_size_0:
called_computation.2_lowered:
.L_overlay_start_0:
0x88: {  	s2 =	sld [smem:$0x3FD9]  }
0x89: {  	s3 =	sld [smem:$0x3FFE];
	_ =	sdelay $0x1  }
0x8a: {  	s1 =	srdreg.scid  }
0x8b: {  	s0 =	sand.u32 $0x1, s1  }
0x8c: {  	s16 =	sshll.u32 s0, $0xA;
	s2 =	sadd.s32 s3, s2  }
0x8d: {  	s2 =	sadd.s32 s2, s16  }
0x8e: {  	[smem:$0x3FB8] =	sst s2  }
0x8f: {  	_ = 	snop  }
0x90: {  	(tm) =	ssettm $0x1  }
0x91: {  	s17 =	sld [smem:$0x3FFB];
	_ =	sdelay $0x3  }
0x92: {  	_ =	strace s17  }
0x93: {  	s2 =	sld [smem:$0x3FFC];
	_ =	sdelay $0x3  }
0x94: {  	_ =	strace s2  }
0x95: {  	s2 =	sld [smem:$0x3FFD];
	_ =	sdelay $0x3  }
0x96: {  	_ =	strace s2  }
0x97: {  	_ =	strace $0x8FFFFFFF  }
0x98: {  	s18 =	sld [smem:$0x3FDB];
	_ =	sdelay $0x1  }
0x99: {  	s19 =	simm.s32 $_scs_section_size  }
0x9a: {  	s4 =	simm.s32 $_size__tile_overlayer_lowered;
	s5 =	simm.s32 $_tile_overlayer_lowered  }
0x9b: {  	s22 =	simm.s32 $0x1BFF;
	s21 =	sshll.u32 s5, $0x1;
	s2 =	sadd.s32 s19, s18  }
0x9c: {  	s6 =	simm.s32 $0x0;
	s20 =	sshll.u32 s4, $0x1;
	s4 =	sadd.s32 s21, s2  }
0x9d: {  	[timem:s6], [sflag:s22] =	dma.local [hbm:s4], s20  }
0x9e: {  	_ =	swait.ge [sflag:s22], s20  }
0x9f: {  	s3 =	ssub.s32 $0x0, s20;
	[sflag:s22] =	ssyncset.done $0x0  }
0xa0: {  	[sflag:s22] =	ssyncadd.s32 s3;
	_ =	sdelay $0x1  }
0xa1: {  	s23 =	simm.s32 $0x1B8B  }
0xa2: {  	_ =	swait.ge [sflag:s23], $0x1  }
0xa3: {  	[sflag:s23] =	ssyncset.done $0x0  }
0xa4: {  	s25 =	simm.s32 $0x1B8E;
	s24 =	sld [smem:$0x3FFE];
	[sflag:s23] =	ssyncadd.s32 $0xFFFFFFFF  }
0xa5: {  	s26 =	simm.s32 $execute0_lowered;
	[smem:$0x3FD2] =	sst s25  }
0xa6: {  	s4 =	sshll.u32 s26, $0x1;
	_ =	strace $0x8000004C;
	[dreg:$0x1] =	wrdreg $0xFFFFFFFF  }
0xa7: {  	s28 =	simm.s32 $_size_execute0_lowered;
	s2 =	sadd.s32 s2, s4;
	[dreg:$0x0] =	wrdreg $0x0  }
0xa8: {  	s4 =	sshll.u32 s28, $0x1;
	[dreg:$0x2] =	wrdreg s2  }
0xa9: {  	[dreg:$0x3] =	wrdreg s4  }
0xaa: {  	[dreg:$0x4] =	wrdreg $0xC0  }
0xab: {  	_ =	task [dreg:s6], $0x5FFFF  }
0xac: {  	[dreg:$0x1] =	wrdreg $0xFFFFFFFF  }
0xad: {  	[dreg:$0x0] =	wrdreg $0x60  }
0xae: {  	[dreg:$0x2] =	wrdreg s24  }
0xaf: {  	[dreg:$0x3] =	wrdreg $0xC0000  }
0xb0: {  	[dreg:$0x4] =	wrdreg $0x9  }
0xb1: {  	_ =	task.clear_ibuf [dreg:s6], $0x5FFFF;
	_ =	strace $0x9000004C  }
0xb2: {  	s29 =	simm.s32 $0x9;
	_ =	strace $0x8000004E  }
0xb3: {  	_ =	swait.ge [sflag:s29], $0x1  }
0xb4: {  	[sflag:s29] =	ssyncadd.s32 $0xFFFFFFFF  }
0xb5: {  	_ =	strace $0x9000004E  }
0xb6: {  	_ =	sfence  }
0xb7: {  	s30 =	sld [smem:$0x0];
	_ =	sdelay $0x2  }
0xb8: {  	s31 =	sshll.u32 s1, $0xD;
	s1 =	sshrl.u32 s1, $0x2  }
0xb9: {  	s3 =	sand.u32 $0x4000, s31;
	s1 =	sadd.s32 s1, s30  }
0xba: {  	s0 =	sor.u32 s3, s0;
	s1 =	sshll.u32 s1, $0x11  }
0xbb: {  	s0 =	sor.u32 s1, s0  }
0xbc: {  	s0 =	sadd.s32 $0x8F2B, s0  }
0xbd: {  	[sflag:s0] =	ssyncadd.remote.s32 $0x1  }
0xbe: {  	_ =	sfence.sel $0xFFFF  }
0xbf: {  	[dreg:$0x0] =	wrdreg $0xFFFFFFFF;
	(pc) =	sbr.abs _section_cstart, $3  }
0xc0: {  	[dreg:$0x1] =	wrdreg $0xFFFFFFFF  }
0xc1: {  	_ =	task.clear_ibuf [dreg:s6], $0x2FFFF;
	_ =	strace $0x9FFFFFFF  }
0xc2: {  	(tm) =	ssettm $0x7FFFFFFF  }
0xc3: {  	_ =	shalt  }
tec
execute0_lowered:
.L_overlay_start_1:
0x0: {  	(tag) =	ssettag $0x1  }
0x1: {  	s0 =	rddreg [dreg:$0x0]  }
0x2: {  	s1 =	rddreg [dreg:$0x1]  }
0x3: {  	s3 =	simm.s32 $0x0;
	s10 =	stileid.u32;
	s2 =	srdreg.scid  }
0x4: {  	s19 =	simm.s32 $0x4;
	s20 =	simm.s32 $0x3;
	s21 =	simm.s32 $0x40  }
0x5: {  	s28 =	simm.s32 $0x180;
	s29 =	simm.s32 $0x8000;
	s30 =	simm.s32 $0x1  }
0x6: {  	s31 =	simm.s32 $0x2;
	[smem:$0x7FF] =	sst s3;
	s4 =	sadd.s32 $0xA5000, s0  }
0x7: {  	s5 =	sadd.s32 $0x2EC00, s0;
	s6 =	smul.u32 $0x2800, s10;
	s7 =	sadd.s32 $0x6C00, s0  }
0x8: {  	s8 =	sadd.s32 $0x1AC00, s0;
	s2 =	sand.u32 $0x1, s2;
	s12 =	smul.u32 $0x1400, s10  }
0x9: {  	s13 =	sadd.s32 $0xF5000, s0;
	s14 =	smul.u32 $0x50000, s10;
	s26 =	sshll.u32 s10, $0x6  }
0xa: {  	s15 =	smul.u32 $0xA000, s10;
	_ =	strace $0x8000004D;
	s11 =	ssub.s32 $0x2, s2  }
0xb: {  	[dreg:$0x3] =	wrdreg s13;
	p0 =	sne.s32 s2, $0x0;
	s9 =	sadd.s32 s6, s0  }
0xc: {  	s23 =	sshrl.u32 s11, $0x1;
	s0 =	sadd.s32 $0x11D000, s0;
	s25 =	sshrl.u32 s14, $0x2  }
.Ltmp0:
0xd: {  	s14 =	sor.u32 $0x1C04, s26;
	s26 =	simm.s32 $0x6000;
	(pc) =	sbr.rel .LBB2_1-.Ltmp0, $4  }
0xe: {  	[dreg:$0x4] =	wrdreg s0;
	s24 =	ssub.s32 s11, s23;
	s11 =	sadd.s32 s7, s12  }
0xf: {  	s12 =	sadd.s32 s8, s12;
	s18 =	sadd.s32 s25, s1;
	s13 =	sadd.s32 $0x7D000, s9  }
0x10: {  	s23 =	simm.s32 $0x80;
	s25 =	simm.s32 $0x100;
	s0 =	simm.s32 $0x0  }
0x11: {  	s16 =	smax.u32 s24, $0x1;
	s18 =	sshrl.u32 s18, $0x3;
	s24 =	simm.s32 $0x4000  }
.LBB2_19:
0x12: {  	s2 =	rddreg [dreg:$0x4]  }
.LBB2_20:
0x13: {  	_ =	swait.ge [sflag:s31], $0x2000  }
0x14: {  	s0 =	sadd.s32 $0x1, s0;
	[sflag:s31] =	ssyncset.done $0x0  }
0x15: {  	p1 =	sne.s32 s0, s16;
	[sflag:s31] =	ssyncadd.s32 $0xFFFFE000  }
.Ltmp1:
0x16: {  	s2 =	sadd.s32 s2, s6;
	[bflag:$0x0] =	sbarrier.arrive $0xFFFF;
	(pc) =	sbr.rel @!p1 .LBB2_21-.Ltmp1, $4  }
0x17: {  	[hbm:s2], [sflag:s14] =	dma.local [spmem:s18], $0x2800  }
0x18: {  	_ =	swait.ge [sflag:s19], $0x2800  }
0x19: {  	[sflag:s19] =	ssyncset.done $0x0  }
0x1a: {  	[sflag:s19] =	ssyncadd.s32 $0xFFFFD800  }
.LBB2_1:
0x1b: {  	[tilespmem:s3], [sflag:$0x3] =	stream.linear.gather [hbm4b:s11+s3], $0x800, $0x38;
	v63 =	vld [tilespmem:$0x0]  }
0x1c: {  	s2 =	simm.s32 $0x1000  }
0x1d: {  	[tilespmem:s2], [sflag:$0x3] =	stream.linear.gather [hbm4b:s12+s3], $0x800, $0x38;
	v63 =	vld [tilespmem:$0x0]  }
0x1e: {  	[spmem:s18], [sflag:s14] =	dma.local [hbm:s13], $0x2800  }
0x1f: {  	_ =	swait.ge [sflag:s19], $0x2800  }
0x20: {  	[sflag:s19] =	ssyncset.done $0x0  }
0x21: {  	[sflag:s19] =	ssyncadd.s32 $0xFFFFD800  }
0x22: {  	_ =	swait.ge [sflag:s20], $0x800  }
0x23: {  	[sflag:s20] =	ssyncset.done $0x0  }
0x24: {  	[sflag:s20] =	ssyncadd.s32 $0xFFFFF800  }
.Ltmp2:
0x25: {  	_ =	swait.ge [sflag:s20], $0x800;
	(pc) =	sbr.rel @p0 .LBB2_11-.Ltmp2, $4  }
0x26: {  	[sflag:s20] =	ssyncset.done $0x0  }
0x27: {  	[sflag:s20] =	ssyncadd.s32 $0xFFFFF800  }
0x28: {  	[bflag:$0x0] =	sbarrier.arrive $0xFFFF  }
0x29: {  	s9 =	simm.s32 $0x2000;
	s2 =	simm.s32 $0x0  }
0x2a: {  	[tilespmem:s9], [sflag:$0x1] =	stream.indirect.gather [hbm4b:s4+s21], $0x80, s2, s21, $0xb8;
	v63 =	vld [tilespmem:$0x0]  }
0x2b: {  	_ = 	snop  }
0x2c: {  	[tilespmem:s24], [sflag:$0x1] =	stream.indirect.gather [hbm4b:s4+s21], $0x80, s23, s21, $0xb8;
	v63 =	vld [tilespmem:$0x0]  }
0x2d: {  	_ = 	snop  }
0x2e: {  	[tilespmem:s26], [sflag:$0x1] =	stream.indirect.gather [hbm4b:s4+s21], $0x80, s25, s21, $0xb8;
	v63 =	vld [tilespmem:$0x0]  }
0x2f: {  	_ = 	snop  }
0x30: {  	[tilespmem:s29], [sflag:$0x1] =	stream.indirect.gather [hbm4b:s4+s21], $0x80, s28, s21, $0xb8;
	v63 =	vld [tilespmem:$0x0]  }
.LBB2_3:
0x31: {  	s9 =	smul.u32 $0xCCCD, s2;
	_ =	sdelay $0x1  }
0x32: {  	s9 =	sshrl.u32 s9, $0x12  }
0x33: {  	_ =	swait.ge [sflag:s30], $0x2000;
	s10 =	smul.u32 $0x5, s9  }
0x34: {  	s17 =	sshll.u32 s2, $0x7;
	p2 =	sgt.u32 s2, $0x12F;
	[sflag:s30] =	ssyncset.done $0x0  }
0x35: {  	s17 =	sand.u32 $0x800, s17;
	s9 =	sand.u32 $0xF, s2;
	s10 =	ssub.s32 s2, s10  }
0x36: {  	[sflag:s30] =	ssyncadd.s32 $0xFFFFE000;
	s22 =	sshll.u32 s9, $0x7;
	s10 =	sand.u32 $0xFFFF, s10  }
0x37: {  	p3 =	sne.s32 @!p2 s9, $0x0;
	s17 =	sor.u32 s22, s17;
	s10 =	sshll.u32 s10, $0xD  }
0x38: {  	p2 =	por p2, p3;
	s17 =	sor.u32 $0x1000, s17;
	s10 =	sadd.s32 $0x2000, s10  }
0x39: {  	[spmem:s1] =	stream.indirect.scatter.add.f32 [tilespmem:s10], [sflag:$0x2], $0x80, s17, s21, $0xb8;
	v63 =	vld [tilespmem:$0x0]  }
.Ltmp3:
0x3a: {  	p1 =	seq.s32 s2, $0x0;
	(pc) =	sbr.rel @p2 .LBB2_5-.Ltmp3, $4  }
0x3b: {  	s10 =	simm.s32 @!p1 $0x2  }
0x3c: {  	_ =	swait.ge @!p1 [sflag:s10], $0x2000  }
0x3d: {  	[sflag:s10] =	ssyncset.done @!p1 $0x0  }
0x3e: {  	[sflag:s10] =	ssyncadd.s32 @!p1 $0xFFFFE000  }
0x3f: {  	s9 =	sshrl.u32 s2, $0x4  }
0x40: {  	s9 =	sshll.u32 s9, $0xB  }
0x41: {  	s9 =	sadd.s32 $0x800, s9  }
0x42: {  	s10 =	sadd.s32 s15, s9  }
0x43: {  	s10 =	sshrl.u32 s10, $0x3  }
.Ltmp4:
0x44: {  	s9 =	sand.u32 $0x800, s9;
	s17 =	sadd.s32 s7, s10;
	(pc) =	sbr.rel .LBB2_8-.Ltmp4, $4  }
0x45: {  	[tilespmem:s9], [sflag:$0x3] =	stream.linear.gather [hbm4b:s17+s3], $0x800, $0x38;
	v63 =	vld [tilespmem:$0x0]  }
0x46: {  	s10 =	sadd.s32 s8, s10;
	s9 =	sor.u32 $0x1000, s9  }
0x47: {  	[tilespmem:s9], [sflag:$0x3] =	stream.linear.gather [hbm4b:s10+s3], $0x800, $0x38;
	v63 =	vld [tilespmem:$0x0]  }
0x48: {  	s9 =	sadd.s32 $0x4, s2  }
.LBB2_5:
0x49: {  	p1 =	sgt.u32 s2, $0x13B  }
0x4a: {  	p2 =	sne.s32 @!p1 s9, $0xC  }
0x4b: {  	p2 =	por p1, p2  }
.Ltmp5:
0x4c: {  	_ = 	snop;
	(pc) =	sbr.rel @p2 .LBB2_7-.Ltmp5, $2  }
0x4d: {  	_ =	sdelay $0x2  }
0x4e: {  	s9 =	sadd.s32 $0x4, s2  }
0x4f: {  	_ =	swait.ge [sflag:s20], $0x800  }
0x50: {  	[sflag:s20] =	ssyncset.done $0x0  }
0x51: {  	[sflag:s20] =	ssyncadd.s32 $0xFFFFF800  }
0x52: {  	_ =	swait.ge [sflag:s20], $0x800  }
0x53: {  	[sflag:s20] =	ssyncset.done $0x0  }
0x54: {  	[sflag:s20] =	ssyncadd.s32 $0xFFFFF800  }
.LBB2_8:
0x55: {  	s10 =	smul.u32 $0xCCCD, s9;
	_ =	sdelay $0x1  }
0x56: {  	s10 =	sshrl.u32 s10, $0x12  }
0x57: {  	s10 =	smul.u32 $0x5, s10;
	_ =	sdelay $0x1  }
0x58: {  	s10 =	ssub.s32 s9, s10  }
0x59: {  	s10 =	sand.u32 $0xFFFF, s10  }
0x5a: {  	s22 =	sshll.u32 s9, $0x7;
	s10 =	sshll.u32 s10, $0xD  }
0x5b: {  	s9 =	sand.u32 $0xF80, s22;
	s10 =	sadd.s32 $0x2000, s10  }
0x5c: {  	[tilespmem:s10], [sflag:$0x1] =	stream.indirect.gather [hbm4b:s4+s21], $0x80, s9, s21, $0xb8;
	v63 =	vld [tilespmem:$0x0]  }
.LBB2_9:
0x5d: {  	s2 =	sadd.s32 $0x1, s2  }
0x5e: {  	p1 =	seq.s32 s2, $0x140  }
.Ltmp6:
0x5f: {  	_ = 	snop;
	(pc) =	sbr.rel @!p1 .LBB2_3-.Ltmp6, $4  }
.Ltmp7:
0x60: {  	_ = 	snop;
	(pc) =	sbr.rel @p1 .LBB2_10-.Ltmp7, $4  }
0x61: {  	_ = 	snop  }
0x62: {  	_ = 	snop  }
0x63: {  	_ = 	snop  }
0x64: {  	_ = 	snop  }
.LBB2_7:
.Ltmp8:
0x65: {  	(pc) =	sbr.rel @p1 .LBB2_9-.Ltmp8, $4  }
.Ltmp9:
0x66: {  	(pc) =	sbr.rel @!p1 .LBB2_8-.Ltmp9, $4  }
0x67: {  	_ = 	snop  }
0x68: {  	_ = 	snop  }
0x69: {  	_ = 	snop  }
0x6a: {  	_ = 	snop  }
.LBB2_11:
0x6b: {  	[tilespmem:s9], [sflag:$0x1] =	stream.indirect.gather [hbm4b:s5+s21], $0x80, s2, s21, $0xb8;
	v63 =	vld [tilespmem:$0x0]  }
0x6c: {  	_ = 	snop  }
0x6d: {  	[tilespmem:s24], [sflag:$0x1] =	stream.indirect.gather [hbm4b:s5+s21], $0x80, s23, s21, $0xb8;
	v63 =	vld [tilespmem:$0x0]  }
0x6e: {  	_ = 	snop  }
0x6f: {  	[tilespmem:s26], [sflag:$0x1] =	stream.indirect.gather [hbm4b:s5+s21], $0x80, s25, s21, $0xb8;
	v63 =	vld [tilespmem:$0x0]  }
0x70: {  	_ = 	snop  }
0x71: {  	[tilespmem:s29], [sflag:$0x1] =	stream.indirect.gather [hbm4b:s5+s21], $0x80, s28, s21, $0xb8;
	v63 =	vld [tilespmem:$0x0]  }
.LBB2_12:
0x72: {  	s9 =	smul.u32 $0xCCCD, s2;
	_ =	sdelay $0x1  }
0x73: {  	s9 =	sshrl.u32 s9, $0x12  }
0x74: {  	_ =	swait.ge [sflag:s30], $0x2000;
	s10 =	smul.u32 $0x5, s9  }
0x75: {  	s17 =	sshll.u32 s2, $0x7;
	p2 =	sgt.u32 s2, $0x12F;
	[sflag:s30] =	ssyncset.done $0x0  }
0x76: {  	s17 =	sand.u32 $0x800, s17;
	s9 =	sand.u32 $0xF, s2;
	s10 =	ssub.s32 s2, s10  }
0x77: {  	[sflag:s30] =	ssyncadd.s32 $0xFFFFE000;
	s22 =	sshll.u32 s9, $0x7;
	s10 =	sand.u32 $0xFFFF, s10  }
0x78: {  	p3 =	sne.s32 @!p2 s9, $0x0;
	s17 =	sor.u32 s22, s17;
	s10 =	sshll.u32 s10, $0xD  }
0x79: {  	p2 =	por p2, p3;
	s17 =	sor.u32 $0x1000, s17;
	s10 =	sadd.s32 $0x2000, s10  }
0x7a: {  	[spmem:s1] =	stream.indirect.scatter.add.f32 [tilespmem:s10], [sflag:$0x2], $0x80, s17, s21, $0xb8;
	v63 =	vld [tilespmem:$0x0]  }
.Ltmp10:
0x7b: {  	p1 =	seq.s32 s2, $0x0;
	(pc) =	sbr.rel @p2 .LBB2_14-.Ltmp10, $4  }
0x7c: {  	s10 =	simm.s32 @!p1 $0x2  }
0x7d: {  	_ =	swait.ge @!p1 [sflag:s10], $0x2000  }
0x7e: {  	[sflag:s10] =	ssyncset.done @!p1 $0x0  }
0x7f: {  	[sflag:s10] =	ssyncadd.s32 @!p1 $0xFFFFE000  }
0x80: {  	s9 =	sshrl.u32 s2, $0x4  }
0x81: {  	s9 =	sshll.u32 s9, $0xB  }
0x82: {  	s9 =	sadd.s32 $0x800, s9  }
0x83: {  	s10 =	sadd.s32 s15, s9  }
0x84: {  	s10 =	sshrl.u32 s10, $0x3  }
.Ltmp11:
0x85: {  	s9 =	sand.u32 $0x800, s9;
	s17 =	sadd.s32 s7, s10;
	(pc) =	sbr.rel .LBB2_17-.Ltmp11, $4  }
0x86: {  	[tilespmem:s9], [sflag:$0x3] =	stream.linear.gather [hbm4b:s17+s3], $0x800, $0x38;
	v63 =	vld [tilespmem:$0x0]  }
0x87: {  	s10 =	sadd.s32 s8, s10;
	s9 =	sor.u32 $0x1000, s9  }
0x88: {  	[tilespmem:s9], [sflag:$0x3] =	stream.linear.gather [hbm4b:s10+s3], $0x800, $0x38;
	v63 =	vld [tilespmem:$0x0]  }
0x89: {  	s9 =	sadd.s32 $0x4, s2  }
.LBB2_14:
0x8a: {  	p1 =	sgt.u32 s2, $0x13B  }
0x8b: {  	p2 =	sne.s32 @!p1 s9, $0xC  }
0x8c: {  	p2 =	por p1, p2  }
.Ltmp12:
0x8d: {  	_ = 	snop;
	(pc) =	sbr.rel @p2 .LBB2_16-.Ltmp12, $2  }
0x8e: {  	_ =	sdelay $0x2  }
0x8f: {  	s9 =	sadd.s32 $0x4, s2  }
0x90: {  	_ =	swait.ge [sflag:s20], $0x800  }
0x91: {  	[sflag:s20] =	ssyncset.done $0x0  }
0x92: {  	[sflag:s20] =	ssyncadd.s32 $0xFFFFF800  }
0x93: {  	_ =	swait.ge [sflag:s20], $0x800  }
0x94: {  	[sflag:s20] =	ssyncset.done $0x0  }
0x95: {  	[sflag:s20] =	ssyncadd.s32 $0xFFFFF800  }
.LBB2_17:
0x96: {  	s10 =	smul.u32 $0xCCCD, s9;
	_ =	sdelay $0x1  }
0x97: {  	s10 =	sshrl.u32 s10, $0x12  }
0x98: {  	s10 =	smul.u32 $0x5, s10;
	_ =	sdelay $0x1  }
0x99: {  	s10 =	ssub.s32 s9, s10  }
0x9a: {  	s10 =	sand.u32 $0xFFFF, s10  }
0x9b: {  	s22 =	sshll.u32 s9, $0x7;
	s10 =	sshll.u32 s10, $0xD  }
0x9c: {  	s9 =	sand.u32 $0xF80, s22;
	s10 =	sadd.s32 $0x2000, s10  }
0x9d: {  	[tilespmem:s10], [sflag:$0x1] =	stream.indirect.gather [hbm4b:s5+s21], $0x80, s9, s21, $0xb8;
	v63 =	vld [tilespmem:$0x0]  }
.LBB2_18:
0x9e: {  	s2 =	sadd.s32 $0x1, s2  }
0x9f: {  	p1 =	sne.s32 s2, $0x140  }
.Ltmp13:
0xa0: {  	_ = 	snop;
	(pc) =	sbr.rel @p1 .LBB2_12-.Ltmp13, $4  }
.Ltmp14:
0xa1: {  	_ = 	snop;
	(pc) =	sbr.rel @!p1 .LBB2_19-.Ltmp14, $4  }
0xa2: {  	_ = 	snop  }
0xa3: {  	_ = 	snop  }
0xa4: {  	_ = 	snop  }
0xa5: {  	_ = 	snop  }
.LBB2_16:
.Ltmp15:
0xa6: {  	(pc) =	sbr.rel @p1 .LBB2_18-.Ltmp15, $4  }
.Ltmp16:
0xa7: {  	(pc) =	sbr.rel @!p1 .LBB2_17-.Ltmp16, $4  }
0xa8: {  	_ = 	snop  }
0xa9: {  	_ = 	snop  }
0xaa: {  	_ = 	snop  }
0xab: {  	_ = 	snop  }
.LBB2_10:
.Ltmp17:
0xac: {  	(pc) =	sbr.rel .LBB2_20-.Ltmp17, $2  }
0xad: {  	_ =	sdelay $0x2  }
0xae: {  	s2 =	rddreg [dreg:$0x3]  }
.LBB2_21:
0xaf: {  	_ =	sfence.sel $0x180000  }
0xb0: {  	[bflag:$0x0] =	sbarrier.arrive $0xFFFF  }
0xb1: {  	_ =	strace $0x9000004D  }
0xb2: {  	s0 =	stileid.u32;
	[bflag:$0x2] =	sbarrier.arrive $0xFFFF  }
0xb3: {  	p0 =	sne.s32 s0, $0x0;
	s0 =	rddreg [dreg:$0x2]  }
0xb4: {  	s0 =	sadd.s32 @!p0 $0x100000, s0  }
0xb5: {  	[sflag:s0] =	ssyncadd.tile.s32 @!p0 $0x1;
	_ =	shalt  }
.Lfunc_end2:
_tile_overlayer_lowered:
.L_overlay_start_2:
0xb6: {  	(tag) =	ssettag $0x2  }
0xb7: {  	s0 =	rddreg [dreg:$0x0];
	s2 =	stileid.u32  }
0xb8: {  	s1 =	rddreg [dreg:$0x1];
	p0 =	sne.s32 s2, $0x0  }
0xb9: {  	s3 =	rddreg [dreg:$0x2];
	[bflag:$0x3] =	sbarrier.arrive $0xFFFF;
	s2 =	simm.s32 @!p0 $0x1C04  }
0xba: {  	[timem:s3], [sflag:s2] =	dma.local @!p0 [hbm:s0], s1  }
0xbb: {  	s0 =	simm.s32 @!p0 $0x4  }
0xbc: {  	_ =	swait.ge @!p0 [sflag:s0], s1  }
0xbd: {  	s1 =	ssub.s32 @!p0 $0x0, s1;
	[sflag:s0] =	ssyncset.done @!p0 $0x0  }
0xbe: {  	[sflag:s0] =	ssyncadd.s32 @!p0 s1  }
0xbf: {  	[bflag:$0x3] =	sbarrier.arrive $0xFFFF  }
0xc0: {  	_ =	shalt  }

// kernel: kernel.8.cloned.1.call-start
scs
__scs_entry_jumppad:
0x0: {  	(pc) =	sbr.rel $0x88, $3  }
0x1: {  	(tag) =	ssettag $0x0;
	lr =	simm.s32 $0x1  }
0x2: {  	[smem:$0x3F91] =	sst lr;
	_ =	strace $0xD0000000  }
0x3: {  	_ = 	snop  }
0x4: {  	_ = 	snop  }
0x5: {  	_ = 	snop  }
0x6: {  	_ = 	snop  }
0x7: {  	_ = 	snop  }
__scs_overlays_trampoline_lowered:
0x8: {  	[smem:$0x3FA0] =	sst s0  }
0x9: {  	[smem:$0x3FA1] =	sst s1  }
0xa: {  	[smem:$0x3FA2] =	sst s2  }
0xb: {  	[smem:$0x3FA3] =	sst s3  }
0xc: {  	[smem:$0x3FA4] =	sst s4  }
0xd: {  	[smem:$0x3FA5] =	sst s5  }
0xe: {  	[smem:$0x3FA6] =	sst s6  }
0xf: {  	[smem:$0x3FA7] =	sst s7  }
0x10: {  	[smem:$0x3FA8] =	sst s8  }
0x11: {  	[smem:$0x3FA9] =	sst s9;
	s0 =	simm.s32 @!p0 $0x0  }
0x12: {  	s1 =	sld [smem:$0x3F8F];
	s0 =	simm.s32 @p0 $0x1  }
0x13: {  	[smem:$0x3FAA] =	sst s0;
	s0 =	simm.s32 @!p1 $0x0  }
0x14: {  	s2 =	sld [smem:$0x3F8E];
	s0 =	simm.s32 @p1 $0x1  }
0x15: {  	[smem:$0x3FAB] =	sst s0;
	s0 =	simm.s32 @!p2 $0x0  }
0x16: {  	s3 =	sld [smem:$0x3FDB];
	s0 =	simm.s32 @p2 $0x1  }
0x17: {  	s4 =	simm.s32 $0x1BF5;
	[smem:$0x3FAD] =	sst s0  }
0x18: {  	s0 =	sld [smem:$0x3F90];
	_ =	swait.ge [sflag:s4], $0x0  }
0x19: {  	s7 =	sld [smem:$0x3F91]  }
0x1a: {  	s8 =	sadd.s32 $0xFFFFE003, lr  }
0x1b: {  	s9 =	sadd.s32 $0xFFFFFEF7, lr;
	s5 =	simm.s32 $0xFFFFFFFF;
	p2 =	slt.u32 s8, $0xFFFFF086  }
0x1c: {  	p1 =	slt.u32 s9, $0xF7A;
	s5 =	simm.s32 @!p2 $0x0  }
0x1d: {  	s5 =	simm.s32 @p1 $0x1;
	p0 =	seq.s32 s7, s2  }
0x1e: {  	s7 =	smul.u32 @!p0 $0xF7A, s2;
	p2 =	seq.s32 @!p0 s5, $0x0  }
0x1f: {  	s9 =	smul.u32 $0xF7A, s1;
	s8 =	simm.s32 @!p0 $0x1BF5;
	p2 =	por !p2, p0  }
0x20: {  	[sflag:s8] =	ssyncset.s32 @!p0 $0xFFFFF086;
	s6 =	sadd.s32 @!p0 s3, s7;
	s7 =	simm.s32 @!p0 $0x108  }
0x21: {  	s3 =	sadd.s32 s3, s9;
	s6 =	sadd.s32 @!p0 $0x88, s6;
	s7 =	simm.s32 @p2 $0x1082  }
0x22: {  	[simem:s7], [sflag:s8] =	dma.local @!p0 [hbm:s6], $0xF7A  }
0x23: {  	s9 =	sor.u32 $0xD0000000, s2;
	s6 =	simm.s32 $0x108;
	_ =	swait.ge @!p0 [sflag:s8], $0x0  }
0x24: {  	s3 =	sadd.s32 $0x88, s3;
	s6 =	simm.s32 @!p1 $0x1082;
	[sflag:s4] =	ssyncset.s32 $0xFFFFF086  }
0x25: {  	[simem:s6], [sflag:s4] =	dma.local [hbm:s3], $0xF7A  }
0x26: {  	[smem:$0x3F91] =	sst s1;
	(tag) =	ssettag s2;
	_ =	strace s9  }
0x27: {  	s1 =	sld [smem:$0x3FA1]  }
0x28: {  	s2 =	sld [smem:$0x3FA2]  }
0x29: {  	s4 =	sld [smem:$0x3FA4]  }
0x2a: {  	p0 =	seq.s32 s5, $0x0;
	s5 =	sld [smem:$0x3FA5]  }
0x2b: {  	s6 =	sld [smem:$0x3FA6]  }
0x2c: {  	s7 =	sld [smem:$0x3FA7]  }
0x2d: {  	s3 =	simm.s32 $0x108;
	s8 =	sld [smem:$0x3FA8]  }
0x2e: {  	s3 =	simm.s32 @!p0 $0x1082;
	s9 =	sld [smem:$0x3FA9]  }
0x2f: {  	lr =	sadd.s32 s0, s3;
	s0 =	sld [smem:$0x3FA0]  }
0x30: {  	s3 =	sld [smem:$0x3FA3]  }
0x31: {  	[smem:$0x3FAC] =	sst s10  }
0x32: {  	s10 =	sld [smem:$0x3FAA];
	_ =	sdelay $0x3  }
0x33: {  	p0 =	seq.s32 s10, $0x1;
	s10 =	sld [smem:$0x3FAC];
	_ =	sdelay $0x3  }
0x34: {  	[smem:$0x3FAC] =	sst s10  }
0x35: {  	s10 =	sld [smem:$0x3FAB];
	_ =	sdelay $0x3  }
0x36: {  	p1 =	seq.s32 s10, $0x1;
	s10 =	sld [smem:$0x3FAC];
	_ =	sdelay $0x3  }
0x37: {  	[smem:$0x3FAC] =	sst s10  }
0x38: {  	s10 =	sld [smem:$0x3FAD]  }
0x39: {  	_ = 	snop;
	(pc) =	sbr.ind lr, $3  }
0x3a: {  	_ = 	snop  }
0x3b: {  	_ = 	snop  }
0x3c: {  	p2 =	seq.s32 s10, $0x1;
	s10 =	sld [smem:$0x3FAC]  }
0x3d: {  	_ =	shalt  }
0x3e: {  	_ =	shalt  }
0x3f: {  	_ =	shalt  }
0x40: {  	_ =	shalt  }
0x41: {  	_ =	shalt  }
0x42: {  	_ =	shalt  }
0x43: {  	_ =	shalt  }
0x44: {  	_ =	shalt  }
0x45: {  	_ =	shalt  }
0x46: {  	_ =	shalt  }
0x47: {  	_ =	shalt  }
0x48: {  	_ =	shalt  }
0x49: {  	_ =	shalt  }
0x4a: {  	_ =	shalt  }
0x4b: {  	_ =	shalt  }
0x4c: {  	_ =	shalt  }
0x4d: {  	_ =	shalt  }
0x4e: {  	_ =	shalt  }
0x4f: {  	_ =	shalt  }
0x50: {  	_ =	shalt  }
0x51: {  	_ =	shalt  }
0x52: {  	_ =	shalt  }
0x53: {  	_ =	shalt  }
0x54: {  	_ =	shalt  }
0x55: {  	_ =	shalt  }
0x56: {  	_ =	shalt  }
0x57: {  	_ =	shalt  }
0x58: {  	_ =	shalt  }
0x59: {  	_ =	shalt  }
0x5a: {  	_ =	shalt  }
0x5b: {  	_ =	shalt  }
0x5c: {  	_ =	shalt  }
0x5d: {  	_ =	shalt  }
0x5e: {  	_ =	shalt  }
0x5f: {  	_ =	shalt  }
0x60: {  	_ =	shalt  }
0x61: {  	_ =	shalt  }
0x62: {  	_ =	shalt  }
0x63: {  	_ =	shalt  }
0x64: {  	_ =	shalt  }
0x65: {  	_ =	shalt  }
0x66: {  	_ =	shalt  }
0x67: {  	_ =	shalt  }
0x68: {  	_ =	shalt  }
0x69: {  	_ =	shalt  }
0x6a: {  	_ =	shalt  }
0x6b: {  	_ =	shalt  }
0x6c: {  	_ =	shalt  }
0x6d: {  	_ =	shalt  }
0x6e: {  	_ =	shalt  }
0x6f: {  	_ =	shalt  }
0x70: {  	_ =	shalt  }
0x71: {  	_ =	shalt  }
0x72: {  	_ =	shalt  }
0x73: {  	_ =	shalt  }
0x74: {  	_ =	shalt  }
0x75: {  	_ =	shalt  }
0x76: {  	_ =	shalt  }
0x77: {  	_ =	shalt  }
0x78: {  	_ =	shalt  }
0x79: {  	_ =	shalt  }
0x7a: {  	_ =	shalt  }
0x7b: {  	_ =	shalt  }
0x7c: {  	_ =	shalt  }
0x7d: {  	_ =	shalt  }
0x7e: {  	_ =	shalt  }
0x7f: {  	_ =	shalt  }
0x80: {  	_ =	shalt  }
0x81: {  	_ =	shalt  }
0x82: {  	_ =	shalt  }
0x83: {  	_ =	shalt  }
0x84: {  	_ =	shalt  }
0x85: {  	_ =	shalt  }
0x86: {  	_ =	shalt  }
0x87: {  	_ =	shalt  }
.Lfunc_end0:
.L_simem_size_0:
called_computation_lowered:
.L_overlay_start_0:
0x88: {  	s2 =	sld [smem:$0x3FD9]  }
0x89: {  	s3 =	sld [smem:$0x3FFE];
	_ =	sdelay $0x1  }
0x8a: {  	s1 =	srdreg.scid  }
0x8b: {  	s0 =	sand.u32 $0x1, s1  }
0x8c: {  	s16 =	sshll.u32 s0, $0xA;
	s2 =	sadd.s32 s3, s2  }
0x8d: {  	s2 =	sadd.s32 s2, s16  }
0x8e: {  	[smem:$0x3FB8] =	sst s2  }
0x8f: {  	_ = 	snop  }
0x90: {  	(tm) =	ssettm $0x1  }
0x91: {  	s17 =	sld [smem:$0x3FFB];
	_ =	sdelay $0x3  }
0x92: {  	_ =	strace s17  }
0x93: {  	s2 =	sld [smem:$0x3FFC];
	_ =	sdelay $0x3  }
0x94: {  	_ =	strace s2  }
0x95: {  	s2 =	sld [smem:$0x3FFD];
	_ =	sdelay $0x3  }
0x96: {  	_ =	strace s2  }
0x97: {  	_ =	strace $0x8FFFFFFF  }
0x98: {  	s18 =	sld [smem:$0x3FDB];
	_ =	sdelay $0x1  }
0x99: {  	s19 =	simm.s32 $_scs_section_size  }
0x9a: {  	s4 =	simm.s32 $_size__tile_overlayer_lowered;
	s5 =	simm.s32 $_tile_overlayer_lowered  }
0x9b: {  	s22 =	simm.s32 $0x1BFF;
	s21 =	sshll.u32 s5, $0x1;
	s2 =	sadd.s32 s19, s18  }
0x9c: {  	s6 =	simm.s32 $0x0;
	s20 =	sshll.u32 s4, $0x1;
	s4 =	sadd.s32 s21, s2  }
0x9d: {  	[timem:s6], [sflag:s22] =	dma.local [hbm:s4], s20  }
0x9e: {  	_ =	swait.ge [sflag:s22], s20  }
0x9f: {  	s3 =	ssub.s32 $0x0, s20;
	[sflag:s22] =	ssyncset.done $0x0  }
0xa0: {  	[sflag:s22] =	ssyncadd.s32 s3;
	_ =	sdelay $0x1  }
0xa1: {  	s23 =	simm.s32 $0x1B8B  }
0xa2: {  	_ =	swait.ge [sflag:s23], $0x1  }
0xa3: {  	[sflag:s23] =	ssyncset.done $0x0  }
0xa4: {  	s25 =	simm.s32 $0x1B8E;
	s24 =	sld [smem:$0x3FFE];
	[sflag:s23] =	ssyncadd.s32 $0xFFFFFFFF  }
0xa5: {  	s26 =	simm.s32 $execute0_lowered;
	[smem:$0x3FD2] =	sst s25  }
0xa6: {  	s4 =	sshll.u32 s26, $0x1;
	_ =	strace $0x80000046;
	[dreg:$0x1] =	wrdreg $0xFFFFFFFF  }
0xa7: {  	s28 =	simm.s32 $_size_execute0_lowered;
	s2 =	sadd.s32 s2, s4;
	[dreg:$0x0] =	wrdreg $0x0  }
0xa8: {  	s4 =	sshll.u32 s28, $0x1;
	[dreg:$0x2] =	wrdreg s2  }
0xa9: {  	[dreg:$0x3] =	wrdreg s4  }
0xaa: {  	[dreg:$0x4] =	wrdreg $0xC0  }
0xab: {  	_ =	task [dreg:s6], $0x5FFFF  }
0xac: {  	[dreg:$0x1] =	wrdreg $0xFFFFFFFF  }
0xad: {  	[dreg:$0x0] =	wrdreg $0x60  }
0xae: {  	[dreg:$0x2] =	wrdreg s24  }
0xaf: {  	[dreg:$0x3] =	wrdreg $0xC0000  }
0xb0: {  	[dreg:$0x4] =	wrdreg $0x9  }
0xb1: {  	_ =	task.clear_ibuf [dreg:s6], $0x5FFFF;
	_ =	strace $0x90000046  }
0xb2: {  	s29 =	simm.s32 $0x9;
	_ =	strace $0x80000048  }
0xb3: {  	_ =	swait.ge [sflag:s29], $0x1  }
0xb4: {  	[sflag:s29] =	ssyncadd.s32 $0xFFFFFFFF  }
0xb5: {  	_ =	strace $0x90000048  }
0xb6: {  	_ =	sfence  }
0xb7: {  	s30 =	sld [smem:$0x0];
	_ =	sdelay $0x2  }
0xb8: {  	s31 =	sshll.u32 s1, $0xD;
	s1 =	sshrl.u32 s1, $0x2  }
0xb9: {  	s3 =	sand.u32 $0x4000, s31;
	s1 =	sadd.s32 s1, s30  }
0xba: {  	s0 =	sor.u32 s3, s0;
	s1 =	sshll.u32 s1, $0x11  }
0xbb: {  	s0 =	sor.u32 s1, s0  }
0xbc: {  	s0 =	sadd.s32 $0x8F2B, s0  }
0xbd: {  	[sflag:s0] =	ssyncadd.remote.s32 $0x1  }
0xbe: {  	_ =	sfence.sel $0xFFFF  }
0xbf: {  	[dreg:$0x0] =	wrdreg $0xFFFFFFFF;
	(pc) =	sbr.abs _section_cstart, $3  }
0xc0: {  	[dreg:$0x1] =	wrdreg $0xFFFFFFFF  }
0xc1: {  	_ =	task.clear_ibuf [dreg:s6], $0x2FFFF;
	_ =	strace $0x9FFFFFFF  }
0xc2: {  	(tm) =	ssettm $0x7FFFFFFF  }
0xc3: {  	_ =	shalt  }
tec
execute0_lowered:
.L_overlay_start_1:
0x0: {  	(tag) =	ssettag $0x1  }
0x1: {  	s0 =	rddreg [dreg:$0x0]  }
0x2: {  	s1 =	rddreg [dreg:$0x1]  }
0x3: {  	s3 =	simm.s32 $0x0;
	s10 =	stileid.u32;
	s2 =	srdreg.scid  }
0x4: {  	s19 =	simm.s32 $0x4;
	s20 =	simm.s32 $0x3;
	s21 =	simm.s32 $0x40  }
0x5: {  	s28 =	simm.s32 $0x180;
	s29 =	simm.s32 $0x8000;
	s30 =	simm.s32 $0x1  }
0x6: {  	s31 =	simm.s32 $0x2;
	[smem:$0x7FF] =	sst s3;
	s4 =	sadd.s32 $0x55E00, s0  }
0x7: {  	s5 =	sadd.s32 $0x2EC00, s0;
	s6 =	smul.u32 $0x2800, s10;
	s7 =	sadd.s32 $0x6C00, s0  }
0x8: {  	s8 =	sadd.s32 $0x1AC00, s0;
	s2 =	sand.u32 $0x1, s2;
	s12 =	smul.u32 $0x1400, s10  }
0x9: {  	s13 =	sadd.s32 $0xCD000, s0;
	s14 =	smul.u32 $0x50000, s10;
	s26 =	sshll.u32 s10, $0x6  }
0xa: {  	s15 =	smul.u32 $0xA000, s10;
	_ =	strace $0x80000047;
	s11 =	ssub.s32 $0x2, s2  }
0xb: {  	[dreg:$0x3] =	wrdreg s13;
	p0 =	sne.s32 s2, $0x0;
	s9 =	sadd.s32 s6, s0  }
0xc: {  	s23 =	sshrl.u32 s11, $0x1;
	s0 =	sadd.s32 $0xA5000, s0;
	s25 =	sshrl.u32 s14, $0x2  }
.Ltmp0:
0xd: {  	s14 =	sor.u32 $0x1C04, s26;
	s26 =	simm.s32 $0x6000;
	(pc) =	sbr.rel .LBB2_1-.Ltmp0, $4  }
0xe: {  	[dreg:$0x4] =	wrdreg s0;
	s24 =	ssub.s32 s11, s23;
	s11 =	sadd.s32 s7, s12  }
0xf: {  	s12 =	sadd.s32 s8, s12;
	s18 =	sadd.s32 s25, s1;
	s13 =	sadd.s32 $0x7D000, s9  }
0x10: {  	s23 =	simm.s32 $0x80;
	s25 =	simm.s32 $0x100;
	s0 =	simm.s32 $0x0  }
0x11: {  	s16 =	smax.u32 s24, $0x1;
	s18 =	sshrl.u32 s18, $0x3;
	s24 =	simm.s32 $0x4000  }
.LBB2_19:
0x12: {  	s2 =	rddreg [dreg:$0x4]  }
.LBB2_20:
0x13: {  	_ =	swait.ge [sflag:s31], $0x2000  }
0x14: {  	s0 =	sadd.s32 $0x1, s0;
	[sflag:s31] =	ssyncset.done $0x0  }
0x15: {  	p1 =	sne.s32 s0, s16;
	[sflag:s31] =	ssyncadd.s32 $0xFFFFE000  }
.Ltmp1:
0x16: {  	s2 =	sadd.s32 s2, s6;
	[bflag:$0x0] =	sbarrier.arrive $0xFFFF;
	(pc) =	sbr.rel @!p1 .LBB2_21-.Ltmp1, $4  }
0x17: {  	[hbm:s2], [sflag:s14] =	dma.local [spmem:s18], $0x2800  }
0x18: {  	_ =	swait.ge [sflag:s19], $0x2800  }
0x19: {  	[sflag:s19] =	ssyncset.done $0x0  }
0x1a: {  	[sflag:s19] =	ssyncadd.s32 $0xFFFFD800  }
.LBB2_1:
0x1b: {  	[tilespmem:s3], [sflag:$0x3] =	stream.linear.gather [hbm4b:s11+s3], $0x800, $0x38;
	v63 =	vld [tilespmem:$0x0]  }
0x1c: {  	s2 =	simm.s32 $0x1000  }
0x1d: {  	[tilespmem:s2], [sflag:$0x3] =	stream.linear.gather [hbm4b:s12+s3], $0x800, $0x38;
	v63 =	vld [tilespmem:$0x0]  }
0x1e: {  	[spmem:s18], [sflag:s14] =	dma.local [hbm:s13], $0x2800  }
0x1f: {  	_ =	swait.ge [sflag:s19], $0x2800  }
0x20: {  	[sflag:s19] =	ssyncset.done $0x0  }
0x21: {  	[sflag:s19] =	ssyncadd.s32 $0xFFFFD800  }
0x22: {  	_ =	swait.ge [sflag:s20], $0x800  }
0x23: {  	[sflag:s20] =	ssyncset.done $0x0  }
0x24: {  	[sflag:s20] =	ssyncadd.s32 $0xFFFFF800  }
.Ltmp2:
0x25: {  	_ =	swait.ge [sflag:s20], $0x800;
	(pc) =	sbr.rel @p0 .LBB2_11-.Ltmp2, $4  }
0x26: {  	[sflag:s20] =	ssyncset.done $0x0  }
0x27: {  	[sflag:s20] =	ssyncadd.s32 $0xFFFFF800  }
0x28: {  	[bflag:$0x0] =	sbarrier.arrive $0xFFFF  }
0x29: {  	s9 =	simm.s32 $0x2000;
	s2 =	simm.s32 $0x0  }
0x2a: {  	[tilespmem:s9], [sflag:$0x1] =	stream.indirect.gather [hbm4b:s4+s21], $0x80, s2, s21, $0xb8;
	v63 =	vld [tilespmem:$0x0]  }
0x2b: {  	_ = 	snop  }
0x2c: {  	[tilespmem:s24], [sflag:$0x1] =	stream.indirect.gather [hbm4b:s4+s21], $0x80, s23, s21, $0xb8;
	v63 =	vld [tilespmem:$0x0]  }
0x2d: {  	_ = 	snop  }
0x2e: {  	[tilespmem:s26], [sflag:$0x1] =	stream.indirect.gather [hbm4b:s4+s21], $0x80, s25, s21, $0xb8;
	v63 =	vld [tilespmem:$0x0]  }
0x2f: {  	_ = 	snop  }
0x30: {  	[tilespmem:s29], [sflag:$0x1] =	stream.indirect.gather [hbm4b:s4+s21], $0x80, s28, s21, $0xb8;
	v63 =	vld [tilespmem:$0x0]  }
.LBB2_3:
0x31: {  	s9 =	smul.u32 $0xCCCD, s2;
	_ =	sdelay $0x1  }
0x32: {  	s9 =	sshrl.u32 s9, $0x12  }
0x33: {  	_ =	swait.ge [sflag:s30], $0x2000;
	s10 =	smul.u32 $0x5, s9  }
0x34: {  	s17 =	sshll.u32 s2, $0x7;
	p2 =	sgt.u32 s2, $0x12F;
	[sflag:s30] =	ssyncset.done $0x0  }
0x35: {  	s17 =	sand.u32 $0x800, s17;
	s9 =	sand.u32 $0xF, s2;
	s10 =	ssub.s32 s2, s10  }
0x36: {  	[sflag:s30] =	ssyncadd.s32 $0xFFFFE000;
	s22 =	sshll.u32 s9, $0x7;
	s10 =	sand.u32 $0xFFFF, s10  }
0x37: {  	p3 =	sne.s32 @!p2 s9, $0x0;
	s17 =	sor.u32 s22, s17;
	s10 =	sshll.u32 s10, $0xD  }
0x38: {  	p2 =	por p2, p3;
	s17 =	sor.u32 $0x1000, s17;
	s10 =	sadd.s32 $0x2000, s10  }
0x39: {  	[spmem:s1] =	stream.indirect.scatter.add.f32 [tilespmem:s10], [sflag:$0x2], $0x80, s17, s21, $0xb8;
	v63 =	vld [tilespmem:$0x0]  }
.Ltmp3:
0x3a: {  	p1 =	seq.s32 s2, $0x0;
	(pc) =	sbr.rel @p2 .LBB2_5-.Ltmp3, $4  }
0x3b: {  	s10 =	simm.s32 @!p1 $0x2  }
0x3c: {  	_ =	swait.ge @!p1 [sflag:s10], $0x2000  }
0x3d: {  	[sflag:s10] =	ssyncset.done @!p1 $0x0  }
0x3e: {  	[sflag:s10] =	ssyncadd.s32 @!p1 $0xFFFFE000  }
0x3f: {  	s9 =	sshrl.u32 s2, $0x4  }
0x40: {  	s9 =	sshll.u32 s9, $0xB  }
0x41: {  	s9 =	sadd.s32 $0x800, s9  }
0x42: {  	s10 =	sadd.s32 s15, s9  }
0x43: {  	s10 =	sshrl.u32 s10, $0x3  }
.Ltmp4:
0x44: {  	s9 =	sand.u32 $0x800, s9;
	s17 =	sadd.s32 s7, s10;
	(pc) =	sbr.rel .LBB2_8-.Ltmp4, $4  }
0x45: {  	[tilespmem:s9], [sflag:$0x3] =	stream.linear.gather [hbm4b:s17+s3], $0x800, $0x38;
	v63 =	vld [tilespmem:$0x0]  }
0x46: {  	s10 =	sadd.s32 s8, s10;
	s9 =	sor.u32 $0x1000, s9  }
0x47: {  	[tilespmem:s9], [sflag:$0x3] =	stream.linear.gather [hbm4b:s10+s3], $0x800, $0x38;
	v63 =	vld [tilespmem:$0x0]  }
0x48: {  	s9 =	sadd.s32 $0x4, s2  }
.LBB2_5:
0x49: {  	p1 =	sgt.u32 s2, $0x13B  }
0x4a: {  	p2 =	sne.s32 @!p1 s9, $0xC  }
0x4b: {  	p2 =	por p1, p2  }
.Ltmp5:
0x4c: {  	_ = 	snop;
	(pc) =	sbr.rel @p2 .LBB2_7-.Ltmp5, $2  }
0x4d: {  	_ =	sdelay $0x2  }
0x4e: {  	s9 =	sadd.s32 $0x4, s2  }
0x4f: {  	_ =	swait.ge [sflag:s20], $0x800  }
0x50: {  	[sflag:s20] =	ssyncset.done $0x0  }
0x51: {  	[sflag:s20] =	ssyncadd.s32 $0xFFFFF800  }
0x52: {  	_ =	swait.ge [sflag:s20], $0x800  }
0x53: {  	[sflag:s20] =	ssyncset.done $0x0  }
0x54: {  	[sflag:s20] =	ssyncadd.s32 $0xFFFFF800  }
.LBB2_8:
0x55: {  	s10 =	smul.u32 $0xCCCD, s9;
	_ =	sdelay $0x1  }
0x56: {  	s10 =	sshrl.u32 s10, $0x12  }
0x57: {  	s10 =	smul.u32 $0x5, s10;
	_ =	sdelay $0x1  }
0x58: {  	s10 =	ssub.s32 s9, s10  }
0x59: {  	s10 =	sand.u32 $0xFFFF, s10  }
0x5a: {  	s22 =	sshll.u32 s9, $0x7;
	s10 =	sshll.u32 s10, $0xD  }
0x5b: {  	s9 =	sand.u32 $0xF80, s22;
	s10 =	sadd.s32 $0x2000, s10  }
0x5c: {  	[tilespmem:s10], [sflag:$0x1] =	stream.indirect.gather [hbm4b:s4+s21], $0x80, s9, s21, $0xb8;
	v63 =	vld [tilespmem:$0x0]  }
.LBB2_9:
0x5d: {  	s2 =	sadd.s32 $0x1, s2  }
0x5e: {  	p1 =	seq.s32 s2, $0x140  }
.Ltmp6:
0x5f: {  	_ = 	snop;
	(pc) =	sbr.rel @!p1 .LBB2_3-.Ltmp6, $4  }
.Ltmp7:
0x60: {  	_ = 	snop;
	(pc) =	sbr.rel @p1 .LBB2_10-.Ltmp7, $4  }
0x61: {  	_ = 	snop  }
0x62: {  	_ = 	snop  }
0x63: {  	_ = 	snop  }
0x64: {  	_ = 	snop  }
.LBB2_7:
.Ltmp8:
0x65: {  	(pc) =	sbr.rel @p1 .LBB2_9-.Ltmp8, $4  }
.Ltmp9:
0x66: {  	(pc) =	sbr.rel @!p1 .LBB2_8-.Ltmp9, $4  }
0x67: {  	_ = 	snop  }
0x68: {  	_ = 	snop  }
0x69: {  	_ = 	snop  }
0x6a: {  	_ = 	snop  }
.LBB2_11:
0x6b: {  	[tilespmem:s9], [sflag:$0x1] =	stream.indirect.gather [hbm4b:s5+s21], $0x80, s2, s21, $0xb8;
	v63 =	vld [tilespmem:$0x0]  }
0x6c: {  	_ = 	snop  }
0x6d: {  	[tilespmem:s24], [sflag:$0x1] =	stream.indirect.gather [hbm4b:s5+s21], $0x80, s23, s21, $0xb8;
	v63 =	vld [tilespmem:$0x0]  }
0x6e: {  	_ = 	snop  }
0x6f: {  	[tilespmem:s26], [sflag:$0x1] =	stream.indirect.gather [hbm4b:s5+s21], $0x80, s25, s21, $0xb8;
	v63 =	vld [tilespmem:$0x0]  }
0x70: {  	_ = 	snop  }
0x71: {  	[tilespmem:s29], [sflag:$0x1] =	stream.indirect.gather [hbm4b:s5+s21], $0x80, s28, s21, $0xb8;
	v63 =	vld [tilespmem:$0x0]  }
.LBB2_12:
0x72: {  	s9 =	smul.u32 $0xCCCD, s2;
	_ =	sdelay $0x1  }
0x73: {  	s9 =	sshrl.u32 s9, $0x12  }
0x74: {  	_ =	swait.ge [sflag:s30], $0x2000;
	s10 =	smul.u32 $0x5, s9  }
0x75: {  	s17 =	sshll.u32 s2, $0x7;
	p2 =	sgt.u32 s2, $0x12F;
	[sflag:s30] =	ssyncset.done $0x0  }
0x76: {  	s17 =	sand.u32 $0x800, s17;
	s9 =	sand.u32 $0xF, s2;
	s10 =	ssub.s32 s2, s10  }
0x77: {  	[sflag:s30] =	ssyncadd.s32 $0xFFFFE000;
	s22 =	sshll.u32 s9, $0x7;
	s10 =	sand.u32 $0xFFFF, s10  }
0x78: {  	p3 =	sne.s32 @!p2 s9, $0x0;
	s17 =	sor.u32 s22, s17;
	s10 =	sshll.u32 s10, $0xD  }
0x79: {  	p2 =	por p2, p3;
	s17 =	sor.u32 $0x1000, s17;
	s10 =	sadd.s32 $0x2000, s10  }
0x7a: {  	[spmem:s1] =	stream.indirect.scatter.add.f32 [tilespmem:s10], [sflag:$0x2], $0x80, s17, s21, $0xb8;
	v63 =	vld [tilespmem:$0x0]  }
.Ltmp10:
0x7b: {  	p1 =	seq.s32 s2, $0x0;
	(pc) =	sbr.rel @p2 .LBB2_14-.Ltmp10, $4  }
0x7c: {  	s10 =	simm.s32 @!p1 $0x2  }
0x7d: {  	_ =	swait.ge @!p1 [sflag:s10], $0x2000  }
0x7e: {  	[sflag:s10] =	ssyncset.done @!p1 $0x0  }
0x7f: {  	[sflag:s10] =	ssyncadd.s32 @!p1 $0xFFFFE000  }
0x80: {  	s9 =	sshrl.u32 s2, $0x4  }
0x81: {  	s9 =	sshll.u32 s9, $0xB  }
0x82: {  	s9 =	sadd.s32 $0x800, s9  }
0x83: {  	s10 =	sadd.s32 s15, s9  }
0x84: {  	s10 =	sshrl.u32 s10, $0x3  }
.Ltmp11:
0x85: {  	s9 =	sand.u32 $0x800, s9;
	s17 =	sadd.s32 s7, s10;
	(pc) =	sbr.rel .LBB2_17-.Ltmp11, $4  }
0x86: {  	[tilespmem:s9], [sflag:$0x3] =	stream.linear.gather [hbm4b:s17+s3], $0x800, $0x38;
	v63 =	vld [tilespmem:$0x0]  }
0x87: {  	s10 =	sadd.s32 s8, s10;
	s9 =	sor.u32 $0x1000, s9  }
0x88: {  	[tilespmem:s9], [sflag:$0x3] =	stream.linear.gather [hbm4b:s10+s3], $0x800, $0x38;
	v63 =	vld [tilespmem:$0x0]  }
0x89: {  	s9 =	sadd.s32 $0x4, s2  }
.LBB2_14:
0x8a: {  	p1 =	sgt.u32 s2, $0x13B  }
0x8b: {  	p2 =	sne.s32 @!p1 s9, $0xC  }
0x8c: {  	p2 =	por p1, p2  }
.Ltmp12:
0x8d: {  	_ = 	snop;
	(pc) =	sbr.rel @p2 .LBB2_16-.Ltmp12, $2  }
0x8e: {  	_ =	sdelay $0x2  }
0x8f: {  	s9 =	sadd.s32 $0x4, s2  }
0x90: {  	_ =	swait.ge [sflag:s20], $0x800  }
0x91: {  	[sflag:s20] =	ssyncset.done $0x0  }
0x92: {  	[sflag:s20] =	ssyncadd.s32 $0xFFFFF800  }
0x93: {  	_ =	swait.ge [sflag:s20], $0x800  }
0x94: {  	[sflag:s20] =	ssyncset.done $0x0  }
0x95: {  	[sflag:s20] =	ssyncadd.s32 $0xFFFFF800  }
.LBB2_17:
0x96: {  	s10 =	smul.u32 $0xCCCD, s9;
	_ =	sdelay $0x1  }
0x97: {  	s10 =	sshrl.u32 s10, $0x12  }
0x98: {  	s10 =	smul.u32 $0x5, s10;
	_ =	sdelay $0x1  }
0x99: {  	s10 =	ssub.s32 s9, s10  }
0x9a: {  	s10 =	sand.u32 $0xFFFF, s10  }
0x9b: {  	s22 =	sshll.u32 s9, $0x7;
	s10 =	sshll.u32 s10, $0xD  }
0x9c: {  	s9 =	sand.u32 $0xF80, s22;
	s10 =	sadd.s32 $0x2000, s10  }
0x9d: {  	[tilespmem:s10], [sflag:$0x1] =	stream.indirect.gather [hbm4b:s5+s21], $0x80, s9, s21, $0xb8;
	v63 =	vld [tilespmem:$0x0]  }
.LBB2_18:
0x9e: {  	s2 =	sadd.s32 $0x1, s2  }
0x9f: {  	p1 =	sne.s32 s2, $0x140  }
.Ltmp13:
0xa0: {  	_ = 	snop;
	(pc) =	sbr.rel @p1 .LBB2_12-.Ltmp13, $4  }
.Ltmp14:
0xa1: {  	_ = 	snop;
	(pc) =	sbr.rel @!p1 .LBB2_19-.Ltmp14, $4  }
0xa2: {  	_ = 	snop  }
0xa3: {  	_ = 	snop  }
0xa4: {  	_ = 	snop  }
0xa5: {  	_ = 	snop  }
.LBB2_16:
.Ltmp15:
0xa6: {  	(pc) =	sbr.rel @p1 .LBB2_18-.Ltmp15, $4  }
.Ltmp16:
0xa7: {  	(pc) =	sbr.rel @!p1 .LBB2_17-.Ltmp16, $4  }
0xa8: {  	_ = 	snop  }
0xa9: {  	_ = 	snop  }
0xaa: {  	_ = 	snop  }
0xab: {  	_ = 	snop  }
.LBB2_10:
.Ltmp17:
0xac: {  	(pc) =	sbr.rel .LBB2_20-.Ltmp17, $2  }
0xad: {  	_ =	sdelay $0x2  }
0xae: {  	s2 =	rddreg [dreg:$0x3]  }
.LBB2_21:
0xaf: {  	_ =	sfence.sel $0x180000  }
0xb0: {  	[bflag:$0x0] =	sbarrier.arrive $0xFFFF  }
0xb1: {  	_ =	strace $0x90000047  }
0xb2: {  	s0 =	stileid.u32;
	[bflag:$0x2] =	sbarrier.arrive $0xFFFF  }
0xb3: {  	p0 =	sne.s32 s0, $0x0;
	s0 =	rddreg [dreg:$0x2]  }
0xb4: {  	s0 =	sadd.s32 @!p0 $0x100000, s0  }
0xb5: {  	[sflag:s0] =	ssyncadd.tile.s32 @!p0 $0x1;
	_ =	shalt  }
.Lfunc_end2:
_tile_overlayer_lowered:
.L_overlay_start_2:
0xb6: {  	(tag) =	ssettag $0x2  }
0xb7: {  	s0 =	rddreg [dreg:$0x0];
	s2 =	stileid.u32  }
0xb8: {  	s1 =	rddreg [dreg:$0x1];
	p0 =	sne.s32 s2, $0x0  }
0xb9: {  	s3 =	rddreg [dreg:$0x2];
	[bflag:$0x3] =	sbarrier.arrive $0xFFFF;
	s2 =	simm.s32 @!p0 $0x1C04  }
0xba: {  	[timem:s3], [sflag:s2] =	dma.local @!p0 [hbm:s0], s1  }
0xbb: {  	s0 =	simm.s32 @!p0 $0x4  }
0xbc: {  	_ =	swait.ge @!p0 [sflag:s0], s1  }
0xbd: {  	s1 =	ssub.s32 @!p0 $0x0, s1;
	[sflag:s0] =	ssyncset.done @!p0 $0x0  }
0xbe: {  	[sflag:s0] =	ssyncadd.s32 @!p0 s1  }
0xbf: {  	[bflag:$0x3] =	sbarrier.arrive $0xFFFF  }
0xc0: {  	_ =	shalt  }

</sc_bundles>
